<compile_context>
chip_gen: v7x
topology: tpu7x:2x2x1
jax: 0.10.2.dev20260603
libtpu: 0.0.44.dev20260713+nightly
codegen_flags: <defaults>
</compile_context>

<pallas_src>
import functools

import jax
import jax.numpy as jnp
from jax import lax
from jax.experimental import pallas as pl
from jax.experimental.pallas import tpu as pltpu
from jax.experimental.pallas import tpu_sc as plsc

_N = 10000
_E = 320000
_H = 128
_G = 64
_C = 10

_B = 125
_BP = 128
_EROWS = _E // _B
_NPAD = _N + 8
_RPW = _EROWS // 32
_STG = 16
_NSTG = _RPW // _STG
_TROWS = 624
_TLAST = _N - 16 * _TROWS

_TCB = 1000
_TCG = _N // _TCB


def _sc_mesh():
    return plsc.VectorSubcoreMesh(core_axis_name="c", subcore_axis_name="s")


def _deg_sc(dst2, zerosH, onesH):
    @functools.partial(
        pl.kernel,
        out_type=jax.ShapeDtypeStruct((2 * _N, _H), jnp.float32),
        mesh=_sc_mesh(),
        scratch_types=[
            pltpu.VMEM((_RPW, _BP), jnp.int32),
            pltpu.VMEM((_BP, _H), jnp.float32),
            pltpu.VMEM_SHARED((_NPAD, _H), jnp.float32),
        ],
    )
    def deg_kernel(dst_hbm, zeros_hbm, ones_hbm, out_hbm, didx, ones_v, hist):
        cid = lax.axis_index("c")
        sid = lax.axis_index("s")
        wid = cid * 16 + sid
        tid = sid

        pltpu.sync_copy(ones_hbm, ones_v)

        base = tid * _TROWS
        pltpu.sync_copy(zeros_hbm.at[pl.ds(base, _TROWS)],
                        hist.at[pl.ds(base, _TROWS)])

        @pl.when(tid == 15)
        def _():
            pltpu.sync_copy(zeros_hbm.at[pl.ds(16 * _TROWS, _TLAST)],
                            hist.at[pl.ds(16 * _TROWS, _TLAST)])

        plsc.subcore_barrier()

        pltpu.sync_copy(dst_hbm.at[pl.ds(wid * _RPW, _RPW)], didx)

        def body(r, _):
            pltpu.sync_copy(ones_v, hist.at[didx.at[r]], add=True)
            return 0

        lax.fori_loop(0, _RPW, body, 0)
        plsc.subcore_barrier()

        obase = cid * _N + base
        pltpu.sync_copy(hist.at[pl.ds(base, _TROWS)],
                        out_hbm.at[pl.ds(obase, _TROWS)])

        @pl.when(tid == 15)
        def _():
            pltpu.sync_copy(hist.at[pl.ds(16 * _TROWS, _TLAST)],
                            out_hbm.at[pl.ds(cid * _N + 16 * _TROWS, _TLAST)])

    return deg_kernel(dst2, zerosH, onesH)


def _agg_sc(xw, src2, dst2, zerosH):
    @functools.partial(
        pl.kernel,
        out_type=jax.ShapeDtypeStruct((2 * _N, _H), jnp.float32),
        mesh=_sc_mesh(),
        scratch_types=[
            pltpu.VMEM((_STG, _BP), jnp.int32),
            pltpu.VMEM((_STG, _BP), jnp.int32),
            pltpu.VMEM((2 * _BP, _H), jnp.float32),
            pltpu.VMEM_SHARED((_NPAD, _H), jnp.float32),
            pltpu.SemaphoreType.DMA,
            pltpu.SemaphoreType.DMA,
            pltpu.SemaphoreType.DMA,
            pltpu.SemaphoreType.DMA,
        ],
    )
    def agg_kernel(xw_hbm, src_hbm, dst_hbm, zeros_hbm, out_hbm,
                   sidx, didx, buf, acc, gsem0, gsem1, ssem0, ssem1):
        cid = lax.axis_index("c")
        sid = lax.axis_index("s")
        wid = cid * 16 + sid
        tid = sid

        base = tid * _TROWS
        pltpu.sync_copy(zeros_hbm.at[pl.ds(base, _TROWS)],
                        acc.at[pl.ds(base, _TROWS)])

        @pl.when(tid == 15)
        def _():
            pltpu.sync_copy(zeros_hbm.at[pl.ds(16 * _TROWS, _TLAST)],
                            acc.at[pl.ds(16 * _TROWS, _TLAST)])

        plsc.subcore_barrier()

        ebase = wid * _RPW

        def stage(s, _):
            pltpu.sync_copy(src_hbm.at[pl.ds(ebase + s * _STG, _STG)], sidx)
            pltpu.sync_copy(dst_hbm.at[pl.ds(ebase + s * _STG, _STG)], didx)
            slot = [buf.at[pl.ds(0, _BP)], buf.at[pl.ds(_BP, _BP)]]
            for p in range(_STG // 2):
                g0 = pltpu.async_copy(
                    xw_hbm.at[sidx.at[2 * p]], slot[0], gsem0)
                g1 = pltpu.async_copy(
                    xw_hbm.at[sidx.at[2 * p + 1]], slot[1], gsem1)
                g0.wait()
                g1.wait()
                pltpu.sync_copy(slot[0], acc.at[didx.at[2 * p]], add=True)
                pltpu.sync_copy(slot[1], acc.at[didx.at[2 * p + 1]], add=True)
            return 0

        lax.fori_loop(0, _NSTG, stage, 0)
        plsc.subcore_barrier()

        obase = cid * _N + base
        pltpu.sync_copy(acc.at[pl.ds(base, _TROWS)],
                        out_hbm.at[pl.ds(obase, _TROWS)])

        @pl.when(tid == 15)
        def _():
            pltpu.sync_copy(acc.at[pl.ds(16 * _TROWS, _TLAST)],
                            out_hbm.at[pl.ds(cid * _N + 16 * _TROWS, _TLAST)])

    return agg_kernel(xw, src2, dst2, zerosH)


def _dinv_from_hist(hA, hB):
    deg = hA[:, 0:1] + hB[:, 0:1] + 1.0
    return lax.rsqrt(deg)


def _prep_body(x_ref, w_ref, hA_ref, hB_ref, o_ref):
    dinv = _dinv_from_hist(hA_ref[...], hB_ref[...])
    o_ref[...] = dinv * jnp.dot(x_ref[...], w_ref[...],
                                preferred_element_type=jnp.float32)


def _prep_tc(x, W, hist):
    return pl.pallas_call(
        _prep_body,
        grid=(_TCG,),
        in_specs=[
            pl.BlockSpec((_TCB, _H), lambda i: (i, 0)),
            pl.BlockSpec((_H, _H), lambda i: (0, 0)),
            pl.BlockSpec((_TCB, _H), lambda i: (i, 0)),
            pl.BlockSpec((_TCB, _H), lambda i: (i + _TCG, 0)),
        ],
        out_specs=pl.BlockSpec((_TCB, _H), lambda i: (i, 0)),
        out_shape=jax.ShapeDtypeStruct((_NPAD, _H), jnp.float32),
    )(x, W, hist, hist)


def _mid_body(a0_ref, a1_ref, xw_ref, b_ref, w_ref, hA_ref, hB_ref, o_ref):
    dinv = _dinv_from_hist(hA_ref[...], hB_ref[...])
    pre = dinv * (a0_ref[...] + a1_ref[...] + xw_ref[...]) + b_ref[...]
    h = jnp.maximum(pre, 0.0)
    o_ref[...] = dinv * jnp.dot(h, w_ref[...],
                                preferred_element_type=jnp.float32)


def _mid_tc(agg, xw, b, W2, hist):
    return pl.pallas_call(
        _mid_body,
        grid=(_TCG,),
        in_specs=[
            pl.BlockSpec((_TCB, _H), lambda i: (i, 0)),
            pl.BlockSpec((_TCB, _H), lambda i: (i + _TCG, 0)),
            pl.BlockSpec((_TCB, _H), lambda i: (i, 0)),
            pl.BlockSpec((1, _H), lambda i: (0, 0)),
            pl.BlockSpec((_H, _H), lambda i: (0, 0)),
            pl.BlockSpec((_TCB, _H), lambda i: (i, 0)),
            pl.BlockSpec((_TCB, _H), lambda i: (i + _TCG, 0)),
        ],
        out_specs=pl.BlockSpec((_TCB, _H), lambda i: (i, 0)),
        out_shape=jax.ShapeDtypeStruct((_NPAD, _H), jnp.float32),
    )(agg, agg, xw, b, W2, hist, hist)


def _final_body(agg_ref, xw_ref, b_ref, hist_ref, batch_ref, lw_ref, lb_ref,
                o_ref, mx_ref):
    hA = hist_ref[: _N]
    hB = hist_ref[_N:]
    dinv = _dinv_from_hist(hA, hB)
    pre = dinv * (agg_ref[: _N] + agg_ref[_N:] + xw_ref[: _N]) + b_ref[...]
    h = jnp.maximum(pre, 0.0)

    batch = batch_ref[...]
    gids = lax.broadcasted_iota(jnp.int32, (_N, _G), 1)
    onehot = (batch == gids).astype(jnp.float32)
    ssum = lax.dot_general(onehot, h, (((0,), (0,)), ((), ())),
                           preferred_element_type=jnp.float32)
    cnt = lax.dot_general(onehot, jnp.ones((_N, 1), jnp.float32),
                          (((0,), (0,)), ((), ())),
                          preferred_element_type=jnp.float32)
    mean = ssum / jnp.maximum(cnt, 1.0)

    neg = jnp.float32(-jnp.inf)

    def gmax(g, carry):
        m = jnp.where(batch == g, h, neg)
        mx_ref[pl.ds(g, 1), :] = jnp.max(m, axis=0, keepdims=True)
        return carry

    lax.fori_loop(0, _G, gmax, 0)
    mx = mx_ref[...]

    z = jnp.concatenate([mx, mean], axis=1)
    logits = jnp.dot(z, lw_ref[...], preferred_element_type=jnp.float32) \
        + lb_ref[...]
    zmax = jnp.max(logits, axis=1, keepdims=True)
    sh = logits - zmax
    o_ref[...] = sh - jnp.log(jnp.sum(jnp.exp(sh), axis=1, keepdims=True))


def _final_tc(agg, xw, b, hist, batch2, lin_W, lin_b):
    return pl.pallas_call(
        _final_body,
        out_shape=jax.ShapeDtypeStruct((_G, _C), jnp.float32),
        scratch_shapes=[pltpu.VMEM((_G, _H), jnp.float32)],
    )(agg, xw, b, hist, batch2, lin_W, lin_b)


def kernel(x, edge_index, batch, W1, b1, W2, b2, lin_W, lin_b):
    pad = jnp.full((_EROWS, _BP - _B), _N, jnp.int32)
    src2 = jnp.concatenate([edge_index[0].reshape(_EROWS, _B), pad], axis=1)
    dst2 = jnp.concatenate([edge_index[1].reshape(_EROWS, _B), pad], axis=1)
    batch2 = batch.reshape(_N, 1)
    b1r = b1.reshape(1, _H)
    b2r = b2.reshape(1, _H)
    lbr = lin_b.reshape(1, _C)

    zerosH = jnp.zeros((_N, _H), jnp.float32)
    onesH = jnp.ones((_BP, _H), jnp.float32)
    hist = _deg_sc(dst2, zerosH, onesH)
    xw1 = _prep_tc(x, W1, hist)
    agg1 = _agg_sc(xw1, src2, dst2, zerosH)
    xw2 = _mid_tc(agg1, xw1, b1r, W2, hist)
    agg2 = _agg_sc(xw2, src2, dst2, zerosH)
    return _final_tc(agg2, xw2, b2r, hist, batch2, lin_W, lbr)

# --- scband reference (transcript-rebuilt; emitter-appended) ---
"""Pipeline reference for scband-graph-gcn-5471788335200 (READ-ONLY COPY).

The authoritative reference and input builder live on the scoring server;
editing this copy changes nothing except your own understanding.
"""

import jax, jax.numpy as jnp
import numpy as np

N = 10000
E = 320000
F_IN = 128
H = 128
C = 10
G = 64


def setup_inputs(seed: int = 0) -> dict:
    key = jax.random.key(seed)
    ks = jax.random.split(key, 10)
    x = jax.random.normal(ks[0], (N, F_IN), dtype=jnp.float32)
    edge_index = jax.random.randint(ks[1], (2, E), 0, N, dtype=jnp.int32)
    batch = jnp.sort(jax.random.randint(ks[2], (N,), 0, G, dtype=jnp.int32))
    # GCNConv layer 1: nfeat -> nhid
    W1 = jax.random.normal(ks[3], (F_IN, H), dtype=jnp.float32) * (1.0 / np.sqrt(F_IN))
    b1 = jnp.zeros((H,), dtype=jnp.float32)
    # GCNConv layer 2: nhid -> nhid
    W2 = jax.random.normal(ks[4], (H, H), dtype=jnp.float32) * (1.0 / np.sqrt(H))
    b2 = jnp.zeros((H,), dtype=jnp.float32)
    # final linear: 2*nhid -> nclass (max pool concat mean pool)
    lin_W = jax.random.normal(ks[5], (2 * H, C), dtype=jnp.float32) * (1.0 / np.sqrt(2 * H))
    lin_b = jnp.zeros((C,), dtype=jnp.float32)
    return {"x": x, "edge_index": edge_index, "batch": batch,
            "W1": W1, "b1": b1, "W2": W2, "b2": b2,
            "lin_W": lin_W, "lin_b": lin_b}


def _gcn_conv(x, edge_index, W, b):
    # PyG GCNConv: add self-loops, symmetric normalization, linear transform, scatter-add aggregation
    src = edge_index[0]
    dst = edge_index[1]
    loop = jnp.arange(N, dtype=edge_index.dtype)
    s = jnp.concatenate([src, loop])
    d = jnp.concatenate([dst, loop])
    ew = jnp.ones(s.shape[0], dtype=jnp.float32)
    deg = jnp.zeros((N,), dtype=jnp.float32).at[d].add(ew)
    dinv = jnp.where(deg > 0, 1.0 / jnp.sqrt(deg), 0.0)
    norm = dinv[s] * ew * dinv[d]
    xw = x @ W
    msg = xw[s] * norm[:, None]
    out = jnp.zeros((N, W.shape[1]), dtype=jnp.float32).at[d].add(msg)
    return out + b


def reference(x, edge_index, batch, W1, b1, W2, b2, lin_W, lin_b):
    # dropout is identity at eval time (p applied only in training)
    h = jax.nn.relu(_gcn_conv(x, edge_index, W1, b1))
    h = jax.nn.relu(_gcn_conv(h, edge_index, W2, b2))
    # global_max_pool / global_mean_pool over batch segments
    mx = jax.ops.segment_max(h, batch, num_segments=G)
    sm = jax.ops.segment_sum(h, batch, num_segments=G)
    cnt = jax.ops.segment_sum(jnp.ones((N, 1), dtype=jnp.float32), batch, num_segments=G)
    mean = sm / jnp.maximum(cnt, 1.0)
    z = jnp.concatenate([mx, mean], axis=-1) @ lin_W + lin_b
    return jax.nn.log_softmax(z, axis=1)

if __name__ == "__main__":
    import jax
    _d = setup_inputs()
    print(jax.jit(kernel)(*tuple(_d.values())))

</pallas_src>

<mosaic_0001>
#map = affine_map<(d0, d1) -> (0, 0)>
module attributes {stable_mosaic.version = 14 : i64} {
  func.func @deg_kernel(%arg0: i32, %arg1: i32, %arg2: memref<2560x128xi32, #tpu.memory_space<hbm>>, %arg3: memref<10000x128xf32, #tpu.memory_space<hbm>>, %arg4: memref<128x128xf32, #tpu.memory_space<hbm>>, %arg5: memref<20000x128xf32, #tpu.memory_space<hbm>>, %arg6: memref<80x128xi32, #tpu.memory_space<vmem>>, %arg7: memref<128x128xf32, #tpu.memory_space<vmem>>, %arg8: memref<10008x128xf32, #tpu.memory_space<vmem_shared>>) attributes {dimension_semantics = [#tpu.dimension_semantics<core_parallel>, #tpu.dimension_semantics<subcore_parallel>], iteration_bounds = array<i64: 2, 16>, scalar_prefetch = 0 : i64, scratch_operands = 3 : i64, tpu.core_type = #tpu.core_type<sc_vector_subcore>, window_params = [{transform_indices = #map}, {transform_indices = #map}, {transform_indices = #map}, {transform_indices = #map}]} {
    %mul3A = arith.constant 16 : i32
    %mul3A_0 = arith.muli %arg0, %mul3A : i32
    %add3A = arith.addi %mul3A_0, %arg1 : i32
    "tpu.region"() ({
      %run_scoped3A = tpu.sem_alloc : memref<!tpu.dma_semaphore, #tpu.memory_space<semaphore_mem>>
      tpu.enqueue_dma source(%arg4 : memref<128x128xf32, #tpu.memory_space<hbm>>) target(%arg7 : memref<128x128xf32, #tpu.memory_space<vmem>>) target_semaphore(%run_scoped3A : memref<!tpu.dma_semaphore, #tpu.memory_space<semaphore_mem>>)
      tpu.wait_dma2 semaphore(%run_scoped3A : memref<!tpu.dma_semaphore, #tpu.memory_space<semaphore_mem>>) src(%arg4 : memref<128x128xf32, #tpu.memory_space<hbm>>) dst(%arg7 : memref<128x128xf32, #tpu.memory_space<vmem>>)
      tpu.yield
    }) : () -> ()
    %mul3A_1 = arith.constant 624 : i32
    %mul3A_2 = arith.muli %arg1, %mul3A_1 : i32
    "tpu.region"() ({
      %run_scoped3A = tpu.sem_alloc : memref<!tpu.dma_semaphore, #tpu.memory_space<semaphore_mem>>
      %dma_start3A = arith.constant 0 : i32
      %dma_start3A_22 = tpu.memref_slice %arg8[%mul3A_2, %dma_start3A] : memref<10008x128xf32, #tpu.memory_space<vmem_shared>> -> memref<624x128xf32, #tpu.memory_space<vmem_shared>>
      %dma_start3A_23 = arith.constant 0 : i32
      %dma_start3A_24 = tpu.memref_slice %arg3[%mul3A_2, %dma_start3A_23] : memref<10000x128xf32, #tpu.memory_space<hbm>> -> memref<624x128xf32, #tpu.memory_space<hbm>>
      tpu.enqueue_dma source(%dma_start3A_24 : memref<624x128xf32, #tpu.memory_space<hbm>>) target(%dma_start3A_22 : memref<624x128xf32, #tpu.memory_space<vmem_shared>>) target_semaphore(%run_scoped3A : memref<!tpu.dma_semaphore, #tpu.memory_space<semaphore_mem>>)
      %dma_wait3A = arith.constant 0 : i32
      %dma_wait3A_25 = tpu.memref_slice %arg8[%mul3A_2, %dma_wait3A] : memref<10008x128xf32, #tpu.memory_space<vmem_shared>> -> memref<624x128xf32, #tpu.memory_space<vmem_shared>>
      %dma_wait3A_26 = arith.constant 0 : i32
      %dma_wait3A_27 = tpu.memref_slice %arg3[%mul3A_2, %dma_wait3A_26] : memref<10000x128xf32, #tpu.memory_space<hbm>> -> memref<624x128xf32, #tpu.memory_space<hbm>>
      tpu.wait_dma2 semaphore(%run_scoped3A : memref<!tpu.dma_semaphore, #tpu.memory_space<semaphore_mem>>) src(%dma_wait3A_27 : memref<624x128xf32, #tpu.memory_space<hbm>>) dst(%dma_wait3A_25 : memref<624x128xf32, #tpu.memory_space<vmem_shared>>)
      tpu.yield
    }) : () -> ()
    %eq3A = arith.constant 15 : i32
    %eq3A_3 = arith.cmpi eq, %arg1, %eq3A : i32
    %convert_element_type3A = arith.extui %eq3A_3 : i1 to i32
    %cond3A = arith.constant 0 : i32
    %cond3A_4 = arith.cmpi ne, %convert_element_type3A, %cond3A : i32
    scf.if %cond3A_4 {
      "tpu.region"() ({
        %run_scoped3A = tpu.sem_alloc : memref<!tpu.dma_semaphore, #tpu.memory_space<semaphore_mem>>
        %dma_start3A = arith.constant 9984 : i32
        %dma_start3A_22 = arith.constant 0 : i32
        %dma_start3A_23 = tpu.memref_slice %arg8[%dma_start3A, %dma_start3A_22] : memref<10008x128xf32, #tpu.memory_space<vmem_shared>> -> memref<16x128xf32, #tpu.memory_space<vmem_shared>>
        %dma_start3A_24 = arith.constant 9984 : i32
        %dma_start3A_25 = arith.constant 0 : i32
        %dma_start3A_26 = tpu.memref_slice %arg3[%dma_start3A_24, %dma_start3A_25] : memref<10000x128xf32, #tpu.memory_space<hbm>> -> memref<16x128xf32, #tpu.memory_space<hbm>>
        tpu.enqueue_dma source(%dma_start3A_26 : memref<16x128xf32, #tpu.memory_space<hbm>>) target(%dma_start3A_23 : memref<16x128xf32, #tpu.memory_space<vmem_shared>>) target_semaphore(%run_scoped3A : memref<!tpu.dma_semaphore, #tpu.memory_space<semaphore_mem>>)
        %dma_wait3A = arith.constant 9984 : i32
        %dma_wait3A_27 = arith.constant 0 : i32
        %dma_wait3A_28 = tpu.memref_slice %arg8[%dma_wait3A, %dma_wait3A_27] : memref<10008x128xf32, #tpu.memory_space<vmem_shared>> -> memref<16x128xf32, #tpu.memory_space<vmem_shared>>
        %dma_wait3A_29 = arith.constant 9984 : i32
        %dma_wait3A_30 = arith.constant 0 : i32
        %dma_wait3A_31 = tpu.memref_slice %arg3[%dma_wait3A_29, %dma_wait3A_30] : memref<10000x128xf32, #tpu.memory_space<hbm>> -> memref<16x128xf32, #tpu.memory_space<hbm>>
        tpu.wait_dma2 semaphore(%run_scoped3A : memref<!tpu.dma_semaphore, #tpu.memory_space<semaphore_mem>>) src(%dma_wait3A_31 : memref<16x128xf32, #tpu.memory_space<hbm>>) dst(%dma_wait3A_28 : memref<16x128xf32, #tpu.memory_space<vmem_shared>>)
        tpu.yield
      }) : () -> ()
    } else {
    }
    %barrier3A = arith.constant 0 : index
    tpu.barrier barrier_id(%barrier3A)
    %mul3A_5 = arith.constant 80 : i32
    %mul3A_6 = arith.muli %add3A, %mul3A_5 : i32
    "tpu.region"() ({
      %run_scoped3A = tpu.sem_alloc : memref<!tpu.dma_semaphore, #tpu.memory_space<semaphore_mem>>
      %dma_start3A = arith.constant 0 : i32
      %dma_start3A_22 = tpu.memref_slice %arg2[%mul3A_6, %dma_start3A] : memref<2560x128xi32, #tpu.memory_space<hbm>> -> memref<80x128xi32, #tpu.memory_space<hbm>>
      %dma_start3A_23 = arith.constant 0 : i32
      %dma_start3A_24 = tpu.memref_slice %arg2[%mul3A_6, %dma_start3A_23] : memref<2560x128xi32, #tpu.memory_space<hbm>> -> memref<80x128xi32, #tpu.memory_space<hbm>>
      tpu.enqueue_dma source(%dma_start3A_24 : memref<80x128xi32, #tpu.memory_space<hbm>>) target(%arg6 : memref<80x128xi32, #tpu.memory_space<vmem>>) target_semaphore(%run_scoped3A : memref<!tpu.dma_semaphore, #tpu.memory_space<semaphore_mem>>)
      %dma_wait3A = arith.constant 0 : i32
      %dma_wait3A_25 = tpu.memref_slice %arg2[%mul3A_6, %dma_wait3A] : memref<2560x128xi32, #tpu.memory_space<hbm>> -> memref<80x128xi32, #tpu.memory_space<hbm>>
      %dma_wait3A_26 = arith.constant 0 : i32
      %dma_wait3A_27 = tpu.memref_slice %arg2[%mul3A_6, %dma_wait3A_26] : memref<2560x128xi32, #tpu.memory_space<hbm>> -> memref<80x128xi32, #tpu.memory_space<hbm>>
      tpu.wait_dma2 semaphore(%run_scoped3A : memref<!tpu.dma_semaphore, #tpu.memory_space<semaphore_mem>>) src(%dma_wait3A_27 : memref<80x128xi32, #tpu.memory_space<hbm>>) dst(%arg6 : memref<80x128xi32, #tpu.memory_space<vmem>>)
      tpu.yield
    }) : () -> ()
    %scan3A = arith.constant 0 : i32
    %scan3A_7 = arith.constant 0 : i32
    %scan3A_8 = arith.constant 80 : i32
    %scan3A_9 = arith.addi %scan3A_7, %scan3A_8 : i32
    %scan3A_10 = arith.constant 1 : i32
    %scan3A_11 = scf.for %scan3A_22 = %scan3A_7 to %scan3A_9 step %scan3A_10 iter_args(%scan3A_23 = %scan3A) -> (i32)  : i32 {
      "tpu.region"() ({
        %run_scoped3A = tpu.sem_alloc : memref<!tpu.dma_semaphore, #tpu.memory_space<semaphore_mem>>
        %dma_start3A = arith.constant 0 : i32
        %dma_start3A_25 = tpu.memref_slice %arg6[%scan3A_22, %dma_start3A] : memref<80x128xi32, #tpu.memory_space<vmem>> -> memref<1x128xi32, #tpu.memory_space<vmem>>
        %dma_start3A_26 = tpu.memref_squeeze %dma_start3A_25 : memref<1x128xi32, #tpu.memory_space<vmem>> -> memref<128xi32, #tpu.memory_space<vmem>>
        %dma_start3A_27 = arith.constant 0 : i32
        %dma_start3A_28 = arith.constant 0 : i32
        %dma_start3A_29 = tpu.memref_slice %arg8[%dma_start3A_27, %dma_start3A_28] : memref<10008x128xf32, #tpu.memory_space<vmem_shared>> -> memref<10008x128xf32, #tpu.memory_space<vmem_shared>>
        tpu.enqueue_indirect_dma source(%arg7 : memref<128x128xf32, #tpu.memory_space<vmem>>) target(%dma_start3A_29 : memref<10008x128xf32, #tpu.memory_space<vmem_shared>>) offsets(%dma_start3A_26 : memref<128xi32, #tpu.memory_space<vmem>>) semaphore(%run_scoped3A : memref<!tpu.dma_semaphore, #tpu.memory_space<semaphore_mem>>) {add = true}
        %dma_wait3A = arith.constant 0 : i32
        %dma_wait3A_30 = tpu.memref_slice %arg6[%scan3A_22, %dma_wait3A] : memref<80x128xi32, #tpu.memory_space<vmem>> -> memref<1x128xi32, #tpu.memory_space<vmem>>
        %dma_wait3A_31 = tpu.memref_squeeze %dma_wait3A_30 : memref<1x128xi32, #tpu.memory_space<vmem>> -> memref<128xi32, #tpu.memory_space<vmem>>
        %dma_wait3A_32 = arith.constant 0 : i32
        %dma_wait3A_33 = arith.constant 0 : i32
        %dma_wait3A_34 = tpu.memref_slice %arg8[%dma_wait3A_32, %dma_wait3A_33] : memref<10008x128xf32, #tpu.memory_space<vmem_shared>> -> memref<10008x128xf32, #tpu.memory_space<vmem_shared>>
        tpu.wait_indirect_dma semaphore(%run_scoped3A : memref<!tpu.dma_semaphore, #tpu.memory_space<semaphore_mem>>) src(%arg7 : memref<128x128xf32, #tpu.memory_space<vmem>>) dst(%dma_wait3A_34 : memref<10008x128xf32, #tpu.memory_space<vmem_shared>>)
        tpu.yield
      }) : () -> ()
      %scan3A_24 = arith.constant 0 : i32
      scf.yield %scan3A_24 : i32
    }
    %scan3A_12 = arith.constant 80 : i32
    %barrier3A_13 = arith.constant 0 : index
    tpu.barrier barrier_id(%barrier3A_13)
    %mul3A_14 = arith.constant 10000 : i32
    %mul3A_15 = arith.muli %arg0, %mul3A_14 : i32
    %add3A_16 = arith.addi %mul3A_15, %mul3A_2 : i32
    "tpu.region"() ({
      %run_scoped3A = tpu.sem_alloc : memref<!tpu.dma_semaphore, #tpu.memory_space<semaphore_mem>>
      %dma_start3A = arith.constant 0 : i32
      %dma_start3A_22 = tpu.memref_slice %arg5[%add3A_16, %dma_start3A] : memref<20000x128xf32, #tpu.memory_space<hbm>> -> memref<624x128xf32, #tpu.memory_space<hbm>>
      %dma_start3A_23 = arith.constant 0 : i32
      %dma_start3A_24 = tpu.memref_slice %arg8[%mul3A_2, %dma_start3A_23] : memref<10008x128xf32, #tpu.memory_space<vmem_shared>> -> memref<624x128xf32, #tpu.memory_space<vmem_shared>>
      tpu.enqueue_dma source(%dma_start3A_24 : memref<624x128xf32, #tpu.memory_space<vmem_shared>>) target(%dma_start3A_22 : memref<624x128xf32, #tpu.memory_space<hbm>>) target_semaphore(%run_scoped3A : memref<!tpu.dma_semaphore, #tpu.memory_space<semaphore_mem>>)
      %dma_wait3A = arith.constant 0 : i32
      %dma_wait3A_25 = tpu.memref_slice %arg5[%add3A_16, %dma_wait3A] : memref<20000x128xf32, #tpu.memory_space<hbm>> -> memref<624x128xf32, #tpu.memory_space<hbm>>
      %dma_wait3A_26 = arith.constant 0 : i32
      %dma_wait3A_27 = tpu.memref_slice %arg8[%mul3A_2, %dma_wait3A_26] : memref<10008x128xf32, #tpu.memory_space<vmem_shared>> -> memref<624x128xf32, #tpu.memory_space<vmem_shared>>
      tpu.wait_dma2 semaphore(%run_scoped3A : memref<!tpu.dma_semaphore, #tpu.memory_space<semaphore_mem>>) src(%dma_wait3A_27 : memref<624x128xf32, #tpu.memory_space<vmem_shared>>) dst(%dma_wait3A_25 : memref<624x128xf32, #tpu.memory_space<hbm>>)
      tpu.yield
    }) : () -> ()
    %eq3A_17 = arith.constant 15 : i32
    %eq3A_18 = arith.cmpi eq, %arg1, %eq3A_17 : i32
    %convert_element_type3A_19 = arith.extui %eq3A_18 : i1 to i32
    %cond3A_20 = arith.constant 0 : i32
    %cond3A_21 = arith.cmpi ne, %convert_element_type3A_19, %cond3A_20 : i32
    scf.if %cond3A_21 {
      %mul3A_22 = arith.constant 10000 : i32
      %mul3A_23 = arith.muli %arg0, %mul3A_22 : i32
      %add3A_24 = arith.constant 9984 : i32
      %add3A_25 = arith.addi %mul3A_23, %add3A_24 : i32
      "tpu.region"() ({
        %run_scoped3A = tpu.sem_alloc : memref<!tpu.dma_semaphore, #tpu.memory_space<semaphore_mem>>
        %dma_start3A = arith.constant 0 : i32
        %dma_start3A_26 = tpu.memref_slice %arg5[%add3A_25, %dma_start3A] : memref<20000x128xf32, #tpu.memory_space<hbm>> -> memref<16x128xf32, #tpu.memory_space<hbm>>
        %dma_start3A_27 = arith.constant 9984 : i32
        %dma_start3A_28 = arith.constant 0 : i32
        %dma_start3A_29 = tpu.memref_slice %arg8[%dma_start3A_27, %dma_start3A_28] : memref<10008x128xf32, #tpu.memory_space<vmem_shared>> -> memref<16x128xf32, #tpu.memory_space<vmem_shared>>
        tpu.enqueue_dma source(%dma_start3A_29 : memref<16x128xf32, #tpu.memory_space<vmem_shared>>) target(%dma_start3A_26 : memref<16x128xf32, #tpu.memory_space<hbm>>) target_semaphore(%run_scoped3A : memref<!tpu.dma_semaphore, #tpu.memory_space<semaphore_mem>>)
        %dma_wait3A = arith.constant 0 : i32
        %dma_wait3A_30 = tpu.memref_slice %arg5[%add3A_25, %dma_wait3A] : memref<20000x128xf32, #tpu.memory_space<hbm>> -> memref<16x128xf32, #tpu.memory_space<hbm>>
        %dma_wait3A_31 = arith.constant 9984 : i32
        %dma_wait3A_32 = arith.constant 0 : i32
        %dma_wait3A_33 = tpu.memref_slice %arg8[%dma_wait3A_31, %dma_wait3A_32] : memref<10008x128xf32, #tpu.memory_space<vmem_shared>> -> memref<16x128xf32, #tpu.memory_space<vmem_shared>>
        tpu.wait_dma2 semaphore(%run_scoped3A : memref<!tpu.dma_semaphore, #tpu.memory_space<semaphore_mem>>) src(%dma_wait3A_33 : memref<16x128xf32, #tpu.memory_space<vmem_shared>>) dst(%dma_wait3A_30 : memref<16x128xf32, #tpu.memory_space<hbm>>)
        tpu.yield
      }) : () -> ()
    } else {
    }
    return
  }
}

#map = affine_map<(d0, d1) -> (0, 0)>
module attributes {stable_mosaic.version = 14 : i64} {
  func.func @agg_kernel(%arg0: i32, %arg1: i32, %arg2: memref<10008x128xf32, #tpu.memory_space<hbm>>, %arg3: memref<2560x128xi32, #tpu.memory_space<hbm>>, %arg4: memref<2560x128xi32, #tpu.memory_space<hbm>>, %arg5: memref<10000x128xf32, #tpu.memory_space<hbm>>, %arg6: memref<20000x128xf32, #tpu.memory_space<hbm>>, %arg7: memref<16x128xi32, #tpu.memory_space<vmem>>, %arg8: memref<16x128xi32, #tpu.memory_space<vmem>>, %arg9: memref<256x128xf32, #tpu.memory_space<vmem>>, %arg10: memref<10008x128xf32, #tpu.memory_space<vmem_shared>>, %arg11: memref<!tpu.dma_semaphore, #tpu.memory_space<semaphore_mem>>, %arg12: memref<!tpu.dma_semaphore, #tpu.memory_space<semaphore_mem>>, %arg13: memref<!tpu.dma_semaphore, #tpu.memory_space<semaphore_mem>>, %arg14: memref<!tpu.dma_semaphore, #tpu.memory_space<semaphore_mem>>) attributes {dimension_semantics = [#tpu.dimension_semantics<core_parallel>, #tpu.dimension_semantics<subcore_parallel>], iteration_bounds = array<i64: 2, 16>, scalar_prefetch = 0 : i64, scratch_operands = 8 : i64, tpu.core_type = #tpu.core_type<sc_vector_subcore>, window_params = [{transform_indices = #map}, {transform_indices = #map}, {transform_indices = #map}, {transform_indices = #map}, {transform_indices = #map}]} {
    %mul3A = arith.constant 16 : i32
    %mul3A_0 = arith.muli %arg0, %mul3A : i32
    %add3A = arith.addi %mul3A_0, %arg1 : i32
    %mul3A_1 = arith.constant 624 : i32
    %mul3A_2 = arith.muli %arg1, %mul3A_1 : i32
    "tpu.region"() ({
      %run_scoped3A = tpu.sem_alloc : memref<!tpu.dma_semaphore, #tpu.memory_space<semaphore_mem>>
      %dma_start3A = arith.constant 0 : i32
      %dma_start3A_22 = tpu.memref_slice %arg10[%mul3A_2, %dma_start3A] : memref<10008x128xf32, #tpu.memory_space<vmem_shared>> -> memref<624x128xf32, #tpu.memory_space<vmem_shared>>
      %dma_start3A_23 = arith.constant 0 : i32
      %dma_start3A_24 = tpu.memref_slice %arg5[%mul3A_2, %dma_start3A_23] : memref<10000x128xf32, #tpu.memory_space<hbm>> -> memref<624x128xf32, #tpu.memory_space<hbm>>
      tpu.enqueue_dma source(%dma_start3A_24 : memref<624x128xf32, #tpu.memory_space<hbm>>) target(%dma_start3A_22 : memref<624x128xf32, #tpu.memory_space<vmem_shared>>) target_semaphore(%run_scoped3A : memref<!tpu.dma_semaphore, #tpu.memory_space<semaphore_mem>>)
      %dma_wait3A = arith.constant 0 : i32
      %dma_wait3A_25 = tpu.memref_slice %arg10[%mul3A_2, %dma_wait3A] : memref<10008x128xf32, #tpu.memory_space<vmem_shared>> -> memref<624x128xf32, #tpu.memory_space<vmem_shared>>
      %dma_wait3A_26 = arith.constant 0 : i32
      %dma_wait3A_27 = tpu.memref_slice %arg5[%mul3A_2, %dma_wait3A_26] : memref<10000x128xf32, #tpu.memory_space<hbm>> -> memref<624x128xf32, #tpu.memory_space<hbm>>
      tpu.wait_dma2 semaphore(%run_scoped3A : memref<!tpu.dma_semaphore, #tpu.memory_space<semaphore_mem>>) src(%dma_wait3A_27 : memref<624x128xf32, #tpu.memory_space<hbm>>) dst(%dma_wait3A_25 : memref<624x128xf32, #tpu.memory_space<vmem_shared>>)
      tpu.yield
    }) : () -> ()
    %eq3A = arith.constant 15 : i32
    %eq3A_3 = arith.cmpi eq, %arg1, %eq3A : i32
    %convert_element_type3A = arith.extui %eq3A_3 : i1 to i32
    %cond3A = arith.constant 0 : i32
    %cond3A_4 = arith.cmpi ne, %convert_element_type3A, %cond3A : i32
    scf.if %cond3A_4 {
      "tpu.region"() ({
        %run_scoped3A = tpu.sem_alloc : memref<!tpu.dma_semaphore, #tpu.memory_space<semaphore_mem>>
        %dma_start3A = arith.constant 9984 : i32
        %dma_start3A_22 = arith.constant 0 : i32
        %dma_start3A_23 = tpu.memref_slice %arg10[%dma_start3A, %dma_start3A_22] : memref<10008x128xf32, #tpu.memory_space<vmem_shared>> -> memref<16x128xf32, #tpu.memory_space<vmem_shared>>
        %dma_start3A_24 = arith.constant 9984 : i32
        %dma_start3A_25 = arith.constant 0 : i32
        %dma_start3A_26 = tpu.memref_slice %arg5[%dma_start3A_24, %dma_start3A_25] : memref<10000x128xf32, #tpu.memory_space<hbm>> -> memref<16x128xf32, #tpu.memory_space<hbm>>
        tpu.enqueue_dma source(%dma_start3A_26 : memref<16x128xf32, #tpu.memory_space<hbm>>) target(%dma_start3A_23 : memref<16x128xf32, #tpu.memory_space<vmem_shared>>) target_semaphore(%run_scoped3A : memref<!tpu.dma_semaphore, #tpu.memory_space<semaphore_mem>>)
        %dma_wait3A = arith.constant 9984 : i32
        %dma_wait3A_27 = arith.constant 0 : i32
        %dma_wait3A_28 = tpu.memref_slice %arg10[%dma_wait3A, %dma_wait3A_27] : memref<10008x128xf32, #tpu.memory_space<vmem_shared>> -> memref<16x128xf32, #tpu.memory_space<vmem_shared>>
        %dma_wait3A_29 = arith.constant 9984 : i32
        %dma_wait3A_30 = arith.constant 0 : i32
        %dma_wait3A_31 = tpu.memref_slice %arg5[%dma_wait3A_29, %dma_wait3A_30] : memref<10000x128xf32, #tpu.memory_space<hbm>> -> memref<16x128xf32, #tpu.memory_space<hbm>>
        tpu.wait_dma2 semaphore(%run_scoped3A : memref<!tpu.dma_semaphore, #tpu.memory_space<semaphore_mem>>) src(%dma_wait3A_31 : memref<16x128xf32, #tpu.memory_space<hbm>>) dst(%dma_wait3A_28 : memref<16x128xf32, #tpu.memory_space<vmem_shared>>)
        tpu.yield
      }) : () -> ()
    } else {
    }
    %barrier3A = arith.constant 0 : index
    tpu.barrier barrier_id(%barrier3A)
    %mul3A_5 = arith.constant 80 : i32
    %mul3A_6 = arith.muli %add3A, %mul3A_5 : i32
    %scan3A = arith.constant 0 : i32
    %scan3A_7 = arith.constant 0 : i32
    %scan3A_8 = arith.constant 5 : i32
    %scan3A_9 = arith.addi %scan3A_7, %scan3A_8 : i32
    %scan3A_10 = arith.constant 1 : i32
    %scan3A_11 = scf.for %scan3A_22 = %scan3A_7 to %scan3A_9 step %scan3A_10 iter_args(%scan3A_23 = %scan3A) -> (i32)  : i32 {
      %mul3A_24 = arith.constant 16 : i32
      %mul3A_25 = arith.muli %scan3A_22, %mul3A_24 : i32
      %add3A_26 = arith.addi %mul3A_6, %mul3A_25 : i32
      "tpu.region"() ({
        %run_scoped3A_364 = tpu.sem_alloc : memref<!tpu.dma_semaphore, #tpu.memory_space<semaphore_mem>>
        %dma_start3A_365 = arith.constant 0 : i32
        %dma_start3A_366 = tpu.memref_slice %arg3[%add3A_26, %dma_start3A_365] : memref<2560x128xi32, #tpu.memory_space<hbm>> -> memref<16x128xi32, #tpu.memory_space<hbm>>
        %dma_start3A_367 = arith.constant 0 : i32
        %dma_start3A_368 = tpu.memref_slice %arg3[%add3A_26, %dma_start3A_367] : memref<2560x128xi32, #tpu.memory_space<hbm>> -> memref<16x128xi32, #tpu.memory_space<hbm>>
        tpu.enqueue_dma source(%dma_start3A_368 : memref<16x128xi32, #tpu.memory_space<hbm>>) target(%arg7 : memref<16x128xi32, #tpu.memory_space<vmem>>) target_semaphore(%run_scoped3A_364 : memref<!tpu.dma_semaphore, #tpu.memory_space<semaphore_mem>>)
        %dma_wait3A_369 = arith.constant 0 : i32
        %dma_wait3A_370 = tpu.memref_slice %arg3[%add3A_26, %dma_wait3A_369] : memref<2560x128xi32, #tpu.memory_space<hbm>> -> memref<16x128xi32, #tpu.memory_space<hbm>>
        %dma_wait3A_371 = arith.constant 0 : i32
        %dma_wait3A_372 = tpu.memref_slice %arg3[%add3A_26, %dma_wait3A_371] : memref<2560x128xi32, #tpu.memory_space<hbm>> -> memref<16x128xi32, #tpu.memory_space<hbm>>
        tpu.wait_dma2 semaphore(%run_scoped3A_364 : memref<!tpu.dma_semaphore, #tpu.memory_space<semaphore_mem>>) src(%dma_wait3A_372 : memref<16x128xi32, #tpu.memory_space<hbm>>) dst(%arg7 : memref<16x128xi32, #tpu.memory_space<vmem>>)
        tpu.yield
      }) : () -> ()
      %mul3A_27 = arith.constant 16 : i32
      %mul3A_28 = arith.muli %scan3A_22, %mul3A_27 : i32
      %add3A_29 = arith.addi %mul3A_6, %mul3A_28 : i32
      "tpu.region"() ({
        %run_scoped3A_364 = tpu.sem_alloc : memref<!tpu.dma_semaphore, #tpu.memory_space<semaphore_mem>>
        %dma_start3A_365 = arith.constant 0 : i32
        %dma_start3A_366 = tpu.memref_slice %arg4[%add3A_29, %dma_start3A_365] : memref<2560x128xi32, #tpu.memory_space<hbm>> -> memref<16x128xi32, #tpu.memory_space<hbm>>
        %dma_start3A_367 = arith.constant 0 : i32
        %dma_start3A_368 = tpu.memref_slice %arg4[%add3A_29, %dma_start3A_367] : memref<2560x128xi32, #tpu.memory_space<hbm>> -> memref<16x128xi32, #tpu.memory_space<hbm>>
        tpu.enqueue_dma source(%dma_start3A_368 : memref<16x128xi32, #tpu.memory_space<hbm>>) target(%arg8 : memref<16x128xi32, #tpu.memory_space<vmem>>) target_semaphore(%run_scoped3A_364 : memref<!tpu.dma_semaphore, #tpu.memory_space<semaphore_mem>>)
        %dma_wait3A_369 = arith.constant 0 : i32
        %dma_wait3A_370 = tpu.memref_slice %arg4[%add3A_29, %dma_wait3A_369] : memref<2560x128xi32, #tpu.memory_space<hbm>> -> memref<16x128xi32, #tpu.memory_space<hbm>>
        %dma_wait3A_371 = arith.constant 0 : i32
        %dma_wait3A_372 = tpu.memref_slice %arg4[%add3A_29, %dma_wait3A_371] : memref<2560x128xi32, #tpu.memory_space<hbm>> -> memref<16x128xi32, #tpu.memory_space<hbm>>
        tpu.wait_dma2 semaphore(%run_scoped3A_364 : memref<!tpu.dma_semaphore, #tpu.memory_space<semaphore_mem>>) src(%dma_wait3A_372 : memref<16x128xi32, #tpu.memory_space<hbm>>) dst(%arg8 : memref<16x128xi32, #tpu.memory_space<vmem>>)
        tpu.yield
      }) : () -> ()
      %dma_start3A = arith.constant 0 : i32
      %dma_start3A_30 = arith.constant 0 : i32
      %dma_start3A_31 = arith.constant 0 : i32
      %dma_start3A_32 = tpu.memref_slice %arg9[%dma_start3A_30, %dma_start3A_31] : memref<256x128xf32, #tpu.memory_space<vmem>> -> memref<128x128xf32, #tpu.memory_space<vmem>>
      %dma_start3A_33 = arith.constant 0 : i32
      %dma_start3A_34 = tpu.memref_slice %arg7[%dma_start3A, %dma_start3A_33] : memref<16x128xi32, #tpu.memory_space<vmem>> -> memref<1x128xi32, #tpu.memory_space<vmem>>
      %dma_start3A_35 = tpu.memref_squeeze %dma_start3A_34 : memref<1x128xi32, #tpu.memory_space<vmem>> -> memref<128xi32, #tpu.memory_space<vmem>>
      %dma_start3A_36 = arith.constant 0 : i32
      %dma_start3A_37 = arith.constant 0 : i32
      %dma_start3A_38 = tpu.memref_slice %arg2[%dma_start3A_36, %dma_start3A_37] : memref<10008x128xf32, #tpu.memory_space<hbm>> -> memref<10008x128xf32, #tpu.memory_space<hbm>>
      tpu.enqueue_indirect_dma source(%dma_start3A_38 : memref<10008x128xf32, #tpu.memory_space<hbm>>) target(%dma_start3A_32 : memref<128x128xf32, #tpu.memory_space<vmem>>) offsets(%dma_start3A_35 : memref<128xi32, #tpu.memory_space<vmem>>) semaphore(%arg11 : memref<!tpu.dma_semaphore, #tpu.memory_space<semaphore_mem>>)
      %dma_start3A_39 = arith.constant 1 : i32
      %dma_start3A_40 = arith.constant 128 : i32
      %dma_start3A_41 = arith.constant 0 : i32
      %dma_start3A_42 = tpu.memref_slice %arg9[%dma_start3A_40, %dma_start3A_41] : memref<256x128xf32, #tpu.memory_space<vmem>> -> memref<128x128xf32, #tpu.memory_space<vmem>>
      %dma_start3A_43 = arith.constant 0 : i32
      %dma_start3A_44 = tpu.memref_slice %arg7[%dma_start3A_39, %dma_start3A_43] : memref<16x128xi32, #tpu.memory_space<vmem>> -> memref<1x128xi32, #tpu.memory_space<vmem>>
      %dma_start3A_45 = tpu.memref_squeeze %dma_start3A_44 : memref<1x128xi32, #tpu.memory_space<vmem>> -> memref<128xi32, #tpu.memory_space<vmem>>
      %dma_start3A_46 = arith.constant 0 : i32
      %dma_start3A_47 = arith.constant 0 : i32
      %dma_start3A_48 = tpu.memref_slice %arg2[%dma_start3A_46, %dma_start3A_47] : memref<10008x128xf32, #tpu.memory_space<hbm>> -> memref<10008x128xf32, #tpu.memory_space<hbm>>
      tpu.enqueue_indirect_dma source(%dma_start3A_48 : memref<10008x128xf32, #tpu.memory_space<hbm>>) target(%dma_start3A_42 : memref<128x128xf32, #tpu.memory_space<vmem>>) offsets(%dma_start3A_45 : memref<128xi32, #tpu.memory_space<vmem>>) semaphore(%arg12 : memref<!tpu.dma_semaphore, #tpu.memory_space<semaphore_mem>>)
      %dma_wait3A = arith.constant 0 : i32
      %dma_wait3A_49 = arith.constant 0 : i32
      %dma_wait3A_50 = arith.constant 0 : i32
      %dma_wait3A_51 = tpu.memref_slice %arg9[%dma_wait3A_49, %dma_wait3A_50] : memref<256x128xf32, #tpu.memory_space<vmem>> -> memref<128x128xf32, #tpu.memory_space<vmem>>
      %dma_wait3A_52 = arith.constant 0 : i32
      %dma_wait3A_53 = tpu.memref_slice %arg7[%dma_wait3A, %dma_wait3A_52] : memref<16x128xi32, #tpu.memory_space<vmem>> -> memref<1x128xi32, #tpu.memory_space<vmem>>
      %dma_wait3A_54 = tpu.memref_squeeze %dma_wait3A_53 : memref<1x128xi32, #tpu.memory_space<vmem>> -> memref<128xi32, #tpu.memory_space<vmem>>
      %dma_wait3A_55 = arith.constant 0 : i32
      %dma_wait3A_56 = arith.constant 0 : i32
      %dma_wait3A_57 = tpu.memref_slice %arg2[%dma_wait3A_55, %dma_wait3A_56] : memref<10008x128xf32, #tpu.memory_space<hbm>> -> memref<10008x128xf32, #tpu.memory_space<hbm>>
      tpu.wait_indirect_dma semaphore(%arg11 : memref<!tpu.dma_semaphore, #tpu.memory_space<semaphore_mem>>) src(%dma_wait3A_57 : memref<10008x128xf32, #tpu.memory_space<hbm>>) dst(%dma_wait3A_51 : memref<128x128xf32, #tpu.memory_space<vmem>>)
      %dma_wait3A_58 = arith.constant 1 : i32
      %dma_wait3A_59 = arith.constant 128 : i32
      %dma_wait3A_60 = arith.constant 0 : i32
      %dma_wait3A_61 = tpu.memref_slice %arg9[%dma_wait3A_59, %dma_wait3A_60] : memref<256x128xf32, #tpu.memory_space<vmem>> -> memref<128x128xf32, #tpu.memory_space<vmem>>
      %dma_wait3A_62 = arith.constant 0 : i32
      %dma_wait3A_63 = tpu.memref_slice %arg7[%dma_wait3A_58, %dma_wait3A_62] : memref<16x128xi32, #tpu.memory_space<vmem>> -> memref<1x128xi32, #tpu.memory_space<vmem>>
      %dma_wait3A_64 = tpu.memref_squeeze %dma_wait3A_63 : memref<1x128xi32, #tpu.memory_space<vmem>> -> memref<128xi32, #tpu.memory_space<vmem>>
      %dma_wait3A_65 = arith.constant 0 : i32
      %dma_wait3A_66 = arith.constant 0 : i32
      %dma_wait3A_67 = tpu.memref_slice %arg2[%dma_wait3A_65, %dma_wait3A_66] : memref<10008x128xf32, #tpu.memory_space<hbm>> -> memref<10008x128xf32, #tpu.memory_space<hbm>>
      tpu.wait_indirect_dma semaphore(%arg12 : memref<!tpu.dma_semaphore, #tpu.memory_space<semaphore_mem>>) src(%dma_wait3A_67 : memref<10008x128xf32, #tpu.memory_space<hbm>>) dst(%dma_wait3A_61 : memref<128x128xf32, #tpu.memory_space<vmem>>)
      %run_scoped3A = arith.constant 0 : i32
      "tpu.region"() ({
        %run_scoped3A_364 = tpu.sem_alloc : memref<!tpu.dma_semaphore, #tpu.memory_space<semaphore_mem>>
        %dma_start3A_365 = arith.constant 0 : i32
        %dma_start3A_366 = arith.constant 0 : i32
        %dma_start3A_367 = tpu.memref_slice %arg9[%dma_start3A_365, %dma_start3A_366] : memref<256x128xf32, #tpu.memory_space<vmem>> -> memref<128x128xf32, #tpu.memory_space<vmem>>
        %dma_start3A_368 = arith.constant 0 : i32
        %dma_start3A_369 = tpu.memref_slice %arg8[%run_scoped3A, %dma_start3A_368] : memref<16x128xi32, #tpu.memory_space<vmem>> -> memref<1x128xi32, #tpu.memory_space<vmem>>
        %dma_start3A_370 = tpu.memref_squeeze %dma_start3A_369 : memref<1x128xi32, #tpu.memory_space<vmem>> -> memref<128xi32, #tpu.memory_space<vmem>>
        %dma_start3A_371 = arith.constant 0 : i32
        %dma_start3A_372 = arith.constant 0 : i32
        %dma_start3A_373 = tpu.memref_slice %arg10[%dma_start3A_371, %dma_start3A_372] : memref<10008x128xf32, #tpu.memory_space<vmem_shared>> -> memref<10008x128xf32, #tpu.memory_space<vmem_shared>>
        tpu.enqueue_indirect_dma source(%dma_start3A_367 : memref<128x128xf32, #tpu.memory_space<vmem>>) target(%dma_start3A_373 : memref<10008x128xf32, #tpu.memory_space<vmem_shared>>) offsets(%dma_start3A_370 : memref<128xi32, #tpu.memory_space<vmem>>) semaphore(%run_scoped3A_364 : memref<!tpu.dma_semaphore, #tpu.memory_space<semaphore_mem>>) {add = true}
        %dma_wait3A_374 = arith.constant 0 : i32
        %dma_wait3A_375 = arith.constant 0 : i32
        %dma_wait3A_376 = tpu.memref_slice %arg9[%dma_wait3A_374, %dma_wait3A_375] : memref<256x128xf32, #tpu.memory_space<vmem>> -> memref<128x128xf32, #tpu.memory_space<vmem>>
        %dma_wait3A_377 = arith.constant 0 : i32
        %dma_wait3A_378 = tpu.memref_slice %arg8[%run_scoped3A, %dma_wait3A_377] : memref<16x128xi32, #tpu.memory_space<vmem>> -> memref<1x128xi32, #tpu.memory_space<vmem>>
        %dma_wait3A_379 = tpu.memref_squeeze %dma_wait3A_378 : memref<1x128xi32, #tpu.memory_space<vmem>> -> memref<128xi32, #tpu.memory_space<vmem>>
        %dma_wait3A_380 = arith.constant 0 : i32
        %dma_wait3A_381 = arith.constant 0 : i32
        %dma_wait3A_382 = tpu.memref_slice %arg10[%dma_wait3A_380, %dma_wait3A_381] : memref<10008x128xf32, #tpu.memory_space<vmem_shared>> -> memref<10008x128xf32, #tpu.memory_space<vmem_shared>>
        tpu.wait_indirect_dma semaphore(%run_scoped3A_364 : memref<!tpu.dma_semaphore, #tpu.memory_space<semaphore_mem>>) src(%dma_wait3A_376 : memref<128x128xf32, #tpu.memory_space<vmem>>) dst(%dma_wait3A_382 : memref<10008x128xf32, #tpu.memory_space<vmem_shared>>)
        tpu.yield
      }) : () -> ()
      %run_scoped3A_68 = arith.constant 1 : i32
      "tpu.region"() ({
        %run_scoped3A_364 = tpu.sem_alloc : memref<!tpu.dma_semaphore, #tpu.memory_space<semaphore_mem>>
        %dma_start3A_365 = arith.constant 128 : i32
        %dma_start3A_366 = arith.constant 0 : i32
        %dma_start3A_367 = tpu.memref_slice %arg9[%dma_start3A_365, %dma_start3A_366] : memref<256x128xf32, #tpu.memory_space<vmem>> -> memref<128x128xf32, #tpu.memory_space<vmem>>
        %dma_start3A_368 = arith.constant 0 : i32
        %dma_start3A_369 = tpu.memref_slice %arg8[%run_scoped3A_68, %dma_start3A_368] : memref<16x128xi32, #tpu.memory_space<vmem>> -> memref<1x128xi32, #tpu.memory_space<vmem>>
        %dma_start3A_370 = tpu.memref_squeeze %dma_start3A_369 : memref<1x128xi32, #tpu.memory_space<vmem>> -> memref<128xi32, #tpu.memory_space<vmem>>
        %dma_start3A_371 = arith.constant 0 : i32
        %dma_start3A_372 = arith.constant 0 : i32
        %dma_start3A_373 = tpu.memref_slice %arg10[%dma_start3A_371, %dma_start3A_372] : memref<10008x128xf32, #tpu.memory_space<vmem_shared>> -> memref<10008x128xf32, #tpu.memory_space<vmem_shared>>
        tpu.enqueue_indirect_dma source(%dma_start3A_367 : memref<128x128xf32, #tpu.memory_space<vmem>>) target(%dma_start3A_373 : memref<10008x128xf32, #tpu.memory_space<vmem_shared>>) offsets(%dma_start3A_370 : memref<128xi32, #tpu.memory_space<vmem>>) semaphore(%run_scoped3A_364 : memref<!tpu.dma_semaphore, #tpu.memory_space<semaphore_mem>>) {add = true}
        %dma_wait3A_374 = arith.constant 128 : i32
        %dma_wait3A_375 = arith.constant 0 : i32
        %dma_wait3A_376 = tpu.memref_slice %arg9[%dma_wait3A_374, %dma_wait3A_375] : memref<256x128xf32, #tpu.memory_space<vmem>> -> memref<128x128xf32, #tpu.memory_space<vmem>>
        %dma_wait3A_377 = arith.constant 0 : i32
        %dma_wait3A_378 = tpu.memref_slice %arg8[%run_scoped3A_68, %dma_wait3A_377] : memref<16x128xi32, #tpu.memory_space<vmem>> -> memref<1x128xi32, #tpu.memory_space<vmem>>
        %dma_wait3A_379 = tpu.memref_squeeze %dma_wait3A_378 : memref<1x128xi32, #tpu.memory_space<vmem>> -> memref<128xi32, #tpu.memory_space<vmem>>
        %dma_wait3A_380 = arith.constant 0 : i32
        %dma_wait3A_381 = arith.constant 0 : i32
        %dma_wait3A_382 = tpu.memref_slice %arg10[%dma_wait3A_380, %dma_wait3A_381] : memref<10008x128xf32, #tpu.memory_space<vmem_shared>> -> memref<10008x128xf32, #tpu.memory_space<vmem_shared>>
        tpu.wait_indirect_dma semaphore(%run_scoped3A_364 : memref<!tpu.dma_semaphore, #tpu.memory_space<semaphore_mem>>) src(%dma_wait3A_376 : memref<128x128xf32, #tpu.memory_space<vmem>>) dst(%dma_wait3A_382 : memref<10008x128xf32, #tpu.memory_space<vmem_shared>>)
        tpu.yield
      }) : () -> ()
      %dma_start3A_69 = arith.constant 2 : i32
      %dma_start3A_70 = arith.constant 0 : i32
      %dma_start3A_71 = arith.constant 0 : i32
      %dma_start3A_72 = tpu.memref_slice %arg9[%dma_start3A_70, %dma_start3A_71] : memref<256x128xf32, #tpu.memory_space<vmem>> -> memref<128x128xf32, #tpu.memory_space<vmem>>
      %dma_start3A_73 = arith.constant 0 : i32
      %dma_start3A_74 = tpu.memref_slice %arg7[%dma_start3A_69, %dma_start3A_73] : memref<16x128xi32, #tpu.memory_space<vmem>> -> memref<1x128xi32, #tpu.memory_space<vmem>>
      %dma_start3A_75 = tpu.memref_squeeze %dma_start3A_74 : memref<1x128xi32, #tpu.memory_space<vmem>> -> memref<128xi32, #tpu.memory_space<vmem>>
      %dma_start3A_76 = arith.constant 0 : i32
      %dma_start3A_77 = arith.constant 0 : i32
      %dma_start3A_78 = tpu.memref_slice %arg2[%dma_start3A_76, %dma_start3A_77] : memref<10008x128xf32, #tpu.memory_space<hbm>> -> memref<10008x128xf32, #tpu.memory_space<hbm>>
      tpu.enqueue_indirect_dma source(%dma_start3A_78 : memref<10008x128xf32, #tpu.memory_space<hbm>>) target(%dma_start3A_72 : memref<128x128xf32, #tpu.memory_space<vmem>>) offsets(%dma_start3A_75 : memref<128xi32, #tpu.memory_space<vmem>>) semaphore(%arg11 : memref<!tpu.dma_semaphore, #tpu.memory_space<semaphore_mem>>)
      %dma_start3A_79 = arith.constant 3 : i32
      %dma_start3A_80 = arith.constant 128 : i32
      %dma_start3A_81 = arith.constant 0 : i32
      %dma_start3A_82 = tpu.memref_slice %arg9[%dma_start3A_80, %dma_start3A_81] : memref<256x128xf32, #tpu.memory_space<vmem>> -> memref<128x128xf32, #tpu.memory_space<vmem>>
      %dma_start3A_83 = arith.constant 0 : i32
      %dma_start3A_84 = tpu.memref_slice %arg7[%dma_start3A_79, %dma_start3A_83] : memref<16x128xi32, #tpu.memory_space<vmem>> -> memref<1x128xi32, #tpu.memory_space<vmem>>
      %dma_start3A_85 = tpu.memref_squeeze %dma_start3A_84 : memref<1x128xi32, #tpu.memory_space<vmem>> -> memref<128xi32, #tpu.memory_space<vmem>>
      %dma_start3A_86 = arith.constant 0 : i32
      %dma_start3A_87 = arith.constant 0 : i32
      %dma_start3A_88 = tpu.memref_slice %arg2[%dma_start3A_86, %dma_start3A_87] : memref<10008x128xf32, #tpu.memory_space<hbm>> -> memref<10008x128xf32, #tpu.memory_space<hbm>>
      tpu.enqueue_indirect_dma source(%dma_start3A_88 : memref<10008x128xf32, #tpu.memory_space<hbm>>) target(%dma_start3A_82 : memref<128x128xf32, #tpu.memory_space<vmem>>) offsets(%dma_start3A_85 : memref<128xi32, #tpu.memory_space<vmem>>) semaphore(%arg12 : memref<!tpu.dma_semaphore, #tpu.memory_space<semaphore_mem>>)
      %dma_wait3A_89 = arith.constant 2 : i32
      %dma_wait3A_90 = arith.constant 0 : i32
      %dma_wait3A_91 = arith.constant 0 : i32
      %dma_wait3A_92 = tpu.memref_slice %arg9[%dma_wait3A_90, %dma_wait3A_91] : memref<256x128xf32, #tpu.memory_space<vmem>> -> memref<128x128xf32, #tpu.memory_space<vmem>>
      %dma_wait3A_93 = arith.constant 0 : i32
      %dma_wait3A_94 = tpu.memref_slice %arg7[%dma_wait3A_89, %dma_wait3A_93] : memref<16x128xi32, #tpu.memory_space<vmem>> -> memref<1x128xi32, #tpu.memory_space<vmem>>
      %dma_wait3A_95 = tpu.memref_squeeze %dma_wait3A_94 : memref<1x128xi32, #tpu.memory_space<vmem>> -> memref<128xi32, #tpu.memory_space<vmem>>
      %dma_wait3A_96 = arith.constant 0 : i32
      %dma_wait3A_97 = arith.constant 0 : i32
      %dma_wait3A_98 = tpu.memref_slice %arg2[%dma_wait3A_96, %dma_wait3A_97] : memref<10008x128xf32, #tpu.memory_space<hbm>> -> memref<10008x128xf32, #tpu.memory_space<hbm>>
      tpu.wait_indirect_dma semaphore(%arg11 : memref<!tpu.dma_semaphore, #tpu.memory_space<semaphore_mem>>) src(%dma_wait3A_98 : memref<10008x128xf32, #tpu.memory_space<hbm>>) dst(%dma_wait3A_92 : memref<128x128xf32, #tpu.memory_space<vmem>>)
      %dma_wait3A_99 = arith.constant 3 : i32
      %dma_wait3A_100 = arith.constant 128 : i32
      %dma_wait3A_101 = arith.constant 0 : i32
      %dma_wait3A_102 = tpu.memref_slice %arg9[%dma_wait3A_100, %dma_wait3A_101] : memref<256x128xf32, #tpu.memory_space<vmem>> -> memref<128x128xf32, #tpu.memory_space<vmem>>
      %dma_wait3A_103 = arith.constant 0 : i32
      %dma_wait3A_104 = tpu.memref_slice %arg7[%dma_wait3A_99, %dma_wait3A_103] : memref<16x128xi32, #tpu.memory_space<vmem>> -> memref<1x128xi32, #tpu.memory_space<vmem>>
      %dma_wait3A_105 = tpu.memref_squeeze %dma_wait3A_104 : memref<1x128xi32, #tpu.memory_space<vmem>> -> memref<128xi32, #tpu.memory_space<vmem>>
      %dma_wait3A_106 = arith.constant 0 : i32
      %dma_wait3A_107 = arith.constant 0 : i32
      %dma_wait3A_108 = tpu.memref_slice %arg2[%dma_wait3A_106, %dma_wait3A_107] : memref<10008x128xf32, #tpu.memory_space<hbm>> -> memref<10008x128xf32, #tpu.memory_space<hbm>>
      tpu.wait_indirect_dma semaphore(%arg12 : memref<!tpu.dma_semaphore, #tpu.memory_space<semaphore_mem>>) src(%dma_wait3A_108 : memref<10008x128xf32, #tpu.memory_space<hbm>>) dst(%dma_wait3A_102 : memref<128x128xf32, #tpu.memory_space<vmem>>)
      %run_scoped3A_109 = arith.constant 2 : i32
      "tpu.region"() ({
        %run_scoped3A_364 = tpu.sem_alloc : memref<!tpu.dma_semaphore, #tpu.memory_space<semaphore_mem>>
        %dma_start3A_365 = arith.constant 0 : i32
        %dma_start3A_366 = arith.constant 0 : i32
        %dma_start3A_367 = tpu.memref_slice %arg9[%dma_start3A_365, %dma_start3A_366] : memref<256x128xf32, #tpu.memory_space<vmem>> -> memref<128x128xf32, #tpu.memory_space<vmem>>
        %dma_start3A_368 = arith.constant 0 : i32
        %dma_start3A_369 = tpu.memref_slice %arg8[%run_scoped3A_109, %dma_start3A_368] : memref<16x128xi32, #tpu.memory_space<vmem>> -> memref<1x128xi32, #tpu.memory_space<vmem>>
        %dma_start3A_370 = tpu.memref_squeeze %dma_start3A_369 : memref<1x128xi32, #tpu.memory_space<vmem>> -> memref<128xi32, #tpu.memory_space<vmem>>
        %dma_start3A_371 = arith.constant 0 : i32
        %dma_start3A_372 = arith.constant 0 : i32
        %dma_start3A_373 = tpu.memref_slice %arg10[%dma_start3A_371, %dma_start3A_372] : memref<10008x128xf32, #tpu.memory_space<vmem_shared>> -> memref<10008x128xf32, #tpu.memory_space<vmem_shared>>
        tpu.enqueue_indirect_dma source(%dma_start3A_367 : memref<128x128xf32, #tpu.memory_space<vmem>>) target(%dma_start3A_373 : memref<10008x128xf32, #tpu.memory_space<vmem_shared>>) offsets(%dma_start3A_370 : memref<128xi32, #tpu.memory_space<vmem>>) semaphore(%run_scoped3A_364 : memref<!tpu.dma_semaphore, #tpu.memory_space<semaphore_mem>>) {add = true}
        %dma_wait3A_374 = arith.constant 0 : i32
        %dma_wait3A_375 = arith.constant 0 : i32
        %dma_wait3A_376 = tpu.memref_slice %arg9[%dma_wait3A_374, %dma_wait3A_375] : memref<256x128xf32, #tpu.memory_space<vmem>> -> memref<128x128xf32, #tpu.memory_space<vmem>>
        %dma_wait3A_377 = arith.constant 0 : i32
        %dma_wait3A_378 = tpu.memref_slice %arg8[%run_scoped3A_109, %dma_wait3A_377] : memref<16x128xi32, #tpu.memory_space<vmem>> -> memref<1x128xi32, #tpu.memory_space<vmem>>
        %dma_wait3A_379 = tpu.memref_squeeze %dma_wait3A_378 : memref<1x128xi32, #tpu.memory_space<vmem>> -> memref<128xi32, #tpu.memory_space<vmem>>
        %dma_wait3A_380 = arith.constant 0 : i32
        %dma_wait3A_381 = arith.constant 0 : i32
        %dma_wait3A_382 = tpu.memref_slice %arg10[%dma_wait3A_380, %dma_wait3A_381] : memref<10008x128xf32, #tpu.memory_space<vmem_shared>> -> memref<10008x128xf32, #tpu.memory_space<vmem_shared>>
        tpu.wait_indirect_dma semaphore(%run_scoped3A_364 : memref<!tpu.dma_semaphore, #tpu.memory_space<semaphore_mem>>) src(%dma_wait3A_376 : memref<128x128xf32, #tpu.memory_space<vmem>>) dst(%dma_wait3A_382 : memref<10008x128xf32, #tpu.memory_space<vmem_shared>>)
        tpu.yield
      }) : () -> ()
      %run_scoped3A_110 = arith.constant 3 : i32
      "tpu.region"() ({
        %run_scoped3A_364 = tpu.sem_alloc : memref<!tpu.dma_semaphore, #tpu.memory_space<semaphore_mem>>
        %dma_start3A_365 = arith.constant 128 : i32
        %dma_start3A_366 = arith.constant 0 : i32
        %dma_start3A_367 = tpu.memref_slice %arg9[%dma_start3A_365, %dma_start3A_366] : memref<256x128xf32, #tpu.memory_space<vmem>> -> memref<128x128xf32, #tpu.memory_space<vmem>>
        %dma_start3A_368 = arith.constant 0 : i32
        %dma_start3A_369 = tpu.memref_slice %arg8[%run_scoped3A_110, %dma_start3A_368] : memref<16x128xi32, #tpu.memory_space<vmem>> -> memref<1x128xi32, #tpu.memory_space<vmem>>
        %dma_start3A_370 = tpu.memref_squeeze %dma_start3A_369 : memref<1x128xi32, #tpu.memory_space<vmem>> -> memref<128xi32, #tpu.memory_space<vmem>>
        %dma_start3A_371 = arith.constant 0 : i32
        %dma_start3A_372 = arith.constant 0 : i32
        %dma_start3A_373 = tpu.memref_slice %arg10[%dma_start3A_371, %dma_start3A_372] : memref<10008x128xf32, #tpu.memory_space<vmem_shared>> -> memref<10008x128xf32, #tpu.memory_space<vmem_shared>>
        tpu.enqueue_indirect_dma source(%dma_start3A_367 : memref<128x128xf32, #tpu.memory_space<vmem>>) target(%dma_start3A_373 : memref<10008x128xf32, #tpu.memory_space<vmem_shared>>) offsets(%dma_start3A_370 : memref<128xi32, #tpu.memory_space<vmem>>) semaphore(%run_scoped3A_364 : memref<!tpu.dma_semaphore, #tpu.memory_space<semaphore_mem>>) {add = true}
        %dma_wait3A_374 = arith.constant 128 : i32
        %dma_wait3A_375 = arith.constant 0 : i32
        %dma_wait3A_376 = tpu.memref_slice %arg9[%dma_wait3A_374, %dma_wait3A_375] : memref<256x128xf32, #tpu.memory_space<vmem>> -> memref<128x128xf32, #tpu.memory_space<vmem>>
        %dma_wait3A_377 = arith.constant 0 : i32
        %dma_wait3A_378 = tpu.memref_slice %arg8[%run_scoped3A_110, %dma_wait3A_377] : memref<16x128xi32, #tpu.memory_space<vmem>> -> memref<1x128xi32, #tpu.memory_space<vmem>>
        %dma_wait3A_379 = tpu.memref_squeeze %dma_wait3A_378 : memref<1x128xi32, #tpu.memory_space<vmem>> -> memref<128xi32, #tpu.memory_space<vmem>>
        %dma_wait3A_380 = arith.constant 0 : i32
        %dma_wait3A_381 = arith.constant 0 : i32
        %dma_wait3A_382 = tpu.memref_slice %arg10[%dma_wait3A_380, %dma_wait3A_381] : memref<10008x128xf32, #tpu.memory_space<vmem_shared>> -> memref<10008x128xf32, #tpu.memory_space<vmem_shared>>
        tpu.wait_indirect_dma semaphore(%run_scoped3A_364 : memref<!tpu.dma_semaphore, #tpu.memory_space<semaphore_mem>>) src(%dma_wait3A_376 : memref<128x128xf32, #tpu.memory_space<vmem>>) dst(%dma_wait3A_382 : memref<10008x128xf32, #tpu.memory_space<vmem_shared>>)
        tpu.yield
      }) : () -> ()
      %dma_start3A_111 = arith.constant 4 : i32
      %dma_start3A_112 = arith.constant 0 : i32
      %dma_start3A_113 = arith.constant 0 : i32
      %dma_start3A_114 = tpu.memref_slice %arg9[%dma_start3A_112, %dma_start3A_113] : memref<256x128xf32, #tpu.memory_space<vmem>> -> memref<128x128xf32, #tpu.memory_space<vmem>>
      %dma_start3A_115 = arith.constant 0 : i32
      %dma_start3A_116 = tpu.memref_slice %arg7[%dma_start3A_111, %dma_start3A_115] : memref<16x128xi32, #tpu.memory_space<vmem>> -> memref<1x128xi32, #tpu.memory_space<vmem>>
      %dma_start3A_117 = tpu.memref_squeeze %dma_start3A_116 : memref<1x128xi32, #tpu.memory_space<vmem>> -> memref<128xi32, #tpu.memory_space<vmem>>
      %dma_start3A_118 = arith.constant 0 : i32
      %dma_start3A_119 = arith.constant 0 : i32
      %dma_start3A_120 = tpu.memref_slice %arg2[%dma_start3A_118, %dma_start3A_119] : memref<10008x128xf32, #tpu.memory_space<hbm>> -> memref<10008x128xf32, #tpu.memory_space<hbm>>
      tpu.enqueue_indirect_dma source(%dma_start3A_120 : memref<10008x128xf32, #tpu.memory_space<hbm>>) target(%dma_start3A_114 : memref<128x128xf32, #tpu.memory_space<vmem>>) offsets(%dma_start3A_117 : memref<128xi32, #tpu.memory_space<vmem>>) semaphore(%arg11 : memref<!tpu.dma_semaphore, #tpu.memory_space<semaphore_mem>>)
      %dma_start3A_121 = arith.constant 5 : i32
      %dma_start3A_122 = arith.constant 128 : i32
      %dma_start3A_123 = arith.constant 0 : i32
      %dma_start3A_124 = tpu.memref_slice %arg9[%dma_start3A_122, %dma_start3A_123] : memref<256x128xf32, #tpu.memory_space<vmem>> -> memref<128x128xf32, #tpu.memory_space<vmem>>
      %dma_start3A_125 = arith.constant 0 : i32
      %dma_start3A_126 = tpu.memref_slice %arg7[%dma_start3A_121, %dma_start3A_125] : memref<16x128xi32, #tpu.memory_space<vmem>> -> memref<1x128xi32, #tpu.memory_space<vmem>>
      %dma_start3A_127 = tpu.memref_squeeze %dma_start3A_126 : memref<1x128xi32, #tpu.memory_space<vmem>> -> memref<128xi32, #tpu.memory_space<vmem>>
      %dma_start3A_128 = arith.constant 0 : i32
      %dma_start3A_129 = arith.constant 0 : i32
      %dma_start3A_130 = tpu.memref_slice %arg2[%dma_start3A_128, %dma_start3A_129] : memref<10008x128xf32, #tpu.memory_space<hbm>> -> memref<10008x128xf32, #tpu.memory_space<hbm>>
      tpu.enqueue_indirect_dma source(%dma_start3A_130 : memref<10008x128xf32, #tpu.memory_space<hbm>>) target(%dma_start3A_124 : memref<128x128xf32, #tpu.memory_space<vmem>>) offsets(%dma_start3A_127 : memref<128xi32, #tpu.memory_space<vmem>>) semaphore(%arg12 : memref<!tpu.dma_semaphore, #tpu.memory_space<semaphore_mem>>)
      %dma_wait3A_131 = arith.constant 4 : i32
      %dma_wait3A_132 = arith.constant 0 : i32
      %dma_wait3A_133 = arith.constant 0 : i32
      %dma_wait3A_134 = tpu.memref_slice %arg9[%dma_wait3A_132, %dma_wait3A_133] : memref<256x128xf32, #tpu.memory_space<vmem>> -> memref<128x128xf32, #tpu.memory_space<vmem>>
      %dma_wait3A_135 = arith.constant 0 : i32
      %dma_wait3A_136 = tpu.memref_slice %arg7[%dma_wait3A_131, %dma_wait3A_135] : memref<16x128xi32, #tpu.memory_space<vmem>> -> memref<1x128xi32, #tpu.memory_space<vmem>>
      %dma_wait3A_137 = tpu.memref_squeeze %dma_wait3A_136 : memref<1x128xi32, #tpu.memory_space<vmem>> -> memref<128xi32, #tpu.memory_space<vmem>>
      %dma_wait3A_138 = arith.constant 0 : i32
      %dma_wait3A_139 = arith.constant 0 : i32
      %dma_wait3A_140 = tpu.memref_slice %arg2[%dma_wait3A_138, %dma_wait3A_139] : memref<10008x128xf32, #tpu.memory_space<hbm>> -> memref<10008x128xf32, #tpu.memory_space<hbm>>
      tpu.wait_indirect_dma semaphore(%arg11 : memref<!tpu.dma_semaphore, #tpu.memory_space<semaphore_mem>>) src(%dma_wait3A_140 : memref<10008x128xf32, #tpu.memory_space<hbm>>) dst(%dma_wait3A_134 : memref<128x128xf32, #tpu.memory_space<vmem>>)
      %dma_wait3A_141 = arith.constant 5 : i32
      %dma_wait3A_142 = arith.constant 128 : i32
      %dma_wait3A_143 = arith.constant 0 : i32
      %dma_wait3A_144 = tpu.memref_slice %arg9[%dma_wait3A_142, %dma_wait3A_143] : memref<256x128xf32, #tpu.memory_space<vmem>> -> memref<128x128xf32, #tpu.memory_space<vmem>>
      %dma_wait3A_145 = arith.constant 0 : i32
      %dma_wait3A_146 = tpu.memref_slice %arg7[%dma_wait3A_141, %dma_wait3A_145] : memref<16x128xi32, #tpu.memory_space<vmem>> -> memref<1x128xi32, #tpu.memory_space<vmem>>
      %dma_wait3A_147 = tpu.memref_squeeze %dma_wait3A_146 : memref<1x128xi32, #tpu.memory_space<vmem>> -> memref<128xi32, #tpu.memory_space<vmem>>
      %dma_wait3A_148 = arith.constant 0 : i32
      %dma_wait3A_149 = arith.constant 0 : i32
      %dma_wait3A_150 = tpu.memref_slice %arg2[%dma_wait3A_148, %dma_wait3A_149] : memref<10008x128xf32, #tpu.memory_space<hbm>> -> memref<10008x128xf32, #tpu.memory_space<hbm>>
      tpu.wait_indirect_dma semaphore(%arg12 : memref<!tpu.dma_semaphore, #tpu.memory_space<semaphore_mem>>) src(%dma_wait3A_150 : memref<10008x128xf32, #tpu.memory_space<hbm>>) dst(%dma_wait3A_144 : memref<128x128xf32, #tpu.memory_space<vmem>>)
      %run_scoped3A_151 = arith.constant 4 : i32
      "tpu.region"() ({
        %run_scoped3A_364 = tpu.sem_alloc : memref<!tpu.dma_semaphore, #tpu.memory_space<semaphore_mem>>
        %dma_start3A_365 = arith.constant 0 : i32
        %dma_start3A_366 = arith.constant 0 : i32
        %dma_start3A_367 = tpu.memref_slice %arg9[%dma_start3A_365, %dma_start3A_366] : memref<256x128xf32, #tpu.memory_space<vmem>> -> memref<128x128xf32, #tpu.memory_space<vmem>>
        %dma_start3A_368 = arith.constant 0 : i32
        %dma_start3A_369 = tpu.memref_slice %arg8[%run_scoped3A_151, %dma_start3A_368] : memref<16x128xi32, #tpu.memory_space<vmem>> -> memref<1x128xi32, #tpu.memory_space<vmem>>
        %dma_start3A_370 = tpu.memref_squeeze %dma_start3A_369 : memref<1x128xi32, #tpu.memory_space<vmem>> -> memref<128xi32, #tpu.memory_space<vmem>>
        %dma_start3A_371 = arith.constant 0 : i32
        %dma_start3A_372 = arith.constant 0 : i32
        %dma_start3A_373 = tpu.memref_slice %arg10[%dma_start3A_371, %dma_start3A_372] : memref<10008x128xf32, #tpu.memory_space<vmem_shared>> -> memref<10008x128xf32, #tpu.memory_space<vmem_shared>>
        tpu.enqueue_indirect_dma source(%dma_start3A_367 : memref<128x128xf32, #tpu.memory_space<vmem>>) target(%dma_start3A_373 : memref<10008x128xf32, #tpu.memory_space<vmem_shared>>) offsets(%dma_start3A_370 : memref<128xi32, #tpu.memory_space<vmem>>) semaphore(%run_scoped3A_364 : memref<!tpu.dma_semaphore, #tpu.memory_space<semaphore_mem>>) {add = true}
        %dma_wait3A_374 = arith.constant 0 : i32
        %dma_wait3A_375 = arith.constant 0 : i32
        %dma_wait3A_376 = tpu.memref_slice %arg9[%dma_wait3A_374, %dma_wait3A_375] : memref<256x128xf32, #tpu.memory_space<vmem>> -> memref<128x128xf32, #tpu.memory_space<vmem>>
        %dma_wait3A_377 = arith.constant 0 : i32
        %dma_wait3A_378 = tpu.memref_slice %arg8[%run_scoped3A_151, %dma_wait3A_377] : memref<16x128xi32, #tpu.memory_space<vmem>> -> memref<1x128xi32, #tpu.memory_space<vmem>>
        %dma_wait3A_379 = tpu.memref_squeeze %dma_wait3A_378 : memref<1x128xi32, #tpu.memory_space<vmem>> -> memref<128xi32, #tpu.memory_space<vmem>>
        %dma_wait3A_380 = arith.constant 0 : i32
        %dma_wait3A_381 = arith.constant 0 : i32
        %dma_wait3A_382 = tpu.memref_slice %arg10[%dma_wait3A_380, %dma_wait3A_381] : memref<10008x128xf32, #tpu.memory_space<vmem_shared>> -> memref<10008x128xf32, #tpu.memory_space<vmem_shared>>
        tpu.wait_indirect_dma semaphore(%run_scoped3A_364 : memref<!tpu.dma_semaphore, #tpu.memory_space<semaphore_mem>>) src(%dma_wait3A_376 : memref<128x128xf32, #tpu.memory_space<vmem>>) dst(%dma_wait3A_382 : memref<10008x128xf32, #tpu.memory_space<vmem_shared>>)
        tpu.yield
      }) : () -> ()
      %run_scoped3A_152 = arith.constant 5 : i32
      "tpu.region"() ({
        %run_scoped3A_364 = tpu.sem_alloc : memref<!tpu.dma_semaphore, #tpu.memory_space<semaphore_mem>>
        %dma_start3A_365 = arith.constant 128 : i32
        %dma_start3A_366 = arith.constant 0 : i32
        %dma_start3A_367 = tpu.memref_slice %arg9[%dma_start3A_365, %dma_start3A_366] : memref<256x128xf32, #tpu.memory_space<vmem>> -> memref<128x128xf32, #tpu.memory_space<vmem>>
        %dma_start3A_368 = arith.constant 0 : i32
        %dma_start3A_369 = tpu.memref_slice %arg8[%run_scoped3A_152, %dma_start3A_368] : memref<16x128xi32, #tpu.memory_space<vmem>> -> memref<1x128xi32, #tpu.memory_space<vmem>>
        %dma_start3A_370 = tpu.memref_squeeze %dma_start3A_369 : memref<1x128xi32, #tpu.memory_space<vmem>> -> memref<128xi32, #tpu.memory_space<vmem>>
        %dma_start3A_371 = arith.constant 0 : i32
        %dma_start3A_372 = arith.constant 0 : i32
        %dma_start3A_373 = tpu.memref_slice %arg10[%dma_start3A_371, %dma_start3A_372] : memref<10008x128xf32, #tpu.memory_space<vmem_shared>> -> memref<10008x128xf32, #tpu.memory_space<vmem_shared>>
        tpu.enqueue_indirect_dma source(%dma_start3A_367 : memref<128x128xf32, #tpu.memory_space<vmem>>) target(%dma_start3A_373 : memref<10008x128xf32, #tpu.memory_space<vmem_shared>>) offsets(%dma_start3A_370 : memref<128xi32, #tpu.memory_space<vmem>>) semaphore(%run_scoped3A_364 : memref<!tpu.dma_semaphore, #tpu.memory_space<semaphore_mem>>) {add = true}
        %dma_wait3A_374 = arith.constant 128 : i32
        %dma_wait3A_375 = arith.constant 0 : i32
        %dma_wait3A_376 = tpu.memref_slice %arg9[%dma_wait3A_374, %dma_wait3A_375] : memref<256x128xf32, #tpu.memory_space<vmem>> -> memref<128x128xf32, #tpu.memory_space<vmem>>
        %dma_wait3A_377 = arith.constant 0 : i32
        %dma_wait3A_378 = tpu.memref_slice %arg8[%run_scoped3A_152, %dma_wait3A_377] : memref<16x128xi32, #tpu.memory_space<vmem>> -> memref<1x128xi32, #tpu.memory_space<vmem>>
        %dma_wait3A_379 = tpu.memref_squeeze %dma_wait3A_378 : memref<1x128xi32, #tpu.memory_space<vmem>> -> memref<128xi32, #tpu.memory_space<vmem>>
        %dma_wait3A_380 = arith.constant 0 : i32
        %dma_wait3A_381 = arith.constant 0 : i32
        %dma_wait3A_382 = tpu.memref_slice %arg10[%dma_wait3A_380, %dma_wait3A_381] : memref<10008x128xf32, #tpu.memory_space<vmem_shared>> -> memref<10008x128xf32, #tpu.memory_space<vmem_shared>>
        tpu.wait_indirect_dma semaphore(%run_scoped3A_364 : memref<!tpu.dma_semaphore, #tpu.memory_space<semaphore_mem>>) src(%dma_wait3A_376 : memref<128x128xf32, #tpu.memory_space<vmem>>) dst(%dma_wait3A_382 : memref<10008x128xf32, #tpu.memory_space<vmem_shared>>)
        tpu.yield
      }) : () -> ()
      %dma_start3A_153 = arith.constant 6 : i32
      %dma_start3A_154 = arith.constant 0 : i32
      %dma_start3A_155 = arith.constant 0 : i32
      %dma_start3A_156 = tpu.memref_slice %arg9[%dma_start3A_154, %dma_start3A_155] : memref<256x128xf32, #tpu.memory_space<vmem>> -> memref<128x128xf32, #tpu.memory_space<vmem>>
      %dma_start3A_157 = arith.constant 0 : i32
      %dma_start3A_158 = tpu.memref_slice %arg7[%dma_start3A_153, %dma_start3A_157] : memref<16x128xi32, #tpu.memory_space<vmem>> -> memref<1x128xi32, #tpu.memory_space<vmem>>
      %dma_start3A_159 = tpu.memref_squeeze %dma_start3A_158 : memref<1x128xi32, #tpu.memory_space<vmem>> -> memref<128xi32, #tpu.memory_space<vmem>>
      %dma_start3A_160 = arith.constant 0 : i32
      %dma_start3A_161 = arith.constant 0 : i32
      %dma_start3A_162 = tpu.memref_slice %arg2[%dma_start3A_160, %dma_start3A_161] : memref<10008x128xf32, #tpu.memory_space<hbm>> -> memref<10008x128xf32, #tpu.memory_space<hbm>>
      tpu.enqueue_indirect_dma source(%dma_start3A_162 : memref<10008x128xf32, #tpu.memory_space<hbm>>) target(%dma_start3A_156 : memref<128x128xf32, #tpu.memory_space<vmem>>) offsets(%dma_start3A_159 : memref<128xi32, #tpu.memory_space<vmem>>) semaphore(%arg11 : memref<!tpu.dma_semaphore, #tpu.memory_space<semaphore_mem>>)
      %dma_start3A_163 = arith.constant 7 : i32
      %dma_start3A_164 = arith.constant 128 : i32
      %dma_start3A_165 = arith.constant 0 : i32
      %dma_start3A_166 = tpu.memref_slice %arg9[%dma_start3A_164, %dma_start3A_165] : memref<256x128xf32, #tpu.memory_space<vmem>> -> memref<128x128xf32, #tpu.memory_space<vmem>>
      %dma_start3A_167 = arith.constant 0 : i32
      %dma_start3A_168 = tpu.memref_slice %arg7[%dma_start3A_163, %dma_start3A_167] : memref<16x128xi32, #tpu.memory_space<vmem>> -> memref<1x128xi32, #tpu.memory_space<vmem>>
      %dma_start3A_169 = tpu.memref_squeeze %dma_start3A_168 : memref<1x128xi32, #tpu.memory_space<vmem>> -> memref<128xi32, #tpu.memory_space<vmem>>
      %dma_start3A_170 = arith.constant 0 : i32
      %dma_start3A_171 = arith.constant 0 : i32
      %dma_start3A_172 = tpu.memref_slice %arg2[%dma_start3A_170, %dma_start3A_171] : memref<10008x128xf32, #tpu.memory_space<hbm>> -> memref<10008x128xf32, #tpu.memory_space<hbm>>
      tpu.enqueue_indirect_dma source(%dma_start3A_172 : memref<10008x128xf32, #tpu.memory_space<hbm>>) target(%dma_start3A_166 : memref<128x128xf32, #tpu.memory_space<vmem>>) offsets(%dma_start3A_169 : memref<128xi32, #tpu.memory_space<vmem>>) semaphore(%arg12 : memref<!tpu.dma_semaphore, #tpu.memory_space<semaphore_mem>>)
      %dma_wait3A_173 = arith.constant 6 : i32
      %dma_wait3A_174 = arith.constant 0 : i32
      %dma_wait3A_175 = arith.constant 0 : i32
      %dma_wait3A_176 = tpu.memref_slice %arg9[%dma_wait3A_174, %dma_wait3A_175] : memref<256x128xf32, #tpu.memory_space<vmem>> -> memref<128x128xf32, #tpu.memory_space<vmem>>
      %dma_wait3A_177 = arith.constant 0 : i32
      %dma_wait3A_178 = tpu.memref_slice %arg7[%dma_wait3A_173, %dma_wait3A_177] : memref<16x128xi32, #tpu.memory_space<vmem>> -> memref<1x128xi32, #tpu.memory_space<vmem>>
      %dma_wait3A_179 = tpu.memref_squeeze %dma_wait3A_178 : memref<1x128xi32, #tpu.memory_space<vmem>> -> memref<128xi32, #tpu.memory_space<vmem>>
      %dma_wait3A_180 = arith.constant 0 : i32
      %dma_wait3A_181 = arith.constant 0 : i32
      %dma_wait3A_182 = tpu.memref_slice %arg2[%dma_wait3A_180, %dma_wait3A_181] : memref<10008x128xf32, #tpu.memory_space<hbm>> -> memref<10008x128xf32, #tpu.memory_space<hbm>>
      tpu.wait_indirect_dma semaphore(%arg11 : memref<!tpu.dma_semaphore, #tpu.memory_space<semaphore_mem>>) src(%dma_wait3A_182 : memref<10008x128xf32, #tpu.memory_space<hbm>>) dst(%dma_wait3A_176 : memref<128x128xf32, #tpu.memory_space<vmem>>)
      %dma_wait3A_183 = arith.constant 7 : i32
      %dma_wait3A_184 = arith.constant 128 : i32
      %dma_wait3A_185 = arith.constant 0 : i32
      %dma_wait3A_186 = tpu.memref_slice %arg9[%dma_wait3A_184, %dma_wait3A_185] : memref<256x128xf32, #tpu.memory_space<vmem>> -> memref<128x128xf32, #tpu.memory_space<vmem>>
      %dma_wait3A_187 = arith.constant 0 : i32
      %dma_wait3A_188 = tpu.memref_slice %arg7[%dma_wait3A_183, %dma_wait3A_187] : memref<16x128xi32, #tpu.memory_space<vmem>> -> memref<1x128xi32, #tpu.memory_space<vmem>>
      %dma_wait3A_189 = tpu.memref_squeeze %dma_wait3A_188 : memref<1x128xi32, #tpu.memory_space<vmem>> -> memref<128xi32, #tpu.memory_space<vmem>>
      %dma_wait3A_190 = arith.constant 0 : i32
      %dma_wait3A_191 = arith.constant 0 : i32
      %dma_wait3A_192 = tpu.memref_slice %arg2[%dma_wait3A_190, %dma_wait3A_191] : memref<10008x128xf32, #tpu.memory_space<hbm>> -> memref<10008x128xf32, #tpu.memory_space<hbm>>
      tpu.wait_indirect_dma semaphore(%arg12 : memref<!tpu.dma_semaphore, #tpu.memory_space<semaphore_mem>>) src(%dma_wait3A_192 : memref<10008x128xf32, #tpu.memory_space<hbm>>) dst(%dma_wait3A_186 : memref<128x128xf32, #tpu.memory_space<vmem>>)
      %run_scoped3A_193 = arith.constant 6 : i32
      "tpu.region"() ({
        %run_scoped3A_364 = tpu.sem_alloc : memref<!tpu.dma_semaphore, #tpu.memory_space<semaphore_mem>>
        %dma_start3A_365 = arith.constant 0 : i32
        %dma_start3A_366 = arith.constant 0 : i32
        %dma_start3A_367 = tpu.memref_slice %arg9[%dma_start3A_365, %dma_start3A_366] : memref<256x128xf32, #tpu.memory_space<vmem>> -> memref<128x128xf32, #tpu.memory_space<vmem>>
        %dma_start3A_368 = arith.constant 0 : i32
        %dma_start3A_369 = tpu.memref_slice %arg8[%run_scoped3A_193, %dma_start3A_368] : memref<16x128xi32, #tpu.memory_space<vmem>> -> memref<1x128xi32, #tpu.memory_space<vmem>>
        %dma_start3A_370 = tpu.memref_squeeze %dma_start3A_369 : memref<1x128xi32, #tpu.memory_space<vmem>> -> memref<128xi32, #tpu.memory_space<vmem>>
        %dma_start3A_371 = arith.constant 0 : i32
        %dma_start3A_372 = arith.constant 0 : i32
        %dma_start3A_373 = tpu.memref_slice %arg10[%dma_start3A_371, %dma_start3A_372] : memref<10008x128xf32, #tpu.memory_space<vmem_shared>> -> memref<10008x128xf32, #tpu.memory_space<vmem_shared>>
        tpu.enqueue_indirect_dma source(%dma_start3A_367 : memref<128x128xf32, #tpu.memory_space<vmem>>) target(%dma_start3A_373 : memref<10008x128xf32, #tpu.memory_space<vmem_shared>>) offsets(%dma_start3A_370 : memref<128xi32, #tpu.memory_space<vmem>>) semaphore(%run_scoped3A_364 : memref<!tpu.dma_semaphore, #tpu.memory_space<semaphore_mem>>) {add = true}
        %dma_wait3A_374 = arith.constant 0 : i32
        %dma_wait3A_375 = arith.constant 0 : i32
        %dma_wait3A_376 = tpu.memref_slice %arg9[%dma_wait3A_374, %dma_wait3A_375] : memref<256x128xf32, #tpu.memory_space<vmem>> -> memref<128x128xf32, #tpu.memory_space<vmem>>
        %dma_wait3A_377 = arith.constant 0 : i32
        %dma_wait3A_378 = tpu.memref_slice %arg8[%run_scoped3A_193, %dma_wait3A_377] : memref<16x128xi32, #tpu.memory_space<vmem>> -> memref<1x128xi32, #tpu.memory_space<vmem>>
        %dma_wait3A_379 = tpu.memref_squeeze %dma_wait3A_378 : memref<1x128xi32, #tpu.memory_space<vmem>> -> memref<128xi32, #tpu.memory_space<vmem>>
        %dma_wait3A_380 = arith.constant 0 : i32
        %dma_wait3A_381 = arith.constant 0 : i32
        %dma_wait3A_382 = tpu.memref_slice %arg10[%dma_wait3A_380, %dma_wait3A_381] : memref<10008x128xf32, #tpu.memory_space<vmem_shared>> -> memref<10008x128xf32, #tpu.memory_space<vmem_shared>>
        tpu.wait_indirect_dma semaphore(%run_scoped3A_364 : memref<!tpu.dma_semaphore, #tpu.memory_space<semaphore_mem>>) src(%dma_wait3A_376 : memref<128x128xf32, #tpu.memory_space<vmem>>) dst(%dma_wait3A_382 : memref<10008x128xf32, #tpu.memory_space<vmem_shared>>)
        tpu.yield
      }) : () -> ()
      %run_scoped3A_194 = arith.constant 7 : i32
      "tpu.region"() ({
        %run_scoped3A_364 = tpu.sem_alloc : memref<!tpu.dma_semaphore, #tpu.memory_space<semaphore_mem>>
        %dma_start3A_365 = arith.constant 128 : i32
        %dma_start3A_366 = arith.constant 0 : i32
        %dma_start3A_367 = tpu.memref_slice %arg9[%dma_start3A_365, %dma_start3A_366] : memref<256x128xf32, #tpu.memory_space<vmem>> -> memref<128x128xf32, #tpu.memory_space<vmem>>
        %dma_start3A_368 = arith.constant 0 : i32
        %dma_start3A_369 = tpu.memref_slice %arg8[%run_scoped3A_194, %dma_start3A_368] : memref<16x128xi32, #tpu.memory_space<vmem>> -> memref<1x128xi32, #tpu.memory_space<vmem>>
        %dma_start3A_370 = tpu.memref_squeeze %dma_start3A_369 : memref<1x128xi32, #tpu.memory_space<vmem>> -> memref<128xi32, #tpu.memory_space<vmem>>
        %dma_start3A_371 = arith.constant 0 : i32
        %dma_start3A_372 = arith.constant 0 : i32
        %dma_start3A_373 = tpu.memref_slice %arg10[%dma_start3A_371, %dma_start3A_372] : memref<10008x128xf32, #tpu.memory_space<vmem_shared>> -> memref<10008x128xf32, #tpu.memory_space<vmem_shared>>
        tpu.enqueue_indirect_dma source(%dma_start3A_367 : memref<128x128xf32, #tpu.memory_space<vmem>>) target(%dma_start3A_373 : memref<10008x128xf32, #tpu.memory_space<vmem_shared>>) offsets(%dma_start3A_370 : memref<128xi32, #tpu.memory_space<vmem>>) semaphore(%run_scoped3A_364 : memref<!tpu.dma_semaphore, #tpu.memory_space<semaphore_mem>>) {add = true}
        %dma_wait3A_374 = arith.constant 128 : i32
        %dma_wait3A_375 = arith.constant 0 : i32
        %dma_wait3A_376 = tpu.memref_slice %arg9[%dma_wait3A_374, %dma_wait3A_375] : memref<256x128xf32, #tpu.memory_space<vmem>> -> memref<128x128xf32, #tpu.memory_space<vmem>>
        %dma_wait3A_377 = arith.constant 0 : i32
        %dma_wait3A_378 = tpu.memref_slice %arg8[%run_scoped3A_194, %dma_wait3A_377] : memref<16x128xi32, #tpu.memory_space<vmem>> -> memref<1x128xi32, #tpu.memory_space<vmem>>
        %dma_wait3A_379 = tpu.memref_squeeze %dma_wait3A_378 : memref<1x128xi32, #tpu.memory_space<vmem>> -> memref<128xi32, #tpu.memory_space<vmem>>
        %dma_wait3A_380 = arith.constant 0 : i32
        %dma_wait3A_381 = arith.constant 0 : i32
        %dma_wait3A_382 = tpu.memref_slice %arg10[%dma_wait3A_380, %dma_wait3A_381] : memref<10008x128xf32, #tpu.memory_space<vmem_shared>> -> memref<10008x128xf32, #tpu.memory_space<vmem_shared>>
        tpu.wait_indirect_dma semaphore(%run_scoped3A_364 : memref<!tpu.dma_semaphore, #tpu.memory_space<semaphore_mem>>) src(%dma_wait3A_376 : memref<128x128xf32, #tpu.memory_space<vmem>>) dst(%dma_wait3A_382 : memref<10008x128xf32, #tpu.memory_space<vmem_shared>>)
        tpu.yield
      }) : () -> ()
      %dma_start3A_195 = arith.constant 8 : i32
      %dma_start3A_196 = arith.constant 0 : i32
      %dma_start3A_197 = arith.constant 0 : i32
      %dma_start3A_198 = tpu.memref_slice %arg9[%dma_start3A_196, %dma_start3A_197] : memref<256x128xf32, #tpu.memory_space<vmem>> -> memref<128x128xf32, #tpu.memory_space<vmem>>
      %dma_start3A_199 = arith.constant 0 : i32
      %dma_start3A_200 = tpu.memref_slice %arg7[%dma_start3A_195, %dma_start3A_199] : memref<16x128xi32, #tpu.memory_space<vmem>> -> memref<1x128xi32, #tpu.memory_space<vmem>>
      %dma_start3A_201 = tpu.memref_squeeze %dma_start3A_200 : memref<1x128xi32, #tpu.memory_space<vmem>> -> memref<128xi32, #tpu.memory_space<vmem>>
      %dma_start3A_202 = arith.constant 0 : i32
      %dma_start3A_203 = arith.constant 0 : i32
      %dma_start3A_204 = tpu.memref_slice %arg2[%dma_start3A_202, %dma_start3A_203] : memref<10008x128xf32, #tpu.memory_space<hbm>> -> memref<10008x128xf32, #tpu.memory_space<hbm>>
      tpu.enqueue_indirect_dma source(%dma_start3A_204 : memref<10008x128xf32, #tpu.memory_space<hbm>>) target(%dma_start3A_198 : memref<128x128xf32, #tpu.memory_space<vmem>>) offsets(%dma_start3A_201 : memref<128xi32, #tpu.memory_space<vmem>>) semaphore(%arg11 : memref<!tpu.dma_semaphore, #tpu.memory_space<semaphore_mem>>)
      %dma_start3A_205 = arith.constant 9 : i32
      %dma_start3A_206 = arith.constant 128 : i32
      %dma_start3A_207 = arith.constant 0 : i32
      %dma_start3A_208 = tpu.memref_slice %arg9[%dma_start3A_206, %dma_start3A_207] : memref<256x128xf32, #tpu.memory_space<vmem>> -> memref<128x128xf32, #tpu.memory_space<vmem>>
      %dma_start3A_209 = arith.constant 0 : i32
      %dma_start3A_210 = tpu.memref_slice %arg7[%dma_start3A_205, %dma_start3A_209] : memref<16x128xi32, #tpu.memory_space<vmem>> -> memref<1x128xi32, #tpu.memory_space<vmem>>
      %dma_start3A_211 = tpu.memref_squeeze %dma_start3A_210 : memref<1x128xi32, #tpu.memory_space<vmem>> -> memref<128xi32, #tpu.memory_space<vmem>>
      %dma_start3A_212 = arith.constant 0 : i32
      %dma_start3A_213 = arith.constant 0 : i32
      %dma_start3A_214 = tpu.memref_slice %arg2[%dma_start3A_212, %dma_start3A_213] : memref<10008x128xf32, #tpu.memory_space<hbm>> -> memref<10008x128xf32, #tpu.memory_space<hbm>>
      tpu.enqueue_indirect_dma source(%dma_start3A_214 : memref<10008x128xf32, #tpu.memory_space<hbm>>) target(%dma_start3A_208 : memref<128x128xf32, #tpu.memory_space<vmem>>) offsets(%dma_start3A_211 : memref<128xi32, #tpu.memory_space<vmem>>) semaphore(%arg12 : memref<!tpu.dma_semaphore, #tpu.memory_space<semaphore_mem>>)
      %dma_wait3A_215 = arith.constant 8 : i32
      %dma_wait3A_216 = arith.constant 0 : i32
      %dma_wait3A_217 = arith.constant 0 : i32
      %dma_wait3A_218 = tpu.memref_slice %arg9[%dma_wait3A_216, %dma_wait3A_217] : memref<256x128xf32, #tpu.memory_space<vmem>> -> memref<128x128xf32, #tpu.memory_space<vmem>>
      %dma_wait3A_219 = arith.constant 0 : i32
      %dma_wait3A_220 = tpu.memref_slice %arg7[%dma_wait3A_215, %dma_wait3A_219] : memref<16x128xi32, #tpu.memory_space<vmem>> -> memref<1x128xi32, #tpu.memory_space<vmem>>
      %dma_wait3A_221 = tpu.memref_squeeze %dma_wait3A_220 : memref<1x128xi32, #tpu.memory_space<vmem>> -> memref<128xi32, #tpu.memory_space<vmem>>
      %dma_wait3A_222 = arith.constant 0 : i32
      %dma_wait3A_223 = arith.constant 0 : i32
      %dma_wait3A_224 = tpu.memref_slice %arg2[%dma_wait3A_222, %dma_wait3A_223] : memref<10008x128xf32, #tpu.memory_space<hbm>> -> memref<10008x128xf32, #tpu.memory_space<hbm>>
      tpu.wait_indirect_dma semaphore(%arg11 : memref<!tpu.dma_semaphore, #tpu.memory_space<semaphore_mem>>) src(%dma_wait3A_224 : memref<10008x128xf32, #tpu.memory_space<hbm>>) dst(%dma_wait3A_218 : memref<128x128xf32, #tpu.memory_space<vmem>>)
      %dma_wait3A_225 = arith.constant 9 : i32
      %dma_wait3A_226 = arith.constant 128 : i32
      %dma_wait3A_227 = arith.constant 0 : i32
      %dma_wait3A_228 = tpu.memref_slice %arg9[%dma_wait3A_226, %dma_wait3A_227] : memref<256x128xf32, #tpu.memory_space<vmem>> -> memref<128x128xf32, #tpu.memory_space<vmem>>
      %dma_wait3A_229 = arith.constant 0 : i32
      %dma_wait3A_230 = tpu.memref_slice %arg7[%dma_wait3A_225, %dma_wait3A_229] : memref<16x128xi32, #tpu.memory_space<vmem>> -> memref<1x128xi32, #tpu.memory_space<vmem>>
      %dma_wait3A_231 = tpu.memref_squeeze %dma_wait3A_230 : memref<1x128xi32, #tpu.memory_space<vmem>> -> memref<128xi32, #tpu.memory_space<vmem>>
      %dma_wait3A_232 = arith.constant 0 : i32
      %dma_wait3A_233 = arith.constant 0 : i32
      %dma_wait3A_234 = tpu.memref_slice %arg2[%dma_wait3A_232, %dma_wait3A_233] : memref<10008x128xf32, #tpu.memory_space<hbm>> -> memref<10008x128xf32, #tpu.memory_space<hbm>>
      tpu.wait_indirect_dma semaphore(%arg12 : memref<!tpu.dma_semaphore, #tpu.memory_space<semaphore_mem>>) src(%dma_wait3A_234 : memref<10008x128xf32, #tpu.memory_space<hbm>>) dst(%dma_wait3A_228 : memref<128x128xf32, #tpu.memory_space<vmem>>)
      %run_scoped3A_235 = arith.constant 8 : i32
      "tpu.region"() ({
        %run_scoped3A_364 = tpu.sem_alloc : memref<!tpu.dma_semaphore, #tpu.memory_space<semaphore_mem>>
        %dma_start3A_365 = arith.constant 0 : i32
        %dma_start3A_366 = arith.constant 0 : i32
        %dma_start3A_367 = tpu.memref_slice %arg9[%dma_start3A_365, %dma_start3A_366] : memref<256x128xf32, #tpu.memory_space<vmem>> -> memref<128x128xf32, #tpu.memory_space<vmem>>
        %dma_start3A_368 = arith.constant 0 : i32
        %dma_start3A_369 = tpu.memref_slice %arg8[%run_scoped3A_235, %dma_start3A_368] : memref<16x128xi32, #tpu.memory_space<vmem>> -> memref<1x128xi32, #tpu.memory_space<vmem>>
        %dma_start3A_370 = tpu.memref_squeeze %dma_start3A_369 : memref<1x128xi32, #tpu.memory_space<vmem>> -> memref<128xi32, #tpu.memory_space<vmem>>
        %dma_start3A_371 = arith.constant 0 : i32
        %dma_start3A_372 = arith.constant 0 : i32
        %dma_start3A_373 = tpu.memref_slice %arg10[%dma_start3A_371, %dma_start3A_372] : memref<10008x128xf32, #tpu.memory_space<vmem_shared>> -> memref<10008x128xf32, #tpu.memory_space<vmem_shared>>
        tpu.enqueue_indirect_dma source(%dma_start3A_367 : memref<128x128xf32, #tpu.memory_space<vmem>>) target(%dma_start3A_373 : memref<10008x128xf32, #tpu.memory_space<vmem_shared>>) offsets(%dma_start3A_370 : memref<128xi32, #tpu.memory_space<vmem>>) semaphore(%run_scoped3A_364 : memref<!tpu.dma_semaphore, #tpu.memory_space<semaphore_mem>>) {add = true}
        %dma_wait3A_374 = arith.constant 0 : i32
        %dma_wait3A_375 = arith.constant 0 : i32
        %dma_wait3A_376 = tpu.memref_slice %arg9[%dma_wait3A_374, %dma_wait3A_375] : memref<256x128xf32, #tpu.memory_space<vmem>> -> memref<128x128xf32, #tpu.memory_space<vmem>>
        %dma_wait3A_377 = arith.constant 0 : i32
        %dma_wait3A_378 = tpu.memref_slice %arg8[%run_scoped3A_235, %dma_wait3A_377] : memref<16x128xi32, #tpu.memory_space<vmem>> -> memref<1x128xi32, #tpu.memory_space<vmem>>
        %dma_wait3A_379 = tpu.memref_squeeze %dma_wait3A_378 : memref<1x128xi32, #tpu.memory_space<vmem>> -> memref<128xi32, #tpu.memory_space<vmem>>
        %dma_wait3A_380 = arith.constant 0 : i32
        %dma_wait3A_381 = arith.constant 0 : i32
        %dma_wait3A_382 = tpu.memref_slice %arg10[%dma_wait3A_380, %dma_wait3A_381] : memref<10008x128xf32, #tpu.memory_space<vmem_shared>> -> memref<10008x128xf32, #tpu.memory_space<vmem_shared>>
        tpu.wait_indirect_dma semaphore(%run_scoped3A_364 : memref<!tpu.dma_semaphore, #tpu.memory_space<semaphore_mem>>) src(%dma_wait3A_376 : memref<128x128xf32, #tpu.memory_space<vmem>>) dst(%dma_wait3A_382 : memref<10008x128xf32, #tpu.memory_space<vmem_shared>>)
        tpu.yield
      }) : () -> ()
      %run_scoped3A_236 = arith.constant 9 : i32
      "tpu.region"() ({
        %run_scoped3A_364 = tpu.sem_alloc : memref<!tpu.dma_semaphore, #tpu.memory_space<semaphore_mem>>
        %dma_start3A_365 = arith.constant 128 : i32
        %dma_start3A_366 = arith.constant 0 : i32
        %dma_start3A_367 = tpu.memref_slice %arg9[%dma_start3A_365, %dma_start3A_366] : memref<256x128xf32, #tpu.memory_space<vmem>> -> memref<128x128xf32, #tpu.memory_space<vmem>>
        %dma_start3A_368 = arith.constant 0 : i32
        %dma_start3A_369 = tpu.memref_slice %arg8[%run_scoped3A_236, %dma_start3A_368] : memref<16x128xi32, #tpu.memory_space<vmem>> -> memref<1x128xi32, #tpu.memory_space<vmem>>
        %dma_start3A_370 = tpu.memref_squeeze %dma_start3A_369 : memref<1x128xi32, #tpu.memory_space<vmem>> -> memref<128xi32, #tpu.memory_space<vmem>>
        %dma_start3A_371 = arith.constant 0 : i32
        %dma_start3A_372 = arith.constant 0 : i32
        %dma_start3A_373 = tpu.memref_slice %arg10[%dma_start3A_371, %dma_start3A_372] : memref<10008x128xf32, #tpu.memory_space<vmem_shared>> -> memref<10008x128xf32, #tpu.memory_space<vmem_shared>>
        tpu.enqueue_indirect_dma source(%dma_start3A_367 : memref<128x128xf32, #tpu.memory_space<vmem>>) target(%dma_start3A_373 : memref<10008x128xf32, #tpu.memory_space<vmem_shared>>) offsets(%dma_start3A_370 : memref<128xi32, #tpu.memory_space<vmem>>) semaphore(%run_scoped3A_364 : memref<!tpu.dma_semaphore, #tpu.memory_space<semaphore_mem>>) {add = true}
        %dma_wait3A_374 = arith.constant 128 : i32
        %dma_wait3A_375 = arith.constant 0 : i32
        %dma_wait3A_376 = tpu.memref_slice %arg9[%dma_wait3A_374, %dma_wait3A_375] : memref<256x128xf32, #tpu.memory_space<vmem>> -> memref<128x128xf32, #tpu.memory_space<vmem>>
        %dma_wait3A_377 = arith.constant 0 : i32
        %dma_wait3A_378 = tpu.memref_slice %arg8[%run_scoped3A_236, %dma_wait3A_377] : memref<16x128xi32, #tpu.memory_space<vmem>> -> memref<1x128xi32, #tpu.memory_space<vmem>>
        %dma_wait3A_379 = tpu.memref_squeeze %dma_wait3A_378 : memref<1x128xi32, #tpu.memory_space<vmem>> -> memref<128xi32, #tpu.memory_space<vmem>>
        %dma_wait3A_380 = arith.constant 0 : i32
        %dma_wait3A_381 = arith.constant 0 : i32
        %dma_wait3A_382 = tpu.memref_slice %arg10[%dma_wait3A_380, %dma_wait3A_381] : memref<10008x128xf32, #tpu.memory_space<vmem_shared>> -> memref<10008x128xf32, #tpu.memory_space<vmem_shared>>
        tpu.wait_indirect_dma semaphore(%run_scoped3A_364 : memref<!tpu.dma_semaphore, #tpu.memory_space<semaphore_mem>>) src(%dma_wait3A_376 : memref<128x128xf32, #tpu.memory_space<vmem>>) dst(%dma_wait3A_382 : memref<10008x128xf32, #tpu.memory_space<vmem_shared>>)
        tpu.yield
      }) : () -> ()
      %dma_start3A_237 = arith.constant 10 : i32
      %dma_start3A_238 = arith.constant 0 : i32
      %dma_start3A_239 = arith.constant 0 : i32
      %dma_start3A_240 = tpu.memref_slice %arg9[%dma_start3A_238, %dma_start3A_239] : memref<256x128xf32, #tpu.memory_space<vmem>> -> memref<128x128xf32, #tpu.memory_space<vmem>>
      %dma_start3A_241 = arith.constant 0 : i32
      %dma_start3A_242 = tpu.memref_slice %arg7[%dma_start3A_237, %dma_start3A_241] : memref<16x128xi32, #tpu.memory_space<vmem>> -> memref<1x128xi32, #tpu.memory_space<vmem>>
      %dma_start3A_243 = tpu.memref_squeeze %dma_start3A_242 : memref<1x128xi32, #tpu.memory_space<vmem>> -> memref<128xi32, #tpu.memory_space<vmem>>
      %dma_start3A_244 = arith.constant 0 : i32
      %dma_start3A_245 = arith.constant 0 : i32
      %dma_start3A_246 = tpu.memref_slice %arg2[%dma_start3A_244, %dma_start3A_245] : memref<10008x128xf32, #tpu.memory_space<hbm>> -> memref<10008x128xf32, #tpu.memory_space<hbm>>
      tpu.enqueue_indirect_dma source(%dma_start3A_246 : memref<10008x128xf32, #tpu.memory_space<hbm>>) target(%dma_start3A_240 : memref<128x128xf32, #tpu.memory_space<vmem>>) offsets(%dma_start3A_243 : memref<128xi32, #tpu.memory_space<vmem>>) semaphore(%arg11 : memref<!tpu.dma_semaphore, #tpu.memory_space<semaphore_mem>>)
      %dma_start3A_247 = arith.constant 11 : i32
      %dma_start3A_248 = arith.constant 128 : i32
      %dma_start3A_249 = arith.constant 0 : i32
      %dma_start3A_250 = tpu.memref_slice %arg9[%dma_start3A_248, %dma_start3A_249] : memref<256x128xf32, #tpu.memory_space<vmem>> -> memref<128x128xf32, #tpu.memory_space<vmem>>
      %dma_start3A_251 = arith.constant 0 : i32
      %dma_start3A_252 = tpu.memref_slice %arg7[%dma_start3A_247, %dma_start3A_251] : memref<16x128xi32, #tpu.memory_space<vmem>> -> memref<1x128xi32, #tpu.memory_space<vmem>>
      %dma_start3A_253 = tpu.memref_squeeze %dma_start3A_252 : memref<1x128xi32, #tpu.memory_space<vmem>> -> memref<128xi32, #tpu.memory_space<vmem>>
      %dma_start3A_254 = arith.constant 0 : i32
      %dma_start3A_255 = arith.constant 0 : i32
      %dma_start3A_256 = tpu.memref_slice %arg2[%dma_start3A_254, %dma_start3A_255] : memref<10008x128xf32, #tpu.memory_space<hbm>> -> memref<10008x128xf32, #tpu.memory_space<hbm>>
      tpu.enqueue_indirect_dma source(%dma_start3A_256 : memref<10008x128xf32, #tpu.memory_space<hbm>>) target(%dma_start3A_250 : memref<128x128xf32, #tpu.memory_space<vmem>>) offsets(%dma_start3A_253 : memref<128xi32, #tpu.memory_space<vmem>>) semaphore(%arg12 : memref<!tpu.dma_semaphore, #tpu.memory_space<semaphore_mem>>)
      %dma_wait3A_257 = arith.constant 10 : i32
      %dma_wait3A_258 = arith.constant 0 : i32
      %dma_wait3A_259 = arith.constant 0 : i32
      %dma_wait3A_260 = tpu.memref_slice %arg9[%dma_wait3A_258, %dma_wait3A_259] : memref<256x128xf32, #tpu.memory_space<vmem>> -> memref<128x128xf32, #tpu.memory_space<vmem>>
      %dma_wait3A_261 = arith.constant 0 : i32
      %dma_wait3A_262 = tpu.memref_slice %arg7[%dma_wait3A_257, %dma_wait3A_261] : memref<16x128xi32, #tpu.memory_space<vmem>> -> memref<1x128xi32, #tpu.memory_space<vmem>>
      %dma_wait3A_263 = tpu.memref_squeeze %dma_wait3A_262 : memref<1x128xi32, #tpu.memory_space<vmem>> -> memref<128xi32, #tpu.memory_space<vmem>>
      %dma_wait3A_264 = arith.constant 0 : i32
      %dma_wait3A_265 = arith.constant 0 : i32
      %dma_wait3A_266 = tpu.memref_slice %arg2[%dma_wait3A_264, %dma_wait3A_265] : memref<10008x128xf32, #tpu.memory_space<hbm>> -> memref<10008x128xf32, #tpu.memory_space<hbm>>
      tpu.wait_indirect_dma semaphore(%arg11 : memref<!tpu.dma_semaphore, #tpu.memory_space<semaphore_mem>>) src(%dma_wait3A_266 : memref<10008x128xf32, #tpu.memory_space<hbm>>) dst(%dma_wait3A_260 : memref<128x128xf32, #tpu.memory_space<vmem>>)
      %dma_wait3A_267 = arith.constant 11 : i32
      %dma_wait3A_268 = arith.constant 128 : i32
      %dma_wait3A_269 = arith.constant 0 : i32
      %dma_wait3A_270 = tpu.memref_slice %arg9[%dma_wait3A_268, %dma_wait3A_269] : memref<256x128xf32, #tpu.memory_space<vmem>> -> memref<128x128xf32, #tpu.memory_space<vmem>>
      %dma_wait3A_271 = arith.constant 0 : i32
      %dma_wait3A_272 = tpu.memref_slice %arg7[%dma_wait3A_267, %dma_wait3A_271] : memref<16x128xi32, #tpu.memory_space<vmem>> -> memref<1x128xi32, #tpu.memory_space<vmem>>
      %dma_wait3A_273 = tpu.memref_squeeze %dma_wait3A_272 : memref<1x128xi32, #tpu.memory_space<vmem>> -> memref<128xi32, #tpu.memory_space<vmem>>
      %dma_wait3A_274 = arith.constant 0 : i32
      %dma_wait3A_275 = arith.constant 0 : i32
      %dma_wait3A_276 = tpu.memref_slice %arg2[%dma_wait3A_274, %dma_wait3A_275] : memref<10008x128xf32, #tpu.memory_space<hbm>> -> memref<10008x128xf32, #tpu.memory_space<hbm>>
      tpu.wait_indirect_dma semaphore(%arg12 : memref<!tpu.dma_semaphore, #tpu.memory_space<semaphore_mem>>) src(%dma_wait3A_276 : memref<10008x128xf32, #tpu.memory_space<hbm>>) dst(%dma_wait3A_270 : memref<128x128xf32, #tpu.memory_space<vmem>>)
      %run_scoped3A_277 = arith.constant 10 : i32
      "tpu.region"() ({
        %run_scoped3A_364 = tpu.sem_alloc : memref<!tpu.dma_semaphore, #tpu.memory_space<semaphore_mem>>
        %dma_start3A_365 = arith.constant 0 : i32
        %dma_start3A_366 = arith.constant 0 : i32
        %dma_start3A_367 = tpu.memref_slice %arg9[%dma_start3A_365, %dma_start3A_366] : memref<256x128xf32, #tpu.memory_space<vmem>> -> memref<128x128xf32, #tpu.memory_space<vmem>>
        %dma_start3A_368 = arith.constant 0 : i32
        %dma_start3A_369 = tpu.memref_slice %arg8[%run_scoped3A_277, %dma_start3A_368] : memref<16x128xi32, #tpu.memory_space<vmem>> -> memref<1x128xi32, #tpu.memory_space<vmem>>
        %dma_start3A_370 = tpu.memref_squeeze %dma_start3A_369 : memref<1x128xi32, #tpu.memory_space<vmem>> -> memref<128xi32, #tpu.memory_space<vmem>>
        %dma_start3A_371 = arith.constant 0 : i32
        %dma_start3A_372 = arith.constant 0 : i32
        %dma_start3A_373 = tpu.memref_slice %arg10[%dma_start3A_371, %dma_start3A_372] : memref<10008x128xf32, #tpu.memory_space<vmem_shared>> -> memref<10008x128xf32, #tpu.memory_space<vmem_shared>>
        tpu.enqueue_indirect_dma source(%dma_start3A_367 : memref<128x128xf32, #tpu.memory_space<vmem>>) target(%dma_start3A_373 : memref<10008x128xf32, #tpu.memory_space<vmem_shared>>) offsets(%dma_start3A_370 : memref<128xi32, #tpu.memory_space<vmem>>) semaphore(%run_scoped3A_364 : memref<!tpu.dma_semaphore, #tpu.memory_space<semaphore_mem>>) {add = true}
        %dma_wait3A_374 = arith.constant 0 : i32
        %dma_wait3A_375 = arith.constant 0 : i32
        %dma_wait3A_376 = tpu.memref_slice %arg9[%dma_wait3A_374, %dma_wait3A_375] : memref<256x128xf32, #tpu.memory_space<vmem>> -> memref<128x128xf32, #tpu.memory_space<vmem>>
        %dma_wait3A_377 = arith.constant 0 : i32
        %dma_wait3A_378 = tpu.memref_slice %arg8[%run_scoped3A_277, %dma_wait3A_377] : memref<16x128xi32, #tpu.memory_space<vmem>> -> memref<1x128xi32, #tpu.memory_space<vmem>>
        %dma_wait3A_379 = tpu.memref_squeeze %dma_wait3A_378 : memref<1x128xi32, #tpu.memory_space<vmem>> -> memref<128xi32, #tpu.memory_space<vmem>>
        %dma_wait3A_380 = arith.constant 0 : i32
        %dma_wait3A_381 = arith.constant 0 : i32
        %dma_wait3A_382 = tpu.memref_slice %arg10[%dma_wait3A_380, %dma_wait3A_381] : memref<10008x128xf32, #tpu.memory_space<vmem_shared>> -> memref<10008x128xf32, #tpu.memory_space<vmem_shared>>
        tpu.wait_indirect_dma semaphore(%run_scoped3A_364 : memref<!tpu.dma_semaphore, #tpu.memory_space<semaphore_mem>>) src(%dma_wait3A_376 : memref<128x128xf32, #tpu.memory_space<vmem>>) dst(%dma_wait3A_382 : memref<10008x128xf32, #tpu.memory_space<vmem_shared>>)
        tpu.yield
      }) : () -> ()
      %run_scoped3A_278 = arith.constant 11 : i32
      "tpu.region"() ({
        %run_scoped3A_364 = tpu.sem_alloc : memref<!tpu.dma_semaphore, #tpu.memory_space<semaphore_mem>>
        %dma_start3A_365 = arith.constant 128 : i32
        %dma_start3A_366 = arith.constant 0 : i32
        %dma_start3A_367 = tpu.memref_slice %arg9[%dma_start3A_365, %dma_start3A_366] : memref<256x128xf32, #tpu.memory_space<vmem>> -> memref<128x128xf32, #tpu.memory_space<vmem>>
        %dma_start3A_368 = arith.constant 0 : i32
        %dma_start3A_369 = tpu.memref_slice %arg8[%run_scoped3A_278, %dma_start3A_368] : memref<16x128xi32, #tpu.memory_space<vmem>> -> memref<1x128xi32, #tpu.memory_space<vmem>>
        %dma_start3A_370 = tpu.memref_squeeze %dma_start3A_369 : memref<1x128xi32, #tpu.memory_space<vmem>> -> memref<128xi32, #tpu.memory_space<vmem>>
        %dma_start3A_371 = arith.constant 0 : i32
        %dma_start3A_372 = arith.constant 0 : i32
        %dma_start3A_373 = tpu.memref_slice %arg10[%dma_start3A_371, %dma_start3A_372] : memref<10008x128xf32, #tpu.memory_space<vmem_shared>> -> memref<10008x128xf32, #tpu.memory_space<vmem_shared>>
        tpu.enqueue_indirect_dma source(%dma_start3A_367 : memref<128x128xf32, #tpu.memory_space<vmem>>) target(%dma_start3A_373 : memref<10008x128xf32, #tpu.memory_space<vmem_shared>>) offsets(%dma_start3A_370 : memref<128xi32, #tpu.memory_space<vmem>>) semaphore(%run_scoped3A_364 : memref<!tpu.dma_semaphore, #tpu.memory_space<semaphore_mem>>) {add = true}
        %dma_wait3A_374 = arith.constant 128 : i32
        %dma_wait3A_375 = arith.constant 0 : i32
        %dma_wait3A_376 = tpu.memref_slice %arg9[%dma_wait3A_374, %dma_wait3A_375] : memref<256x128xf32, #tpu.memory_space<vmem>> -> memref<128x128xf32, #tpu.memory_space<vmem>>
        %dma_wait3A_377 = arith.constant 0 : i32
        %dma_wait3A_378 = tpu.memref_slice %arg8[%run_scoped3A_278, %dma_wait3A_377] : memref<16x128xi32, #tpu.memory_space<vmem>> -> memref<1x128xi32, #tpu.memory_space<vmem>>
        %dma_wait3A_379 = tpu.memref_squeeze %dma_wait3A_378 : memref<1x128xi32, #tpu.memory_space<vmem>> -> memref<128xi32, #tpu.memory_space<vmem>>
        %dma_wait3A_380 = arith.constant 0 : i32
        %dma_wait3A_381 = arith.constant 0 : i32
        %dma_wait3A_382 = tpu.memref_slice %arg10[%dma_wait3A_380, %dma_wait3A_381] : memref<10008x128xf32, #tpu.memory_space<vmem_shared>> -> memref<10008x128xf32, #tpu.memory_space<vmem_shared>>
        tpu.wait_indirect_dma semaphore(%run_scoped3A_364 : memref<!tpu.dma_semaphore, #tpu.memory_space<semaphore_mem>>) src(%dma_wait3A_376 : memref<128x128xf32, #tpu.memory_space<vmem>>) dst(%dma_wait3A_382 : memref<10008x128xf32, #tpu.memory_space<vmem_shared>>)
        tpu.yield
      }) : () -> ()
      %dma_start3A_279 = arith.constant 12 : i32
      %dma_start3A_280 = arith.constant 0 : i32
      %dma_start3A_281 = arith.constant 0 : i32
      %dma_start3A_282 = tpu.memref_slice %arg9[%dma_start3A_280, %dma_start3A_281] : memref<256x128xf32, #tpu.memory_space<vmem>> -> memref<128x128xf32, #tpu.memory_space<vmem>>
      %dma_start3A_283 = arith.constant 0 : i32
      %dma_start3A_284 = tpu.memref_slice %arg7[%dma_start3A_279, %dma_start3A_283] : memref<16x128xi32, #tpu.memory_space<vmem>> -> memref<1x128xi32, #tpu.memory_space<vmem>>
      %dma_start3A_285 = tpu.memref_squeeze %dma_start3A_284 : memref<1x128xi32, #tpu.memory_space<vmem>> -> memref<128xi32, #tpu.memory_space<vmem>>
      %dma_start3A_286 = arith.constant 0 : i32
      %dma_start3A_287 = arith.constant 0 : i32
      %dma_start3A_288 = tpu.memref_slice %arg2[%dma_start3A_286, %dma_start3A_287] : memref<10008x128xf32, #tpu.memory_space<hbm>> -> memref<10008x128xf32, #tpu.memory_space<hbm>>
      tpu.enqueue_indirect_dma source(%dma_start3A_288 : memref<10008x128xf32, #tpu.memory_space<hbm>>) target(%dma_start3A_282 : memref<128x128xf32, #tpu.memory_space<vmem>>) offsets(%dma_start3A_285 : memref<128xi32, #tpu.memory_space<vmem>>) semaphore(%arg11 : memref<!tpu.dma_semaphore, #tpu.memory_space<semaphore_mem>>)
      %dma_start3A_289 = arith.constant 13 : i32
      %dma_start3A_290 = arith.constant 128 : i32
      %dma_start3A_291 = arith.constant 0 : i32
      %dma_start3A_292 = tpu.memref_slice %arg9[%dma_start3A_290, %dma_start3A_291] : memref<256x128xf32, #tpu.memory_space<vmem>> -> memref<128x128xf32, #tpu.memory_space<vmem>>
      %dma_start3A_293 = arith.constant 0 : i32
      %dma_start3A_294 = tpu.memref_slice %arg7[%dma_start3A_289, %dma_start3A_293] : memref<16x128xi32, #tpu.memory_space<vmem>> -> memref<1x128xi32, #tpu.memory_space<vmem>>
      %dma_start3A_295 = tpu.memref_squeeze %dma_start3A_294 : memref<1x128xi32, #tpu.memory_space<vmem>> -> memref<128xi32, #tpu.memory_space<vmem>>
      %dma_start3A_296 = arith.constant 0 : i32
      %dma_start3A_297 = arith.constant 0 : i32
      %dma_start3A_298 = tpu.memref_slice %arg2[%dma_start3A_296, %dma_start3A_297] : memref<10008x128xf32, #tpu.memory_space<hbm>> -> memref<10008x128xf32, #tpu.memory_space<hbm>>
      tpu.enqueue_indirect_dma source(%dma_start3A_298 : memref<10008x128xf32, #tpu.memory_space<hbm>>) target(%dma_start3A_292 : memref<128x128xf32, #tpu.memory_space<vmem>>) offsets(%dma_start3A_295 : memref<128xi32, #tpu.memory_space<vmem>>) semaphore(%arg12 : memref<!tpu.dma_semaphore, #tpu.memory_space<semaphore_mem>>)
      %dma_wait3A_299 = arith.constant 12 : i32
      %dma_wait3A_300 = arith.constant 0 : i32
      %dma_wait3A_301 = arith.constant 0 : i32
      %dma_wait3A_302 = tpu.memref_slice %arg9[%dma_wait3A_300, %dma_wait3A_301] : memref<256x128xf32, #tpu.memory_space<vmem>> -> memref<128x128xf32, #tpu.memory_space<vmem>>
      %dma_wait3A_303 = arith.constant 0 : i32
      %dma_wait3A_304 = tpu.memref_slice %arg7[%dma_wait3A_299, %dma_wait3A_303] : memref<16x128xi32, #tpu.memory_space<vmem>> -> memref<1x128xi32, #tpu.memory_space<vmem>>
      %dma_wait3A_305 = tpu.memref_squeeze %dma_wait3A_304 : memref<1x128xi32, #tpu.memory_space<vmem>> -> memref<128xi32, #tpu.memory_space<vmem>>
      %dma_wait3A_306 = arith.constant 0 : i32
      %dma_wait3A_307 = arith.constant 0 : i32
      %dma_wait3A_308 = tpu.memref_slice %arg2[%dma_wait3A_306, %dma_wait3A_307] : memref<10008x128xf32, #tpu.memory_space<hbm>> -> memref<10008x128xf32, #tpu.memory_space<hbm>>
      tpu.wait_indirect_dma semaphore(%arg11 : memref<!tpu.dma_semaphore, #tpu.memory_space<semaphore_mem>>) src(%dma_wait3A_308 : memref<10008x128xf32, #tpu.memory_space<hbm>>) dst(%dma_wait3A_302 : memref<128x128xf32, #tpu.memory_space<vmem>>)
      %dma_wait3A_309 = arith.constant 13 : i32
      %dma_wait3A_310 = arith.constant 128 : i32
      %dma_wait3A_311 = arith.constant 0 : i32
      %dma_wait3A_312 = tpu.memref_slice %arg9[%dma_wait3A_310, %dma_wait3A_311] : memref<256x128xf32, #tpu.memory_space<vmem>> -> memref<128x128xf32, #tpu.memory_space<vmem>>
      %dma_wait3A_313 = arith.constant 0 : i32
      %dma_wait3A_314 = tpu.memref_slice %arg7[%dma_wait3A_309, %dma_wait3A_313] : memref<16x128xi32, #tpu.memory_space<vmem>> -> memref<1x128xi32, #tpu.memory_space<vmem>>
      %dma_wait3A_315 = tpu.memref_squeeze %dma_wait3A_314 : memref<1x128xi32, #tpu.memory_space<vmem>> -> memref<128xi32, #tpu.memory_space<vmem>>
      %dma_wait3A_316 = arith.constant 0 : i32
      %dma_wait3A_317 = arith.constant 0 : i32
      %dma_wait3A_318 = tpu.memref_slice %arg2[%dma_wait3A_316, %dma_wait3A_317] : memref<10008x128xf32, #tpu.memory_space<hbm>> -> memref<10008x128xf32, #tpu.memory_space<hbm>>
      tpu.wait_indirect_dma semaphore(%arg12 : memref<!tpu.dma_semaphore, #tpu.memory_space<semaphore_mem>>) src(%dma_wait3A_318 : memref<10008x128xf32, #tpu.memory_space<hbm>>) dst(%dma_wait3A_312 : memref<128x128xf32, #tpu.memory_space<vmem>>)
      %run_scoped3A_319 = arith.constant 12 : i32
      "tpu.region"() ({
        %run_scoped3A_364 = tpu.sem_alloc : memref<!tpu.dma_semaphore, #tpu.memory_space<semaphore_mem>>
        %dma_start3A_365 = arith.constant 0 : i32
        %dma_start3A_366 = arith.constant 0 : i32
        %dma_start3A_367 = tpu.memref_slice %arg9[%dma_start3A_365, %dma_start3A_366] : memref<256x128xf32, #tpu.memory_space<vmem>> -> memref<128x128xf32, #tpu.memory_space<vmem>>
        %dma_start3A_368 = arith.constant 0 : i32
        %dma_start3A_369 = tpu.memref_slice %arg8[%run_scoped3A_319, %dma_start3A_368] : memref<16x128xi32, #tpu.memory_space<vmem>> -> memref<1x128xi32, #tpu.memory_space<vmem>>
        %dma_start3A_370 = tpu.memref_squeeze %dma_start3A_369 : memref<1x128xi32, #tpu.memory_space<vmem>> -> memref<128xi32, #tpu.memory_space<vmem>>
        %dma_start3A_371 = arith.constant 0 : i32
        %dma_start3A_372 = arith.constant 0 : i32
        %dma_start3A_373 = tpu.memref_slice %arg10[%dma_start3A_371, %dma_start3A_372] : memref<10008x128xf32, #tpu.memory_space<vmem_shared>> -> memref<10008x128xf32, #tpu.memory_space<vmem_shared>>
        tpu.enqueue_indirect_dma source(%dma_start3A_367 : memref<128x128xf32, #tpu.memory_space<vmem>>) target(%dma_start3A_373 : memref<10008x128xf32, #tpu.memory_space<vmem_shared>>) offsets(%dma_start3A_370 : memref<128xi32, #tpu.memory_space<vmem>>) semaphore(%run_scoped3A_364 : memref<!tpu.dma_semaphore, #tpu.memory_space<semaphore_mem>>) {add = true}
        %dma_wait3A_374 = arith.constant 0 : i32
        %dma_wait3A_375 = arith.constant 0 : i32
        %dma_wait3A_376 = tpu.memref_slice %arg9[%dma_wait3A_374, %dma_wait3A_375] : memref<256x128xf32, #tpu.memory_space<vmem>> -> memref<128x128xf32, #tpu.memory_space<vmem>>
        %dma_wait3A_377 = arith.constant 0 : i32
        %dma_wait3A_378 = tpu.memref_slice %arg8[%run_scoped3A_319, %dma_wait3A_377] : memref<16x128xi32, #tpu.memory_space<vmem>> -> memref<1x128xi32, #tpu.memory_space<vmem>>
        %dma_wait3A_379 = tpu.memref_squeeze %dma_wait3A_378 : memref<1x128xi32, #tpu.memory_space<vmem>> -> memref<128xi32, #tpu.memory_space<vmem>>
        %dma_wait3A_380 = arith.constant 0 : i32
        %dma_wait3A_381 = arith.constant 0 : i32
        %dma_wait3A_382 = tpu.memref_slice %arg10[%dma_wait3A_380, %dma_wait3A_381] : memref<10008x128xf32, #tpu.memory_space<vmem_shared>> -> memref<10008x128xf32, #tpu.memory_space<vmem_shared>>
        tpu.wait_indirect_dma semaphore(%run_scoped3A_364 : memref<!tpu.dma_semaphore, #tpu.memory_space<semaphore_mem>>) src(%dma_wait3A_376 : memref<128x128xf32, #tpu.memory_space<vmem>>) dst(%dma_wait3A_382 : memref<10008x128xf32, #tpu.memory_space<vmem_shared>>)
        tpu.yield
      }) : () -> ()
      %run_scoped3A_320 = arith.constant 13 : i32
      "tpu.region"() ({
        %run_scoped3A_364 = tpu.sem_alloc : memref<!tpu.dma_semaphore, #tpu.memory_space<semaphore_mem>>
        %dma_start3A_365 = arith.constant 128 : i32
        %dma_start3A_366 = arith.constant 0 : i32
        %dma_start3A_367 = tpu.memref_slice %arg9[%dma_start3A_365, %dma_start3A_366] : memref<256x128xf32, #tpu.memory_space<vmem>> -> memref<128x128xf32, #tpu.memory_space<vmem>>
        %dma_start3A_368 = arith.constant 0 : i32
        %dma_start3A_369 = tpu.memref_slice %arg8[%run_scoped3A_320, %dma_start3A_368] : memref<16x128xi32, #tpu.memory_space<vmem>> -> memref<1x128xi32, #tpu.memory_space<vmem>>
        %dma_start3A_370 = tpu.memref_squeeze %dma_start3A_369 : memref<1x128xi32, #tpu.memory_space<vmem>> -> memref<128xi32, #tpu.memory_space<vmem>>
        %dma_start3A_371 = arith.constant 0 : i32
        %dma_start3A_372 = arith.constant 0 : i32
        %dma_start3A_373 = tpu.memref_slice %arg10[%dma_start3A_371, %dma_start3A_372] : memref<10008x128xf32, #tpu.memory_space<vmem_shared>> -> memref<10008x128xf32, #tpu.memory_space<vmem_shared>>
        tpu.enqueue_indirect_dma source(%dma_start3A_367 : memref<128x128xf32, #tpu.memory_space<vmem>>) target(%dma_start3A_373 : memref<10008x128xf32, #tpu.memory_space<vmem_shared>>) offsets(%dma_start3A_370 : memref<128xi32, #tpu.memory_space<vmem>>) semaphore(%run_scoped3A_364 : memref<!tpu.dma_semaphore, #tpu.memory_space<semaphore_mem>>) {add = true}
        %dma_wait3A_374 = arith.constant 128 : i32
        %dma_wait3A_375 = arith.constant 0 : i32
        %dma_wait3A_376 = tpu.memref_slice %arg9[%dma_wait3A_374, %dma_wait3A_375] : memref<256x128xf32, #tpu.memory_space<vmem>> -> memref<128x128xf32, #tpu.memory_space<vmem>>
        %dma_wait3A_377 = arith.constant 0 : i32
        %dma_wait3A_378 = tpu.memref_slice %arg8[%run_scoped3A_320, %dma_wait3A_377] : memref<16x128xi32, #tpu.memory_space<vmem>> -> memref<1x128xi32, #tpu.memory_space<vmem>>
        %dma_wait3A_379 = tpu.memref_squeeze %dma_wait3A_378 : memref<1x128xi32, #tpu.memory_space<vmem>> -> memref<128xi32, #tpu.memory_space<vmem>>
        %dma_wait3A_380 = arith.constant 0 : i32
        %dma_wait3A_381 = arith.constant 0 : i32
        %dma_wait3A_382 = tpu.memref_slice %arg10[%dma_wait3A_380, %dma_wait3A_381] : memref<10008x128xf32, #tpu.memory_space<vmem_shared>> -> memref<10008x128xf32, #tpu.memory_space<vmem_shared>>
        tpu.wait_indirect_dma semaphore(%run_scoped3A_364 : memref<!tpu.dma_semaphore, #tpu.memory_space<semaphore_mem>>) src(%dma_wait3A_376 : memref<128x128xf32, #tpu.memory_space<vmem>>) dst(%dma_wait3A_382 : memref<10008x128xf32, #tpu.memory_space<vmem_shared>>)
        tpu.yield
      }) : () -> ()
      %dma_start3A_321 = arith.constant 14 : i32
      %dma_start3A_322 = arith.constant 0 : i32
      %dma_start3A_323 = arith.constant 0 : i32
      %dma_start3A_324 = tpu.memref_slice %arg9[%dma_start3A_322, %dma_start3A_323] : memref<256x128xf32, #tpu.memory_space<vmem>> -> memref<128x128xf32, #tpu.memory_space<vmem>>
      %dma_start3A_325 = arith.constant 0 : i32
      %dma_start3A_326 = tpu.memref_slice %arg7[%dma_start3A_321, %dma_start3A_325] : memref<16x128xi32, #tpu.memory_space<vmem>> -> memref<1x128xi32, #tpu.memory_space<vmem>>
      %dma_start3A_327 = tpu.memref_squeeze %dma_start3A_326 : memref<1x128xi32, #tpu.memory_space<vmem>> -> memref<128xi32, #tpu.memory_space<vmem>>
      %dma_start3A_328 = arith.constant 0 : i32
      %dma_start3A_329 = arith.constant 0 : i32
      %dma_start3A_330 = tpu.memref_slice %arg2[%dma_start3A_328, %dma_start3A_329] : memref<10008x128xf32, #tpu.memory_space<hbm>> -> memref<10008x128xf32, #tpu.memory_space<hbm>>
      tpu.enqueue_indirect_dma source(%dma_start3A_330 : memref<10008x128xf32, #tpu.memory_space<hbm>>) target(%dma_start3A_324 : memref<128x128xf32, #tpu.memory_space<vmem>>) offsets(%dma_start3A_327 : memref<128xi32, #tpu.memory_space<vmem>>) semaphore(%arg11 : memref<!tpu.dma_semaphore, #tpu.memory_space<semaphore_mem>>)
      %dma_start3A_331 = arith.constant 15 : i32
      %dma_start3A_332 = arith.constant 128 : i32
      %dma_start3A_333 = arith.constant 0 : i32
      %dma_start3A_334 = tpu.memref_slice %arg9[%dma_start3A_332, %dma_start3A_333] : memref<256x128xf32, #tpu.memory_space<vmem>> -> memref<128x128xf32, #tpu.memory_space<vmem>>
      %dma_start3A_335 = arith.constant 0 : i32
      %dma_start3A_336 = tpu.memref_slice %arg7[%dma_start3A_331, %dma_start3A_335] : memref<16x128xi32, #tpu.memory_space<vmem>> -> memref<1x128xi32, #tpu.memory_space<vmem>>
      %dma_start3A_337 = tpu.memref_squeeze %dma_start3A_336 : memref<1x128xi32, #tpu.memory_space<vmem>> -> memref<128xi32, #tpu.memory_space<vmem>>
      %dma_start3A_338 = arith.constant 0 : i32
      %dma_start3A_339 = arith.constant 0 : i32
      %dma_start3A_340 = tpu.memref_slice %arg2[%dma_start3A_338, %dma_start3A_339] : memref<10008x128xf32, #tpu.memory_space<hbm>> -> memref<10008x128xf32, #tpu.memory_space<hbm>>
      tpu.enqueue_indirect_dma source(%dma_start3A_340 : memref<10008x128xf32, #tpu.memory_space<hbm>>) target(%dma_start3A_334 : memref<128x128xf32, #tpu.memory_space<vmem>>) offsets(%dma_start3A_337 : memref<128xi32, #tpu.memory_space<vmem>>) semaphore(%arg12 : memref<!tpu.dma_semaphore, #tpu.memory_space<semaphore_mem>>)
      %dma_wait3A_341 = arith.constant 14 : i32
      %dma_wait3A_342 = arith.constant 0 : i32
      %dma_wait3A_343 = arith.constant 0 : i32
      %dma_wait3A_344 = tpu.memref_slice %arg9[%dma_wait3A_342, %dma_wait3A_343] : memref<256x128xf32, #tpu.memory_space<vmem>> -> memref<128x128xf32, #tpu.memory_space<vmem>>
      %dma_wait3A_345 = arith.constant 0 : i32
      %dma_wait3A_346 = tpu.memref_slice %arg7[%dma_wait3A_341, %dma_wait3A_345] : memref<16x128xi32, #tpu.memory_space<vmem>> -> memref<1x128xi32, #tpu.memory_space<vmem>>
      %dma_wait3A_347 = tpu.memref_squeeze %dma_wait3A_346 : memref<1x128xi32, #tpu.memory_space<vmem>> -> memref<128xi32, #tpu.memory_space<vmem>>
      %dma_wait3A_348 = arith.constant 0 : i32
      %dma_wait3A_349 = arith.constant 0 : i32
      %dma_wait3A_350 = tpu.memref_slice %arg2[%dma_wait3A_348, %dma_wait3A_349] : memref<10008x128xf32, #tpu.memory_space<hbm>> -> memref<10008x128xf32, #tpu.memory_space<hbm>>
      tpu.wait_indirect_dma semaphore(%arg11 : memref<!tpu.dma_semaphore, #tpu.memory_space<semaphore_mem>>) src(%dma_wait3A_350 : memref<10008x128xf32, #tpu.memory_space<hbm>>) dst(%dma_wait3A_344 : memref<128x128xf32, #tpu.memory_space<vmem>>)
      %dma_wait3A_351 = arith.constant 15 : i32
      %dma_wait3A_352 = arith.constant 128 : i32
      %dma_wait3A_353 = arith.constant 0 : i32
      %dma_wait3A_354 = tpu.memref_slice %arg9[%dma_wait3A_352, %dma_wait3A_353] : memref<256x128xf32, #tpu.memory_space<vmem>> -> memref<128x128xf32, #tpu.memory_space<vmem>>
      %dma_wait3A_355 = arith.constant 0 : i32
      %dma_wait3A_356 = tpu.memref_slice %arg7[%dma_wait3A_351, %dma_wait3A_355] : memref<16x128xi32, #tpu.memory_space<vmem>> -> memref<1x128xi32, #tpu.memory_space<vmem>>
      %dma_wait3A_357 = tpu.memref_squeeze %dma_wait3A_356 : memref<1x128xi32, #tpu.memory_space<vmem>> -> memref<128xi32, #tpu.memory_space<vmem>>
      %dma_wait3A_358 = arith.constant 0 : i32
      %dma_wait3A_359 = arith.constant 0 : i32
      %dma_wait3A_360 = tpu.memref_slice %arg2[%dma_wait3A_358, %dma_wait3A_359] : memref<10008x128xf32, #tpu.memory_space<hbm>> -> memref<10008x128xf32, #tpu.memory_space<hbm>>
      tpu.wait_indirect_dma semaphore(%arg12 : memref<!tpu.dma_semaphore, #tpu.memory_space<semaphore_mem>>) src(%dma_wait3A_360 : memref<10008x128xf32, #tpu.memory_space<hbm>>) dst(%dma_wait3A_354 : memref<128x128xf32, #tpu.memory_space<vmem>>)
      %run_scoped3A_361 = arith.constant 14 : i32
      "tpu.region"() ({
        %run_scoped3A_364 = tpu.sem_alloc : memref<!tpu.dma_semaphore, #tpu.memory_space<semaphore_mem>>
        %dma_start3A_365 = arith.constant 0 : i32
        %dma_start3A_366 = arith.constant 0 : i32
        %dma_start3A_367 = tpu.memref_slice %arg9[%dma_start3A_365, %dma_start3A_366] : memref<256x128xf32, #tpu.memory_space<vmem>> -> memref<128x128xf32, #tpu.memory_space<vmem>>
        %dma_start3A_368 = arith.constant 0 : i32
        %dma_start3A_369 = tpu.memref_slice %arg8[%run_scoped3A_361, %dma_start3A_368] : memref<16x128xi32, #tpu.memory_space<vmem>> -> memref<1x128xi32, #tpu.memory_space<vmem>>
        %dma_start3A_370 = tpu.memref_squeeze %dma_start3A_369 : memref<1x128xi32, #tpu.memory_space<vmem>> -> memref<128xi32, #tpu.memory_space<vmem>>
        %dma_start3A_371 = arith.constant 0 : i32
        %dma_start3A_372 = arith.constant 0 : i32
        %dma_start3A_373 = tpu.memref_slice %arg10[%dma_start3A_371, %dma_start3A_372] : memref<10008x128xf32, #tpu.memory_space<vmem_shared>> -> memref<10008x128xf32, #tpu.memory_space<vmem_shared>>
        tpu.enqueue_indirect_dma source(%dma_start3A_367 : memref<128x128xf32, #tpu.memory_space<vmem>>) target(%dma_start3A_373 : memref<10008x128xf32, #tpu.memory_space<vmem_shared>>) offsets(%dma_start3A_370 : memref<128xi32, #tpu.memory_space<vmem>>) semaphore(%run_scoped3A_364 : memref<!tpu.dma_semaphore, #tpu.memory_space<semaphore_mem>>) {add = true}
        %dma_wait3A_374 = arith.constant 0 : i32
        %dma_wait3A_375 = arith.constant 0 : i32
        %dma_wait3A_376 = tpu.memref_slice %arg9[%dma_wait3A_374, %dma_wait3A_375] : memref<256x128xf32, #tpu.memory_space<vmem>> -> memref<128x128xf32, #tpu.memory_space<vmem>>
        %dma_wait3A_377 = arith.constant 0 : i32
        %dma_wait3A_378 = tpu.memref_slice %arg8[%run_scoped3A_361, %dma_wait3A_377] : memref<16x128xi32, #tpu.memory_space<vmem>> -> memref<1x128xi32, #tpu.memory_space<vmem>>
        %dma_wait3A_379 = tpu.memref_squeeze %dma_wait3A_378 : memref<1x128xi32, #tpu.memory_space<vmem>> -> memref<128xi32, #tpu.memory_space<vmem>>
        %dma_wait3A_380 = arith.constant 0 : i32
        %dma_wait3A_381 = arith.constant 0 : i32
        %dma_wait3A_382 = tpu.memref_slice %arg10[%dma_wait3A_380, %dma_wait3A_381] : memref<10008x128xf32, #tpu.memory_space<vmem_shared>> -> memref<10008x128xf32, #tpu.memory_space<vmem_shared>>
        tpu.wait_indirect_dma semaphore(%run_scoped3A_364 : memref<!tpu.dma_semaphore, #tpu.memory_space<semaphore_mem>>) src(%dma_wait3A_376 : memref<128x128xf32, #tpu.memory_space<vmem>>) dst(%dma_wait3A_382 : memref<10008x128xf32, #tpu.memory_space<vmem_shared>>)
        tpu.yield
      }) : () -> ()
      %run_scoped3A_362 = arith.constant 15 : i32
      "tpu.region"() ({
        %run_scoped3A_364 = tpu.sem_alloc : memref<!tpu.dma_semaphore, #tpu.memory_space<semaphore_mem>>
        %dma_start3A_365 = arith.constant 128 : i32
        %dma_start3A_366 = arith.constant 0 : i32
        %dma_start3A_367 = tpu.memref_slice %arg9[%dma_start3A_365, %dma_start3A_366] : memref<256x128xf32, #tpu.memory_space<vmem>> -> memref<128x128xf32, #tpu.memory_space<vmem>>
        %dma_start3A_368 = arith.constant 0 : i32
        %dma_start3A_369 = tpu.memref_slice %arg8[%run_scoped3A_362, %dma_start3A_368] : memref<16x128xi32, #tpu.memory_space<vmem>> -> memref<1x128xi32, #tpu.memory_space<vmem>>
        %dma_start3A_370 = tpu.memref_squeeze %dma_start3A_369 : memref<1x128xi32, #tpu.memory_space<vmem>> -> memref<128xi32, #tpu.memory_space<vmem>>
        %dma_start3A_371 = arith.constant 0 : i32
        %dma_start3A_372 = arith.constant 0 : i32
        %dma_start3A_373 = tpu.memref_slice %arg10[%dma_start3A_371, %dma_start3A_372] : memref<10008x128xf32, #tpu.memory_space<vmem_shared>> -> memref<10008x128xf32, #tpu.memory_space<vmem_shared>>
        tpu.enqueue_indirect_dma source(%dma_start3A_367 : memref<128x128xf32, #tpu.memory_space<vmem>>) target(%dma_start3A_373 : memref<10008x128xf32, #tpu.memory_space<vmem_shared>>) offsets(%dma_start3A_370 : memref<128xi32, #tpu.memory_space<vmem>>) semaphore(%run_scoped3A_364 : memref<!tpu.dma_semaphore, #tpu.memory_space<semaphore_mem>>) {add = true}
        %dma_wait3A_374 = arith.constant 128 : i32
        %dma_wait3A_375 = arith.constant 0 : i32
        %dma_wait3A_376 = tpu.memref_slice %arg9[%dma_wait3A_374, %dma_wait3A_375] : memref<256x128xf32, #tpu.memory_space<vmem>> -> memref<128x128xf32, #tpu.memory_space<vmem>>
        %dma_wait3A_377 = arith.constant 0 : i32
        %dma_wait3A_378 = tpu.memref_slice %arg8[%run_scoped3A_362, %dma_wait3A_377] : memref<16x128xi32, #tpu.memory_space<vmem>> -> memref<1x128xi32, #tpu.memory_space<vmem>>
        %dma_wait3A_379 = tpu.memref_squeeze %dma_wait3A_378 : memref<1x128xi32, #tpu.memory_space<vmem>> -> memref<128xi32, #tpu.memory_space<vmem>>
        %dma_wait3A_380 = arith.constant 0 : i32
        %dma_wait3A_381 = arith.constant 0 : i32
        %dma_wait3A_382 = tpu.memref_slice %arg10[%dma_wait3A_380, %dma_wait3A_381] : memref<10008x128xf32, #tpu.memory_space<vmem_shared>> -> memref<10008x128xf32, #tpu.memory_space<vmem_shared>>
        tpu.wait_indirect_dma semaphore(%run_scoped3A_364 : memref<!tpu.dma_semaphore, #tpu.memory_space<semaphore_mem>>) src(%dma_wait3A_376 : memref<128x128xf32, #tpu.memory_space<vmem>>) dst(%dma_wait3A_382 : memref<10008x128xf32, #tpu.memory_space<vmem_shared>>)
        tpu.yield
      }) : () -> ()
      %scan3A_363 = arith.constant 0 : i32
      scf.yield %scan3A_363 : i32
    }
    %scan3A_12 = arith.constant 5 : i32
    %barrier3A_13 = arith.constant 0 : index
    tpu.barrier barrier_id(%barrier3A_13)
    %mul3A_14 = arith.constant 10000 : i32
    %mul3A_15 = arith.muli %arg0, %mul3A_14 : i32
    %add3A_16 = arith.addi %mul3A_15, %mul3A_2 : i32
    "tpu.region"() ({
      %run_scoped3A = tpu.sem_alloc : memref<!tpu.dma_semaphore, #tpu.memory_space<semaphore_mem>>
      %dma_start3A = arith.constant 0 : i32
      %dma_start3A_22 = tpu.memref_slice %arg6[%add3A_16, %dma_start3A] : memref<20000x128xf32, #tpu.memory_space<hbm>> -> memref<624x128xf32, #tpu.memory_space<hbm>>
      %dma_start3A_23 = arith.constant 0 : i32
      %dma_start3A_24 = tpu.memref_slice %arg10[%mul3A_2, %dma_start3A_23] : memref<10008x128xf32, #tpu.memory_space<vmem_shared>> -> memref<624x128xf32, #tpu.memory_space<vmem_shared>>
      tpu.enqueue_dma source(%dma_start3A_24 : memref<624x128xf32, #tpu.memory_space<vmem_shared>>) target(%dma_start3A_22 : memref<624x128xf32, #tpu.memory_space<hbm>>) target_semaphore(%run_scoped3A : memref<!tpu.dma_semaphore, #tpu.memory_space<semaphore_mem>>)
      %dma_wait3A = arith.constant 0 : i32
      %dma_wait3A_25 = tpu.memref_slice %arg6[%add3A_16, %dma_wait3A] : memref<20000x128xf32, #tpu.memory_space<hbm>> -> memref<624x128xf32, #tpu.memory_space<hbm>>
      %dma_wait3A_26 = arith.constant 0 : i32
      %dma_wait3A_27 = tpu.memref_slice %arg10[%mul3A_2, %dma_wait3A_26] : memref<10008x128xf32, #tpu.memory_space<vmem_shared>> -> memref<624x128xf32, #tpu.memory_space<vmem_shared>>
      tpu.wait_dma2 semaphore(%run_scoped3A : memref<!tpu.dma_semaphore, #tpu.memory_space<semaphore_mem>>) src(%dma_wait3A_27 : memref<624x128xf32, #tpu.memory_space<vmem_shared>>) dst(%dma_wait3A_25 : memref<624x128xf32, #tpu.memory_space<hbm>>)
      tpu.yield
    }) : () -> ()
    %eq3A_17 = arith.constant 15 : i32
    %eq3A_18 = arith.cmpi eq, %arg1, %eq3A_17 : i32
    %convert_element_type3A_19 = arith.extui %eq3A_18 : i1 to i32
    %cond3A_20 = arith.constant 0 : i32
    %cond3A_21 = arith.cmpi ne, %convert_element_type3A_19, %cond3A_20 : i32
    scf.if %cond3A_21 {
      %mul3A_22 = arith.constant 10000 : i32
      %mul3A_23 = arith.muli %arg0, %mul3A_22 : i32
      %add3A_24 = arith.constant 9984 : i32
      %add3A_25 = arith.addi %mul3A_23, %add3A_24 : i32
      "tpu.region"() ({
        %run_scoped3A = tpu.sem_alloc : memref<!tpu.dma_semaphore, #tpu.memory_space<semaphore_mem>>
        %dma_start3A = arith.constant 0 : i32
        %dma_start3A_26 = tpu.memref_slice %arg6[%add3A_25, %dma_start3A] : memref<20000x128xf32, #tpu.memory_space<hbm>> -> memref<16x128xf32, #tpu.memory_space<hbm>>
        %dma_start3A_27 = arith.constant 9984 : i32
        %dma_start3A_28 = arith.constant 0 : i32
        %dma_start3A_29 = tpu.memref_slice %arg10[%dma_start3A_27, %dma_start3A_28] : memref<10008x128xf32, #tpu.memory_space<vmem_shared>> -> memref<16x128xf32, #tpu.memory_space<vmem_shared>>
        tpu.enqueue_dma source(%dma_start3A_29 : memref<16x128xf32, #tpu.memory_space<vmem_shared>>) target(%dma_start3A_26 : memref<16x128xf32, #tpu.memory_space<hbm>>) target_semaphore(%run_scoped3A : memref<!tpu.dma_semaphore, #tpu.memory_space<semaphore_mem>>)
        %dma_wait3A = arith.constant 0 : i32
        %dma_wait3A_30 = tpu.memref_slice %arg6[%add3A_25, %dma_wait3A] : memref<20000x128xf32, #tpu.memory_space<hbm>> -> memref<16x128xf32, #tpu.memory_space<hbm>>
        %dma_wait3A_31 = arith.constant 9984 : i32
        %dma_wait3A_32 = arith.constant 0 : i32
        %dma_wait3A_33 = tpu.memref_slice %arg10[%dma_wait3A_31, %dma_wait3A_32] : memref<10008x128xf32, #tpu.memory_space<vmem_shared>> -> memref<16x128xf32, #tpu.memory_space<vmem_shared>>
        tpu.wait_dma2 semaphore(%run_scoped3A : memref<!tpu.dma_semaphore, #tpu.memory_space<semaphore_mem>>) src(%dma_wait3A_33 : memref<16x128xf32, #tpu.memory_space<vmem_shared>>) dst(%dma_wait3A_30 : memref<16x128xf32, #tpu.memory_space<hbm>>)
        tpu.yield
      }) : () -> ()
    } else {
    }
    return
  }
}

#map = affine_map<(d0, d1) -> (0, 0)>
module attributes {stable_mosaic.version = 14 : i64} {
  func.func @agg_kernel(%arg0: i32, %arg1: i32, %arg2: memref<10008x128xf32, #tpu.memory_space<hbm>>, %arg3: memref<2560x128xi32, #tpu.memory_space<hbm>>, %arg4: memref<2560x128xi32, #tpu.memory_space<hbm>>, %arg5: memref<10000x128xf32, #tpu.memory_space<hbm>>, %arg6: memref<20000x128xf32, #tpu.memory_space<hbm>>, %arg7: memref<16x128xi32, #tpu.memory_space<vmem>>, %arg8: memref<16x128xi32, #tpu.memory_space<vmem>>, %arg9: memref<256x128xf32, #tpu.memory_space<vmem>>, %arg10: memref<10008x128xf32, #tpu.memory_space<vmem_shared>>, %arg11: memref<!tpu.dma_semaphore, #tpu.memory_space<semaphore_mem>>, %arg12: memref<!tpu.dma_semaphore, #tpu.memory_space<semaphore_mem>>, %arg13: memref<!tpu.dma_semaphore, #tpu.memory_space<semaphore_mem>>, %arg14: memref<!tpu.dma_semaphore, #tpu.memory_space<semaphore_mem>>) attributes {dimension_semantics = [#tpu.dimension_semantics<core_parallel>, #tpu.dimension_semantics<subcore_parallel>], iteration_bounds = array<i64: 2, 16>, scalar_prefetch = 0 : i64, scratch_operands = 8 : i64, tpu.core_type = #tpu.core_type<sc_vector_subcore>, window_params = [{transform_indices = #map}, {transform_indices = #map}, {transform_indices = #map}, {transform_indices = #map}, {transform_indices = #map}]} {
    %mul3A = arith.constant 16 : i32
    %mul3A_0 = arith.muli %arg0, %mul3A : i32
    %add3A = arith.addi %mul3A_0, %arg1 : i32
    %mul3A_1 = arith.constant 624 : i32
    %mul3A_2 = arith.muli %arg1, %mul3A_1 : i32
    "tpu.region"() ({
      %run_scoped3A = tpu.sem_alloc : memref<!tpu.dma_semaphore, #tpu.memory_space<semaphore_mem>>
      %dma_start3A = arith.constant 0 : i32
      %dma_start3A_22 = tpu.memref_slice %arg10[%mul3A_2, %dma_start3A] : memref<10008x128xf32, #tpu.memory_space<vmem_shared>> -> memref<624x128xf32, #tpu.memory_space<vmem_shared>>
      %dma_start3A_23 = arith.constant 0 : i32
      %dma_start3A_24 = tpu.memref_slice %arg5[%mul3A_2, %dma_start3A_23] : memref<10000x128xf32, #tpu.memory_space<hbm>> -> memref<624x128xf32, #tpu.memory_space<hbm>>
      tpu.enqueue_dma source(%dma_start3A_24 : memref<624x128xf32, #tpu.memory_space<hbm>>) target(%dma_start3A_22 : memref<624x128xf32, #tpu.memory_space<vmem_shared>>) target_semaphore(%run_scoped3A : memref<!tpu.dma_semaphore, #tpu.memory_space<semaphore_mem>>)
      %dma_wait3A = arith.constant 0 : i32
      %dma_wait3A_25 = tpu.memref_slice %arg10[%mul3A_2, %dma_wait3A] : memref<10008x128xf32, #tpu.memory_space<vmem_shared>> -> memref<624x128xf32, #tpu.memory_space<vmem_shared>>
      %dma_wait3A_26 = arith.constant 0 : i32
      %dma_wait3A_27 = tpu.memref_slice %arg5[%mul3A_2, %dma_wait3A_26] : memref<10000x128xf32, #tpu.memory_space<hbm>> -> memref<624x128xf32, #tpu.memory_space<hbm>>
      tpu.wait_dma2 semaphore(%run_scoped3A : memref<!tpu.dma_semaphore, #tpu.memory_space<semaphore_mem>>) src(%dma_wait3A_27 : memref<624x128xf32, #tpu.memory_space<hbm>>) dst(%dma_wait3A_25 : memref<624x128xf32, #tpu.memory_space<vmem_shared>>)
      tpu.yield
    }) : () -> ()
    %eq3A = arith.constant 15 : i32
    %eq3A_3 = arith.cmpi eq, %arg1, %eq3A : i32
    %convert_element_type3A = arith.extui %eq3A_3 : i1 to i32
    %cond3A = arith.constant 0 : i32
    %cond3A_4 = arith.cmpi ne, %convert_element_type3A, %cond3A : i32
    scf.if %cond3A_4 {
      "tpu.region"() ({
        %run_scoped3A = tpu.sem_alloc : memref<!tpu.dma_semaphore, #tpu.memory_space<semaphore_mem>>
        %dma_start3A = arith.constant 9984 : i32
        %dma_start3A_22 = arith.constant 0 : i32
        %dma_start3A_23 = tpu.memref_slice %arg10[%dma_start3A, %dma_start3A_22] : memref<10008x128xf32, #tpu.memory_space<vmem_shared>> -> memref<16x128xf32, #tpu.memory_space<vmem_shared>>
        %dma_start3A_24 = arith.constant 9984 : i32
        %dma_start3A_25 = arith.constant 0 : i32
        %dma_start3A_26 = tpu.memref_slice %arg5[%dma_start3A_24, %dma_start3A_25] : memref<10000x128xf32, #tpu.memory_space<hbm>> -> memref<16x128xf32, #tpu.memory_space<hbm>>
        tpu.enqueue_dma source(%dma_start3A_26 : memref<16x128xf32, #tpu.memory_space<hbm>>) target(%dma_start3A_23 : memref<16x128xf32, #tpu.memory_space<vmem_shared>>) target_semaphore(%run_scoped3A : memref<!tpu.dma_semaphore, #tpu.memory_space<semaphore_mem>>)
        %dma_wait3A = arith.constant 9984 : i32
        %dma_wait3A_27 = arith.constant 0 : i32
        %dma_wait3A_28 = tpu.memref_slice %arg10[%dma_wait3A, %dma_wait3A_27] : memref<10008x128xf32, #tpu.memory_space<vmem_shared>> -> memref<16x128xf32, #tpu.memory_space<vmem_shared>>
        %dma_wait3A_29 = arith.constant 9984 : i32
        %dma_wait3A_30 = arith.constant 0 : i32
        %dma_wait3A_31 = tpu.memref_slice %arg5[%dma_wait3A_29, %dma_wait3A_30] : memref<10000x128xf32, #tpu.memory_space<hbm>> -> memref<16x128xf32, #tpu.memory_space<hbm>>
        tpu.wait_dma2 semaphore(%run_scoped3A : memref<!tpu.dma_semaphore, #tpu.memory_space<semaphore_mem>>) src(%dma_wait3A_31 : memref<16x128xf32, #tpu.memory_space<hbm>>) dst(%dma_wait3A_28 : memref<16x128xf32, #tpu.memory_space<vmem_shared>>)
        tpu.yield
      }) : () -> ()
    } else {
    }
    %barrier3A = arith.constant 0 : index
    tpu.barrier barrier_id(%barrier3A)
    %mul3A_5 = arith.constant 80 : i32
    %mul3A_6 = arith.muli %add3A, %mul3A_5 : i32
    %scan3A = arith.constant 0 : i32
    %scan3A_7 = arith.constant 0 : i32
    %scan3A_8 = arith.constant 5 : i32
    %scan3A_9 = arith.addi %scan3A_7, %scan3A_8 : i32
    %scan3A_10 = arith.constant 1 : i32
    %scan3A_11 = scf.for %scan3A_22 = %scan3A_7 to %scan3A_9 step %scan3A_10 iter_args(%scan3A_23 = %scan3A) -> (i32)  : i32 {
      %mul3A_24 = arith.constant 16 : i32
      %mul3A_25 = arith.muli %scan3A_22, %mul3A_24 : i32
      %add3A_26 = arith.addi %mul3A_6, %mul3A_25 : i32
      "tpu.region"() ({
        %run_scoped3A_364 = tpu.sem_alloc : memref<!tpu.dma_semaphore, #tpu.memory_space<semaphore_mem>>
        %dma_start3A_365 = arith.constant 0 : i32
        %dma_start3A_366 = tpu.memref_slice %arg3[%add3A_26, %dma_start3A_365] : memref<2560x128xi32, #tpu.memory_space<hbm>> -> memref<16x128xi32, #tpu.memory_space<hbm>>
        %dma_start3A_367 = arith.constant 0 : i32
        %dma_start3A_368 = tpu.memref_slice %arg3[%add3A_26, %dma_start3A_367] : memref<2560x128xi32, #tpu.memory_space<hbm>> -> memref<16x128xi32, #tpu.memory_space<hbm>>
        tpu.enqueue_dma source(%dma_start3A_368 : memref<16x128xi32, #tpu.memory_space<hbm>>) target(%arg7 : memref<16x128xi32, #tpu.memory_space<vmem>>) target_semaphore(%run_scoped3A_364 : memref<!tpu.dma_semaphore, #tpu.memory_space<semaphore_mem>>)
        %dma_wait3A_369 = arith.constant 0 : i32
        %dma_wait3A_370 = tpu.memref_slice %arg3[%add3A_26, %dma_wait3A_369] : memref<2560x128xi32, #tpu.memory_space<hbm>> -> memref<16x128xi32, #tpu.memory_space<hbm>>
        %dma_wait3A_371 = arith.constant 0 : i32
        %dma_wait3A_372 = tpu.memref_slice %arg3[%add3A_26, %dma_wait3A_371] : memref<2560x128xi32, #tpu.memory_space<hbm>> -> memref<16x128xi32, #tpu.memory_space<hbm>>
        tpu.wait_dma2 semaphore(%run_scoped3A_364 : memref<!tpu.dma_semaphore, #tpu.memory_space<semaphore_mem>>) src(%dma_wait3A_372 : memref<16x128xi32, #tpu.memory_space<hbm>>) dst(%arg7 : memref<16x128xi32, #tpu.memory_space<vmem>>)
        tpu.yield
      }) : () -> ()
      %mul3A_27 = arith.constant 16 : i32
      %mul3A_28 = arith.muli %scan3A_22, %mul3A_27 : i32
      %add3A_29 = arith.addi %mul3A_6, %mul3A_28 : i32
      "tpu.region"() ({
        %run_scoped3A_364 = tpu.sem_alloc : memref<!tpu.dma_semaphore, #tpu.memory_space<semaphore_mem>>
        %dma_start3A_365 = arith.constant 0 : i32
        %dma_start3A_366 = tpu.memref_slice %arg4[%add3A_29, %dma_start3A_365] : memref<2560x128xi32, #tpu.memory_space<hbm>> -> memref<16x128xi32, #tpu.memory_space<hbm>>
        %dma_start3A_367 = arith.constant 0 : i32
        %dma_start3A_368 = tpu.memref_slice %arg4[%add3A_29, %dma_start3A_367] : memref<2560x128xi32, #tpu.memory_space<hbm>> -> memref<16x128xi32, #tpu.memory_space<hbm>>
        tpu.enqueue_dma source(%dma_start3A_368 : memref<16x128xi32, #tpu.memory_space<hbm>>) target(%arg8 : memref<16x128xi32, #tpu.memory_space<vmem>>) target_semaphore(%run_scoped3A_364 : memref<!tpu.dma_semaphore, #tpu.memory_space<semaphore_mem>>)
        %dma_wait3A_369 = arith.constant 0 : i32
        %dma_wait3A_370 = tpu.memref_slice %arg4[%add3A_29, %dma_wait3A_369] : memref<2560x128xi32, #tpu.memory_space<hbm>> -> memref<16x128xi32, #tpu.memory_space<hbm>>
        %dma_wait3A_371 = arith.constant 0 : i32
        %dma_wait3A_372 = tpu.memref_slice %arg4[%add3A_29, %dma_wait3A_371] : memref<2560x128xi32, #tpu.memory_space<hbm>> -> memref<16x128xi32, #tpu.memory_space<hbm>>
        tpu.wait_dma2 semaphore(%run_scoped3A_364 : memref<!tpu.dma_semaphore, #tpu.memory_space<semaphore_mem>>) src(%dma_wait3A_372 : memref<16x128xi32, #tpu.memory_space<hbm>>) dst(%arg8 : memref<16x128xi32, #tpu.memory_space<vmem>>)
        tpu.yield
      }) : () -> ()
      %dma_start3A = arith.constant 0 : i32
      %dma_start3A_30 = arith.constant 0 : i32
      %dma_start3A_31 = arith.constant 0 : i32
      %dma_start3A_32 = tpu.memref_slice %arg9[%dma_start3A_30, %dma_start3A_31] : memref<256x128xf32, #tpu.memory_space<vmem>> -> memref<128x128xf32, #tpu.memory_space<vmem>>
      %dma_start3A_33 = arith.constant 0 : i32
      %dma_start3A_34 = tpu.memref_slice %arg7[%dma_start3A, %dma_start3A_33] : memref<16x128xi32, #tpu.memory_space<vmem>> -> memref<1x128xi32, #tpu.memory_space<vmem>>
      %dma_start3A_35 = tpu.memref_squeeze %dma_start3A_34 : memref<1x128xi32, #tpu.memory_space<vmem>> -> memref<128xi32, #tpu.memory_space<vmem>>
      %dma_start3A_36 = arith.constant 0 : i32
      %dma_start3A_37 = arith.constant 0 : i32
      %dma_start3A_38 = tpu.memref_slice %arg2[%dma_start3A_36, %dma_start3A_37] : memref<10008x128xf32, #tpu.memory_space<hbm>> -> memref<10008x128xf32, #tpu.memory_space<hbm>>
      tpu.enqueue_indirect_dma source(%dma_start3A_38 : memref<10008x128xf32, #tpu.memory_space<hbm>>) target(%dma_start3A_32 : memref<128x128xf32, #tpu.memory_space<vmem>>) offsets(%dma_start3A_35 : memref<128xi32, #tpu.memory_space<vmem>>) semaphore(%arg11 : memref<!tpu.dma_semaphore, #tpu.memory_space<semaphore_mem>>)
      %dma_start3A_39 = arith.constant 1 : i32
      %dma_start3A_40 = arith.constant 128 : i32
      %dma_start3A_41 = arith.constant 0 : i32
      %dma_start3A_42 = tpu.memref_slice %arg9[%dma_start3A_40, %dma_start3A_41] : memref<256x128xf32, #tpu.memory_space<vmem>> -> memref<128x128xf32, #tpu.memory_space<vmem>>
      %dma_start3A_43 = arith.constant 0 : i32
      %dma_start3A_44 = tpu.memref_slice %arg7[%dma_start3A_39, %dma_start3A_43] : memref<16x128xi32, #tpu.memory_space<vmem>> -> memref<1x128xi32, #tpu.memory_space<vmem>>
      %dma_start3A_45 = tpu.memref_squeeze %dma_start3A_44 : memref<1x128xi32, #tpu.memory_space<vmem>> -> memref<128xi32, #tpu.memory_space<vmem>>
      %dma_start3A_46 = arith.constant 0 : i32
      %dma_start3A_47 = arith.constant 0 : i32
      %dma_start3A_48 = tpu.memref_slice %arg2[%dma_start3A_46, %dma_start3A_47] : memref<10008x128xf32, #tpu.memory_space<hbm>> -> memref<10008x128xf32, #tpu.memory_space<hbm>>
      tpu.enqueue_indirect_dma source(%dma_start3A_48 : memref<10008x128xf32, #tpu.memory_space<hbm>>) target(%dma_start3A_42 : memref<128x128xf32, #tpu.memory_space<vmem>>) offsets(%dma_start3A_45 : memref<128xi32, #tpu.memory_space<vmem>>) semaphore(%arg12 : memref<!tpu.dma_semaphore, #tpu.memory_space<semaphore_mem>>)
      %dma_wait3A = arith.constant 0 : i32
      %dma_wait3A_49 = arith.constant 0 : i32
      %dma_wait3A_50 = arith.constant 0 : i32
      %dma_wait3A_51 = tpu.memref_slice %arg9[%dma_wait3A_49, %dma_wait3A_50] : memref<256x128xf32, #tpu.memory_space<vmem>> -> memref<128x128xf32, #tpu.memory_space<vmem>>
      %dma_wait3A_52 = arith.constant 0 : i32
      %dma_wait3A_53 = tpu.memref_slice %arg7[%dma_wait3A, %dma_wait3A_52] : memref<16x128xi32, #tpu.memory_space<vmem>> -> memref<1x128xi32, #tpu.memory_space<vmem>>
      %dma_wait3A_54 = tpu.memref_squeeze %dma_wait3A_53 : memref<1x128xi32, #tpu.memory_space<vmem>> -> memref<128xi32, #tpu.memory_space<vmem>>
      %dma_wait3A_55 = arith.constant 0 : i32
      %dma_wait3A_56 = arith.constant 0 : i32
      %dma_wait3A_57 = tpu.memref_slice %arg2[%dma_wait3A_55, %dma_wait3A_56] : memref<10008x128xf32, #tpu.memory_space<hbm>> -> memref<10008x128xf32, #tpu.memory_space<hbm>>
      tpu.wait_indirect_dma semaphore(%arg11 : memref<!tpu.dma_semaphore, #tpu.memory_space<semaphore_mem>>) src(%dma_wait3A_57 : memref<10008x128xf32, #tpu.memory_space<hbm>>) dst(%dma_wait3A_51 : memref<128x128xf32, #tpu.memory_space<vmem>>)
      %dma_wait3A_58 = arith.constant 1 : i32
      %dma_wait3A_59 = arith.constant 128 : i32
      %dma_wait3A_60 = arith.constant 0 : i32
      %dma_wait3A_61 = tpu.memref_slice %arg9[%dma_wait3A_59, %dma_wait3A_60] : memref<256x128xf32, #tpu.memory_space<vmem>> -> memref<128x128xf32, #tpu.memory_space<vmem>>
      %dma_wait3A_62 = arith.constant 0 : i32
      %dma_wait3A_63 = tpu.memref_slice %arg7[%dma_wait3A_58, %dma_wait3A_62] : memref<16x128xi32, #tpu.memory_space<vmem>> -> memref<1x128xi32, #tpu.memory_space<vmem>>
      %dma_wait3A_64 = tpu.memref_squeeze %dma_wait3A_63 : memref<1x128xi32, #tpu.memory_space<vmem>> -> memref<128xi32, #tpu.memory_space<vmem>>
      %dma_wait3A_65 = arith.constant 0 : i32
      %dma_wait3A_66 = arith.constant 0 : i32
      %dma_wait3A_67 = tpu.memref_slice %arg2[%dma_wait3A_65, %dma_wait3A_66] : memref<10008x128xf32, #tpu.memory_space<hbm>> -> memref<10008x128xf32, #tpu.memory_space<hbm>>
      tpu.wait_indirect_dma semaphore(%arg12 : memref<!tpu.dma_semaphore, #tpu.memory_space<semaphore_mem>>) src(%dma_wait3A_67 : memref<10008x128xf32, #tpu.memory_space<hbm>>) dst(%dma_wait3A_61 : memref<128x128xf32, #tpu.memory_space<vmem>>)
      %run_scoped3A = arith.constant 0 : i32
      "tpu.region"() ({
        %run_scoped3A_364 = tpu.sem_alloc : memref<!tpu.dma_semaphore, #tpu.memory_space<semaphore_mem>>
        %dma_start3A_365 = arith.constant 0 : i32
        %dma_start3A_366 = arith.constant 0 : i32
        %dma_start3A_367 = tpu.memref_slice %arg9[%dma_start3A_365, %dma_start3A_366] : memref<256x128xf32, #tpu.memory_space<vmem>> -> memref<128x128xf32, #tpu.memory_space<vmem>>
        %dma_start3A_368 = arith.constant 0 : i32
        %dma_start3A_369 = tpu.memref_slice %arg8[%run_scoped3A, %dma_start3A_368] : memref<16x128xi32, #tpu.memory_space<vmem>> -> memref<1x128xi32, #tpu.memory_space<vmem>>
        %dma_start3A_370 = tpu.memref_squeeze %dma_start3A_369 : memref<1x128xi32, #tpu.memory_space<vmem>> -> memref<128xi32, #tpu.memory_space<vmem>>
        %dma_start3A_371 = arith.constant 0 : i32
        %dma_start3A_372 = arith.constant 0 : i32
        %dma_start3A_373 = tpu.memref_slice %arg10[%dma_start3A_371, %dma_start3A_372] : memref<10008x128xf32, #tpu.memory_space<vmem_shared>> -> memref<10008x128xf32, #tpu.memory_space<vmem_shared>>
        tpu.enqueue_indirect_dma source(%dma_start3A_367 : memref<128x128xf32, #tpu.memory_space<vmem>>) target(%dma_start3A_373 : memref<10008x128xf32, #tpu.memory_space<vmem_shared>>) offsets(%dma_start3A_370 : memref<128xi32, #tpu.memory_space<vmem>>) semaphore(%run_scoped3A_364 : memref<!tpu.dma_semaphore, #tpu.memory_space<semaphore_mem>>) {add = true}
        %dma_wait3A_374 = arith.constant 0 : i32
        %dma_wait3A_375 = arith.constant 0 : i32
        %dma_wait3A_376 = tpu.memref_slice %arg9[%dma_wait3A_374, %dma_wait3A_375] : memref<256x128xf32, #tpu.memory_space<vmem>> -> memref<128x128xf32, #tpu.memory_space<vmem>>
        %dma_wait3A_377 = arith.constant 0 : i32
        %dma_wait3A_378 = tpu.memref_slice %arg8[%run_scoped3A, %dma_wait3A_377] : memref<16x128xi32, #tpu.memory_space<vmem>> -> memref<1x128xi32, #tpu.memory_space<vmem>>
        %dma_wait3A_379 = tpu.memref_squeeze %dma_wait3A_378 : memref<1x128xi32, #tpu.memory_space<vmem>> -> memref<128xi32, #tpu.memory_space<vmem>>
        %dma_wait3A_380 = arith.constant 0 : i32
        %dma_wait3A_381 = arith.constant 0 : i32
        %dma_wait3A_382 = tpu.memref_slice %arg10[%dma_wait3A_380, %dma_wait3A_381] : memref<10008x128xf32, #tpu.memory_space<vmem_shared>> -> memref<10008x128xf32, #tpu.memory_space<vmem_shared>>
        tpu.wait_indirect_dma semaphore(%run_scoped3A_364 : memref<!tpu.dma_semaphore, #tpu.memory_space<semaphore_mem>>) src(%dma_wait3A_376 : memref<128x128xf32, #tpu.memory_space<vmem>>) dst(%dma_wait3A_382 : memref<10008x128xf32, #tpu.memory_space<vmem_shared>>)
        tpu.yield
      }) : () -> ()
      %run_scoped3A_68 = arith.constant 1 : i32
      "tpu.region"() ({
        %run_scoped3A_364 = tpu.sem_alloc : memref<!tpu.dma_semaphore, #tpu.memory_space<semaphore_mem>>
        %dma_start3A_365 = arith.constant 128 : i32
        %dma_start3A_366 = arith.constant 0 : i32
        %dma_start3A_367 = tpu.memref_slice %arg9[%dma_start3A_365, %dma_start3A_366] : memref<256x128xf32, #tpu.memory_space<vmem>> -> memref<128x128xf32, #tpu.memory_space<vmem>>
        %dma_start3A_368 = arith.constant 0 : i32
        %dma_start3A_369 = tpu.memref_slice %arg8[%run_scoped3A_68, %dma_start3A_368] : memref<16x128xi32, #tpu.memory_space<vmem>> -> memref<1x128xi32, #tpu.memory_space<vmem>>
        %dma_start3A_370 = tpu.memref_squeeze %dma_start3A_369 : memref<1x128xi32, #tpu.memory_space<vmem>> -> memref<128xi32, #tpu.memory_space<vmem>>
        %dma_start3A_371 = arith.constant 0 : i32
        %dma_start3A_372 = arith.constant 0 : i32
        %dma_start3A_373 = tpu.memref_slice %arg10[%dma_start3A_371, %dma_start3A_372] : memref<10008x128xf32, #tpu.memory_space<vmem_shared>> -> memref<10008x128xf32, #tpu.memory_space<vmem_shared>>
        tpu.enqueue_indirect_dma source(%dma_start3A_367 : memref<128x128xf32, #tpu.memory_space<vmem>>) target(%dma_start3A_373 : memref<10008x128xf32, #tpu.memory_space<vmem_shared>>) offsets(%dma_start3A_370 : memref<128xi32, #tpu.memory_space<vmem>>) semaphore(%run_scoped3A_364 : memref<!tpu.dma_semaphore, #tpu.memory_space<semaphore_mem>>) {add = true}
        %dma_wait3A_374 = arith.constant 128 : i32
        %dma_wait3A_375 = arith.constant 0 : i32
        %dma_wait3A_376 = tpu.memref_slice %arg9[%dma_wait3A_374, %dma_wait3A_375] : memref<256x128xf32, #tpu.memory_space<vmem>> -> memref<128x128xf32, #tpu.memory_space<vmem>>
        %dma_wait3A_377 = arith.constant 0 : i32
        %dma_wait3A_378 = tpu.memref_slice %arg8[%run_scoped3A_68, %dma_wait3A_377] : memref<16x128xi32, #tpu.memory_space<vmem>> -> memref<1x128xi32, #tpu.memory_space<vmem>>
        %dma_wait3A_379 = tpu.memref_squeeze %dma_wait3A_378 : memref<1x128xi32, #tpu.memory_space<vmem>> -> memref<128xi32, #tpu.memory_space<vmem>>
        %dma_wait3A_380 = arith.constant 0 : i32
        %dma_wait3A_381 = arith.constant 0 : i32
        %dma_wait3A_382 = tpu.memref_slice %arg10[%dma_wait3A_380, %dma_wait3A_381] : memref<10008x128xf32, #tpu.memory_space<vmem_shared>> -> memref<10008x128xf32, #tpu.memory_space<vmem_shared>>
        tpu.wait_indirect_dma semaphore(%run_scoped3A_364 : memref<!tpu.dma_semaphore, #tpu.memory_space<semaphore_mem>>) src(%dma_wait3A_376 : memref<128x128xf32, #tpu.memory_space<vmem>>) dst(%dma_wait3A_382 : memref<10008x128xf32, #tpu.memory_space<vmem_shared>>)
        tpu.yield
      }) : () -> ()
      %dma_start3A_69 = arith.constant 2 : i32
      %dma_start3A_70 = arith.constant 0 : i32
      %dma_start3A_71 = arith.constant 0 : i32
      %dma_start3A_72 = tpu.memref_slice %arg9[%dma_start3A_70, %dma_start3A_71] : memref<256x128xf32, #tpu.memory_space<vmem>> -> memref<128x128xf32, #tpu.memory_space<vmem>>
      %dma_start3A_73 = arith.constant 0 : i32
      %dma_start3A_74 = tpu.memref_slice %arg7[%dma_start3A_69, %dma_start3A_73] : memref<16x128xi32, #tpu.memory_space<vmem>> -> memref<1x128xi32, #tpu.memory_space<vmem>>
      %dma_start3A_75 = tpu.memref_squeeze %dma_start3A_74 : memref<1x128xi32, #tpu.memory_space<vmem>> -> memref<128xi32, #tpu.memory_space<vmem>>
      %dma_start3A_76 = arith.constant 0 : i32
      %dma_start3A_77 = arith.constant 0 : i32
      %dma_start3A_78 = tpu.memref_slice %arg2[%dma_start3A_76, %dma_start3A_77] : memref<10008x128xf32, #tpu.memory_space<hbm>> -> memref<10008x128xf32, #tpu.memory_space<hbm>>
      tpu.enqueue_indirect_dma source(%dma_start3A_78 : memref<10008x128xf32, #tpu.memory_space<hbm>>) target(%dma_start3A_72 : memref<128x128xf32, #tpu.memory_space<vmem>>) offsets(%dma_start3A_75 : memref<128xi32, #tpu.memory_space<vmem>>) semaphore(%arg11 : memref<!tpu.dma_semaphore, #tpu.memory_space<semaphore_mem>>)
      %dma_start3A_79 = arith.constant 3 : i32
      %dma_start3A_80 = arith.constant 128 : i32
      %dma_start3A_81 = arith.constant 0 : i32
      %dma_start3A_82 = tpu.memref_slice %arg9[%dma_start3A_80, %dma_start3A_81] : memref<256x128xf32, #tpu.memory_space<vmem>> -> memref<128x128xf32, #tpu.memory_space<vmem>>
      %dma_start3A_83 = arith.constant 0 : i32
      %dma_start3A_84 = tpu.memref_slice %arg7[%dma_start3A_79, %dma_start3A_83] : memref<16x128xi32, #tpu.memory_space<vmem>> -> memref<1x128xi32, #tpu.memory_space<vmem>>
      %dma_start3A_85 = tpu.memref_squeeze %dma_start3A_84 : memref<1x128xi32, #tpu.memory_space<vmem>> -> memref<128xi32, #tpu.memory_space<vmem>>
      %dma_start3A_86 = arith.constant 0 : i32
      %dma_start3A_87 = arith.constant 0 : i32
      %dma_start3A_88 = tpu.memref_slice %arg2[%dma_start3A_86, %dma_start3A_87] : memref<10008x128xf32, #tpu.memory_space<hbm>> -> memref<10008x128xf32, #tpu.memory_space<hbm>>
      tpu.enqueue_indirect_dma source(%dma_start3A_88 : memref<10008x128xf32, #tpu.memory_space<hbm>>) target(%dma_start3A_82 : memref<128x128xf32, #tpu.memory_space<vmem>>) offsets(%dma_start3A_85 : memref<128xi32, #tpu.memory_space<vmem>>) semaphore(%arg12 : memref<!tpu.dma_semaphore, #tpu.memory_space<semaphore_mem>>)
      %dma_wait3A_89 = arith.constant 2 : i32
      %dma_wait3A_90 = arith.constant 0 : i32
      %dma_wait3A_91 = arith.constant 0 : i32
      %dma_wait3A_92 = tpu.memref_slice %arg9[%dma_wait3A_90, %dma_wait3A_91] : memref<256x128xf32, #tpu.memory_space<vmem>> -> memref<128x128xf32, #tpu.memory_space<vmem>>
      %dma_wait3A_93 = arith.constant 0 : i32
      %dma_wait3A_94 = tpu.memref_slice %arg7[%dma_wait3A_89, %dma_wait3A_93] : memref<16x128xi32, #tpu.memory_space<vmem>> -> memref<1x128xi32, #tpu.memory_space<vmem>>
      %dma_wait3A_95 = tpu.memref_squeeze %dma_wait3A_94 : memref<1x128xi32, #tpu.memory_space<vmem>> -> memref<128xi32, #tpu.memory_space<vmem>>
      %dma_wait3A_96 = arith.constant 0 : i32
      %dma_wait3A_97 = arith.constant 0 : i32
      %dma_wait3A_98 = tpu.memref_slice %arg2[%dma_wait3A_96, %dma_wait3A_97] : memref<10008x128xf32, #tpu.memory_space<hbm>> -> memref<10008x128xf32, #tpu.memory_space<hbm>>
      tpu.wait_indirect_dma semaphore(%arg11 : memref<!tpu.dma_semaphore, #tpu.memory_space<semaphore_mem>>) src(%dma_wait3A_98 : memref<10008x128xf32, #tpu.memory_space<hbm>>) dst(%dma_wait3A_92 : memref<128x128xf32, #tpu.memory_space<vmem>>)
      %dma_wait3A_99 = arith.constant 3 : i32
      %dma_wait3A_100 = arith.constant 128 : i32
      %dma_wait3A_101 = arith.constant 0 : i32
      %dma_wait3A_102 = tpu.memref_slice %arg9[%dma_wait3A_100, %dma_wait3A_101] : memref<256x128xf32, #tpu.memory_space<vmem>> -> memref<128x128xf32, #tpu.memory_space<vmem>>
      %dma_wait3A_103 = arith.constant 0 : i32
      %dma_wait3A_104 = tpu.memref_slice %arg7[%dma_wait3A_99, %dma_wait3A_103] : memref<16x128xi32, #tpu.memory_space<vmem>> -> memref<1x128xi32, #tpu.memory_space<vmem>>
      %dma_wait3A_105 = tpu.memref_squeeze %dma_wait3A_104 : memref<1x128xi32, #tpu.memory_space<vmem>> -> memref<128xi32, #tpu.memory_space<vmem>>
      %dma_wait3A_106 = arith.constant 0 : i32
      %dma_wait3A_107 = arith.constant 0 : i32
      %dma_wait3A_108 = tpu.memref_slice %arg2[%dma_wait3A_106, %dma_wait3A_107] : memref<10008x128xf32, #tpu.memory_space<hbm>> -> memref<10008x128xf32, #tpu.memory_space<hbm>>
      tpu.wait_indirect_dma semaphore(%arg12 : memref<!tpu.dma_semaphore, #tpu.memory_space<semaphore_mem>>) src(%dma_wait3A_108 : memref<10008x128xf32, #tpu.memory_space<hbm>>) dst(%dma_wait3A_102 : memref<128x128xf32, #tpu.memory_space<vmem>>)
      %run_scoped3A_109 = arith.constant 2 : i32
      "tpu.region"() ({
        %run_scoped3A_364 = tpu.sem_alloc : memref<!tpu.dma_semaphore, #tpu.memory_space<semaphore_mem>>
        %dma_start3A_365 = arith.constant 0 : i32
        %dma_start3A_366 = arith.constant 0 : i32
        %dma_start3A_367 = tpu.memref_slice %arg9[%dma_start3A_365, %dma_start3A_366] : memref<256x128xf32, #tpu.memory_space<vmem>> -> memref<128x128xf32, #tpu.memory_space<vmem>>
        %dma_start3A_368 = arith.constant 0 : i32
        %dma_start3A_369 = tpu.memref_slice %arg8[%run_scoped3A_109, %dma_start3A_368] : memref<16x128xi32, #tpu.memory_space<vmem>> -> memref<1x128xi32, #tpu.memory_space<vmem>>
        %dma_start3A_370 = tpu.memref_squeeze %dma_start3A_369 : memref<1x128xi32, #tpu.memory_space<vmem>> -> memref<128xi32, #tpu.memory_space<vmem>>
        %dma_start3A_371 = arith.constant 0 : i32
        %dma_start3A_372 = arith.constant 0 : i32
        %dma_start3A_373 = tpu.memref_slice %arg10[%dma_start3A_371, %dma_start3A_372] : memref<10008x128xf32, #tpu.memory_space<vmem_shared>> -> memref<10008x128xf32, #tpu.memory_space<vmem_shared>>
        tpu.enqueue_indirect_dma source(%dma_start3A_367 : memref<128x128xf32, #tpu.memory_space<vmem>>) target(%dma_start3A_373 : memref<10008x128xf32, #tpu.memory_space<vmem_shared>>) offsets(%dma_start3A_370 : memref<128xi32, #tpu.memory_space<vmem>>) semaphore(%run_scoped3A_364 : memref<!tpu.dma_semaphore, #tpu.memory_space<semaphore_mem>>) {add = true}
        %dma_wait3A_374 = arith.constant 0 : i32
        %dma_wait3A_375 = arith.constant 0 : i32
        %dma_wait3A_376 = tpu.memref_slice %arg9[%dma_wait3A_374, %dma_wait3A_375] : memref<256x128xf32, #tpu.memory_space<vmem>> -> memref<128x128xf32, #tpu.memory_space<vmem>>
        %dma_wait3A_377 = arith.constant 0 : i32
        %dma_wait3A_378 = tpu.memref_slice %arg8[%run_scoped3A_109, %dma_wait3A_377] : memref<16x128xi32, #tpu.memory_space<vmem>> -> memref<1x128xi32, #tpu.memory_space<vmem>>
        %dma_wait3A_379 = tpu.memref_squeeze %dma_wait3A_378 : memref<1x128xi32, #tpu.memory_space<vmem>> -> memref<128xi32, #tpu.memory_space<vmem>>
        %dma_wait3A_380 = arith.constant 0 : i32
        %dma_wait3A_381 = arith.constant 0 : i32
        %dma_wait3A_382 = tpu.memref_slice %arg10[%dma_wait3A_380, %dma_wait3A_381] : memref<10008x128xf32, #tpu.memory_space<vmem_shared>> -> memref<10008x128xf32, #tpu.memory_space<vmem_shared>>
        tpu.wait_indirect_dma semaphore(%run_scoped3A_364 : memref<!tpu.dma_semaphore, #tpu.memory_space<semaphore_mem>>) src(%dma_wait3A_376 : memref<128x128xf32, #tpu.memory_space<vmem>>) dst(%dma_wait3A_382 : memref<10008x128xf32, #tpu.memory_space<vmem_shared>>)
        tpu.yield
      }) : () -> ()
      %run_scoped3A_110 = arith.constant 3 : i32
      "tpu.region"() ({
        %run_scoped3A_364 = tpu.sem_alloc : memref<!tpu.dma_semaphore, #tpu.memory_space<semaphore_mem>>
        %dma_start3A_365 = arith.constant 128 : i32
        %dma_start3A_366 = arith.constant 0 : i32
        %dma_start3A_367 = tpu.memref_slice %arg9[%dma_start3A_365, %dma_start3A_366] : memref<256x128xf32, #tpu.memory_space<vmem>> -> memref<128x128xf32, #tpu.memory_space<vmem>>
        %dma_start3A_368 = arith.constant 0 : i32
        %dma_start3A_369 = tpu.memref_slice %arg8[%run_scoped3A_110, %dma_start3A_368] : memref<16x128xi32, #tpu.memory_space<vmem>> -> memref<1x128xi32, #tpu.memory_space<vmem>>
        %dma_start3A_370 = tpu.memref_squeeze %dma_start3A_369 : memref<1x128xi32, #tpu.memory_space<vmem>> -> memref<128xi32, #tpu.memory_space<vmem>>
        %dma_start3A_371 = arith.constant 0 : i32
        %dma_start3A_372 = arith.constant 0 : i32
        %dma_start3A_373 = tpu.memref_slice %arg10[%dma_start3A_371, %dma_start3A_372] : memref<10008x128xf32, #tpu.memory_space<vmem_shared>> -> memref<10008x128xf32, #tpu.memory_space<vmem_shared>>
        tpu.enqueue_indirect_dma source(%dma_start3A_367 : memref<128x128xf32, #tpu.memory_space<vmem>>) target(%dma_start3A_373 : memref<10008x128xf32, #tpu.memory_space<vmem_shared>>) offsets(%dma_start3A_370 : memref<128xi32, #tpu.memory_space<vmem>>) semaphore(%run_scoped3A_364 : memref<!tpu.dma_semaphore, #tpu.memory_space<semaphore_mem>>) {add = true}
        %dma_wait3A_374 = arith.constant 128 : i32
        %dma_wait3A_375 = arith.constant 0 : i32
        %dma_wait3A_376 = tpu.memref_slice %arg9[%dma_wait3A_374, %dma_wait3A_375] : memref<256x128xf32, #tpu.memory_space<vmem>> -> memref<128x128xf32, #tpu.memory_space<vmem>>
        %dma_wait3A_377 = arith.constant 0 : i32
        %dma_wait3A_378 = tpu.memref_slice %arg8[%run_scoped3A_110, %dma_wait3A_377] : memref<16x128xi32, #tpu.memory_space<vmem>> -> memref<1x128xi32, #tpu.memory_space<vmem>>
        %dma_wait3A_379 = tpu.memref_squeeze %dma_wait3A_378 : memref<1x128xi32, #tpu.memory_space<vmem>> -> memref<128xi32, #tpu.memory_space<vmem>>
        %dma_wait3A_380 = arith.constant 0 : i32
        %dma_wait3A_381 = arith.constant 0 : i32
        %dma_wait3A_382 = tpu.memref_slice %arg10[%dma_wait3A_380, %dma_wait3A_381] : memref<10008x128xf32, #tpu.memory_space<vmem_shared>> -> memref<10008x128xf32, #tpu.memory_space<vmem_shared>>
        tpu.wait_indirect_dma semaphore(%run_scoped3A_364 : memref<!tpu.dma_semaphore, #tpu.memory_space<semaphore_mem>>) src(%dma_wait3A_376 : memref<128x128xf32, #tpu.memory_space<vmem>>) dst(%dma_wait3A_382 : memref<10008x128xf32, #tpu.memory_space<vmem_shared>>)
        tpu.yield
      }) : () -> ()
      %dma_start3A_111 = arith.constant 4 : i32
      %dma_start3A_112 = arith.constant 0 : i32
      %dma_start3A_113 = arith.constant 0 : i32
      %dma_start3A_114 = tpu.memref_slice %arg9[%dma_start3A_112, %dma_start3A_113] : memref<256x128xf32, #tpu.memory_space<vmem>> -> memref<128x128xf32, #tpu.memory_space<vmem>>
      %dma_start3A_115 = arith.constant 0 : i32
      %dma_start3A_116 = tpu.memref_slice %arg7[%dma_start3A_111, %dma_start3A_115] : memref<16x128xi32, #tpu.memory_space<vmem>> -> memref<1x128xi32, #tpu.memory_space<vmem>>
      %dma_start3A_117 = tpu.memref_squeeze %dma_start3A_116 : memref<1x128xi32, #tpu.memory_space<vmem>> -> memref<128xi32, #tpu.memory_space<vmem>>
      %dma_start3A_118 = arith.constant 0 : i32
      %dma_start3A_119 = arith.constant 0 : i32
      %dma_start3A_120 = tpu.memref_slice %arg2[%dma_start3A_118, %dma_start3A_119] : memref<10008x128xf32, #tpu.memory_space<hbm>> -> memref<10008x128xf32, #tpu.memory_space<hbm>>
      tpu.enqueue_indirect_dma source(%dma_start3A_120 : memref<10008x128xf32, #tpu.memory_space<hbm>>) target(%dma_start3A_114 : memref<128x128xf32, #tpu.memory_space<vmem>>) offsets(%dma_start3A_117 : memref<128xi32, #tpu.memory_space<vmem>>) semaphore(%arg11 : memref<!tpu.dma_semaphore, #tpu.memory_space<semaphore_mem>>)
      %dma_start3A_121 = arith.constant 5 : i32
      %dma_start3A_122 = arith.constant 128 : i32
      %dma_start3A_123 = arith.constant 0 : i32
      %dma_start3A_124 = tpu.memref_slice %arg9[%dma_start3A_122, %dma_start3A_123] : memref<256x128xf32, #tpu.memory_space<vmem>> -> memref<128x128xf32, #tpu.memory_space<vmem>>
      %dma_start3A_125 = arith.constant 0 : i32
      %dma_start3A_126 = tpu.memref_slice %arg7[%dma_start3A_121, %dma_start3A_125] : memref<16x128xi32, #tpu.memory_space<vmem>> -> memref<1x128xi32, #tpu.memory_space<vmem>>
      %dma_start3A_127 = tpu.memref_squeeze %dma_start3A_126 : memref<1x128xi32, #tpu.memory_space<vmem>> -> memref<128xi32, #tpu.memory_space<vmem>>
      %dma_start3A_128 = arith.constant 0 : i32
      %dma_start3A_129 = arith.constant 0 : i32
      %dma_start3A_130 = tpu.memref_slice %arg2[%dma_start3A_128, %dma_start3A_129] : memref<10008x128xf32, #tpu.memory_space<hbm>> -> memref<10008x128xf32, #tpu.memory_space<hbm>>
      tpu.enqueue_indirect_dma source(%dma_start3A_130 : memref<10008x128xf32, #tpu.memory_space<hbm>>) target(%dma_start3A_124 : memref<128x128xf32, #tpu.memory_space<vmem>>) offsets(%dma_start3A_127 : memref<128xi32, #tpu.memory_space<vmem>>) semaphore(%arg12 : memref<!tpu.dma_semaphore, #tpu.memory_space<semaphore_mem>>)
      %dma_wait3A_131 = arith.constant 4 : i32
      %dma_wait3A_132 = arith.constant 0 : i32
      %dma_wait3A_133 = arith.constant 0 : i32
      %dma_wait3A_134 = tpu.memref_slice %arg9[%dma_wait3A_132, %dma_wait3A_133] : memref<256x128xf32, #tpu.memory_space<vmem>> -> memref<128x128xf32, #tpu.memory_space<vmem>>
      %dma_wait3A_135 = arith.constant 0 : i32
      %dma_wait3A_136 = tpu.memref_slice %arg7[%dma_wait3A_131, %dma_wait3A_135] : memref<16x128xi32, #tpu.memory_space<vmem>> -> memref<1x128xi32, #tpu.memory_space<vmem>>
      %dma_wait3A_137 = tpu.memref_squeeze %dma_wait3A_136 : memref<1x128xi32, #tpu.memory_space<vmem>> -> memref<128xi32, #tpu.memory_space<vmem>>
      %dma_wait3A_138 = arith.constant 0 : i32
      %dma_wait3A_139 = arith.constant 0 : i32
      %dma_wait3A_140 = tpu.memref_slice %arg2[%dma_wait3A_138, %dma_wait3A_139] : memref<10008x128xf32, #tpu.memory_space<hbm>> -> memref<10008x128xf32, #tpu.memory_space<hbm>>
      tpu.wait_indirect_dma semaphore(%arg11 : memref<!tpu.dma_semaphore, #tpu.memory_space<semaphore_mem>>) src(%dma_wait3A_140 : memref<10008x128xf32, #tpu.memory_space<hbm>>) dst(%dma_wait3A_134 : memref<128x128xf32, #tpu.memory_space<vmem>>)
      %dma_wait3A_141 = arith.constant 5 : i32
      %dma_wait3A_142 = arith.constant 128 : i32
      %dma_wait3A_143 = arith.constant 0 : i32
      %dma_wait3A_144 = tpu.memref_slice %arg9[%dma_wait3A_142, %dma_wait3A_143] : memref<256x128xf32, #tpu.memory_space<vmem>> -> memref<128x128xf32, #tpu.memory_space<vmem>>
      %dma_wait3A_145 = arith.constant 0 : i32
      %dma_wait3A_146 = tpu.memref_slice %arg7[%dma_wait3A_141, %dma_wait3A_145] : memref<16x128xi32, #tpu.memory_space<vmem>> -> memref<1x128xi32, #tpu.memory_space<vmem>>
      %dma_wait3A_147 = tpu.memref_squeeze %dma_wait3A_146 : memref<1x128xi32, #tpu.memory_space<vmem>> -> memref<128xi32, #tpu.memory_space<vmem>>
      %dma_wait3A_148 = arith.constant 0 : i32
      %dma_wait3A_149 = arith.constant 0 : i32
      %dma_wait3A_150 = tpu.memref_slice %arg2[%dma_wait3A_148, %dma_wait3A_149] : memref<10008x128xf32, #tpu.memory_space<hbm>> -> memref<10008x128xf32, #tpu.memory_space<hbm>>
      tpu.wait_indirect_dma semaphore(%arg12 : memref<!tpu.dma_semaphore, #tpu.memory_space<semaphore_mem>>) src(%dma_wait3A_150 : memref<10008x128xf32, #tpu.memory_space<hbm>>) dst(%dma_wait3A_144 : memref<128x128xf32, #tpu.memory_space<vmem>>)
      %run_scoped3A_151 = arith.constant 4 : i32
      "tpu.region"() ({
        %run_scoped3A_364 = tpu.sem_alloc : memref<!tpu.dma_semaphore, #tpu.memory_space<semaphore_mem>>
        %dma_start3A_365 = arith.constant 0 : i32
        %dma_start3A_366 = arith.constant 0 : i32
        %dma_start3A_367 = tpu.memref_slice %arg9[%dma_start3A_365, %dma_start3A_366] : memref<256x128xf32, #tpu.memory_space<vmem>> -> memref<128x128xf32, #tpu.memory_space<vmem>>
        %dma_start3A_368 = arith.constant 0 : i32
        %dma_start3A_369 = tpu.memref_slice %arg8[%run_scoped3A_151, %dma_start3A_368] : memref<16x128xi32, #tpu.memory_space<vmem>> -> memref<1x128xi32, #tpu.memory_space<vmem>>
        %dma_start3A_370 = tpu.memref_squeeze %dma_start3A_369 : memref<1x128xi32, #tpu.memory_space<vmem>> -> memref<128xi32, #tpu.memory_space<vmem>>
        %dma_start3A_371 = arith.constant 0 : i32
        %dma_start3A_372 = arith.constant 0 : i32
        %dma_start3A_373 = tpu.memref_slice %arg10[%dma_start3A_371, %dma_start3A_372] : memref<10008x128xf32, #tpu.memory_space<vmem_shared>> -> memref<10008x128xf32, #tpu.memory_space<vmem_shared>>
        tpu.enqueue_indirect_dma source(%dma_start3A_367 : memref<128x128xf32, #tpu.memory_space<vmem>>) target(%dma_start3A_373 : memref<10008x128xf32, #tpu.memory_space<vmem_shared>>) offsets(%dma_start3A_370 : memref<128xi32, #tpu.memory_space<vmem>>) semaphore(%run_scoped3A_364 : memref<!tpu.dma_semaphore, #tpu.memory_space<semaphore_mem>>) {add = true}
        %dma_wait3A_374 = arith.constant 0 : i32
        %dma_wait3A_375 = arith.constant 0 : i32
        %dma_wait3A_376 = tpu.memref_slice %arg9[%dma_wait3A_374, %dma_wait3A_375] : memref<256x128xf32, #tpu.memory_space<vmem>> -> memref<128x128xf32, #tpu.memory_space<vmem>>
        %dma_wait3A_377 = arith.constant 0 : i32
        %dma_wait3A_378 = tpu.memref_slice %arg8[%run_scoped3A_151, %dma_wait3A_377] : memref<16x128xi32, #tpu.memory_space<vmem>> -> memref<1x128xi32, #tpu.memory_space<vmem>>
        %dma_wait3A_379 = tpu.memref_squeeze %dma_wait3A_378 : memref<1x128xi32, #tpu.memory_space<vmem>> -> memref<128xi32, #tpu.memory_space<vmem>>
        %dma_wait3A_380 = arith.constant 0 : i32
        %dma_wait3A_381 = arith.constant 0 : i32
        %dma_wait3A_382 = tpu.memref_slice %arg10[%dma_wait3A_380, %dma_wait3A_381] : memref<10008x128xf32, #tpu.memory_space<vmem_shared>> -> memref<10008x128xf32, #tpu.memory_space<vmem_shared>>
        tpu.wait_indirect_dma semaphore(%run_scoped3A_364 : memref<!tpu.dma_semaphore, #tpu.memory_space<semaphore_mem>>) src(%dma_wait3A_376 : memref<128x128xf32, #tpu.memory_space<vmem>>) dst(%dma_wait3A_382 : memref<10008x128xf32, #tpu.memory_space<vmem_shared>>)
        tpu.yield
      }) : () -> ()
      %run_scoped3A_152 = arith.constant 5 : i32
      "tpu.region"() ({
        %run_scoped3A_364 = tpu.sem_alloc : memref<!tpu.dma_semaphore, #tpu.memory_space<semaphore_mem>>
        %dma_start3A_365 = arith.constant 128 : i32
        %dma_start3A_366 = arith.constant 0 : i32
        %dma_start3A_367 = tpu.memref_slice %arg9[%dma_start3A_365, %dma_start3A_366] : memref<256x128xf32, #tpu.memory_space<vmem>> -> memref<128x128xf32, #tpu.memory_space<vmem>>
        %dma_start3A_368 = arith.constant 0 : i32
        %dma_start3A_369 = tpu.memref_slice %arg8[%run_scoped3A_152, %dma_start3A_368] : memref<16x128xi32, #tpu.memory_space<vmem>> -> memref<1x128xi32, #tpu.memory_space<vmem>>
        %dma_start3A_370 = tpu.memref_squeeze %dma_start3A_369 : memref<1x128xi32, #tpu.memory_space<vmem>> -> memref<128xi32, #tpu.memory_space<vmem>>
        %dma_start3A_371 = arith.constant 0 : i32
        %dma_start3A_372 = arith.constant 0 : i32
        %dma_start3A_373 = tpu.memref_slice %arg10[%dma_start3A_371, %dma_start3A_372] : memref<10008x128xf32, #tpu.memory_space<vmem_shared>> -> memref<10008x128xf32, #tpu.memory_space<vmem_shared>>
        tpu.enqueue_indirect_dma source(%dma_start3A_367 : memref<128x128xf32, #tpu.memory_space<vmem>>) target(%dma_start3A_373 : memref<10008x128xf32, #tpu.memory_space<vmem_shared>>) offsets(%dma_start3A_370 : memref<128xi32, #tpu.memory_space<vmem>>) semaphore(%run_scoped3A_364 : memref<!tpu.dma_semaphore, #tpu.memory_space<semaphore_mem>>) {add = true}
        %dma_wait3A_374 = arith.constant 128 : i32
        %dma_wait3A_375 = arith.constant 0 : i32
        %dma_wait3A_376 = tpu.memref_slice %arg9[%dma_wait3A_374, %dma_wait3A_375] : memref<256x128xf32, #tpu.memory_space<vmem>> -> memref<128x128xf32, #tpu.memory_space<vmem>>
        %dma_wait3A_377 = arith.constant 0 : i32
        %dma_wait3A_378 = tpu.memref_slice %arg8[%run_scoped3A_152, %dma_wait3A_377] : memref<16x128xi32, #tpu.memory_space<vmem>> -> memref<1x128xi32, #tpu.memory_space<vmem>>
        %dma_wait3A_379 = tpu.memref_squeeze %dma_wait3A_378 : memref<1x128xi32, #tpu.memory_space<vmem>> -> memref<128xi32, #tpu.memory_space<vmem>>
        %dma_wait3A_380 = arith.constant 0 : i32
        %dma_wait3A_381 = arith.constant 0 : i32
        %dma_wait3A_382 = tpu.memref_slice %arg10[%dma_wait3A_380, %dma_wait3A_381] : memref<10008x128xf32, #tpu.memory_space<vmem_shared>> -> memref<10008x128xf32, #tpu.memory_space<vmem_shared>>
        tpu.wait_indirect_dma semaphore(%run_scoped3A_364 : memref<!tpu.dma_semaphore, #tpu.memory_space<semaphore_mem>>) src(%dma_wait3A_376 : memref<128x128xf32, #tpu.memory_space<vmem>>) dst(%dma_wait3A_382 : memref<10008x128xf32, #tpu.memory_space<vmem_shared>>)
        tpu.yield
      }) : () -> ()
      %dma_start3A_153 = arith.constant 6 : i32
      %dma_start3A_154 = arith.constant 0 : i32
      %dma_start3A_155 = arith.constant 0 : i32
      %dma_start3A_156 = tpu.memref_slice %arg9[%dma_start3A_154, %dma_start3A_155] : memref<256x128xf32, #tpu.memory_space<vmem>> -> memref<128x128xf32, #tpu.memory_space<vmem>>
      %dma_start3A_157 = arith.constant 0 : i32
      %dma_start3A_158 = tpu.memref_slice %arg7[%dma_start3A_153, %dma_start3A_157] : memref<16x128xi32, #tpu.memory_space<vmem>> -> memref<1x128xi32, #tpu.memory_space<vmem>>
      %dma_start3A_159 = tpu.memref_squeeze %dma_start3A_158 : memref<1x128xi32, #tpu.memory_space<vmem>> -> memref<128xi32, #tpu.memory_space<vmem>>
      %dma_start3A_160 = arith.constant 0 : i32
      %dma_start3A_161 = arith.constant 0 : i32
      %dma_start3A_162 = tpu.memref_slice %arg2[%dma_start3A_160, %dma_start3A_161] : memref<10008x128xf32, #tpu.memory_space<hbm>> -> memref<10008x128xf32, #tpu.memory_space<hbm>>
      tpu.enqueue_indirect_dma source(%dma_start3A_162 : memref<10008x128xf32, #tpu.memory_space<hbm>>) target(%dma_start3A_156 : memref<128x128xf32, #tpu.memory_space<vmem>>) offsets(%dma_start3A_159 : memref<128xi32, #tpu.memory_space<vmem>>) semaphore(%arg11 : memref<!tpu.dma_semaphore, #tpu.memory_space<semaphore_mem>>)
      %dma_start3A_163 = arith.constant 7 : i32
      %dma_start3A_164 = arith.constant 128 : i32
      %dma_start3A_165 = arith.constant 0 : i32
      %dma_start3A_166 = tpu.memref_slice %arg9[%dma_start3A_164, %dma_start3A_165] : memref<256x128xf32, #tpu.memory_space<vmem>> -> memref<128x128xf32, #tpu.memory_space<vmem>>
      %dma_start3A_167 = arith.constant 0 : i32
      %dma_start3A_168 = tpu.memref_slice %arg7[%dma_start3A_163, %dma_start3A_167] : memref<16x128xi32, #tpu.memory_space<vmem>> -> memref<1x128xi32, #tpu.memory_space<vmem>>
      %dma_start3A_169 = tpu.memref_squeeze %dma_start3A_168 : memref<1x128xi32, #tpu.memory_space<vmem>> -> memref<128xi32, #tpu.memory_space<vmem>>
      %dma_start3A_170 = arith.constant 0 : i32
      %dma_start3A_171 = arith.constant 0 : i32
      %dma_start3A_172 = tpu.memref_slice %arg2[%dma_start3A_170, %dma_start3A_171] : memref<10008x128xf32, #tpu.memory_space<hbm>> -> memref<10008x128xf32, #tpu.memory_space<hbm>>
      tpu.enqueue_indirect_dma source(%dma_start3A_172 : memref<10008x128xf32, #tpu.memory_space<hbm>>) target(%dma_start3A_166 : memref<128x128xf32, #tpu.memory_space<vmem>>) offsets(%dma_start3A_169 : memref<128xi32, #tpu.memory_space<vmem>>) semaphore(%arg12 : memref<!tpu.dma_semaphore, #tpu.memory_space<semaphore_mem>>)
      %dma_wait3A_173 = arith.constant 6 : i32
      %dma_wait3A_174 = arith.constant 0 : i32
      %dma_wait3A_175 = arith.constant 0 : i32
      %dma_wait3A_176 = tpu.memref_slice %arg9[%dma_wait3A_174, %dma_wait3A_175] : memref<256x128xf32, #tpu.memory_space<vmem>> -> memref<128x128xf32, #tpu.memory_space<vmem>>
      %dma_wait3A_177 = arith.constant 0 : i32
      %dma_wait3A_178 = tpu.memref_slice %arg7[%dma_wait3A_173, %dma_wait3A_177] : memref<16x128xi32, #tpu.memory_space<vmem>> -> memref<1x128xi32, #tpu.memory_space<vmem>>
      %dma_wait3A_179 = tpu.memref_squeeze %dma_wait3A_178 : memref<1x128xi32, #tpu.memory_space<vmem>> -> memref<128xi32, #tpu.memory_space<vmem>>
      %dma_wait3A_180 = arith.constant 0 : i32
      %dma_wait3A_181 = arith.constant 0 : i32
      %dma_wait3A_182 = tpu.memref_slice %arg2[%dma_wait3A_180, %dma_wait3A_181] : memref<10008x128xf32, #tpu.memory_space<hbm>> -> memref<10008x128xf32, #tpu.memory_space<hbm>>
      tpu.wait_indirect_dma semaphore(%arg11 : memref<!tpu.dma_semaphore, #tpu.memory_space<semaphore_mem>>) src(%dma_wait3A_182 : memref<10008x128xf32, #tpu.memory_space<hbm>>) dst(%dma_wait3A_176 : memref<128x128xf32, #tpu.memory_space<vmem>>)
      %dma_wait3A_183 = arith.constant 7 : i32
      %dma_wait3A_184 = arith.constant 128 : i32
      %dma_wait3A_185 = arith.constant 0 : i32
      %dma_wait3A_186 = tpu.memref_slice %arg9[%dma_wait3A_184, %dma_wait3A_185] : memref<256x128xf32, #tpu.memory_space<vmem>> -> memref<128x128xf32, #tpu.memory_space<vmem>>
      %dma_wait3A_187 = arith.constant 0 : i32
      %dma_wait3A_188 = tpu.memref_slice %arg7[%dma_wait3A_183, %dma_wait3A_187] : memref<16x128xi32, #tpu.memory_space<vmem>> -> memref<1x128xi32, #tpu.memory_space<vmem>>
      %dma_wait3A_189 = tpu.memref_squeeze %dma_wait3A_188 : memref<1x128xi32, #tpu.memory_space<vmem>> -> memref<128xi32, #tpu.memory_space<vmem>>
      %dma_wait3A_190 = arith.constant 0 : i32
      %dma_wait3A_191 = arith.constant 0 : i32
      %dma_wait3A_192 = tpu.memref_slice %arg2[%dma_wait3A_190, %dma_wait3A_191] : memref<10008x128xf32, #tpu.memory_space<hbm>> -> memref<10008x128xf32, #tpu.memory_space<hbm>>
      tpu.wait_indirect_dma semaphore(%arg12 : memref<!tpu.dma_semaphore, #tpu.memory_space<semaphore_mem>>) src(%dma_wait3A_192 : memref<10008x128xf32, #tpu.memory_space<hbm>>) dst(%dma_wait3A_186 : memref<128x128xf32, #tpu.memory_space<vmem>>)
      %run_scoped3A_193 = arith.constant 6 : i32
      "tpu.region"() ({
        %run_scoped3A_364 = tpu.sem_alloc : memref<!tpu.dma_semaphore, #tpu.memory_space<semaphore_mem>>
        %dma_start3A_365 = arith.constant 0 : i32
        %dma_start3A_366 = arith.constant 0 : i32
        %dma_start3A_367 = tpu.memref_slice %arg9[%dma_start3A_365, %dma_start3A_366] : memref<256x128xf32, #tpu.memory_space<vmem>> -> memref<128x128xf32, #tpu.memory_space<vmem>>
        %dma_start3A_368 = arith.constant 0 : i32
        %dma_start3A_369 = tpu.memref_slice %arg8[%run_scoped3A_193, %dma_start3A_368] : memref<16x128xi32, #tpu.memory_space<vmem>> -> memref<1x128xi32, #tpu.memory_space<vmem>>
        %dma_start3A_370 = tpu.memref_squeeze %dma_start3A_369 : memref<1x128xi32, #tpu.memory_space<vmem>> -> memref<128xi32, #tpu.memory_space<vmem>>
        %dma_start3A_371 = arith.constant 0 : i32
        %dma_start3A_372 = arith.constant 0 : i32
        %dma_start3A_373 = tpu.memref_slice %arg10[%dma_start3A_371, %dma_start3A_372] : memref<10008x128xf32, #tpu.memory_space<vmem_shared>> -> memref<10008x128xf32, #tpu.memory_space<vmem_shared>>
        tpu.enqueue_indirect_dma source(%dma_start3A_367 : memref<128x128xf32, #tpu.memory_space<vmem>>) target(%dma_start3A_373 : memref<10008x128xf32, #tpu.memory_space<vmem_shared>>) offsets(%dma_start3A_370 : memref<128xi32, #tpu.memory_space<vmem>>) semaphore(%run_scoped3A_364 : memref<!tpu.dma_semaphore, #tpu.memory_space<semaphore_mem>>) {add = true}
        %dma_wait3A_374 = arith.constant 0 : i32
        %dma_wait3A_375 = arith.constant 0 : i32
        %dma_wait3A_376 = tpu.memref_slice %arg9[%dma_wait3A_374, %dma_wait3A_375] : memref<256x128xf32, #tpu.memory_space<vmem>> -> memref<128x128xf32, #tpu.memory_space<vmem>>
        %dma_wait3A_377 = arith.constant 0 : i32
        %dma_wait3A_378 = tpu.memref_slice %arg8[%run_scoped3A_193, %dma_wait3A_377] : memref<16x128xi32, #tpu.memory_space<vmem>> -> memref<1x128xi32, #tpu.memory_space<vmem>>
        %dma_wait3A_379 = tpu.memref_squeeze %dma_wait3A_378 : memref<1x128xi32, #tpu.memory_space<vmem>> -> memref<128xi32, #tpu.memory_space<vmem>>
        %dma_wait3A_380 = arith.constant 0 : i32
        %dma_wait3A_381 = arith.constant 0 : i32
        %dma_wait3A_382 = tpu.memref_slice %arg10[%dma_wait3A_380, %dma_wait3A_381] : memref<10008x128xf32, #tpu.memory_space<vmem_shared>> -> memref<10008x128xf32, #tpu.memory_space<vmem_shared>>
        tpu.wait_indirect_dma semaphore(%run_scoped3A_364 : memref<!tpu.dma_semaphore, #tpu.memory_space<semaphore_mem>>) src(%dma_wait3A_376 : memref<128x128xf32, #tpu.memory_space<vmem>>) dst(%dma_wait3A_382 : memref<10008x128xf32, #tpu.memory_space<vmem_shared>>)
        tpu.yield
      }) : () -> ()
      %run_scoped3A_194 = arith.constant 7 : i32
      "tpu.region"() ({
        %run_scoped3A_364 = tpu.sem_alloc : memref<!tpu.dma_semaphore, #tpu.memory_space<semaphore_mem>>
        %dma_start3A_365 = arith.constant 128 : i32
        %dma_start3A_366 = arith.constant 0 : i32
        %dma_start3A_367 = tpu.memref_slice %arg9[%dma_start3A_365, %dma_start3A_366] : memref<256x128xf32, #tpu.memory_space<vmem>> -> memref<128x128xf32, #tpu.memory_space<vmem>>
        %dma_start3A_368 = arith.constant 0 : i32
        %dma_start3A_369 = tpu.memref_slice %arg8[%run_scoped3A_194, %dma_start3A_368] : memref<16x128xi32, #tpu.memory_space<vmem>> -> memref<1x128xi32, #tpu.memory_space<vmem>>
        %dma_start3A_370 = tpu.memref_squeeze %dma_start3A_369 : memref<1x128xi32, #tpu.memory_space<vmem>> -> memref<128xi32, #tpu.memory_space<vmem>>
        %dma_start3A_371 = arith.constant 0 : i32
        %dma_start3A_372 = arith.constant 0 : i32
        %dma_start3A_373 = tpu.memref_slice %arg10[%dma_start3A_371, %dma_start3A_372] : memref<10008x128xf32, #tpu.memory_space<vmem_shared>> -> memref<10008x128xf32, #tpu.memory_space<vmem_shared>>
        tpu.enqueue_indirect_dma source(%dma_start3A_367 : memref<128x128xf32, #tpu.memory_space<vmem>>) target(%dma_start3A_373 : memref<10008x128xf32, #tpu.memory_space<vmem_shared>>) offsets(%dma_start3A_370 : memref<128xi32, #tpu.memory_space<vmem>>) semaphore(%run_scoped3A_364 : memref<!tpu.dma_semaphore, #tpu.memory_space<semaphore_mem>>) {add = true}
        %dma_wait3A_374 = arith.constant 128 : i32
        %dma_wait3A_375 = arith.constant 0 : i32
        %dma_wait3A_376 = tpu.memref_slice %arg9[%dma_wait3A_374, %dma_wait3A_375] : memref<256x128xf32, #tpu.memory_space<vmem>> -> memref<128x128xf32, #tpu.memory_space<vmem>>
        %dma_wait3A_377 = arith.constant 0 : i32
        %dma_wait3A_378 = tpu.memref_slice %arg8[%run_scoped3A_194, %dma_wait3A_377] : memref<16x128xi32, #tpu.memory_space<vmem>> -> memref<1x128xi32, #tpu.memory_space<vmem>>
        %dma_wait3A_379 = tpu.memref_squeeze %dma_wait3A_378 : memref<1x128xi32, #tpu.memory_space<vmem>> -> memref<128xi32, #tpu.memory_space<vmem>>
        %dma_wait3A_380 = arith.constant 0 : i32
        %dma_wait3A_381 = arith.constant 0 : i32
        %dma_wait3A_382 = tpu.memref_slice %arg10[%dma_wait3A_380, %dma_wait3A_381] : memref<10008x128xf32, #tpu.memory_space<vmem_shared>> -> memref<10008x128xf32, #tpu.memory_space<vmem_shared>>
        tpu.wait_indirect_dma semaphore(%run_scoped3A_364 : memref<!tpu.dma_semaphore, #tpu.memory_space<semaphore_mem>>) src(%dma_wait3A_376 : memref<128x128xf32, #tpu.memory_space<vmem>>) dst(%dma_wait3A_382 : memref<10008x128xf32, #tpu.memory_space<vmem_shared>>)
        tpu.yield
      }) : () -> ()
      %dma_start3A_195 = arith.constant 8 : i32
      %dma_start3A_196 = arith.constant 0 : i32
      %dma_start3A_197 = arith.constant 0 : i32
      %dma_start3A_198 = tpu.memref_slice %arg9[%dma_start3A_196, %dma_start3A_197] : memref<256x128xf32, #tpu.memory_space<vmem>> -> memref<128x128xf32, #tpu.memory_space<vmem>>
      %dma_start3A_199 = arith.constant 0 : i32
      %dma_start3A_200 = tpu.memref_slice %arg7[%dma_start3A_195, %dma_start3A_199] : memref<16x128xi32, #tpu.memory_space<vmem>> -> memref<1x128xi32, #tpu.memory_space<vmem>>
      %dma_start3A_201 = tpu.memref_squeeze %dma_start3A_200 : memref<1x128xi32, #tpu.memory_space<vmem>> -> memref<128xi32, #tpu.memory_space<vmem>>
      %dma_start3A_202 = arith.constant 0 : i32
      %dma_start3A_203 = arith.constant 0 : i32
      %dma_start3A_204 = tpu.memref_slice %arg2[%dma_start3A_202, %dma_start3A_203] : memref<10008x128xf32, #tpu.memory_space<hbm>> -> memref<10008x128xf32, #tpu.memory_space<hbm>>
      tpu.enqueue_indirect_dma source(%dma_start3A_204 : memref<10008x128xf32, #tpu.memory_space<hbm>>) target(%dma_start3A_198 : memref<128x128xf32, #tpu.memory_space<vmem>>) offsets(%dma_start3A_201 : memref<128xi32, #tpu.memory_space<vmem>>) semaphore(%arg11 : memref<!tpu.dma_semaphore, #tpu.memory_space<semaphore_mem>>)
      %dma_start3A_205 = arith.constant 9 : i32
      %dma_start3A_206 = arith.constant 128 : i32
      %dma_start3A_207 = arith.constant 0 : i32
      %dma_start3A_208 = tpu.memref_slice %arg9[%dma_start3A_206, %dma_start3A_207] : memref<256x128xf32, #tpu.memory_space<vmem>> -> memref<128x128xf32, #tpu.memory_space<vmem>>
      %dma_start3A_209 = arith.constant 0 : i32
      %dma_start3A_210 = tpu.memref_slice %arg7[%dma_start3A_205, %dma_start3A_209] : memref<16x128xi32, #tpu.memory_space<vmem>> -> memref<1x128xi32, #tpu.memory_space<vmem>>
      %dma_start3A_211 = tpu.memref_squeeze %dma_start3A_210 : memref<1x128xi32, #tpu.memory_space<vmem>> -> memref<128xi32, #tpu.memory_space<vmem>>
      %dma_start3A_212 = arith.constant 0 : i32
      %dma_start3A_213 = arith.constant 0 : i32
      %dma_start3A_214 = tpu.memref_slice %arg2[%dma_start3A_212, %dma_start3A_213] : memref<10008x128xf32, #tpu.memory_space<hbm>> -> memref<10008x128xf32, #tpu.memory_space<hbm>>
      tpu.enqueue_indirect_dma source(%dma_start3A_214 : memref<10008x128xf32, #tpu.memory_space<hbm>>) target(%dma_start3A_208 : memref<128x128xf32, #tpu.memory_space<vmem>>) offsets(%dma_start3A_211 : memref<128xi32, #tpu.memory_space<vmem>>) semaphore(%arg12 : memref<!tpu.dma_semaphore, #tpu.memory_space<semaphore_mem>>)
      %dma_wait3A_215 = arith.constant 8 : i32
      %dma_wait3A_216 = arith.constant 0 : i32
      %dma_wait3A_217 = arith.constant 0 : i32
      %dma_wait3A_218 = tpu.memref_slice %arg9[%dma_wait3A_216, %dma_wait3A_217] : memref<256x128xf32, #tpu.memory_space<vmem>> -> memref<128x128xf32, #tpu.memory_space<vmem>>
      %dma_wait3A_219 = arith.constant 0 : i32
      %dma_wait3A_220 = tpu.memref_slice %arg7[%dma_wait3A_215, %dma_wait3A_219] : memref<16x128xi32, #tpu.memory_space<vmem>> -> memref<1x128xi32, #tpu.memory_space<vmem>>
      %dma_wait3A_221 = tpu.memref_squeeze %dma_wait3A_220 : memref<1x128xi32, #tpu.memory_space<vmem>> -> memref<128xi32, #tpu.memory_space<vmem>>
      %dma_wait3A_222 = arith.constant 0 : i32
      %dma_wait3A_223 = arith.constant 0 : i32
      %dma_wait3A_224 = tpu.memref_slice %arg2[%dma_wait3A_222, %dma_wait3A_223] : memref<10008x128xf32, #tpu.memory_space<hbm>> -> memref<10008x128xf32, #tpu.memory_space<hbm>>
      tpu.wait_indirect_dma semaphore(%arg11 : memref<!tpu.dma_semaphore, #tpu.memory_space<semaphore_mem>>) src(%dma_wait3A_224 : memref<10008x128xf32, #tpu.memory_space<hbm>>) dst(%dma_wait3A_218 : memref<128x128xf32, #tpu.memory_space<vmem>>)
      %dma_wait3A_225 = arith.constant 9 : i32
      %dma_wait3A_226 = arith.constant 128 : i32
      %dma_wait3A_227 = arith.constant 0 : i32
      %dma_wait3A_228 = tpu.memref_slice %arg9[%dma_wait3A_226, %dma_wait3A_227] : memref<256x128xf32, #tpu.memory_space<vmem>> -> memref<128x128xf32, #tpu.memory_space<vmem>>
      %dma_wait3A_229 = arith.constant 0 : i32
      %dma_wait3A_230 = tpu.memref_slice %arg7[%dma_wait3A_225, %dma_wait3A_229] : memref<16x128xi32, #tpu.memory_space<vmem>> -> memref<1x128xi32, #tpu.memory_space<vmem>>
      %dma_wait3A_231 = tpu.memref_squeeze %dma_wait3A_230 : memref<1x128xi32, #tpu.memory_space<vmem>> -> memref<128xi32, #tpu.memory_space<vmem>>
      %dma_wait3A_232 = arith.constant 0 : i32
      %dma_wait3A_233 = arith.constant 0 : i32
      %dma_wait3A_234 = tpu.memref_slice %arg2[%dma_wait3A_232, %dma_wait3A_233] : memref<10008x128xf32, #tpu.memory_space<hbm>> -> memref<10008x128xf32, #tpu.memory_space<hbm>>
      tpu.wait_indirect_dma semaphore(%arg12 : memref<!tpu.dma_semaphore, #tpu.memory_space<semaphore_mem>>) src(%dma_wait3A_234 : memref<10008x128xf32, #tpu.memory_space<hbm>>) dst(%dma_wait3A_228 : memref<128x128xf32, #tpu.memory_space<vmem>>)
      %run_scoped3A_235 = arith.constant 8 : i32
      "tpu.region"() ({
        %run_scoped3A_364 = tpu.sem_alloc : memref<!tpu.dma_semaphore, #tpu.memory_space<semaphore_mem>>
        %dma_start3A_365 = arith.constant 0 : i32
        %dma_start3A_366 = arith.constant 0 : i32
        %dma_start3A_367 = tpu.memref_slice %arg9[%dma_start3A_365, %dma_start3A_366] : memref<256x128xf32, #tpu.memory_space<vmem>> -> memref<128x128xf32, #tpu.memory_space<vmem>>
        %dma_start3A_368 = arith.constant 0 : i32
        %dma_start3A_369 = tpu.memref_slice %arg8[%run_scoped3A_235, %dma_start3A_368] : memref<16x128xi32, #tpu.memory_space<vmem>> -> memref<1x128xi32, #tpu.memory_space<vmem>>
        %dma_start3A_370 = tpu.memref_squeeze %dma_start3A_369 : memref<1x128xi32, #tpu.memory_space<vmem>> -> memref<128xi32, #tpu.memory_space<vmem>>
        %dma_start3A_371 = arith.constant 0 : i32
        %dma_start3A_372 = arith.constant 0 : i32
        %dma_start3A_373 = tpu.memref_slice %arg10[%dma_start3A_371, %dma_start3A_372] : memref<10008x128xf32, #tpu.memory_space<vmem_shared>> -> memref<10008x128xf32, #tpu.memory_space<vmem_shared>>
        tpu.enqueue_indirect_dma source(%dma_start3A_367 : memref<128x128xf32, #tpu.memory_space<vmem>>) target(%dma_start3A_373 : memref<10008x128xf32, #tpu.memory_space<vmem_shared>>) offsets(%dma_start3A_370 : memref<128xi32, #tpu.memory_space<vmem>>) semaphore(%run_scoped3A_364 : memref<!tpu.dma_semaphore, #tpu.memory_space<semaphore_mem>>) {add = true}
        %dma_wait3A_374 = arith.constant 0 : i32
        %dma_wait3A_375 = arith.constant 0 : i32
        %dma_wait3A_376 = tpu.memref_slice %arg9[%dma_wait3A_374, %dma_wait3A_375] : memref<256x128xf32, #tpu.memory_space<vmem>> -> memref<128x128xf32, #tpu.memory_space<vmem>>
        %dma_wait3A_377 = arith.constant 0 : i32
        %dma_wait3A_378 = tpu.memref_slice %arg8[%run_scoped3A_235, %dma_wait3A_377] : memref<16x128xi32, #tpu.memory_space<vmem>> -> memref<1x128xi32, #tpu.memory_space<vmem>>
        %dma_wait3A_379 = tpu.memref_squeeze %dma_wait3A_378 : memref<1x128xi32, #tpu.memory_space<vmem>> -> memref<128xi32, #tpu.memory_space<vmem>>
        %dma_wait3A_380 = arith.constant 0 : i32
        %dma_wait3A_381 = arith.constant 0 : i32
        %dma_wait3A_382 = tpu.memref_slice %arg10[%dma_wait3A_380, %dma_wait3A_381] : memref<10008x128xf32, #tpu.memory_space<vmem_shared>> -> memref<10008x128xf32, #tpu.memory_space<vmem_shared>>
        tpu.wait_indirect_dma semaphore(%run_scoped3A_364 : memref<!tpu.dma_semaphore, #tpu.memory_space<semaphore_mem>>) src(%dma_wait3A_376 : memref<128x128xf32, #tpu.memory_space<vmem>>) dst(%dma_wait3A_382 : memref<10008x128xf32, #tpu.memory_space<vmem_shared>>)
        tpu.yield
      }) : () -> ()
      %run_scoped3A_236 = arith.constant 9 : i32
      "tpu.region"() ({
        %run_scoped3A_364 = tpu.sem_alloc : memref<!tpu.dma_semaphore, #tpu.memory_space<semaphore_mem>>
        %dma_start3A_365 = arith.constant 128 : i32
        %dma_start3A_366 = arith.constant 0 : i32
        %dma_start3A_367 = tpu.memref_slice %arg9[%dma_start3A_365, %dma_start3A_366] : memref<256x128xf32, #tpu.memory_space<vmem>> -> memref<128x128xf32, #tpu.memory_space<vmem>>
        %dma_start3A_368 = arith.constant 0 : i32
        %dma_start3A_369 = tpu.memref_slice %arg8[%run_scoped3A_236, %dma_start3A_368] : memref<16x128xi32, #tpu.memory_space<vmem>> -> memref<1x128xi32, #tpu.memory_space<vmem>>
        %dma_start3A_370 = tpu.memref_squeeze %dma_start3A_369 : memref<1x128xi32, #tpu.memory_space<vmem>> -> memref<128xi32, #tpu.memory_space<vmem>>
        %dma_start3A_371 = arith.constant 0 : i32
        %dma_start3A_372 = arith.constant 0 : i32
        %dma_start3A_373 = tpu.memref_slice %arg10[%dma_start3A_371, %dma_start3A_372] : memref<10008x128xf32, #tpu.memory_space<vmem_shared>> -> memref<10008x128xf32, #tpu.memory_space<vmem_shared>>
        tpu.enqueue_indirect_dma source(%dma_start3A_367 : memref<128x128xf32, #tpu.memory_space<vmem>>) target(%dma_start3A_373 : memref<10008x128xf32, #tpu.memory_space<vmem_shared>>) offsets(%dma_start3A_370 : memref<128xi32, #tpu.memory_space<vmem>>) semaphore(%run_scoped3A_364 : memref<!tpu.dma_semaphore, #tpu.memory_space<semaphore_mem>>) {add = true}
        %dma_wait3A_374 = arith.constant 128 : i32
        %dma_wait3A_375 = arith.constant 0 : i32
        %dma_wait3A_376 = tpu.memref_slice %arg9[%dma_wait3A_374, %dma_wait3A_375] : memref<256x128xf32, #tpu.memory_space<vmem>> -> memref<128x128xf32, #tpu.memory_space<vmem>>
        %dma_wait3A_377 = arith.constant 0 : i32
        %dma_wait3A_378 = tpu.memref_slice %arg8[%run_scoped3A_236, %dma_wait3A_377] : memref<16x128xi32, #tpu.memory_space<vmem>> -> memref<1x128xi32, #tpu.memory_space<vmem>>
        %dma_wait3A_379 = tpu.memref_squeeze %dma_wait3A_378 : memref<1x128xi32, #tpu.memory_space<vmem>> -> memref<128xi32, #tpu.memory_space<vmem>>
        %dma_wait3A_380 = arith.constant 0 : i32
        %dma_wait3A_381 = arith.constant 0 : i32
        %dma_wait3A_382 = tpu.memref_slice %arg10[%dma_wait3A_380, %dma_wait3A_381] : memref<10008x128xf32, #tpu.memory_space<vmem_shared>> -> memref<10008x128xf32, #tpu.memory_space<vmem_shared>>
        tpu.wait_indirect_dma semaphore(%run_scoped3A_364 : memref<!tpu.dma_semaphore, #tpu.memory_space<semaphore_mem>>) src(%dma_wait3A_376 : memref<128x128xf32, #tpu.memory_space<vmem>>) dst(%dma_wait3A_382 : memref<10008x128xf32, #tpu.memory_space<vmem_shared>>)
        tpu.yield
      }) : () -> ()
      %dma_start3A_237 = arith.constant 10 : i32
      %dma_start3A_238 = arith.constant 0 : i32
      %dma_start3A_239 = arith.constant 0 : i32
      %dma_start3A_240 = tpu.memref_slice %arg9[%dma_start3A_238, %dma_start3A_239] : memref<256x128xf32, #tpu.memory_space<vmem>> -> memref<128x128xf32, #tpu.memory_space<vmem>>
      %dma_start3A_241 = arith.constant 0 : i32
      %dma_start3A_242 = tpu.memref_slice %arg7[%dma_start3A_237, %dma_start3A_241] : memref<16x128xi32, #tpu.memory_space<vmem>> -> memref<1x128xi32, #tpu.memory_space<vmem>>
      %dma_start3A_243 = tpu.memref_squeeze %dma_start3A_242 : memref<1x128xi32, #tpu.memory_space<vmem>> -> memref<128xi32, #tpu.memory_space<vmem>>
      %dma_start3A_244 = arith.constant 0 : i32
      %dma_start3A_245 = arith.constant 0 : i32
      %dma_start3A_246 = tpu.memref_slice %arg2[%dma_start3A_244, %dma_start3A_245] : memref<10008x128xf32, #tpu.memory_space<hbm>> -> memref<10008x128xf32, #tpu.memory_space<hbm>>
      tpu.enqueue_indirect_dma source(%dma_start3A_246 : memref<10008x128xf32, #tpu.memory_space<hbm>>) target(%dma_start3A_240 : memref<128x128xf32, #tpu.memory_space<vmem>>) offsets(%dma_start3A_243 : memref<128xi32, #tpu.memory_space<vmem>>) semaphore(%arg11 : memref<!tpu.dma_semaphore, #tpu.memory_space<semaphore_mem>>)
      %dma_start3A_247 = arith.constant 11 : i32
      %dma_start3A_248 = arith.constant 128 : i32
      %dma_start3A_249 = arith.constant 0 : i32
      %dma_start3A_250 = tpu.memref_slice %arg9[%dma_start3A_248, %dma_start3A_249] : memref<256x128xf32, #tpu.memory_space<vmem>> -> memref<128x128xf32, #tpu.memory_space<vmem>>
      %dma_start3A_251 = arith.constant 0 : i32
      %dma_start3A_252 = tpu.memref_slice %arg7[%dma_start3A_247, %dma_start3A_251] : memref<16x128xi32, #tpu.memory_space<vmem>> -> memref<1x128xi32, #tpu.memory_space<vmem>>
      %dma_start3A_253 = tpu.memref_squeeze %dma_start3A_252 : memref<1x128xi32, #tpu.memory_space<vmem>> -> memref<128xi32, #tpu.memory_space<vmem>>
      %dma_start3A_254 = arith.constant 0 : i32
      %dma_start3A_255 = arith.constant 0 : i32
      %dma_start3A_256 = tpu.memref_slice %arg2[%dma_start3A_254, %dma_start3A_255] : memref<10008x128xf32, #tpu.memory_space<hbm>> -> memref<10008x128xf32, #tpu.memory_space<hbm>>
      tpu.enqueue_indirect_dma source(%dma_start3A_256 : memref<10008x128xf32, #tpu.memory_space<hbm>>) target(%dma_start3A_250 : memref<128x128xf32, #tpu.memory_space<vmem>>) offsets(%dma_start3A_253 : memref<128xi32, #tpu.memory_space<vmem>>) semaphore(%arg12 : memref<!tpu.dma_semaphore, #tpu.memory_space<semaphore_mem>>)
      %dma_wait3A_257 = arith.constant 10 : i32
      %dma_wait3A_258 = arith.constant 0 : i32
      %dma_wait3A_259 = arith.constant 0 : i32
      %dma_wait3A_260 = tpu.memref_slice %arg9[%dma_wait3A_258, %dma_wait3A_259] : memref<256x128xf32, #tpu.memory_space<vmem>> -> memref<128x128xf32, #tpu.memory_space<vmem>>
      %dma_wait3A_261 = arith.constant 0 : i32
      %dma_wait3A_262 = tpu.memref_slice %arg7[%dma_wait3A_257, %dma_wait3A_261] : memref<16x128xi32, #tpu.memory_space<vmem>> -> memref<1x128xi32, #tpu.memory_space<vmem>>
      %dma_wait3A_263 = tpu.memref_squeeze %dma_wait3A_262 : memref<1x128xi32, #tpu.memory_space<vmem>> -> memref<128xi32, #tpu.memory_space<vmem>>
      %dma_wait3A_264 = arith.constant 0 : i32
      %dma_wait3A_265 = arith.constant 0 : i32
      %dma_wait3A_266 = tpu.memref_slice %arg2[%dma_wait3A_264, %dma_wait3A_265] : memref<10008x128xf32, #tpu.memory_space<hbm>> -> memref<10008x128xf32, #tpu.memory_space<hbm>>
      tpu.wait_indirect_dma semaphore(%arg11 : memref<!tpu.dma_semaphore, #tpu.memory_space<semaphore_mem>>) src(%dma_wait3A_266 : memref<10008x128xf32, #tpu.memory_space<hbm>>) dst(%dma_wait3A_260 : memref<128x128xf32, #tpu.memory_space<vmem>>)
      %dma_wait3A_267 = arith.constant 11 : i32
      %dma_wait3A_268 = arith.constant 128 : i32
      %dma_wait3A_269 = arith.constant 0 : i32
      %dma_wait3A_270 = tpu.memref_slice %arg9[%dma_wait3A_268, %dma_wait3A_269] : memref<256x128xf32, #tpu.memory_space<vmem>> -> memref<128x128xf32, #tpu.memory_space<vmem>>
      %dma_wait3A_271 = arith.constant 0 : i32
      %dma_wait3A_272 = tpu.memref_slice %arg7[%dma_wait3A_267, %dma_wait3A_271] : memref<16x128xi32, #tpu.memory_space<vmem>> -> memref<1x128xi32, #tpu.memory_space<vmem>>
      %dma_wait3A_273 = tpu.memref_squeeze %dma_wait3A_272 : memref<1x128xi32, #tpu.memory_space<vmem>> -> memref<128xi32, #tpu.memory_space<vmem>>
      %dma_wait3A_274 = arith.constant 0 : i32
      %dma_wait3A_275 = arith.constant 0 : i32
      %dma_wait3A_276 = tpu.memref_slice %arg2[%dma_wait3A_274, %dma_wait3A_275] : memref<10008x128xf32, #tpu.memory_space<hbm>> -> memref<10008x128xf32, #tpu.memory_space<hbm>>
      tpu.wait_indirect_dma semaphore(%arg12 : memref<!tpu.dma_semaphore, #tpu.memory_space<semaphore_mem>>) src(%dma_wait3A_276 : memref<10008x128xf32, #tpu.memory_space<hbm>>) dst(%dma_wait3A_270 : memref<128x128xf32, #tpu.memory_space<vmem>>)
      %run_scoped3A_277 = arith.constant 10 : i32
      "tpu.region"() ({
        %run_scoped3A_364 = tpu.sem_alloc : memref<!tpu.dma_semaphore, #tpu.memory_space<semaphore_mem>>
        %dma_start3A_365 = arith.constant 0 : i32
        %dma_start3A_366 = arith.constant 0 : i32
        %dma_start3A_367 = tpu.memref_slice %arg9[%dma_start3A_365, %dma_start3A_366] : memref<256x128xf32, #tpu.memory_space<vmem>> -> memref<128x128xf32, #tpu.memory_space<vmem>>
        %dma_start3A_368 = arith.constant 0 : i32
        %dma_start3A_369 = tpu.memref_slice %arg8[%run_scoped3A_277, %dma_start3A_368] : memref<16x128xi32, #tpu.memory_space<vmem>> -> memref<1x128xi32, #tpu.memory_space<vmem>>
        %dma_start3A_370 = tpu.memref_squeeze %dma_start3A_369 : memref<1x128xi32, #tpu.memory_space<vmem>> -> memref<128xi32, #tpu.memory_space<vmem>>
        %dma_start3A_371 = arith.constant 0 : i32
        %dma_start3A_372 = arith.constant 0 : i32
        %dma_start3A_373 = tpu.memref_slice %arg10[%dma_start3A_371, %dma_start3A_372] : memref<10008x128xf32, #tpu.memory_space<vmem_shared>> -> memref<10008x128xf32, #tpu.memory_space<vmem_shared>>
        tpu.enqueue_indirect_dma source(%dma_start3A_367 : memref<128x128xf32, #tpu.memory_space<vmem>>) target(%dma_start3A_373 : memref<10008x128xf32, #tpu.memory_space<vmem_shared>>) offsets(%dma_start3A_370 : memref<128xi32, #tpu.memory_space<vmem>>) semaphore(%run_scoped3A_364 : memref<!tpu.dma_semaphore, #tpu.memory_space<semaphore_mem>>) {add = true}
        %dma_wait3A_374 = arith.constant 0 : i32
        %dma_wait3A_375 = arith.constant 0 : i32
        %dma_wait3A_376 = tpu.memref_slice %arg9[%dma_wait3A_374, %dma_wait3A_375] : memref<256x128xf32, #tpu.memory_space<vmem>> -> memref<128x128xf32, #tpu.memory_space<vmem>>
        %dma_wait3A_377 = arith.constant 0 : i32
        %dma_wait3A_378 = tpu.memref_slice %arg8[%run_scoped3A_277, %dma_wait3A_377] : memref<16x128xi32, #tpu.memory_space<vmem>> -> memref<1x128xi32, #tpu.memory_space<vmem>>
        %dma_wait3A_379 = tpu.memref_squeeze %dma_wait3A_378 : memref<1x128xi32, #tpu.memory_space<vmem>> -> memref<128xi32, #tpu.memory_space<vmem>>
        %dma_wait3A_380 = arith.constant 0 : i32
        %dma_wait3A_381 = arith.constant 0 : i32
        %dma_wait3A_382 = tpu.memref_slice %arg10[%dma_wait3A_380, %dma_wait3A_381] : memref<10008x128xf32, #tpu.memory_space<vmem_shared>> -> memref<10008x128xf32, #tpu.memory_space<vmem_shared>>
        tpu.wait_indirect_dma semaphore(%run_scoped3A_364 : memref<!tpu.dma_semaphore, #tpu.memory_space<semaphore_mem>>) src(%dma_wait3A_376 : memref<128x128xf32, #tpu.memory_space<vmem>>) dst(%dma_wait3A_382 : memref<10008x128xf32, #tpu.memory_space<vmem_shared>>)
        tpu.yield
      }) : () -> ()
      %run_scoped3A_278 = arith.constant 11 : i32
      "tpu.region"() ({
        %run_scoped3A_364 = tpu.sem_alloc : memref<!tpu.dma_semaphore, #tpu.memory_space<semaphore_mem>>
        %dma_start3A_365 = arith.constant 128 : i32
        %dma_start3A_366 = arith.constant 0 : i32
        %dma_start3A_367 = tpu.memref_slice %arg9[%dma_start3A_365, %dma_start3A_366] : memref<256x128xf32, #tpu.memory_space<vmem>> -> memref<128x128xf32, #tpu.memory_space<vmem>>
        %dma_start3A_368 = arith.constant 0 : i32
        %dma_start3A_369 = tpu.memref_slice %arg8[%run_scoped3A_278, %dma_start3A_368] : memref<16x128xi32, #tpu.memory_space<vmem>> -> memref<1x128xi32, #tpu.memory_space<vmem>>
        %dma_start3A_370 = tpu.memref_squeeze %dma_start3A_369 : memref<1x128xi32, #tpu.memory_space<vmem>> -> memref<128xi32, #tpu.memory_space<vmem>>
        %dma_start3A_371 = arith.constant 0 : i32
        %dma_start3A_372 = arith.constant 0 : i32
        %dma_start3A_373 = tpu.memref_slice %arg10[%dma_start3A_371, %dma_start3A_372] : memref<10008x128xf32, #tpu.memory_space<vmem_shared>> -> memref<10008x128xf32, #tpu.memory_space<vmem_shared>>
        tpu.enqueue_indirect_dma source(%dma_start3A_367 : memref<128x128xf32, #tpu.memory_space<vmem>>) target(%dma_start3A_373 : memref<10008x128xf32, #tpu.memory_space<vmem_shared>>) offsets(%dma_start3A_370 : memref<128xi32, #tpu.memory_space<vmem>>) semaphore(%run_scoped3A_364 : memref<!tpu.dma_semaphore, #tpu.memory_space<semaphore_mem>>) {add = true}
        %dma_wait3A_374 = arith.constant 128 : i32
        %dma_wait3A_375 = arith.constant 0 : i32
        %dma_wait3A_376 = tpu.memref_slice %arg9[%dma_wait3A_374, %dma_wait3A_375] : memref<256x128xf32, #tpu.memory_space<vmem>> -> memref<128x128xf32, #tpu.memory_space<vmem>>
        %dma_wait3A_377 = arith.constant 0 : i32
        %dma_wait3A_378 = tpu.memref_slice %arg8[%run_scoped3A_278, %dma_wait3A_377] : memref<16x128xi32, #tpu.memory_space<vmem>> -> memref<1x128xi32, #tpu.memory_space<vmem>>
        %dma_wait3A_379 = tpu.memref_squeeze %dma_wait3A_378 : memref<1x128xi32, #tpu.memory_space<vmem>> -> memref<128xi32, #tpu.memory_space<vmem>>
        %dma_wait3A_380 = arith.constant 0 : i32
        %dma_wait3A_381 = arith.constant 0 : i32
        %dma_wait3A_382 = tpu.memref_slice %arg10[%dma_wait3A_380, %dma_wait3A_381] : memref<10008x128xf32, #tpu.memory_space<vmem_shared>> -> memref<10008x128xf32, #tpu.memory_space<vmem_shared>>
        tpu.wait_indirect_dma semaphore(%run_scoped3A_364 : memref<!tpu.dma_semaphore, #tpu.memory_space<semaphore_mem>>) src(%dma_wait3A_376 : memref<128x128xf32, #tpu.memory_space<vmem>>) dst(%dma_wait3A_382 : memref<10008x128xf32, #tpu.memory_space<vmem_shared>>)
        tpu.yield
      }) : () -> ()
      %dma_start3A_279 = arith.constant 12 : i32
      %dma_start3A_280 = arith.constant 0 : i32
      %dma_start3A_281 = arith.constant 0 : i32
      %dma_start3A_282 = tpu.memref_slice %arg9[%dma_start3A_280, %dma_start3A_281] : memref<256x128xf32, #tpu.memory_space<vmem>> -> memref<128x128xf32, #tpu.memory_space<vmem>>
      %dma_start3A_283 = arith.constant 0 : i32
      %dma_start3A_284 = tpu.memref_slice %arg7[%dma_start3A_279, %dma_start3A_283] : memref<16x128xi32, #tpu.memory_space<vmem>> -> memref<1x128xi32, #tpu.memory_space<vmem>>
      %dma_start3A_285 = tpu.memref_squeeze %dma_start3A_284 : memref<1x128xi32, #tpu.memory_space<vmem>> -> memref<128xi32, #tpu.memory_space<vmem>>
      %dma_start3A_286 = arith.constant 0 : i32
      %dma_start3A_287 = arith.constant 0 : i32
      %dma_start3A_288 = tpu.memref_slice %arg2[%dma_start3A_286, %dma_start3A_287] : memref<10008x128xf32, #tpu.memory_space<hbm>> -> memref<10008x128xf32, #tpu.memory_space<hbm>>
      tpu.enqueue_indirect_dma source(%dma_start3A_288 : memref<10008x128xf32, #tpu.memory_space<hbm>>) target(%dma_start3A_282 : memref<128x128xf32, #tpu.memory_space<vmem>>) offsets(%dma_start3A_285 : memref<128xi32, #tpu.memory_space<vmem>>) semaphore(%arg11 : memref<!tpu.dma_semaphore, #tpu.memory_space<semaphore_mem>>)
      %dma_start3A_289 = arith.constant 13 : i32
      %dma_start3A_290 = arith.constant 128 : i32
      %dma_start3A_291 = arith.constant 0 : i32
      %dma_start3A_292 = tpu.memref_slice %arg9[%dma_start3A_290, %dma_start3A_291] : memref<256x128xf32, #tpu.memory_space<vmem>> -> memref<128x128xf32, #tpu.memory_space<vmem>>
      %dma_start3A_293 = arith.constant 0 : i32
      %dma_start3A_294 = tpu.memref_slice %arg7[%dma_start3A_289, %dma_start3A_293] : memref<16x128xi32, #tpu.memory_space<vmem>> -> memref<1x128xi32, #tpu.memory_space<vmem>>
      %dma_start3A_295 = tpu.memref_squeeze %dma_start3A_294 : memref<1x128xi32, #tpu.memory_space<vmem>> -> memref<128xi32, #tpu.memory_space<vmem>>
      %dma_start3A_296 = arith.constant 0 : i32
      %dma_start3A_297 = arith.constant 0 : i32
      %dma_start3A_298 = tpu.memref_slice %arg2[%dma_start3A_296, %dma_start3A_297] : memref<10008x128xf32, #tpu.memory_space<hbm>> -> memref<10008x128xf32, #tpu.memory_space<hbm>>
      tpu.enqueue_indirect_dma source(%dma_start3A_298 : memref<10008x128xf32, #tpu.memory_space<hbm>>) target(%dma_start3A_292 : memref<128x128xf32, #tpu.memory_space<vmem>>) offsets(%dma_start3A_295 : memref<128xi32, #tpu.memory_space<vmem>>) semaphore(%arg12 : memref<!tpu.dma_semaphore, #tpu.memory_space<semaphore_mem>>)
      %dma_wait3A_299 = arith.constant 12 : i32
      %dma_wait3A_300 = arith.constant 0 : i32
      %dma_wait3A_301 = arith.constant 0 : i32
      %dma_wait3A_302 = tpu.memref_slice %arg9[%dma_wait3A_300, %dma_wait3A_301] : memref<256x128xf32, #tpu.memory_space<vmem>> -> memref<128x128xf32, #tpu.memory_space<vmem>>
      %dma_wait3A_303 = arith.constant 0 : i32
      %dma_wait3A_304 = tpu.memref_slice %arg7[%dma_wait3A_299, %dma_wait3A_303] : memref<16x128xi32, #tpu.memory_space<vmem>> -> memref<1x128xi32, #tpu.memory_space<vmem>>
      %dma_wait3A_305 = tpu.memref_squeeze %dma_wait3A_304 : memref<1x128xi32, #tpu.memory_space<vmem>> -> memref<128xi32, #tpu.memory_space<vmem>>
      %dma_wait3A_306 = arith.constant 0 : i32
      %dma_wait3A_307 = arith.constant 0 : i32
      %dma_wait3A_308 = tpu.memref_slice %arg2[%dma_wait3A_306, %dma_wait3A_307] : memref<10008x128xf32, #tpu.memory_space<hbm>> -> memref<10008x128xf32, #tpu.memory_space<hbm>>
      tpu.wait_indirect_dma semaphore(%arg11 : memref<!tpu.dma_semaphore, #tpu.memory_space<semaphore_mem>>) src(%dma_wait3A_308 : memref<10008x128xf32, #tpu.memory_space<hbm>>) dst(%dma_wait3A_302 : memref<128x128xf32, #tpu.memory_space<vmem>>)
      %dma_wait3A_309 = arith.constant 13 : i32
      %dma_wait3A_310 = arith.constant 128 : i32
      %dma_wait3A_311 = arith.constant 0 : i32
      %dma_wait3A_312 = tpu.memref_slice %arg9[%dma_wait3A_310, %dma_wait3A_311] : memref<256x128xf32, #tpu.memory_space<vmem>> -> memref<128x128xf32, #tpu.memory_space<vmem>>
      %dma_wait3A_313 = arith.constant 0 : i32
      %dma_wait3A_314 = tpu.memref_slice %arg7[%dma_wait3A_309, %dma_wait3A_313] : memref<16x128xi32, #tpu.memory_space<vmem>> -> memref<1x128xi32, #tpu.memory_space<vmem>>
      %dma_wait3A_315 = tpu.memref_squeeze %dma_wait3A_314 : memref<1x128xi32, #tpu.memory_space<vmem>> -> memref<128xi32, #tpu.memory_space<vmem>>
      %dma_wait3A_316 = arith.constant 0 : i32
      %dma_wait3A_317 = arith.constant 0 : i32
      %dma_wait3A_318 = tpu.memref_slice %arg2[%dma_wait3A_316, %dma_wait3A_317] : memref<10008x128xf32, #tpu.memory_space<hbm>> -> memref<10008x128xf32, #tpu.memory_space<hbm>>
      tpu.wait_indirect_dma semaphore(%arg12 : memref<!tpu.dma_semaphore, #tpu.memory_space<semaphore_mem>>) src(%dma_wait3A_318 : memref<10008x128xf32, #tpu.memory_space<hbm>>) dst(%dma_wait3A_312 : memref<128x128xf32, #tpu.memory_space<vmem>>)
      %run_scoped3A_319 = arith.constant 12 : i32
      "tpu.region"() ({
        %run_scoped3A_364 = tpu.sem_alloc : memref<!tpu.dma_semaphore, #tpu.memory_space<semaphore_mem>>
        %dma_start3A_365 = arith.constant 0 : i32
        %dma_start3A_366 = arith.constant 0 : i32
        %dma_start3A_367 = tpu.memref_slice %arg9[%dma_start3A_365, %dma_start3A_366] : memref<256x128xf32, #tpu.memory_space<vmem>> -> memref<128x128xf32, #tpu.memory_space<vmem>>
        %dma_start3A_368 = arith.constant 0 : i32
        %dma_start3A_369 = tpu.memref_slice %arg8[%run_scoped3A_319, %dma_start3A_368] : memref<16x128xi32, #tpu.memory_space<vmem>> -> memref<1x128xi32, #tpu.memory_space<vmem>>
        %dma_start3A_370 = tpu.memref_squeeze %dma_start3A_369 : memref<1x128xi32, #tpu.memory_space<vmem>> -> memref<128xi32, #tpu.memory_space<vmem>>
        %dma_start3A_371 = arith.constant 0 : i32
        %dma_start3A_372 = arith.constant 0 : i32
        %dma_start3A_373 = tpu.memref_slice %arg10[%dma_start3A_371, %dma_start3A_372] : memref<10008x128xf32, #tpu.memory_space<vmem_shared>> -> memref<10008x128xf32, #tpu.memory_space<vmem_shared>>
        tpu.enqueue_indirect_dma source(%dma_start3A_367 : memref<128x128xf32, #tpu.memory_space<vmem>>) target(%dma_start3A_373 : memref<10008x128xf32, #tpu.memory_space<vmem_shared>>) offsets(%dma_start3A_370 : memref<128xi32, #tpu.memory_space<vmem>>) semaphore(%run_scoped3A_364 : memref<!tpu.dma_semaphore, #tpu.memory_space<semaphore_mem>>) {add = true}
        %dma_wait3A_374 = arith.constant 0 : i32
        %dma_wait3A_375 = arith.constant 0 : i32
        %dma_wait3A_376 = tpu.memref_slice %arg9[%dma_wait3A_374, %dma_wait3A_375] : memref<256x128xf32, #tpu.memory_space<vmem>> -> memref<128x128xf32, #tpu.memory_space<vmem>>
        %dma_wait3A_377 = arith.constant 0 : i32
        %dma_wait3A_378 = tpu.memref_slice %arg8[%run_scoped3A_319, %dma_wait3A_377] : memref<16x128xi32, #tpu.memory_space<vmem>> -> memref<1x128xi32, #tpu.memory_space<vmem>>
        %dma_wait3A_379 = tpu.memref_squeeze %dma_wait3A_378 : memref<1x128xi32, #tpu.memory_space<vmem>> -> memref<128xi32, #tpu.memory_space<vmem>>
        %dma_wait3A_380 = arith.constant 0 : i32
        %dma_wait3A_381 = arith.constant 0 : i32
        %dma_wait3A_382 = tpu.memref_slice %arg10[%dma_wait3A_380, %dma_wait3A_381] : memref<10008x128xf32, #tpu.memory_space<vmem_shared>> -> memref<10008x128xf32, #tpu.memory_space<vmem_shared>>
        tpu.wait_indirect_dma semaphore(%run_scoped3A_364 : memref<!tpu.dma_semaphore, #tpu.memory_space<semaphore_mem>>) src(%dma_wait3A_376 : memref<128x128xf32, #tpu.memory_space<vmem>>) dst(%dma_wait3A_382 : memref<10008x128xf32, #tpu.memory_space<vmem_shared>>)
        tpu.yield
      }) : () -> ()
      %run_scoped3A_320 = arith.constant 13 : i32
      "tpu.region"() ({
        %run_scoped3A_364 = tpu.sem_alloc : memref<!tpu.dma_semaphore, #tpu.memory_space<semaphore_mem>>
        %dma_start3A_365 = arith.constant 128 : i32
        %dma_start3A_366 = arith.constant 0 : i32
        %dma_start3A_367 = tpu.memref_slice %arg9[%dma_start3A_365, %dma_start3A_366] : memref<256x128xf32, #tpu.memory_space<vmem>> -> memref<128x128xf32, #tpu.memory_space<vmem>>
        %dma_start3A_368 = arith.constant 0 : i32
        %dma_start3A_369 = tpu.memref_slice %arg8[%run_scoped3A_320, %dma_start3A_368] : memref<16x128xi32, #tpu.memory_space<vmem>> -> memref<1x128xi32, #tpu.memory_space<vmem>>
        %dma_start3A_370 = tpu.memref_squeeze %dma_start3A_369 : memref<1x128xi32, #tpu.memory_space<vmem>> -> memref<128xi32, #tpu.memory_space<vmem>>
        %dma_start3A_371 = arith.constant 0 : i32
        %dma_start3A_372 = arith.constant 0 : i32
        %dma_start3A_373 = tpu.memref_slice %arg10[%dma_start3A_371, %dma_start3A_372] : memref<10008x128xf32, #tpu.memory_space<vmem_shared>> -> memref<10008x128xf32, #tpu.memory_space<vmem_shared>>
        tpu.enqueue_indirect_dma source(%dma_start3A_367 : memref<128x128xf32, #tpu.memory_space<vmem>>) target(%dma_start3A_373 : memref<10008x128xf32, #tpu.memory_space<vmem_shared>>) offsets(%dma_start3A_370 : memref<128xi32, #tpu.memory_space<vmem>>) semaphore(%run_scoped3A_364 : memref<!tpu.dma_semaphore, #tpu.memory_space<semaphore_mem>>) {add = true}
        %dma_wait3A_374 = arith.constant 128 : i32
        %dma_wait3A_375 = arith.constant 0 : i32
        %dma_wait3A_376 = tpu.memref_slice %arg9[%dma_wait3A_374, %dma_wait3A_375] : memref<256x128xf32, #tpu.memory_space<vmem>> -> memref<128x128xf32, #tpu.memory_space<vmem>>
        %dma_wait3A_377 = arith.constant 0 : i32
        %dma_wait3A_378 = tpu.memref_slice %arg8[%run_scoped3A_320, %dma_wait3A_377] : memref<16x128xi32, #tpu.memory_space<vmem>> -> memref<1x128xi32, #tpu.memory_space<vmem>>
        %dma_wait3A_379 = tpu.memref_squeeze %dma_wait3A_378 : memref<1x128xi32, #tpu.memory_space<vmem>> -> memref<128xi32, #tpu.memory_space<vmem>>
        %dma_wait3A_380 = arith.constant 0 : i32
        %dma_wait3A_381 = arith.constant 0 : i32
        %dma_wait3A_382 = tpu.memref_slice %arg10[%dma_wait3A_380, %dma_wait3A_381] : memref<10008x128xf32, #tpu.memory_space<vmem_shared>> -> memref<10008x128xf32, #tpu.memory_space<vmem_shared>>
        tpu.wait_indirect_dma semaphore(%run_scoped3A_364 : memref<!tpu.dma_semaphore, #tpu.memory_space<semaphore_mem>>) src(%dma_wait3A_376 : memref<128x128xf32, #tpu.memory_space<vmem>>) dst(%dma_wait3A_382 : memref<10008x128xf32, #tpu.memory_space<vmem_shared>>)
        tpu.yield
      }) : () -> ()
      %dma_start3A_321 = arith.constant 14 : i32
      %dma_start3A_322 = arith.constant 0 : i32
      %dma_start3A_323 = arith.constant 0 : i32
      %dma_start3A_324 = tpu.memref_slice %arg9[%dma_start3A_322, %dma_start3A_323] : memref<256x128xf32, #tpu.memory_space<vmem>> -> memref<128x128xf32, #tpu.memory_space<vmem>>
      %dma_start3A_325 = arith.constant 0 : i32
      %dma_start3A_326 = tpu.memref_slice %arg7[%dma_start3A_321, %dma_start3A_325] : memref<16x128xi32, #tpu.memory_space<vmem>> -> memref<1x128xi32, #tpu.memory_space<vmem>>
      %dma_start3A_327 = tpu.memref_squeeze %dma_start3A_326 : memref<1x128xi32, #tpu.memory_space<vmem>> -> memref<128xi32, #tpu.memory_space<vmem>>
      %dma_start3A_328 = arith.constant 0 : i32
      %dma_start3A_329 = arith.constant 0 : i32
      %dma_start3A_330 = tpu.memref_slice %arg2[%dma_start3A_328, %dma_start3A_329] : memref<10008x128xf32, #tpu.memory_space<hbm>> -> memref<10008x128xf32, #tpu.memory_space<hbm>>
      tpu.enqueue_indirect_dma source(%dma_start3A_330 : memref<10008x128xf32, #tpu.memory_space<hbm>>) target(%dma_start3A_324 : memref<128x128xf32, #tpu.memory_space<vmem>>) offsets(%dma_start3A_327 : memref<128xi32, #tpu.memory_space<vmem>>) semaphore(%arg11 : memref<!tpu.dma_semaphore, #tpu.memory_space<semaphore_mem>>)
      %dma_start3A_331 = arith.constant 15 : i32
      %dma_start3A_332 = arith.constant 128 : i32
      %dma_start3A_333 = arith.constant 0 : i32
      %dma_start3A_334 = tpu.memref_slice %arg9[%dma_start3A_332, %dma_start3A_333] : memref<256x128xf32, #tpu.memory_space<vmem>> -> memref<128x128xf32, #tpu.memory_space<vmem>>
      %dma_start3A_335 = arith.constant 0 : i32
      %dma_start3A_336 = tpu.memref_slice %arg7[%dma_start3A_331, %dma_start3A_335] : memref<16x128xi32, #tpu.memory_space<vmem>> -> memref<1x128xi32, #tpu.memory_space<vmem>>
      %dma_start3A_337 = tpu.memref_squeeze %dma_start3A_336 : memref<1x128xi32, #tpu.memory_space<vmem>> -> memref<128xi32, #tpu.memory_space<vmem>>
      %dma_start3A_338 = arith.constant 0 : i32
      %dma_start3A_339 = arith.constant 0 : i32
      %dma_start3A_340 = tpu.memref_slice %arg2[%dma_start3A_338, %dma_start3A_339] : memref<10008x128xf32, #tpu.memory_space<hbm>> -> memref<10008x128xf32, #tpu.memory_space<hbm>>
      tpu.enqueue_indirect_dma source(%dma_start3A_340 : memref<10008x128xf32, #tpu.memory_space<hbm>>) target(%dma_start3A_334 : memref<128x128xf32, #tpu.memory_space<vmem>>) offsets(%dma_start3A_337 : memref<128xi32, #tpu.memory_space<vmem>>) semaphore(%arg12 : memref<!tpu.dma_semaphore, #tpu.memory_space<semaphore_mem>>)
      %dma_wait3A_341 = arith.constant 14 : i32
      %dma_wait3A_342 = arith.constant 0 : i32
      %dma_wait3A_343 = arith.constant 0 : i32
      %dma_wait3A_344 = tpu.memref_slice %arg9[%dma_wait3A_342, %dma_wait3A_343] : memref<256x128xf32, #tpu.memory_space<vmem>> -> memref<128x128xf32, #tpu.memory_space<vmem>>
      %dma_wait3A_345 = arith.constant 0 : i32
      %dma_wait3A_346 = tpu.memref_slice %arg7[%dma_wait3A_341, %dma_wait3A_345] : memref<16x128xi32, #tpu.memory_space<vmem>> -> memref<1x128xi32, #tpu.memory_space<vmem>>
      %dma_wait3A_347 = tpu.memref_squeeze %dma_wait3A_346 : memref<1x128xi32, #tpu.memory_space<vmem>> -> memref<128xi32, #tpu.memory_space<vmem>>
      %dma_wait3A_348 = arith.constant 0 : i32
      %dma_wait3A_349 = arith.constant 0 : i32
      %dma_wait3A_350 = tpu.memref_slice %arg2[%dma_wait3A_348, %dma_wait3A_349] : memref<10008x128xf32, #tpu.memory_space<hbm>> -> memref<10008x128xf32, #tpu.memory_space<hbm>>
      tpu.wait_indirect_dma semaphore(%arg11 : memref<!tpu.dma_semaphore, #tpu.memory_space<semaphore_mem>>) src(%dma_wait3A_350 : memref<10008x128xf32, #tpu.memory_space<hbm>>) dst(%dma_wait3A_344 : memref<128x128xf32, #tpu.memory_space<vmem>>)
      %dma_wait3A_351 = arith.constant 15 : i32
      %dma_wait3A_352 = arith.constant 128 : i32
      %dma_wait3A_353 = arith.constant 0 : i32
      %dma_wait3A_354 = tpu.memref_slice %arg9[%dma_wait3A_352, %dma_wait3A_353] : memref<256x128xf32, #tpu.memory_space<vmem>> -> memref<128x128xf32, #tpu.memory_space<vmem>>
      %dma_wait3A_355 = arith.constant 0 : i32
      %dma_wait3A_356 = tpu.memref_slice %arg7[%dma_wait3A_351, %dma_wait3A_355] : memref<16x128xi32, #tpu.memory_space<vmem>> -> memref<1x128xi32, #tpu.memory_space<vmem>>
      %dma_wait3A_357 = tpu.memref_squeeze %dma_wait3A_356 : memref<1x128xi32, #tpu.memory_space<vmem>> -> memref<128xi32, #tpu.memory_space<vmem>>
      %dma_wait3A_358 = arith.constant 0 : i32
      %dma_wait3A_359 = arith.constant 0 : i32
      %dma_wait3A_360 = tpu.memref_slice %arg2[%dma_wait3A_358, %dma_wait3A_359] : memref<10008x128xf32, #tpu.memory_space<hbm>> -> memref<10008x128xf32, #tpu.memory_space<hbm>>
      tpu.wait_indirect_dma semaphore(%arg12 : memref<!tpu.dma_semaphore, #tpu.memory_space<semaphore_mem>>) src(%dma_wait3A_360 : memref<10008x128xf32, #tpu.memory_space<hbm>>) dst(%dma_wait3A_354 : memref<128x128xf32, #tpu.memory_space<vmem>>)
      %run_scoped3A_361 = arith.constant 14 : i32
      "tpu.region"() ({
        %run_scoped3A_364 = tpu.sem_alloc : memref<!tpu.dma_semaphore, #tpu.memory_space<semaphore_mem>>
        %dma_start3A_365 = arith.constant 0 : i32
        %dma_start3A_366 = arith.constant 0 : i32
        %dma_start3A_367 = tpu.memref_slice %arg9[%dma_start3A_365, %dma_start3A_366] : memref<256x128xf32, #tpu.memory_space<vmem>> -> memref<128x128xf32, #tpu.memory_space<vmem>>
        %dma_start3A_368 = arith.constant 0 : i32
        %dma_start3A_369 = tpu.memref_slice %arg8[%run_scoped3A_361, %dma_start3A_368] : memref<16x128xi32, #tpu.memory_space<vmem>> -> memref<1x128xi32, #tpu.memory_space<vmem>>
        %dma_start3A_370 = tpu.memref_squeeze %dma_start3A_369 : memref<1x128xi32, #tpu.memory_space<vmem>> -> memref<128xi32, #tpu.memory_space<vmem>>
        %dma_start3A_371 = arith.constant 0 : i32
        %dma_start3A_372 = arith.constant 0 : i32
        %dma_start3A_373 = tpu.memref_slice %arg10[%dma_start3A_371, %dma_start3A_372] : memref<10008x128xf32, #tpu.memory_space<vmem_shared>> -> memref<10008x128xf32, #tpu.memory_space<vmem_shared>>
        tpu.enqueue_indirect_dma source(%dma_start3A_367 : memref<128x128xf32, #tpu.memory_space<vmem>>) target(%dma_start3A_373 : memref<10008x128xf32, #tpu.memory_space<vmem_shared>>) offsets(%dma_start3A_370 : memref<128xi32, #tpu.memory_space<vmem>>) semaphore(%run_scoped3A_364 : memref<!tpu.dma_semaphore, #tpu.memory_space<semaphore_mem>>) {add = true}
        %dma_wait3A_374 = arith.constant 0 : i32
        %dma_wait3A_375 = arith.constant 0 : i32
        %dma_wait3A_376 = tpu.memref_slice %arg9[%dma_wait3A_374, %dma_wait3A_375] : memref<256x128xf32, #tpu.memory_space<vmem>> -> memref<128x128xf32, #tpu.memory_space<vmem>>
        %dma_wait3A_377 = arith.constant 0 : i32
        %dma_wait3A_378 = tpu.memref_slice %arg8[%run_scoped3A_361, %dma_wait3A_377] : memref<16x128xi32, #tpu.memory_space<vmem>> -> memref<1x128xi32, #tpu.memory_space<vmem>>
        %dma_wait3A_379 = tpu.memref_squeeze %dma_wait3A_378 : memref<1x128xi32, #tpu.memory_space<vmem>> -> memref<128xi32, #tpu.memory_space<vmem>>
        %dma_wait3A_380 = arith.constant 0 : i32
        %dma_wait3A_381 = arith.constant 0 : i32
        %dma_wait3A_382 = tpu.memref_slice %arg10[%dma_wait3A_380, %dma_wait3A_381] : memref<10008x128xf32, #tpu.memory_space<vmem_shared>> -> memref<10008x128xf32, #tpu.memory_space<vmem_shared>>
        tpu.wait_indirect_dma semaphore(%run_scoped3A_364 : memref<!tpu.dma_semaphore, #tpu.memory_space<semaphore_mem>>) src(%dma_wait3A_376 : memref<128x128xf32, #tpu.memory_space<vmem>>) dst(%dma_wait3A_382 : memref<10008x128xf32, #tpu.memory_space<vmem_shared>>)
        tpu.yield
      }) : () -> ()
      %run_scoped3A_362 = arith.constant 15 : i32
      "tpu.region"() ({
        %run_scoped3A_364 = tpu.sem_alloc : memref<!tpu.dma_semaphore, #tpu.memory_space<semaphore_mem>>
        %dma_start3A_365 = arith.constant 128 : i32
        %dma_start3A_366 = arith.constant 0 : i32
        %dma_start3A_367 = tpu.memref_slice %arg9[%dma_start3A_365, %dma_start3A_366] : memref<256x128xf32, #tpu.memory_space<vmem>> -> memref<128x128xf32, #tpu.memory_space<vmem>>
        %dma_start3A_368 = arith.constant 0 : i32
        %dma_start3A_369 = tpu.memref_slice %arg8[%run_scoped3A_362, %dma_start3A_368] : memref<16x128xi32, #tpu.memory_space<vmem>> -> memref<1x128xi32, #tpu.memory_space<vmem>>
        %dma_start3A_370 = tpu.memref_squeeze %dma_start3A_369 : memref<1x128xi32, #tpu.memory_space<vmem>> -> memref<128xi32, #tpu.memory_space<vmem>>
        %dma_start3A_371 = arith.constant 0 : i32
        %dma_start3A_372 = arith.constant 0 : i32
        %dma_start3A_373 = tpu.memref_slice %arg10[%dma_start3A_371, %dma_start3A_372] : memref<10008x128xf32, #tpu.memory_space<vmem_shared>> -> memref<10008x128xf32, #tpu.memory_space<vmem_shared>>
        tpu.enqueue_indirect_dma source(%dma_start3A_367 : memref<128x128xf32, #tpu.memory_space<vmem>>) target(%dma_start3A_373 : memref<10008x128xf32, #tpu.memory_space<vmem_shared>>) offsets(%dma_start3A_370 : memref<128xi32, #tpu.memory_space<vmem>>) semaphore(%run_scoped3A_364 : memref<!tpu.dma_semaphore, #tpu.memory_space<semaphore_mem>>) {add = true}
        %dma_wait3A_374 = arith.constant 128 : i32
        %dma_wait3A_375 = arith.constant 0 : i32
        %dma_wait3A_376 = tpu.memref_slice %arg9[%dma_wait3A_374, %dma_wait3A_375] : memref<256x128xf32, #tpu.memory_space<vmem>> -> memref<128x128xf32, #tpu.memory_space<vmem>>
        %dma_wait3A_377 = arith.constant 0 : i32
        %dma_wait3A_378 = tpu.memref_slice %arg8[%run_scoped3A_362, %dma_wait3A_377] : memref<16x128xi32, #tpu.memory_space<vmem>> -> memref<1x128xi32, #tpu.memory_space<vmem>>
        %dma_wait3A_379 = tpu.memref_squeeze %dma_wait3A_378 : memref<1x128xi32, #tpu.memory_space<vmem>> -> memref<128xi32, #tpu.memory_space<vmem>>
        %dma_wait3A_380 = arith.constant 0 : i32
        %dma_wait3A_381 = arith.constant 0 : i32
        %dma_wait3A_382 = tpu.memref_slice %arg10[%dma_wait3A_380, %dma_wait3A_381] : memref<10008x128xf32, #tpu.memory_space<vmem_shared>> -> memref<10008x128xf32, #tpu.memory_space<vmem_shared>>
        tpu.wait_indirect_dma semaphore(%run_scoped3A_364 : memref<!tpu.dma_semaphore, #tpu.memory_space<semaphore_mem>>) src(%dma_wait3A_376 : memref<128x128xf32, #tpu.memory_space<vmem>>) dst(%dma_wait3A_382 : memref<10008x128xf32, #tpu.memory_space<vmem_shared>>)
        tpu.yield
      }) : () -> ()
      %scan3A_363 = arith.constant 0 : i32
      scf.yield %scan3A_363 : i32
    }
    %scan3A_12 = arith.constant 5 : i32
    %barrier3A_13 = arith.constant 0 : index
    tpu.barrier barrier_id(%barrier3A_13)
    %mul3A_14 = arith.constant 10000 : i32
    %mul3A_15 = arith.muli %arg0, %mul3A_14 : i32
    %add3A_16 = arith.addi %mul3A_15, %mul3A_2 : i32
    "tpu.region"() ({
      %run_scoped3A = tpu.sem_alloc : memref<!tpu.dma_semaphore, #tpu.memory_space<semaphore_mem>>
      %dma_start3A = arith.constant 0 : i32
      %dma_start3A_22 = tpu.memref_slice %arg6[%add3A_16, %dma_start3A] : memref<20000x128xf32, #tpu.memory_space<hbm>> -> memref<624x128xf32, #tpu.memory_space<hbm>>
      %dma_start3A_23 = arith.constant 0 : i32
      %dma_start3A_24 = tpu.memref_slice %arg10[%mul3A_2, %dma_start3A_23] : memref<10008x128xf32, #tpu.memory_space<vmem_shared>> -> memref<624x128xf32, #tpu.memory_space<vmem_shared>>
      tpu.enqueue_dma source(%dma_start3A_24 : memref<624x128xf32, #tpu.memory_space<vmem_shared>>) target(%dma_start3A_22 : memref<624x128xf32, #tpu.memory_space<hbm>>) target_semaphore(%run_scoped3A : memref<!tpu.dma_semaphore, #tpu.memory_space<semaphore_mem>>)
      %dma_wait3A = arith.constant 0 : i32
      %dma_wait3A_25 = tpu.memref_slice %arg6[%add3A_16, %dma_wait3A] : memref<20000x128xf32, #tpu.memory_space<hbm>> -> memref<624x128xf32, #tpu.memory_space<hbm>>
      %dma_wait3A_26 = arith.constant 0 : i32
      %dma_wait3A_27 = tpu.memref_slice %arg10[%mul3A_2, %dma_wait3A_26] : memref<10008x128xf32, #tpu.memory_space<vmem_shared>> -> memref<624x128xf32, #tpu.memory_space<vmem_shared>>
      tpu.wait_dma2 semaphore(%run_scoped3A : memref<!tpu.dma_semaphore, #tpu.memory_space<semaphore_mem>>) src(%dma_wait3A_27 : memref<624x128xf32, #tpu.memory_space<vmem_shared>>) dst(%dma_wait3A_25 : memref<624x128xf32, #tpu.memory_space<hbm>>)
      tpu.yield
    }) : () -> ()
    %eq3A_17 = arith.constant 15 : i32
    %eq3A_18 = arith.cmpi eq, %arg1, %eq3A_17 : i32
    %convert_element_type3A_19 = arith.extui %eq3A_18 : i1 to i32
    %cond3A_20 = arith.constant 0 : i32
    %cond3A_21 = arith.cmpi ne, %convert_element_type3A_19, %cond3A_20 : i32
    scf.if %cond3A_21 {
      %mul3A_22 = arith.constant 10000 : i32
      %mul3A_23 = arith.muli %arg0, %mul3A_22 : i32
      %add3A_24 = arith.constant 9984 : i32
      %add3A_25 = arith.addi %mul3A_23, %add3A_24 : i32
      "tpu.region"() ({
        %run_scoped3A = tpu.sem_alloc : memref<!tpu.dma_semaphore, #tpu.memory_space<semaphore_mem>>
        %dma_start3A = arith.constant 0 : i32
        %dma_start3A_26 = tpu.memref_slice %arg6[%add3A_25, %dma_start3A] : memref<20000x128xf32, #tpu.memory_space<hbm>> -> memref<16x128xf32, #tpu.memory_space<hbm>>
        %dma_start3A_27 = arith.constant 9984 : i32
        %dma_start3A_28 = arith.constant 0 : i32
        %dma_start3A_29 = tpu.memref_slice %arg10[%dma_start3A_27, %dma_start3A_28] : memref<10008x128xf32, #tpu.memory_space<vmem_shared>> -> memref<16x128xf32, #tpu.memory_space<vmem_shared>>
        tpu.enqueue_dma source(%dma_start3A_29 : memref<16x128xf32, #tpu.memory_space<vmem_shared>>) target(%dma_start3A_26 : memref<16x128xf32, #tpu.memory_space<hbm>>) target_semaphore(%run_scoped3A : memref<!tpu.dma_semaphore, #tpu.memory_space<semaphore_mem>>)
        %dma_wait3A = arith.constant 0 : i32
        %dma_wait3A_30 = tpu.memref_slice %arg6[%add3A_25, %dma_wait3A] : memref<20000x128xf32, #tpu.memory_space<hbm>> -> memref<16x128xf32, #tpu.memory_space<hbm>>
        %dma_wait3A_31 = arith.constant 9984 : i32
        %dma_wait3A_32 = arith.constant 0 : i32
        %dma_wait3A_33 = tpu.memref_slice %arg10[%dma_wait3A_31, %dma_wait3A_32] : memref<10008x128xf32, #tpu.memory_space<vmem_shared>> -> memref<16x128xf32, #tpu.memory_space<vmem_shared>>
        tpu.wait_dma2 semaphore(%run_scoped3A : memref<!tpu.dma_semaphore, #tpu.memory_space<semaphore_mem>>) src(%dma_wait3A_33 : memref<16x128xf32, #tpu.memory_space<vmem_shared>>) dst(%dma_wait3A_30 : memref<16x128xf32, #tpu.memory_space<hbm>>)
        tpu.yield
      }) : () -> ()
    } else {
    }
    return
  }
}

module attributes {stable_mosaic.version = 14 : i64} {
  func.func @_prep_body(%arg0: i32, %arg1: memref<1000x128xf32, #tpu.memory_space<vmem>>, %arg2: memref<128x128xf32, #tpu.memory_space<vmem>>, %arg3: memref<1000x128xf32, #tpu.memory_space<vmem>>, %arg4: memref<1000x128xf32, #tpu.memory_space<vmem>>, %arg5: memref<1000x128xf32, #tpu.memory_space<vmem>>) attributes {dimension_semantics = [#tpu.dimension_semantics<arbitrary>], iteration_bounds = array<i64: 10>, scalar_prefetch = 0 : i64, scratch_operands = 0 : i64, tpu.core_type = #tpu.core_type<tc>, window_params = [{transform_indices = @transform_0, window_bounds = array<i64: 1000, 128>}, {pipeline_mode = #tpu.pipeline_mode<synchronous>, transform_indices = @transform_1, window_bounds = array<i64: 128, 128>}, {transform_indices = @transform_2, window_bounds = array<i64: 1000, 128>}, {transform_indices = @transform_3, window_bounds = array<i64: 1000, 128>}, {transform_indices = @transform_4, window_bounds = array<i64: 1000, 128>}]} {
    %get3A = arith.constant 0 : index
    %get3A_0 = arith.constant 0 : index
    %get3A_1 = vector.load %arg3[%get3A, %get3A_0] : memref<1000x128xf32, #tpu.memory_space<vmem>>, vector<1000x128xf32>
    %get3A_2 = arith.constant 0 : index
    %get3A_3 = arith.constant 0 : index
    %get3A_4 = vector.load %arg4[%get3A_2, %get3A_3] : memref<1000x128xf32, #tpu.memory_space<vmem>>, vector<1000x128xf32>
    %slice3A = vector.extract_strided_slice %get3A_1 {offsets = [0, 0], sizes = [1000, 1], strides = [1, 1]} : vector<1000x128xf32> to vector<1000x1xf32>
    %slice3A_5 = vector.extract_strided_slice %get3A_4 {offsets = [0, 0], sizes = [1000, 1], strides = [1, 1]} : vector<1000x128xf32> to vector<1000x1xf32>
    %add3A = arith.addf %slice3A, %slice3A_5 : vector<1000x1xf32>
    %add3A_6 = arith.constant 1.000000e+00 : f32
    %add3A_7 = vector.broadcast %add3A_6 : f32 to vector<1000x1xf32>
    %add3A_8 = arith.addf %add3A, %add3A_7 : vector<1000x1xf32>
    %rsqrt3A = math.rsqrt %add3A_8 : vector<1000x1xf32>
    %get3A_9 = arith.constant 0 : index
    %get3A_10 = arith.constant 0 : index
    %get3A_11 = vector.load %arg1[%get3A_9, %get3A_10] : memref<1000x128xf32, #tpu.memory_space<vmem>>, vector<1000x128xf32>
    %get3A_12 = arith.constant 0 : index
    %get3A_13 = arith.constant 0 : index
    %get3A_14 = vector.load %arg2[%get3A_12, %get3A_13] : memref<128x128xf32, #tpu.memory_space<vmem>>, vector<128x128xf32>
    %dot_general3A = arith.constant dense<0.000000e+00> : vector<1000x128xf32>
    %dot_general3A_15 = tpu.matmul %get3A_11, %get3A_14, %dot_general3A {dimension_numbers = #tpu.dot_dimension_numbers<[1], [0], [0], [1], [0, 0, 1, 1], [], []>, transpose_lhs_hint = false} : vector<1000x128xf32>, vector<128x128xf32>, vector<1000x128xf32> -> vector<1000x128xf32>
    %mul3A = vector.broadcast %rsqrt3A : vector<1000x1xf32> to vector<1000x128xf32>
    %mul3A_16 = arith.mulf %mul3A, %dot_general3A_15 : vector<1000x128xf32>
    %swap3A = arith.constant 0 : index
    %swap3A_17 = arith.constant 0 : index
    %swap3A_18 = vector.load %arg5[%swap3A, %swap3A_17] : memref<1000x128xf32, #tpu.memory_space<vmem>>, vector<1000x128xf32>
    tpu.vector_store %arg5[%swap3A, %swap3A_17], %mul3A_16 {strides = array<i32>} : memref<1000x128xf32, #tpu.memory_space<vmem>>, vector<1000x128xf32>,
    return
  }
  func.func @transform_0(%arg0: i32) -> (i32, i32) {
    %c0_i32 = arith.constant 0 : i32
    %c0_i32_0 = arith.constant 0 : i32
    return %arg0, %c0_i32 : i32, i32
  }
  func.func @transform_1(%arg0: i32) -> (i32, i32) {
    %c0_i32 = arith.constant 0 : i32
    %c0_i32_0 = arith.constant 0 : i32
    %c0_i32_1 = arith.constant 0 : i32
    return %c0_i32, %c0_i32_0 : i32, i32
  }
  func.func @transform_2(%arg0: i32) -> (i32, i32) {
    %c0_i32 = arith.constant 0 : i32
    %c0_i32_0 = arith.constant 0 : i32
    return %arg0, %c0_i32 : i32, i32
  }
  func.func @transform_3(%arg0: i32) -> (i32, i32) {
    %add3A = arith.constant 10 : i32
    %add3A_0 = arith.addi %arg0, %add3A : i32
    %c0_i32 = arith.constant 0 : i32
    %c0_i32_1 = arith.constant 0 : i32
    return %add3A_0, %c0_i32 : i32, i32
  }
  func.func @transform_4(%arg0: i32) -> (i32, i32) {
    %c0_i32 = arith.constant 0 : i32
    %c0_i32_0 = arith.constant 0 : i32
    return %arg0, %c0_i32 : i32, i32
  }
}

module attributes {stable_mosaic.version = 14 : i64} {
  func.func @_mid_body(%arg0: i32, %arg1: memref<1000x128xf32, #tpu.memory_space<vmem>>, %arg2: memref<1000x128xf32, #tpu.memory_space<vmem>>, %arg3: memref<1000x128xf32, #tpu.memory_space<vmem>>, %arg4: memref<1x128xf32, #tpu.memory_space<vmem>>, %arg5: memref<128x128xf32, #tpu.memory_space<vmem>>, %arg6: memref<1000x128xf32, #tpu.memory_space<vmem>>, %arg7: memref<1000x128xf32, #tpu.memory_space<vmem>>, %arg8: memref<1000x128xf32, #tpu.memory_space<vmem>>) attributes {dimension_semantics = [#tpu.dimension_semantics<arbitrary>], iteration_bounds = array<i64: 10>, scalar_prefetch = 0 : i64, scratch_operands = 0 : i64, tpu.core_type = #tpu.core_type<tc>, window_params = [{transform_indices = @transform_0, window_bounds = array<i64: 1000, 128>}, {transform_indices = @transform_1, window_bounds = array<i64: 1000, 128>}, {transform_indices = @transform_2, window_bounds = array<i64: 1000, 128>}, {pipeline_mode = #tpu.pipeline_mode<synchronous>, transform_indices = @transform_3, window_bounds = array<i64: 1, 128>}, {pipeline_mode = #tpu.pipeline_mode<synchronous>, transform_indices = @transform_4, window_bounds = array<i64: 128, 128>}, {transform_indices = @transform_5, window_bounds = array<i64: 1000, 128>}, {transform_indices = @transform_6, window_bounds = array<i64: 1000, 128>}, {transform_indices = @transform_7, window_bounds = array<i64: 1000, 128>}]} {
    %get3A = arith.constant 0 : index
    %get3A_0 = arith.constant 0 : index
    %get3A_1 = vector.load %arg6[%get3A, %get3A_0] : memref<1000x128xf32, #tpu.memory_space<vmem>>, vector<1000x128xf32>
    %get3A_2 = arith.constant 0 : index
    %get3A_3 = arith.constant 0 : index
    %get3A_4 = vector.load %arg7[%get3A_2, %get3A_3] : memref<1000x128xf32, #tpu.memory_space<vmem>>, vector<1000x128xf32>
    %slice3A = vector.extract_strided_slice %get3A_1 {offsets = [0, 0], sizes = [1000, 1], strides = [1, 1]} : vector<1000x128xf32> to vector<1000x1xf32>
    %slice3A_5 = vector.extract_strided_slice %get3A_4 {offsets = [0, 0], sizes = [1000, 1], strides = [1, 1]} : vector<1000x128xf32> to vector<1000x1xf32>
    %add3A = arith.addf %slice3A, %slice3A_5 : vector<1000x1xf32>
    %add3A_6 = arith.constant 1.000000e+00 : f32
    %add3A_7 = vector.broadcast %add3A_6 : f32 to vector<1000x1xf32>
    %add3A_8 = arith.addf %add3A, %add3A_7 : vector<1000x1xf32>
    %rsqrt3A = math.rsqrt %add3A_8 : vector<1000x1xf32>
    %get3A_9 = arith.constant 0 : index
    %get3A_10 = arith.constant 0 : index
    %get3A_11 = vector.load %arg1[%get3A_9, %get3A_10] : memref<1000x128xf32, #tpu.memory_space<vmem>>, vector<1000x128xf32>
    %get3A_12 = arith.constant 0 : index
    %get3A_13 = arith.constant 0 : index
    %get3A_14 = vector.load %arg2[%get3A_12, %get3A_13] : memref<1000x128xf32, #tpu.memory_space<vmem>>, vector<1000x128xf32>
    %add3A_15 = arith.addf %get3A_11, %get3A_14 : vector<1000x128xf32>
    %get3A_16 = arith.constant 0 : index
    %get3A_17 = arith.constant 0 : index
    %get3A_18 = vector.load %arg3[%get3A_16, %get3A_17] : memref<1000x128xf32, #tpu.memory_space<vmem>>, vector<1000x128xf32>
    %add3A_19 = arith.addf %add3A_15, %get3A_18 : vector<1000x128xf32>
    %mul3A = vector.broadcast %rsqrt3A : vector<1000x1xf32> to vector<1000x128xf32>
    %mul3A_20 = arith.mulf %mul3A, %add3A_19 : vector<1000x128xf32>
    %get3A_21 = arith.constant 0 : index
    %get3A_22 = arith.constant 0 : index
    %get3A_23 = vector.load %arg4[%get3A_21, %get3A_22] : memref<1x128xf32, #tpu.memory_space<vmem>>, vector<1x128xf32>
    %add3A_24 = vector.broadcast %get3A_23 : vector<1x128xf32> to vector<1000x128xf32>
    %add3A_25 = arith.addf %mul3A_20, %add3A_24 : vector<1000x128xf32>
    %max3A = arith.constant 0.000000e+00 : f32
    %max3A_26 = vector.broadcast %max3A : f32 to vector<1000x128xf32>
    %max3A_27 = arith.maximumf %add3A_25, %max3A_26 : vector<1000x128xf32>
    %get3A_28 = arith.constant 0 : index
    %get3A_29 = arith.constant 0 : index
    %get3A_30 = vector.load %arg5[%get3A_28, %get3A_29] : memref<128x128xf32, #tpu.memory_space<vmem>>, vector<128x128xf32>
    %dot_general3A = arith.constant dense<0.000000e+00> : vector<1000x128xf32>
    %dot_general3A_31 = tpu.matmul %max3A_27, %get3A_30, %dot_general3A {dimension_numbers = #tpu.dot_dimension_numbers<[1], [0], [0], [1], [0, 0, 1, 1], [], []>, transpose_lhs_hint = false} : vector<1000x128xf32>, vector<128x128xf32>, vector<1000x128xf32> -> vector<1000x128xf32>
    %mul3A_32 = vector.broadcast %rsqrt3A : vector<1000x1xf32> to vector<1000x128xf32>
    %mul3A_33 = arith.mulf %mul3A_32, %dot_general3A_31 : vector<1000x128xf32>
    %swap3A = arith.constant 0 : index
    %swap3A_34 = arith.constant 0 : index
    %swap3A_35 = vector.load %arg8[%swap3A, %swap3A_34] : memref<1000x128xf32, #tpu.memory_space<vmem>>, vector<1000x128xf32>
    tpu.vector_store %arg8[%swap3A, %swap3A_34], %mul3A_33 {strides = array<i32>} : memref<1000x128xf32, #tpu.memory_space<vmem>>, vector<1000x128xf32>,
    return
  }
  func.func @transform_0(%arg0: i32) -> (i32, i32) {
    %c0_i32 = arith.constant 0 : i32
    %c0_i32_0 = arith.constant 0 : i32
    return %arg0, %c0_i32 : i32, i32
  }
  func.func @transform_1(%arg0: i32) -> (i32, i32) {
    %add3A = arith.constant 10 : i32
    %add3A_0 = arith.addi %arg0, %add3A : i32
    %c0_i32 = arith.constant 0 : i32
    %c0_i32_1 = arith.constant 0 : i32
    return %add3A_0, %c0_i32 : i32, i32
  }
  func.func @transform_2(%arg0: i32) -> (i32, i32) {
    %c0_i32 = arith.constant 0 : i32
    %c0_i32_0 = arith.constant 0 : i32
    return %arg0, %c0_i32 : i32, i32
  }
  func.func @transform_3(%arg0: i32) -> (i32, i32) {
    %c0_i32 = arith.constant 0 : i32
    %c0_i32_0 = arith.constant 0 : i32
    %c0_i32_1 = arith.constant 0 : i32
    return %c0_i32, %c0_i32_0 : i32, i32
  }
  func.func @transform_4(%arg0: i32) -> (i32, i32) {
    %c0_i32 = arith.constant 0 : i32
    %c0_i32_0 = arith.constant 0 : i32
    %c0_i32_1 = arith.constant 0 : i32
    return %c0_i32, %c0_i32_0 : i32, i32
  }
  func.func @transform_5(%arg0: i32) -> (i32, i32) {
    %c0_i32 = arith.constant 0 : i32
    %c0_i32_0 = arith.constant 0 : i32
    return %arg0, %c0_i32 : i32, i32
  }
  func.func @transform_6(%arg0: i32) -> (i32, i32) {
    %add3A = arith.constant 10 : i32
    %add3A_0 = arith.addi %arg0, %add3A : i32
    %c0_i32 = arith.constant 0 : i32
    %c0_i32_1 = arith.constant 0 : i32
    return %add3A_0, %c0_i32 : i32, i32
  }
  func.func @transform_7(%arg0: i32) -> (i32, i32) {
    %c0_i32 = arith.constant 0 : i32
    %c0_i32_0 = arith.constant 0 : i32
    return %arg0, %c0_i32 : i32, i32
  }
}

module attributes {stable_mosaic.version = 14 : i64} {
  func.func @_final_body(%arg0: memref<20000x128xf32, #tpu.memory_space<vmem>>, %arg1: memref<10008x128xf32, #tpu.memory_space<vmem>>, %arg2: memref<1x128xf32, #tpu.memory_space<vmem>>, %arg3: memref<20000x128xf32, #tpu.memory_space<vmem>>, %arg4: memref<10000x1xi32, #tpu.memory_space<vmem>>, %arg5: memref<256x10xf32, #tpu.memory_space<vmem>>, %arg6: memref<1x10xf32, #tpu.memory_space<vmem>>, %arg7: memref<64x10xf32, #tpu.memory_space<vmem>>, %arg8: memref<64x128xf32, #tpu.memory_space<vmem>>) attributes {dimension_semantics = [], scalar_prefetch = 0 : i64, scratch_operands = 1 : i64, tpu.core_type = #tpu.core_type<tc>} {
    %get3A = arith.constant 0 : index
    %get3A_0 = arith.constant 0 : index
    %get3A_1 = vector.load %arg3[%get3A, %get3A_0] : memref<20000x128xf32, #tpu.memory_space<vmem>>, vector<10000x128xf32>
    %get3A_2 = arith.constant 10000 : index
    %get3A_3 = arith.constant 0 : index
    %get3A_4 = vector.load %arg3[%get3A_2, %get3A_3] : memref<20000x128xf32, #tpu.memory_space<vmem>>, vector<10000x128xf32>
    %slice3A = vector.extract_strided_slice %get3A_1 {offsets = [0, 0], sizes = [10000, 1], strides = [1, 1]} : vector<10000x128xf32> to vector<10000x1xf32>
    %slice3A_5 = vector.extract_strided_slice %get3A_4 {offsets = [0, 0], sizes = [10000, 1], strides = [1, 1]} : vector<10000x128xf32> to vector<10000x1xf32>
    %add3A = arith.addf %slice3A, %slice3A_5 : vector<10000x1xf32>
    %add3A_6 = arith.constant 1.000000e+00 : f32
    %add3A_7 = vector.broadcast %add3A_6 : f32 to vector<10000x1xf32>
    %add3A_8 = arith.addf %add3A, %add3A_7 : vector<10000x1xf32>
    %rsqrt3A = math.rsqrt %add3A_8 : vector<10000x1xf32>
    %get3A_9 = arith.constant 0 : index
    %get3A_10 = arith.constant 0 : index
    %get3A_11 = vector.load %arg0[%get3A_9, %get3A_10] : memref<20000x128xf32, #tpu.memory_space<vmem>>, vector<10000x128xf32>
    %get3A_12 = arith.constant 10000 : index
    %get3A_13 = arith.constant 0 : index
    %get3A_14 = vector.load %arg0[%get3A_12, %get3A_13] : memref<20000x128xf32, #tpu.memory_space<vmem>>, vector<10000x128xf32>
    %add3A_15 = arith.addf %get3A_11, %get3A_14 : vector<10000x128xf32>
    %get3A_16 = arith.constant 0 : index
    %get3A_17 = arith.constant 0 : index
    %get3A_18 = vector.load %arg1[%get3A_16, %get3A_17] : memref<10008x128xf32, #tpu.memory_space<vmem>>, vector<10000x128xf32>
    %add3A_19 = arith.addf %add3A_15, %get3A_18 : vector<10000x128xf32>
    %mul3A = vector.broadcast %rsqrt3A : vector<10000x1xf32> to vector<10000x128xf32>
    %mul3A_20 = arith.mulf %mul3A, %add3A_19 : vector<10000x128xf32>
    %get3A_21 = arith.constant 0 : index
    %get3A_22 = arith.constant 0 : index
    %get3A_23 = vector.load %arg2[%get3A_21, %get3A_22] : memref<1x128xf32, #tpu.memory_space<vmem>>, vector<1x128xf32>
    %add3A_24 = vector.broadcast %get3A_23 : vector<1x128xf32> to vector<10000x128xf32>
    %add3A_25 = arith.addf %mul3A_20, %add3A_24 : vector<10000x128xf32>
    %max3A = arith.constant 0.000000e+00 : f32
    %max3A_26 = vector.broadcast %max3A : f32 to vector<10000x128xf32>
    %max3A_27 = arith.maximumf %add3A_25, %max3A_26 : vector<10000x128xf32>
    %get3A_28 = arith.constant 0 : index
    %get3A_29 = arith.constant 0 : index
    %get3A_30 = vector.load %arg4[%get3A_28, %get3A_29] : memref<10000x1xi32, #tpu.memory_space<vmem>>, vector<10000x1xi32>
    %iota3A = tpu.iota {dimensions = array<i32: 1>} : vector<10000x64xi32>
    %eq3A = vector.broadcast %get3A_30 : vector<10000x1xi32> to vector<10000x64xi32>
    %eq3A_31 = arith.cmpi eq, %eq3A, %iota3A : vector<10000x64xi32>
    %convert_element_type3A = arith.extui %eq3A_31 : vector<10000x64xi1> to vector<10000x64xi32>
    %convert_element_type3A_32 = arith.sitofp %convert_element_type3A : vector<10000x64xi32> to vector<10000x64xf32>
    %dot_general3A = arith.constant dense<0.000000e+00> : vector<64x128xf32>
    %dot_general3A_33 = tpu.matmul %convert_element_type3A_32, %max3A_27, %dot_general3A {dimension_numbers = #tpu.dot_dimension_numbers<[0], [0], [1], [1], [0, 1, 1, 1], [], []>, transpose_lhs_hint = false} : vector<10000x64xf32>, vector<10000x128xf32>, vector<64x128xf32> -> vector<64x128xf32>
    %broadcast_in_dim3A = arith.constant 1.000000e+00 : f32
    %broadcast_in_dim3A_34 = vector.broadcast %broadcast_in_dim3A : f32 to vector<10000x1xf32>
    %dot_general3A_35 = arith.constant dense<0.000000e+00> : vector<64x1xf32>
    %dot_general3A_36 = tpu.matmul %convert_element_type3A_32, %broadcast_in_dim3A_34, %dot_general3A_35 {dimension_numbers = #tpu.dot_dimension_numbers<[0], [0], [1], [1], [0, 1, 1, 1], [], []>, transpose_lhs_hint = false} : vector<10000x64xf32>, vector<10000x1xf32>, vector<64x1xf32> -> vector<64x1xf32>
    %max3A_37 = arith.constant 1.000000e+00 : f32
    %max3A_38 = vector.broadcast %max3A_37 : f32 to vector<64x1xf32>
    %max3A_39 = arith.maximumf %dot_general3A_36, %max3A_38 : vector<64x1xf32>
    %div3A = vector.broadcast %max3A_39 : vector<64x1xf32> to vector<64x128xf32>
    %div3A_40 = arith.divf %dot_general3A_33, %div3A : vector<64x128xf32>
    %scan3A = arith.constant 0xFF800000 : f32
    %scan3A_41 = arith.constant 0 : i32
    %scan3A_42 = arith.constant 64 : i32
    %scan3A_43 = arith.addi %scan3A_41, %scan3A_42 : i32
    %scan3A_44 = arith.constant 1 : i32
    scf.for %scan3A_68 = %scan3A_41 to %scan3A_43 step %scan3A_44  : i32 {
      %eq3A_69 = vector.broadcast %scan3A_68 : i32 to vector<10000x1xi32>
      %eq3A_70 = arith.cmpi eq, %get3A_30, %eq3A_69 : vector<10000x1xi32>
      %broadcast_in_dim3A_71 = vector.shape_cast %eq3A_70 : vector<10000x1xi1> to vector<10000x1xi1>
      %broadcast_in_dim3A_72 = vector.broadcast %broadcast_in_dim3A_71 : vector<10000x1xi1> to vector<10000x128xi1>
      %broadcast_in_dim3A_73 = vector.broadcast %scan3A : f32 to vector<10000x128xf32>
      %select_n3A = arith.select %broadcast_in_dim3A_72, %max3A_27, %broadcast_in_dim3A_73 : vector<10000x128xi1>, vector<10000x128xf32>
      %reduce_max3A_74 = arith.constant dense<0xFF800000> : vector<128xf32>
      %reduce_max3A_75 = vector.multi_reduction <maximumf>, %select_n3A, %reduce_max3A_74 [0] : vector<10000x128xf32> to vector<128xf32>
      %broadcast_in_dim3A_76 = vector.shape_cast %reduce_max3A_75 : vector<128xf32> to vector<1x128xf32>
      %swap3A_77 = arith.index_cast %scan3A_68 : i32 to index
      %swap3A_78 = arith.constant 0 : index
      %swap3A_79 = vector.load %arg8[%swap3A_77, %swap3A_78] : memref<64x128xf32, #tpu.memory_space<vmem>>, vector<1x128xf32>
      tpu.vector_store %arg8[%swap3A_77, %swap3A_78], %broadcast_in_dim3A_76 {strides = array<i32>} : memref<64x128xf32, #tpu.memory_space<vmem>>, vector<1x128xf32>,
    }
    %scan3A_45 = arith.constant 64 : i32
    %get3A_46 = arith.constant 0 : index
    %get3A_47 = arith.constant 0 : index
    %get3A_48 = vector.load %arg8[%get3A_46, %get3A_47] : memref<64x128xf32, #tpu.memory_space<vmem>>, vector<64x128xf32>
    %concatenate3A = tpu.concatenate %get3A_48, %div3A_40 in 1 : vector<64x128xf32>, vector<64x128xf32> -> vector<64x256xf32>
    %get3A_49 = arith.constant 0 : index
    %get3A_50 = arith.constant 0 : index
    %get3A_51 = vector.load %arg5[%get3A_49, %get3A_50] : memref<256x10xf32, #tpu.memory_space<vmem>>, vector<256x10xf32>
    %dot_general3A_52 = arith.constant dense<0.000000e+00> : vector<64x10xf32>
    %dot_general3A_53 = tpu.matmul %concatenate3A, %get3A_51, %dot_general3A_52 {dimension_numbers = #tpu.dot_dimension_numbers<[1], [0], [0], [1], [0, 0, 1, 1], [], []>, transpose_lhs_hint = false} : vector<64x256xf32>, vector<256x10xf32>, vector<64x10xf32> -> vector<64x10xf32>
    %get3A_54 = arith.constant 0 : index
    %get3A_55 = arith.constant 0 : index
    %get3A_56 = vector.load %arg6[%get3A_54, %get3A_55] : memref<1x10xf32, #tpu.memory_space<vmem>>, vector<1x10xf32>
    %add3A_57 = vector.broadcast %get3A_56 : vector<1x10xf32> to vector<64x10xf32>
    %add3A_58 = arith.addf %dot_general3A_53, %add3A_57 : vector<64x10xf32>
    %reduce_max3A = arith.constant dense<0xFF800000> : vector<64xf32>
    %reduce_max3A_59 = vector.multi_reduction <maximumf>, %add3A_58, %reduce_max3A [1] : vector<64x10xf32> to vector<64xf32>
    %broadcast_in_dim3A_60 = vector.shape_cast %reduce_max3A_59 : vector<64xf32> to vector<64x1xf32>
    %sub3A = vector.broadcast %broadcast_in_dim3A_60 : vector<64x1xf32> to vector<64x10xf32>
    %sub3A_61 = arith.subf %add3A_58, %sub3A : vector<64x10xf32>
    %exp3A = math.exp %sub3A_61 : vector<64x10xf32>
    %reduce_sum3A = arith.constant dense<0.000000e+00> : vector<64xf32>
    %reduce_sum3A_62 = vector.multi_reduction <add>, %exp3A, %reduce_sum3A [1] : vector<64x10xf32> to vector<64xf32>
    %broadcast_in_dim3A_63 = vector.shape_cast %reduce_sum3A_62 : vector<64xf32> to vector<64x1xf32>
    %log3A = math.log %broadcast_in_dim3A_63 : vector<64x1xf32>
    %sub3A_64 = vector.broadcast %log3A : vector<64x1xf32> to vector<64x10xf32>
    %sub3A_65 = arith.subf %sub3A_61, %sub3A_64 : vector<64x10xf32>
    %swap3A = arith.constant 0 : index
    %swap3A_66 = arith.constant 0 : index
    %swap3A_67 = vector.load %arg7[%swap3A, %swap3A_66] : memref<64x10xf32, #tpu.memory_space<vmem>>, vector<64x10xf32>
    tpu.vector_store %arg7[%swap3A, %swap3A_66], %sub3A_65 {strides = array<i32>} : memref<64x10xf32, #tpu.memory_space<vmem>>, vector<64x10xf32>,
    return
  }
}

</mosaic_0001>

<sc_bundles>
// kernel: kernel.11.cloned.1.call-start
scs
__scs_entry_jumppad:
0x0: {  	(pc) =	sbr.rel $0x88, $3  }
0x1: {  	(tag) =	ssettag $0x0;
	lr =	simm.s32 $0x1  }
0x2: {  	[smem:$0x3F98] =	sst lr;
	_ =	strace $0xD0000000  }
0x3: {  	_ = 	snop  }
0x4: {  	_ = 	snop  }
0x5: {  	_ = 	snop  }
0x6: {  	_ = 	snop  }
0x7: {  	_ = 	snop  }
__scs_overlays_trampoline_lowered:
0x8: {  	[smem:$0x3FA7] =	sst s0  }
0x9: {  	[smem:$0x3FA8] =	sst s1  }
0xa: {  	[smem:$0x3FA9] =	sst s2  }
0xb: {  	[smem:$0x3FAA] =	sst s3  }
0xc: {  	[smem:$0x3FAB] =	sst s4  }
0xd: {  	[smem:$0x3FAC] =	sst s5  }
0xe: {  	[smem:$0x3FAD] =	sst s6  }
0xf: {  	[smem:$0x3FAE] =	sst s7  }
0x10: {  	[smem:$0x3FAF] =	sst s8  }
0x11: {  	[smem:$0x3FB0] =	sst s9;
	s0 =	simm.s32 @!p0 $0x0  }
0x12: {  	s1 =	sld [smem:$0x3F96];
	s0 =	simm.s32 @p0 $0x1  }
0x13: {  	[smem:$0x3FB1] =	sst s0;
	s0 =	simm.s32 @!p1 $0x0  }
0x14: {  	s2 =	sld [smem:$0x3F95];
	s0 =	simm.s32 @p1 $0x1  }
0x15: {  	[smem:$0x3FB2] =	sst s0;
	s0 =	simm.s32 @!p2 $0x0  }
0x16: {  	s3 =	sld [smem:$0x3FDB];
	s0 =	simm.s32 @p2 $0x1  }
0x17: {  	s4 =	simm.s32 $0x1BF5;
	[smem:$0x3FB4] =	sst s0  }
0x18: {  	s0 =	sld [smem:$0x3F97];
	_ =	swait.ge [sflag:s4], $0x0  }
0x19: {  	s7 =	sld [smem:$0x3F98]  }
0x1a: {  	s8 =	sadd.s32 $0xFFFFE003, lr  }
0x1b: {  	s9 =	sadd.s32 $0xFFFFFEF7, lr;
	s5 =	simm.s32 $0xFFFFFFFF;
	p2 =	slt.u32 s8, $0xFFFFF086  }
0x1c: {  	p1 =	slt.u32 s9, $0xF7A;
	s5 =	simm.s32 @!p2 $0x0  }
0x1d: {  	s5 =	simm.s32 @p1 $0x1;
	p0 =	seq.s32 s7, s2  }
0x1e: {  	s7 =	smul.u32 @!p0 $0xF7A, s2;
	p2 =	seq.s32 @!p0 s5, $0x0  }
0x1f: {  	s9 =	smul.u32 $0xF7A, s1;
	s8 =	simm.s32 @!p0 $0x1BF5;
	p2 =	por !p2, p0  }
0x20: {  	[sflag:s8] =	ssyncset.s32 @!p0 $0xFFFFF086;
	s6 =	sadd.s32 @!p0 s3, s7;
	s7 =	simm.s32 @!p0 $0x108  }
0x21: {  	s3 =	sadd.s32 s3, s9;
	s6 =	sadd.s32 @!p0 $0x88, s6;
	s7 =	simm.s32 @p2 $0x1082  }
0x22: {  	[simem:s7], [sflag:s8] =	dma.local @!p0 [hbm:s6], $0xF7A  }
0x23: {  	s9 =	sor.u32 $0xD0000000, s2;
	s6 =	simm.s32 $0x108;
	_ =	swait.ge @!p0 [sflag:s8], $0x0  }
0x24: {  	s3 =	sadd.s32 $0x88, s3;
	s6 =	simm.s32 @!p1 $0x1082;
	[sflag:s4] =	ssyncset.s32 $0xFFFFF086  }
0x25: {  	[simem:s6], [sflag:s4] =	dma.local [hbm:s3], $0xF7A  }
0x26: {  	[smem:$0x3F98] =	sst s1;
	(tag) =	ssettag s2;
	_ =	strace s9  }
0x27: {  	s1 =	sld [smem:$0x3FA8]  }
0x28: {  	s2 =	sld [smem:$0x3FA9]  }
0x29: {  	s4 =	sld [smem:$0x3FAB]  }
0x2a: {  	p0 =	seq.s32 s5, $0x0;
	s5 =	sld [smem:$0x3FAC]  }
0x2b: {  	s6 =	sld [smem:$0x3FAD]  }
0x2c: {  	s7 =	sld [smem:$0x3FAE]  }
0x2d: {  	s3 =	simm.s32 $0x108;
	s8 =	sld [smem:$0x3FAF]  }
0x2e: {  	s3 =	simm.s32 @!p0 $0x1082;
	s9 =	sld [smem:$0x3FB0]  }
0x2f: {  	lr =	sadd.s32 s0, s3;
	s0 =	sld [smem:$0x3FA7]  }
0x30: {  	s3 =	sld [smem:$0x3FAA]  }
0x31: {  	[smem:$0x3FB3] =	sst s10  }
0x32: {  	s10 =	sld [smem:$0x3FB1];
	_ =	sdelay $0x3  }
0x33: {  	p0 =	seq.s32 s10, $0x1;
	s10 =	sld [smem:$0x3FB3];
	_ =	sdelay $0x3  }
0x34: {  	[smem:$0x3FB3] =	sst s10  }
0x35: {  	s10 =	sld [smem:$0x3FB2];
	_ =	sdelay $0x3  }
0x36: {  	p1 =	seq.s32 s10, $0x1;
	s10 =	sld [smem:$0x3FB3];
	_ =	sdelay $0x3  }
0x37: {  	[smem:$0x3FB3] =	sst s10  }
0x38: {  	s10 =	sld [smem:$0x3FB4]  }
0x39: {  	_ = 	snop;
	(pc) =	sbr.ind lr, $3  }
0x3a: {  	_ = 	snop  }
0x3b: {  	_ = 	snop  }
0x3c: {  	p2 =	seq.s32 s10, $0x1;
	s10 =	sld [smem:$0x3FB3]  }
0x3d: {  	_ =	shalt  }
0x3e: {  	_ =	shalt  }
0x3f: {  	_ =	shalt  }
0x40: {  	_ =	shalt  }
0x41: {  	_ =	shalt  }
0x42: {  	_ =	shalt  }
0x43: {  	_ =	shalt  }
0x44: {  	_ =	shalt  }
0x45: {  	_ =	shalt  }
0x46: {  	_ =	shalt  }
0x47: {  	_ =	shalt  }
0x48: {  	_ =	shalt  }
0x49: {  	_ =	shalt  }
0x4a: {  	_ =	shalt  }
0x4b: {  	_ =	shalt  }
0x4c: {  	_ =	shalt  }
0x4d: {  	_ =	shalt  }
0x4e: {  	_ =	shalt  }
0x4f: {  	_ =	shalt  }
0x50: {  	_ =	shalt  }
0x51: {  	_ =	shalt  }
0x52: {  	_ =	shalt  }
0x53: {  	_ =	shalt  }
0x54: {  	_ =	shalt  }
0x55: {  	_ =	shalt  }
0x56: {  	_ =	shalt  }
0x57: {  	_ =	shalt  }
0x58: {  	_ =	shalt  }
0x59: {  	_ =	shalt  }
0x5a: {  	_ =	shalt  }
0x5b: {  	_ =	shalt  }
0x5c: {  	_ =	shalt  }
0x5d: {  	_ =	shalt  }
0x5e: {  	_ =	shalt  }
0x5f: {  	_ =	shalt  }
0x60: {  	_ =	shalt  }
0x61: {  	_ =	shalt  }
0x62: {  	_ =	shalt  }
0x63: {  	_ =	shalt  }
0x64: {  	_ =	shalt  }
0x65: {  	_ =	shalt  }
0x66: {  	_ =	shalt  }
0x67: {  	_ =	shalt  }
0x68: {  	_ =	shalt  }
0x69: {  	_ =	shalt  }
0x6a: {  	_ =	shalt  }
0x6b: {  	_ =	shalt  }
0x6c: {  	_ =	shalt  }
0x6d: {  	_ =	shalt  }
0x6e: {  	_ =	shalt  }
0x6f: {  	_ =	shalt  }
0x70: {  	_ =	shalt  }
0x71: {  	_ =	shalt  }
0x72: {  	_ =	shalt  }
0x73: {  	_ =	shalt  }
0x74: {  	_ =	shalt  }
0x75: {  	_ =	shalt  }
0x76: {  	_ =	shalt  }
0x77: {  	_ =	shalt  }
0x78: {  	_ =	shalt  }
0x79: {  	_ =	shalt  }
0x7a: {  	_ =	shalt  }
0x7b: {  	_ =	shalt  }
0x7c: {  	_ =	shalt  }
0x7d: {  	_ =	shalt  }
0x7e: {  	_ =	shalt  }
0x7f: {  	_ =	shalt  }
0x80: {  	_ =	shalt  }
0x81: {  	_ =	shalt  }
0x82: {  	_ =	shalt  }
0x83: {  	_ =	shalt  }
0x84: {  	_ =	shalt  }
0x85: {  	_ =	shalt  }
0x86: {  	_ =	shalt  }
0x87: {  	_ =	shalt  }
.Lfunc_end0:
.L_simem_size_0:
called_computation.1_lowered:
.L_overlay_start_0:
0x88: {  	s2 =	sld [smem:$0x3FD9]  }
0x89: {  	s3 =	sld [smem:$0x3FFE];
	_ =	sdelay $0x1  }
0x8a: {  	s1 =	srdreg.scid  }
0x8b: {  	s0 =	sand.u32 $0x1, s1  }
0x8c: {  	s16 =	sshll.u32 s0, $0xA;
	s2 =	sadd.s32 s3, s2  }
0x8d: {  	s2 =	sadd.s32 s2, s16  }
0x8e: {  	[smem:$0x3FBF] =	sst s2  }
0x8f: {  	_ = 	snop  }
0x90: {  	(tm) =	ssettm $0x1  }
0x91: {  	s17 =	sld [smem:$0x3FFB];
	_ =	sdelay $0x3  }
0x92: {  	_ =	strace s17  }
0x93: {  	s2 =	sld [smem:$0x3FFC];
	_ =	sdelay $0x3  }
0x94: {  	_ =	strace s2  }
0x95: {  	s2 =	sld [smem:$0x3FFD];
	_ =	sdelay $0x3  }
0x96: {  	_ =	strace s2  }
0x97: {  	_ =	strace $0x8FFFFFFF  }
0x98: {  	s18 =	sld [smem:$0x3FDB];
	_ =	sdelay $0x1  }
0x99: {  	s19 =	simm.s32 $_scs_section_size  }
0x9a: {  	s4 =	simm.s32 $_size__tile_overlayer_lowered;
	s5 =	simm.s32 $_tile_overlayer_lowered  }
0x9b: {  	s22 =	simm.s32 $0x1BFF;
	s21 =	sshll.u32 s5, $0x1;
	s2 =	sadd.s32 s19, s18  }
0x9c: {  	s6 =	simm.s32 $0x0;
	s20 =	sshll.u32 s4, $0x1;
	s4 =	sadd.s32 s21, s2  }
0x9d: {  	[timem:s6], [sflag:s22] =	dma.local [hbm:s4], s20  }
0x9e: {  	_ =	swait.ge [sflag:s22], s20  }
0x9f: {  	s3 =	ssub.s32 $0x0, s20;
	[sflag:s22] =	ssyncset.done $0x0  }
0xa0: {  	[sflag:s22] =	ssyncadd.s32 s3;
	_ =	sdelay $0x1  }
0xa1: {  	s23 =	simm.s32 $0x1B8B  }
0xa2: {  	_ =	swait.ge [sflag:s23], $0x1  }
0xa3: {  	[sflag:s23] =	ssyncset.done $0x0  }
0xa4: {  	s25 =	simm.s32 $0x1B8E;
	s24 =	sld [smem:$0x3FFE];
	[sflag:s23] =	ssyncadd.s32 $0xFFFFFFFF  }
0xa5: {  	s26 =	simm.s32 $execute0_lowered;
	[smem:$0x3FD2] =	sst s25  }
0xa6: {  	s4 =	sshll.u32 s26, $0x1;
	_ =	strace $0x80000049;
	[dreg:$0x1] =	wrdreg $0xFFFFFFFF  }
0xa7: {  	s28 =	simm.s32 $_size_execute0_lowered;
	s2 =	sadd.s32 s2, s4;
	[dreg:$0x0] =	wrdreg $0x0  }
0xa8: {  	s4 =	sshll.u32 s28, $0x1;
	[dreg:$0x2] =	wrdreg s2  }
0xa9: {  	[dreg:$0x3] =	wrdreg s4  }
0xaa: {  	[dreg:$0x4] =	wrdreg $0xC0  }
0xab: {  	_ =	task [dreg:s6], $0x5FFFF  }
0xac: {  	[dreg:$0x1] =	wrdreg $0xFFFFFFFF  }
0xad: {  	[dreg:$0x0] =	wrdreg $0x60  }
0xae: {  	[dreg:$0x2] =	wrdreg s24  }
0xaf: {  	[dreg:$0x3] =	wrdreg $0x90000  }
0xb0: {  	[dreg:$0x4] =	wrdreg $0x9  }
0xb1: {  	_ =	task.clear_ibuf [dreg:s6], $0x5FFFF;
	_ =	strace $0x90000049  }
0xb2: {  	s29 =	simm.s32 $0x9;
	_ =	strace $0x8000004B  }
0xb3: {  	_ =	swait.ge [sflag:s29], $0x1  }
0xb4: {  	[sflag:s29] =	ssyncadd.s32 $0xFFFFFFFF  }
0xb5: {  	_ =	strace $0x9000004B  }
0xb6: {  	_ =	sfence  }
0xb7: {  	s30 =	sld [smem:$0x0];
	_ =	sdelay $0x2  }
0xb8: {  	s31 =	sshll.u32 s1, $0xD;
	s1 =	sshrl.u32 s1, $0x2  }
0xb9: {  	s3 =	sand.u32 $0x4000, s31;
	s1 =	sadd.s32 s1, s30  }
0xba: {  	s0 =	sor.u32 s3, s0;
	s1 =	sshll.u32 s1, $0x11  }
0xbb: {  	s0 =	sor.u32 s1, s0  }
0xbc: {  	s0 =	sadd.s32 $0x8F2B, s0  }
0xbd: {  	[sflag:s0] =	ssyncadd.remote.s32 $0x1  }
0xbe: {  	_ =	sfence.sel $0xFFFF  }
0xbf: {  	[dreg:$0x0] =	wrdreg $0xFFFFFFFF;
	(pc) =	sbr.abs _section_cstart, $3  }
0xc0: {  	[dreg:$0x1] =	wrdreg $0xFFFFFFFF  }
0xc1: {  	_ =	task.clear_ibuf [dreg:s6], $0x2FFFF;
	_ =	strace $0x9FFFFFFF  }
0xc2: {  	(tm) =	ssettm $0x7FFFFFFF  }
0xc3: {  	_ =	shalt  }
tec
execute0_lowered:
.L_overlay_start_1:
0x0: {  	(tag) =	ssettag $0x1  }
0x1: {  	s0 =	srdreg.scid;
	s1 =	rddreg [dreg:$0x0]  }
0x2: {  	s12 =	stileid.u32;
	s2 =	rddreg [dreg:$0x1];
	s3 =	simm.s32 $0x0  }
0x3: {  	s14 =	simm.s32 $0x880;
	s15 =	simm.s32 $0x100;
	s16 =	simm.s32 $0x180  }
0x4: {  	s18 =	simm.s32 $0x900;
	s19 =	simm.s32 $0x980;
	s20 =	simm.s32 $0x200  }
0x5: {  	s21 =	simm.s32 $0x280;
	s28 =	simm.s32 $0xD00;
	s29 =	simm.s32 $0xD80  }
0x6: {  	s30 =	simm.s32 $0x600;
	s31 =	simm.s32 $0x680;
	[smem:$0x7FF] =	sst s3  }
0x7: {  	s5 =	smul.u32 $0x2800, s12;
	_ =	strace $0x8000004A;
	[dreg:$0x5] =	wrdreg s14  }
0x8: {  	s0 =	sand.u32 $0x1, s0;
	s22 =	smul.u32 $0x2700, s12;
	[dreg:$0x6] =	wrdreg s15  }
0x9: {  	s7 =	smul.u32 $0x4E000, s12;
	s11 =	sadd.s32 $0xB3600, s1;
	[dreg:$0x7] =	wrdreg s16  }
0xa: {  	s23 =	sshll.u32 s12, $0x6;
	p0 =	sne.s32 s12, $0xF;
	[dreg:$0x8] =	wrdreg s18  }
0xb: {  	s12 =	simm.s32 $0x3;
	s4 =	smul.u32 $0x28000, s0;
	[dreg:$0x9] =	wrdreg s19  }
0xc: {  	s8 =	ssub.s32 $0x2, s0;
	s24 =	smul.u32 $0x27100, s0;
	[dreg:$0xa] =	wrdreg s20  }
0xd: {  	s13 =	sor.u32 $0x1C03, s23;
	s0 =	smul.u32 $0x138800, s0;
	[dreg:$0xb] =	wrdreg s21  }
0xe: {  	s14 =	simm.s32 $0x800;
	s23 =	simm.s32 $0xA80;
	s15 =	simm.s32 $0x80  }
0xf: {  	s16 =	simm.s32 $0x1000;
	s18 =	simm.s32 $0x1;
	s19 =	simm.s32 $0x2  }
0x10: {  	s20 =	simm.s32 $0xB80;
	s21 =	simm.s32 $0x400;
	s9 =	sadd.s32 s22, s1  }
0x11: {  	s10 =	sshrl.u32 s8, $0x1;
	s7 =	sshrl.u32 s7, $0x2;
	[dreg:$0xd] =	wrdreg s23  }
0x12: {  	s23 =	simm.s32 $0xC00;
	[dreg:$0x12] =	wrdreg s13;
	s4 =	sadd.s32 s5, s4  }
0x13: {  	s8 =	ssub.s32 s8, s10;
	s7 =	sadd.s32 s7, s2;
	s9 =	sadd.s32 $0xC800, s9  }
0x14: {  	s25 =	sadd.s32 s22, s24;
	s0 =	sshrl.u32 s0, $0x3;
	s22 =	simm.s32 $0xA00  }
0x15: {  	s24 =	simm.s32 $0x300;
	s5 =	simm.s32 $0x700;
	[dreg:$0x11] =	wrdreg s9  }
0x16: {  	s6 =	sshrl.u32 s4, $0x3;
	s4 =	sadd.s32 $0x8C400, s1;
	[dreg:$0xc] =	wrdreg s22  }
0x17: {  	s0 =	sadd.s32 s11, s0;
	s17 =	smax.u32 s8, $0x1;
	[dreg:$0xe] =	wrdreg s24  }
0x18: {  	s6 =	sadd.s32 s6, s1;
	s1 =	sadd.s32 $0x33800, s1;
	[dreg:$0x16] =	wrdreg s17  }
0x19: {  	s9 =	sadd.s32 $0x138000, s2;
	s0 =	sadd.s32 $0x27000, s0;
	[dreg:$0x13] =	wrdreg s1  }
0x1a: {  	s22 =	simm.s32 $0x480;
	s1 =	sadd.s32 s11, s25;
	[dreg:$0x15] =	wrdreg s0  }
0x1b: {  	s24 =	simm.s32 $0xC80;
	s26 =	sadd.s32 $0x2800, s6;
	[dreg:$0x14] =	wrdreg s1  }
0x1c: {  	s8 =	simm.s32 $0xF00;
	s10 =	sadd.s32 $0x82400, s6;
	[dreg:$0x3] =	wrdreg s26  }
0x1d: {  	s17 =	simm.s32 $0x5000;
	s25 =	simm.s32 $0x380;
	[dreg:$0x4] =	wrdreg s10  }
0x1e: {  	s11 =	sshrl.u32 s7, $0x3;
	s6 =	simm.s32 $0x0;
	[dreg:$0xf] =	wrdreg s25  }
0x1f: {  	s0 =	simm.s32 $0xE80;
	s7 =	simm.s32 $0x780;
	[dreg:$0x19] =	wrdreg s6  }
0x20: {  	s10 =	sshrl.u32 @!p0 s9, $0x3;
	s26 =	simm.s32 $0xB00;
	[dreg:$0x17] =	wrdreg s11  }
0x21: {  	s25 =	simm.s32 $0x500;
	s1 =	simm.s32 $0xE00;
	[dreg:$0x10] =	wrdreg s26  }
0x22: {  	s9 =	simm.s32 $0xF80;
	s26 =	simm.s32 $0x580;
	[dreg:$0x18] =	wrdreg s10  }
.LBB2_1:
0x23: {  	s6 =	rddreg [dreg:$0x11]  }
0x24: {  	[spmem:s11], [sflag:s13] =	dma.local [hbm:s6], $0x2700  }
0x25: {  	_ =	swait.ge [sflag:s12], $0x2700  }
0x26: {  	[sflag:s12] =	ssyncset.done $0x0  }
0x27: {  	s6 =	rddreg [dreg:$0x13];
	[sflag:s12] =	ssyncadd.s32 $0xFFFFD900  }
0x28: {  	[spmem:s10], [sflag:s13] =	dma.local @!p0 [hbm:s6], $0x100  }
0x29: {  	s6 =	simm.s32 @!p0 $0x3  }
0x2a: {  	_ =	swait.ge @!p0 [sflag:s6], $0x100  }
0x2b: {  	[sflag:s6] =	ssyncset.done @!p0 $0x0  }
0x2c: {  	[sflag:s6] =	ssyncadd.s32 @!p0 $0xFFFFFF00  }
0x2d: {  	[bflag:$0x0] =	sbarrier.arrive $0xFFFF  }
0x2e: {  	s13 =	rddreg [dreg:$0x4]  }
0x2f: {  	s6 =	sadd.s32 $0x0, s13  }
0x30: {  	[tilespmem:s3], [sflag:$0x3] =	stream.linear.gather [hbm4b:s6+s3], $0x800, $0x38;
	[tilespmem:$0x1C8C0] =	vst v63  }
0x31: {  	_ =	swait.ge [sflag:s12], $0x800  }
0x32: {  	s10 =	rddreg [dreg:$0x3];
	[sflag:s12] =	ssyncset.done $0x0  }
0x33: {  	[sflag:s12] =	ssyncadd.s32 $0xFFFFF800;
	s6 =	sadd.s32 $0x0, s10  }
0x34: {  	[tilespmem:s14], [sflag:$0x3] =	stream.linear.gather [hbm4b:s6+s3], $0x800, $0x38;
	[tilespmem:$0x1C8C0] =	vst v63  }
0x35: {  	_ =	swait.ge [sflag:s12], $0x800  }
0x36: {  	[sflag:s12] =	ssyncset.done $0x0  }
0x37: {  	[sflag:s12] =	ssyncadd.s32 $0xFFFFF800  }
0x38: {  	[tilespmem:s16], [sflag:$0x1] =	stream.indirect.gather [hbm4b:s4+s15], $0x80, s3, s15, $0xb8;
	[tilespmem:$0x1C8C0] =	vst v63  }
0x39: {  	_ = 	snop  }
0x3a: {  	[tilespmem:s17], [sflag:$0x2] =	stream.indirect.gather [hbm4b:s4+s15], $0x80, s15, s15, $0xb8;
	[tilespmem:$0x1C8C0] =	vst v63  }
0x3b: {  	_ =	swait.ge [sflag:s18], $0x4000  }
0x3c: {  	[sflag:s18] =	ssyncset.done $0x0  }
0x3d: {  	[sflag:s18] =	ssyncadd.s32 $0xFFFFC000  }
0x3e: {  	_ =	swait.ge [sflag:s19], $0x4000  }
0x3f: {  	[sflag:s19] =	ssyncset.done $0x0  }
0x40: {  	[sflag:s19] =	ssyncadd.s32 $0xFFFFC000  }
0x41: {  	[spmem:s2] =	stream.indirect.scatter.add.f32 [tilespmem:s16], [sflag:$0x3], $0x80, s14, s15, $0xb8;
	[tilespmem:$0x1C8C0] =	vst v63  }
0x42: {  	_ =	swait.ge [sflag:s12], $0x4000  }
0x43: {  	[sflag:s12] =	ssyncset.done $0x0  }
0x44: {  	s11 =	rddreg [dreg:$0x5];
	[sflag:s12] =	ssyncadd.s32 $0xFFFFC000  }
0x45: {  	[spmem:s2] =	stream.indirect.scatter.add.f32 [tilespmem:s17], [sflag:$0x3], $0x80, s11, s15, $0xb8;
	[tilespmem:$0x1C8C0] =	vst v63  }
0x46: {  	_ =	swait.ge [sflag:s12], $0x4000  }
0x47: {  	[sflag:s12] =	ssyncset.done $0x0  }
0x48: {  	s13 =	rddreg [dreg:$0x6];
	[sflag:s12] =	ssyncadd.s32 $0xFFFFC000  }
0x49: {  	[tilespmem:s16], [sflag:$0x1] =	stream.indirect.gather [hbm4b:s4+s15], $0x80, s13, s15, $0xb8;
	[tilespmem:$0x1C8C0] =	vst v63  }
0x4a: {  	s10 =	rddreg [dreg:$0x7]  }
0x4b: {  	[tilespmem:s17], [sflag:$0x2] =	stream.indirect.gather [hbm4b:s4+s15], $0x80, s10, s15, $0xb8;
	[tilespmem:$0x1C8C0] =	vst v63  }
0x4c: {  	_ =	swait.ge [sflag:s18], $0x4000  }
0x4d: {  	[sflag:s18] =	ssyncset.done $0x0  }
0x4e: {  	[sflag:s18] =	ssyncadd.s32 $0xFFFFC000  }
0x4f: {  	_ =	swait.ge [sflag:s19], $0x4000  }
0x50: {  	[sflag:s19] =	ssyncset.done $0x0  }
0x51: {  	s13 =	rddreg [dreg:$0x8];
	[sflag:s19] =	ssyncadd.s32 $0xFFFFC000  }
0x52: {  	[spmem:s2] =	stream.indirect.scatter.add.f32 [tilespmem:s16], [sflag:$0x3], $0x80, s13, s15, $0xb8;
	[tilespmem:$0x1C8C0] =	vst v63  }
0x53: {  	_ =	swait.ge [sflag:s12], $0x4000  }
0x54: {  	[sflag:s12] =	ssyncset.done $0x0  }
0x55: {  	s10 =	rddreg [dreg:$0x9];
	[sflag:s12] =	ssyncadd.s32 $0xFFFFC000  }
0x56: {  	[spmem:s2] =	stream.indirect.scatter.add.f32 [tilespmem:s17], [sflag:$0x3], $0x80, s10, s15, $0xb8;
	[tilespmem:$0x1C8C0] =	vst v63  }
0x57: {  	_ =	swait.ge [sflag:s12], $0x4000  }
0x58: {  	[sflag:s12] =	ssyncset.done $0x0  }
0x59: {  	s11 =	rddreg [dreg:$0xa];
	[sflag:s12] =	ssyncadd.s32 $0xFFFFC000  }
0x5a: {  	[tilespmem:s16], [sflag:$0x1] =	stream.indirect.gather [hbm4b:s4+s15], $0x80, s11, s15, $0xb8;
	[tilespmem:$0x1C8C0] =	vst v63  }
0x5b: {  	s13 =	rddreg [dreg:$0xb]  }
0x5c: {  	[tilespmem:s17], [sflag:$0x2] =	stream.indirect.gather [hbm4b:s4+s15], $0x80, s13, s15, $0xb8;
	[tilespmem:$0x1C8C0] =	vst v63  }
0x5d: {  	_ =	swait.ge [sflag:s18], $0x4000  }
0x5e: {  	[sflag:s18] =	ssyncset.done $0x0  }
0x5f: {  	[sflag:s18] =	ssyncadd.s32 $0xFFFFC000  }
0x60: {  	_ =	swait.ge [sflag:s19], $0x4000  }
0x61: {  	[sflag:s19] =	ssyncset.done $0x0  }
0x62: {  	s10 =	rddreg [dreg:$0xc];
	[sflag:s19] =	ssyncadd.s32 $0xFFFFC000  }
0x63: {  	[spmem:s2] =	stream.indirect.scatter.add.f32 [tilespmem:s16], [sflag:$0x3], $0x80, s10, s15, $0xb8;
	[tilespmem:$0x1C8C0] =	vst v63  }
0x64: {  	_ =	swait.ge [sflag:s12], $0x4000  }
0x65: {  	[sflag:s12] =	ssyncset.done $0x0  }
0x66: {  	s11 =	rddreg [dreg:$0xd];
	[sflag:s12] =	ssyncadd.s32 $0xFFFFC000  }
0x67: {  	[spmem:s2] =	stream.indirect.scatter.add.f32 [tilespmem:s17], [sflag:$0x3], $0x80, s11, s15, $0xb8;
	[tilespmem:$0x1C8C0] =	vst v63  }
0x68: {  	_ =	swait.ge [sflag:s12], $0x4000  }
0x69: {  	[sflag:s12] =	ssyncset.done $0x0  }
0x6a: {  	s13 =	rddreg [dreg:$0xe];
	[sflag:s12] =	ssyncadd.s32 $0xFFFFC000  }
0x6b: {  	[tilespmem:s16], [sflag:$0x1] =	stream.indirect.gather [hbm4b:s4+s15], $0x80, s13, s15, $0xb8;
	[tilespmem:$0x1C8C0] =	vst v63  }
0x6c: {  	s10 =	rddreg [dreg:$0xf]  }
0x6d: {  	[tilespmem:s17], [sflag:$0x2] =	stream.indirect.gather [hbm4b:s4+s15], $0x80, s10, s15, $0xb8;
	[tilespmem:$0x1C8C0] =	vst v63  }
0x6e: {  	_ =	swait.ge [sflag:s18], $0x4000  }
0x6f: {  	[sflag:s18] =	ssyncset.done $0x0  }
0x70: {  	[sflag:s18] =	ssyncadd.s32 $0xFFFFC000  }
0x71: {  	_ =	swait.ge [sflag:s19], $0x4000  }
0x72: {  	[sflag:s19] =	ssyncset.done $0x0  }
0x73: {  	s13 =	rddreg [dreg:$0x10];
	[sflag:s19] =	ssyncadd.s32 $0xFFFFC000  }
0x74: {  	[spmem:s2] =	stream.indirect.scatter.add.f32 [tilespmem:s16], [sflag:$0x3], $0x80, s13, s15, $0xb8;
	[tilespmem:$0x1C8C0] =	vst v63  }
0x75: {  	_ =	swait.ge [sflag:s12], $0x4000  }
0x76: {  	[sflag:s12] =	ssyncset.done $0x0  }
0x77: {  	[sflag:s12] =	ssyncadd.s32 $0xFFFFC000  }
0x78: {  	[spmem:s2] =	stream.indirect.scatter.add.f32 [tilespmem:s17], [sflag:$0x3], $0x80, s20, s15, $0xb8;
	[tilespmem:$0x1C8C0] =	vst v63  }
0x79: {  	_ =	swait.ge [sflag:s12], $0x4000  }
0x7a: {  	[sflag:s12] =	ssyncset.done $0x0  }
0x7b: {  	[sflag:s12] =	ssyncadd.s32 $0xFFFFC000  }
0x7c: {  	[tilespmem:s16], [sflag:$0x1] =	stream.indirect.gather [hbm4b:s4+s15], $0x80, s21, s15, $0xb8;
	[tilespmem:$0x1C8C0] =	vst v63  }
0x7d: {  	_ = 	snop  }
0x7e: {  	[tilespmem:s17], [sflag:$0x2] =	stream.indirect.gather [hbm4b:s4+s15], $0x80, s22, s15, $0xb8;
	[tilespmem:$0x1C8C0] =	vst v63  }
0x7f: {  	_ =	swait.ge [sflag:s18], $0x4000  }
0x80: {  	[sflag:s18] =	ssyncset.done $0x0  }
0x81: {  	[sflag:s18] =	ssyncadd.s32 $0xFFFFC000  }
0x82: {  	_ =	swait.ge [sflag:s19], $0x4000  }
0x83: {  	[sflag:s19] =	ssyncset.done $0x0  }
0x84: {  	[sflag:s19] =	ssyncadd.s32 $0xFFFFC000  }
0x85: {  	[spmem:s2] =	stream.indirect.scatter.add.f32 [tilespmem:s16], [sflag:$0x3], $0x80, s23, s15, $0xb8;
	[tilespmem:$0x1C8C0] =	vst v63  }
0x86: {  	_ =	swait.ge [sflag:s12], $0x4000  }
0x87: {  	[sflag:s12] =	ssyncset.done $0x0  }
0x88: {  	[sflag:s12] =	ssyncadd.s32 $0xFFFFC000  }
0x89: {  	[spmem:s2] =	stream.indirect.scatter.add.f32 [tilespmem:s17], [sflag:$0x3], $0x80, s24, s15, $0xb8;
	[tilespmem:$0x1C8C0] =	vst v63  }
0x8a: {  	_ =	swait.ge [sflag:s12], $0x4000  }
0x8b: {  	[sflag:s12] =	ssyncset.done $0x0  }
0x8c: {  	[sflag:s12] =	ssyncadd.s32 $0xFFFFC000  }
0x8d: {  	[tilespmem:s16], [sflag:$0x1] =	stream.indirect.gather [hbm4b:s4+s15], $0x80, s25, s15, $0xb8;
	[tilespmem:$0x1C8C0] =	vst v63  }
0x8e: {  	_ = 	snop  }
0x8f: {  	[tilespmem:s17], [sflag:$0x2] =	stream.indirect.gather [hbm4b:s4+s15], $0x80, s26, s15, $0xb8;
	[tilespmem:$0x1C8C0] =	vst v63  }
0x90: {  	_ =	swait.ge [sflag:s18], $0x4000  }
0x91: {  	[sflag:s18] =	ssyncset.done $0x0  }
0x92: {  	[sflag:s18] =	ssyncadd.s32 $0xFFFFC000  }
0x93: {  	_ =	swait.ge [sflag:s19], $0x4000  }
0x94: {  	[sflag:s19] =	ssyncset.done $0x0  }
0x95: {  	[sflag:s19] =	ssyncadd.s32 $0xFFFFC000  }
0x96: {  	[spmem:s2] =	stream.indirect.scatter.add.f32 [tilespmem:s16], [sflag:$0x3], $0x80, s28, s15, $0xb8;
	[tilespmem:$0x1C8C0] =	vst v63  }
0x97: {  	_ =	swait.ge [sflag:s12], $0x4000  }
0x98: {  	[sflag:s12] =	ssyncset.done $0x0  }
0x99: {  	[sflag:s12] =	ssyncadd.s32 $0xFFFFC000  }
0x9a: {  	[spmem:s2] =	stream.indirect.scatter.add.f32 [tilespmem:s17], [sflag:$0x3], $0x80, s29, s15, $0xb8;
	[tilespmem:$0x1C8C0] =	vst v63  }
0x9b: {  	_ =	swait.ge [sflag:s12], $0x4000  }
0x9c: {  	[sflag:s12] =	ssyncset.done $0x0  }
0x9d: {  	[sflag:s12] =	ssyncadd.s32 $0xFFFFC000  }
0x9e: {  	[tilespmem:s16], [sflag:$0x1] =	stream.indirect.gather [hbm4b:s4+s15], $0x80, s30, s15, $0xb8;
	[tilespmem:$0x1C8C0] =	vst v63  }
0x9f: {  	_ = 	snop  }
0xa0: {  	[tilespmem:s17], [sflag:$0x2] =	stream.indirect.gather [hbm4b:s4+s15], $0x80, s31, s15, $0xb8;
	[tilespmem:$0x1C8C0] =	vst v63  }
0xa1: {  	_ =	swait.ge [sflag:s18], $0x4000  }
0xa2: {  	[sflag:s18] =	ssyncset.done $0x0  }
0xa3: {  	[sflag:s18] =	ssyncadd.s32 $0xFFFFC000  }
0xa4: {  	_ =	swait.ge [sflag:s19], $0x4000  }
0xa5: {  	[sflag:s19] =	ssyncset.done $0x0  }
0xa6: {  	[sflag:s19] =	ssyncadd.s32 $0xFFFFC000  }
0xa7: {  	[spmem:s2] =	stream.indirect.scatter.add.f32 [tilespmem:s16], [sflag:$0x3], $0x80, s1, s15, $0xb8;
	[tilespmem:$0x1C8C0] =	vst v63  }
0xa8: {  	_ =	swait.ge [sflag:s12], $0x4000  }
0xa9: {  	[sflag:s12] =	ssyncset.done $0x0  }
0xaa: {  	[sflag:s12] =	ssyncadd.s32 $0xFFFFC000  }
0xab: {  	[spmem:s2] =	stream.indirect.scatter.add.f32 [tilespmem:s17], [sflag:$0x3], $0x80, s0, s15, $0xb8;
	[tilespmem:$0x1C8C0] =	vst v63  }
0xac: {  	_ =	swait.ge [sflag:s12], $0x4000  }
0xad: {  	[sflag:s12] =	ssyncset.done $0x0  }
0xae: {  	[sflag:s12] =	ssyncadd.s32 $0xFFFFC000  }
0xaf: {  	[tilespmem:s16], [sflag:$0x1] =	stream.indirect.gather [hbm4b:s4+s15], $0x80, s5, s15, $0xb8;
	[tilespmem:$0x1C8C0] =	vst v63  }
0xb0: {  	_ = 	snop  }
0xb1: {  	[tilespmem:s17], [sflag:$0x2] =	stream.indirect.gather [hbm4b:s4+s15], $0x80, s7, s15, $0xb8;
	[tilespmem:$0x1C8C0] =	vst v63  }
0xb2: {  	_ =	swait.ge [sflag:s18], $0x4000  }
0xb3: {  	[sflag:s18] =	ssyncset.done $0x0  }
0xb4: {  	[sflag:s18] =	ssyncadd.s32 $0xFFFFC000  }
0xb5: {  	_ =	swait.ge [sflag:s19], $0x4000  }
0xb6: {  	[sflag:s19] =	ssyncset.done $0x0  }
0xb7: {  	[sflag:s19] =	ssyncadd.s32 $0xFFFFC000  }
0xb8: {  	[spmem:s2] =	stream.indirect.scatter.add.f32 [tilespmem:s16], [sflag:$0x3], $0x80, s8, s15, $0xb8;
	[tilespmem:$0x1C8C0] =	vst v63  }
0xb9: {  	_ =	swait.ge [sflag:s12], $0x4000  }
0xba: {  	[sflag:s12] =	ssyncset.done $0x0  }
0xbb: {  	[sflag:s12] =	ssyncadd.s32 $0xFFFFC000  }
0xbc: {  	[spmem:s2] =	stream.indirect.scatter.add.f32 [tilespmem:s17], [sflag:$0x3], $0x80, s9, s15, $0xb8;
	[tilespmem:$0x1C8C0] =	vst v63  }
0xbd: {  	s11 =	simm.s32 $0x100;
	_ =	swait.ge [sflag:s12], $0x4000  }
0xbe: {  	s13 =	simm.s32 $0x200;
	s6 =	rddreg [dreg:$0x4];
	[sflag:s12] =	ssyncset.done $0x0  }
.LBB2_2:
0xbf: {  	[sflag:s12] =	ssyncadd.s32 $0xFFFFC000;
	s6 =	sadd.s32 s11, s6  }
0xc0: {  	[tilespmem:s3], [sflag:$0x3] =	stream.linear.gather [hbm4b:s6+s3], $0x800, $0x38;
	[tilespmem:$0x1C8C0] =	vst v63  }
0xc1: {  	_ =	swait.ge [sflag:s12], $0x800  }
0xc2: {  	s6 =	rddreg [dreg:$0x3];
	[sflag:s12] =	ssyncset.done $0x0  }
0xc3: {  	[sflag:s12] =	ssyncadd.s32 $0xFFFFF800;
	s6 =	sadd.s32 s11, s6  }
0xc4: {  	[tilespmem:s14], [sflag:$0x3] =	stream.linear.gather [hbm4b:s6+s3], $0x800, $0x38;
	[tilespmem:$0x1C8C0] =	vst v63  }
0xc5: {  	_ =	swait.ge [sflag:s12], $0x800  }
0xc6: {  	[sflag:s12] =	ssyncset.done $0x0  }
0xc7: {  	[sflag:s12] =	ssyncadd.s32 $0xFFFFF800  }
0xc8: {  	[tilespmem:s16], [sflag:$0x1] =	stream.indirect.gather [hbm4b:s4+s15], $0x80, s3, s15, $0xb8;
	[tilespmem:$0x1C8C0] =	vst v63  }
0xc9: {  	_ = 	snop  }
0xca: {  	[tilespmem:s17], [sflag:$0x2] =	stream.indirect.gather [hbm4b:s4+s15], $0x80, s15, s15, $0xb8;
	[tilespmem:$0x1C8C0] =	vst v63  }
0xcb: {  	_ =	swait.ge [sflag:s18], $0x4000  }
0xcc: {  	[sflag:s18] =	ssyncset.done $0x0  }
0xcd: {  	[sflag:s18] =	ssyncadd.s32 $0xFFFFC000  }
0xce: {  	_ =	swait.ge [sflag:s19], $0x4000  }
0xcf: {  	[sflag:s19] =	ssyncset.done $0x0  }
0xd0: {  	[sflag:s19] =	ssyncadd.s32 $0xFFFFC000  }
0xd1: {  	[spmem:s2] =	stream.indirect.scatter.add.f32 [tilespmem:s16], [sflag:$0x3], $0x80, s14, s15, $0xb8;
	[tilespmem:$0x1C8C0] =	vst v63  }
0xd2: {  	_ =	swait.ge [sflag:s12], $0x4000  }
0xd3: {  	s10 =	smov.u32 s13;
	[sflag:s12] =	ssyncset.done $0x0  }
0xd4: {  	s11 =	smov.u32 s10;
	s10 =	rddreg [dreg:$0x5];
	[sflag:s12] =	ssyncadd.s32 $0xFFFFC000  }
0xd5: {  	[spmem:s2] =	stream.indirect.scatter.add.f32 [tilespmem:s17], [sflag:$0x3], $0x80, s10, s15, $0xb8;
	[tilespmem:$0x1C8C0] =	vst v63  }
0xd6: {  	_ =	swait.ge [sflag:s12], $0x4000  }
0xd7: {  	[sflag:s12] =	ssyncset.done $0x0  }
0xd8: {  	s6 =	rddreg [dreg:$0x6];
	[sflag:s12] =	ssyncadd.s32 $0xFFFFC000  }
0xd9: {  	[tilespmem:s16], [sflag:$0x1] =	stream.indirect.gather [hbm4b:s4+s15], $0x80, s6, s15, $0xb8;
	[tilespmem:$0x1C8C0] =	vst v63  }
0xda: {  	s10 =	rddreg [dreg:$0x7]  }
0xdb: {  	[tilespmem:s17], [sflag:$0x2] =	stream.indirect.gather [hbm4b:s4+s15], $0x80, s10, s15, $0xb8;
	[tilespmem:$0x1C8C0] =	vst v63  }
0xdc: {  	_ =	swait.ge [sflag:s18], $0x4000  }
0xdd: {  	[sflag:s18] =	ssyncset.done $0x0  }
0xde: {  	[sflag:s18] =	ssyncadd.s32 $0xFFFFC000  }
0xdf: {  	_ =	swait.ge [sflag:s19], $0x4000  }
0xe0: {  	[sflag:s19] =	ssyncset.done $0x0  }
0xe1: {  	s10 =	rddreg [dreg:$0x8];
	[sflag:s19] =	ssyncadd.s32 $0xFFFFC000  }
0xe2: {  	[spmem:s2] =	stream.indirect.scatter.add.f32 [tilespmem:s16], [sflag:$0x3], $0x80, s10, s15, $0xb8;
	[tilespmem:$0x1C8C0] =	vst v63  }
0xe3: {  	_ =	swait.ge [sflag:s12], $0x4000  }
0xe4: {  	[sflag:s12] =	ssyncset.done $0x0  }
0xe5: {  	s10 =	rddreg [dreg:$0x9];
	[sflag:s12] =	ssyncadd.s32 $0xFFFFC000  }
0xe6: {  	[spmem:s2] =	stream.indirect.scatter.add.f32 [tilespmem:s17], [sflag:$0x3], $0x80, s10, s15, $0xb8;
	[tilespmem:$0x1C8C0] =	vst v63  }
0xe7: {  	_ =	swait.ge [sflag:s12], $0x4000  }
0xe8: {  	[sflag:s12] =	ssyncset.done $0x0  }
0xe9: {  	s6 =	rddreg [dreg:$0xa];
	[sflag:s12] =	ssyncadd.s32 $0xFFFFC000  }
0xea: {  	[tilespmem:s16], [sflag:$0x1] =	stream.indirect.gather [hbm4b:s4+s15], $0x80, s6, s15, $0xb8;
	[tilespmem:$0x1C8C0] =	vst v63  }
0xeb: {  	s10 =	rddreg [dreg:$0xb]  }
0xec: {  	[tilespmem:s17], [sflag:$0x2] =	stream.indirect.gather [hbm4b:s4+s15], $0x80, s10, s15, $0xb8;
	[tilespmem:$0x1C8C0] =	vst v63  }
0xed: {  	_ =	swait.ge [sflag:s18], $0x4000  }
0xee: {  	[sflag:s18] =	ssyncset.done $0x0  }
0xef: {  	[sflag:s18] =	ssyncadd.s32 $0xFFFFC000  }
0xf0: {  	_ =	swait.ge [sflag:s19], $0x4000  }
0xf1: {  	[sflag:s19] =	ssyncset.done $0x0  }
0xf2: {  	s10 =	rddreg [dreg:$0xc];
	[sflag:s19] =	ssyncadd.s32 $0xFFFFC000  }
0xf3: {  	[spmem:s2] =	stream.indirect.scatter.add.f32 [tilespmem:s16], [sflag:$0x3], $0x80, s10, s15, $0xb8;
	[tilespmem:$0x1C8C0] =	vst v63  }
0xf4: {  	_ =	swait.ge [sflag:s12], $0x4000  }
0xf5: {  	[sflag:s12] =	ssyncset.done $0x0  }
0xf6: {  	s10 =	rddreg [dreg:$0xd];
	[sflag:s12] =	ssyncadd.s32 $0xFFFFC000  }
0xf7: {  	[spmem:s2] =	stream.indirect.scatter.add.f32 [tilespmem:s17], [sflag:$0x3], $0x80, s10, s15, $0xb8;
	[tilespmem:$0x1C8C0] =	vst v63  }
0xf8: {  	_ =	swait.ge [sflag:s12], $0x4000  }
0xf9: {  	[sflag:s12] =	ssyncset.done $0x0  }
0xfa: {  	s6 =	rddreg [dreg:$0xe];
	[sflag:s12] =	ssyncadd.s32 $0xFFFFC000  }
0xfb: {  	[tilespmem:s16], [sflag:$0x1] =	stream.indirect.gather [hbm4b:s4+s15], $0x80, s6, s15, $0xb8;
	[tilespmem:$0x1C8C0] =	vst v63  }
0xfc: {  	s10 =	rddreg [dreg:$0xf]  }
0xfd: {  	[tilespmem:s17], [sflag:$0x2] =	stream.indirect.gather [hbm4b:s4+s15], $0x80, s10, s15, $0xb8;
	[tilespmem:$0x1C8C0] =	vst v63  }
0xfe: {  	_ =	swait.ge [sflag:s18], $0x4000  }
0xff: {  	[sflag:s18] =	ssyncset.done $0x0  }
0x100: {  	[sflag:s18] =	ssyncadd.s32 $0xFFFFC000  }
0x101: {  	_ =	swait.ge [sflag:s19], $0x4000  }
0x102: {  	[sflag:s19] =	ssyncset.done $0x0  }
0x103: {  	s10 =	rddreg [dreg:$0x10];
	[sflag:s19] =	ssyncadd.s32 $0xFFFFC000  }
0x104: {  	[spmem:s2] =	stream.indirect.scatter.add.f32 [tilespmem:s16], [sflag:$0x3], $0x80, s10, s15, $0xb8;
	[tilespmem:$0x1C8C0] =	vst v63  }
0x105: {  	_ =	swait.ge [sflag:s12], $0x4000  }
0x106: {  	[sflag:s12] =	ssyncset.done $0x0  }
0x107: {  	[sflag:s12] =	ssyncadd.s32 $0xFFFFC000  }
0x108: {  	[spmem:s2] =	stream.indirect.scatter.add.f32 [tilespmem:s17], [sflag:$0x3], $0x80, s20, s15, $0xb8;
	[tilespmem:$0x1C8C0] =	vst v63  }
0x109: {  	_ =	swait.ge [sflag:s12], $0x4000  }
0x10a: {  	[sflag:s12] =	ssyncset.done $0x0  }
0x10b: {  	[sflag:s12] =	ssyncadd.s32 $0xFFFFC000  }
0x10c: {  	[tilespmem:s16], [sflag:$0x1] =	stream.indirect.gather [hbm4b:s4+s15], $0x80, s21, s15, $0xb8;
	[tilespmem:$0x1C8C0] =	vst v63  }
0x10d: {  	_ = 	snop  }
0x10e: {  	[tilespmem:s17], [sflag:$0x2] =	stream.indirect.gather [hbm4b:s4+s15], $0x80, s22, s15, $0xb8;
	[tilespmem:$0x1C8C0] =	vst v63  }
0x10f: {  	_ =	swait.ge [sflag:s18], $0x4000  }
0x110: {  	[sflag:s18] =	ssyncset.done $0x0  }
0x111: {  	[sflag:s18] =	ssyncadd.s32 $0xFFFFC000  }
0x112: {  	_ =	swait.ge [sflag:s19], $0x4000  }
0x113: {  	[sflag:s19] =	ssyncset.done $0x0  }
0x114: {  	[sflag:s19] =	ssyncadd.s32 $0xFFFFC000  }
0x115: {  	[spmem:s2] =	stream.indirect.scatter.add.f32 [tilespmem:s16], [sflag:$0x3], $0x80, s23, s15, $0xb8;
	[tilespmem:$0x1C8C0] =	vst v63  }
0x116: {  	_ =	swait.ge [sflag:s12], $0x4000  }
0x117: {  	[sflag:s12] =	ssyncset.done $0x0  }
0x118: {  	[sflag:s12] =	ssyncadd.s32 $0xFFFFC000  }
0x119: {  	[spmem:s2] =	stream.indirect.scatter.add.f32 [tilespmem:s17], [sflag:$0x3], $0x80, s24, s15, $0xb8;
	[tilespmem:$0x1C8C0] =	vst v63  }
0x11a: {  	_ =	swait.ge [sflag:s12], $0x4000  }
0x11b: {  	[sflag:s12] =	ssyncset.done $0x0  }
0x11c: {  	[sflag:s12] =	ssyncadd.s32 $0xFFFFC000  }
0x11d: {  	[tilespmem:s16], [sflag:$0x1] =	stream.indirect.gather [hbm4b:s4+s15], $0x80, s25, s15, $0xb8;
	[tilespmem:$0x1C8C0] =	vst v63  }
0x11e: {  	_ = 	snop  }
0x11f: {  	[tilespmem:s17], [sflag:$0x2] =	stream.indirect.gather [hbm4b:s4+s15], $0x80, s26, s15, $0xb8;
	[tilespmem:$0x1C8C0] =	vst v63  }
0x120: {  	_ =	swait.ge [sflag:s18], $0x4000  }
0x121: {  	[sflag:s18] =	ssyncset.done $0x0  }
0x122: {  	[sflag:s18] =	ssyncadd.s32 $0xFFFFC000  }
0x123: {  	_ =	swait.ge [sflag:s19], $0x4000  }
0x124: {  	[sflag:s19] =	ssyncset.done $0x0  }
0x125: {  	[sflag:s19] =	ssyncadd.s32 $0xFFFFC000  }
0x126: {  	[spmem:s2] =	stream.indirect.scatter.add.f32 [tilespmem:s16], [sflag:$0x3], $0x80, s28, s15, $0xb8;
	[tilespmem:$0x1C8C0] =	vst v63  }
0x127: {  	_ =	swait.ge [sflag:s12], $0x4000  }
0x128: {  	[sflag:s12] =	ssyncset.done $0x0  }
0x129: {  	[sflag:s12] =	ssyncadd.s32 $0xFFFFC000  }
0x12a: {  	[spmem:s2] =	stream.indirect.scatter.add.f32 [tilespmem:s17], [sflag:$0x3], $0x80, s29, s15, $0xb8;
	[tilespmem:$0x1C8C0] =	vst v63  }
0x12b: {  	_ =	swait.ge [sflag:s12], $0x4000  }
0x12c: {  	[sflag:s12] =	ssyncset.done $0x0  }
0x12d: {  	[sflag:s12] =	ssyncadd.s32 $0xFFFFC000  }
0x12e: {  	[tilespmem:s16], [sflag:$0x1] =	stream.indirect.gather [hbm4b:s4+s15], $0x80, s30, s15, $0xb8;
	[tilespmem:$0x1C8C0] =	vst v63  }
0x12f: {  	_ = 	snop  }
0x130: {  	[tilespmem:s17], [sflag:$0x2] =	stream.indirect.gather [hbm4b:s4+s15], $0x80, s31, s15, $0xb8;
	[tilespmem:$0x1C8C0] =	vst v63  }
0x131: {  	_ =	swait.ge [sflag:s18], $0x4000  }
0x132: {  	[sflag:s18] =	ssyncset.done $0x0  }
0x133: {  	[sflag:s18] =	ssyncadd.s32 $0xFFFFC000  }
0x134: {  	_ =	swait.ge [sflag:s19], $0x4000  }
0x135: {  	[sflag:s19] =	ssyncset.done $0x0  }
0x136: {  	[sflag:s19] =	ssyncadd.s32 $0xFFFFC000  }
0x137: {  	[spmem:s2] =	stream.indirect.scatter.add.f32 [tilespmem:s16], [sflag:$0x3], $0x80, s1, s15, $0xb8;
	[tilespmem:$0x1C8C0] =	vst v63  }
0x138: {  	_ =	swait.ge [sflag:s12], $0x4000  }
0x139: {  	[sflag:s12] =	ssyncset.done $0x0  }
0x13a: {  	[sflag:s12] =	ssyncadd.s32 $0xFFFFC000  }
0x13b: {  	[spmem:s2] =	stream.indirect.scatter.add.f32 [tilespmem:s17], [sflag:$0x3], $0x80, s0, s15, $0xb8;
	[tilespmem:$0x1C8C0] =	vst v63  }
0x13c: {  	_ =	swait.ge [sflag:s12], $0x4000  }
0x13d: {  	[sflag:s12] =	ssyncset.done $0x0  }
0x13e: {  	[sflag:s12] =	ssyncadd.s32 $0xFFFFC000  }
0x13f: {  	[tilespmem:s16], [sflag:$0x1] =	stream.indirect.gather [hbm4b:s4+s15], $0x80, s5, s15, $0xb8;
	[tilespmem:$0x1C8C0] =	vst v63  }
0x140: {  	_ = 	snop  }
0x141: {  	[tilespmem:s17], [sflag:$0x2] =	stream.indirect.gather [hbm4b:s4+s15], $0x80, s7, s15, $0xb8;
	[tilespmem:$0x1C8C0] =	vst v63  }
0x142: {  	_ =	swait.ge [sflag:s18], $0x4000  }
0x143: {  	[sflag:s18] =	ssyncset.done $0x0  }
0x144: {  	[sflag:s18] =	ssyncadd.s32 $0xFFFFC000  }
0x145: {  	_ =	swait.ge [sflag:s19], $0x4000  }
0x146: {  	[sflag:s19] =	ssyncset.done $0x0  }
0x147: {  	[sflag:s19] =	ssyncadd.s32 $0xFFFFC000  }
0x148: {  	[spmem:s2] =	stream.indirect.scatter.add.f32 [tilespmem:s16], [sflag:$0x3], $0x80, s8, s15, $0xb8;
	[tilespmem:$0x1C8C0] =	vst v63  }
0x149: {  	p1 =	sne.s32 s13, $0x400;
	_ =	swait.ge [sflag:s12], $0x4000  }
.Ltmp0:
0x14a: {  	[sflag:s12] =	ssyncset.done $0x0;
	(pc) =	sbr.rel @p1 .LBB2_2-.Ltmp0, $4  }
0x14b: {  	[sflag:s12] =	ssyncadd.s32 $0xFFFFC000  }
0x14c: {  	[spmem:s2] =	stream.indirect.scatter.add.f32 [tilespmem:s17], [sflag:$0x3], $0x80, s9, s15, $0xb8;
	[tilespmem:$0x1C8C0] =	vst v63  }
0x14d: {  	_ =	swait.ge [sflag:s12], $0x4000  }
0x14e: {  	s13 =	sadd.s32 $0x100, s13;
	s6 =	rddreg [dreg:$0x4];
	[sflag:s12] =	ssyncset.done $0x0  }
0x14f: {  	[sflag:s12] =	ssyncadd.s32 $0xFFFFC000;
	s6 =	sadd.s32 s11, s6  }
0x150: {  	[tilespmem:s3], [sflag:$0x3] =	stream.linear.gather [hbm4b:s6+s3], $0x800, $0x38;
	[tilespmem:$0x1C8C0] =	vst v63  }
0x151: {  	_ =	swait.ge [sflag:s12], $0x800  }
0x152: {  	s13 =	rddreg [dreg:$0x3];
	[sflag:s12] =	ssyncset.done $0x0  }
0x153: {  	[sflag:s12] =	ssyncadd.s32 $0xFFFFF800;
	s6 =	sadd.s32 s11, s13  }
0x154: {  	[tilespmem:s14], [sflag:$0x3] =	stream.linear.gather [hbm4b:s6+s3], $0x800, $0x38;
	[tilespmem:$0x1C8C0] =	vst v63  }
0x155: {  	_ =	swait.ge [sflag:s12], $0x800  }
0x156: {  	[sflag:s12] =	ssyncset.done $0x0  }
0x157: {  	[sflag:s12] =	ssyncadd.s32 $0xFFFFF800  }
0x158: {  	[tilespmem:s16], [sflag:$0x1] =	stream.indirect.gather [hbm4b:s4+s15], $0x80, s3, s15, $0xb8;
	[tilespmem:$0x1C8C0] =	vst v63  }
0x159: {  	_ = 	snop  }
0x15a: {  	[tilespmem:s17], [sflag:$0x2] =	stream.indirect.gather [hbm4b:s4+s15], $0x80, s15, s15, $0xb8;
	[tilespmem:$0x1C8C0] =	vst v63  }
0x15b: {  	_ =	swait.ge [sflag:s18], $0x4000  }
0x15c: {  	[sflag:s18] =	ssyncset.done $0x0  }
0x15d: {  	[sflag:s18] =	ssyncadd.s32 $0xFFFFC000  }
0x15e: {  	_ =	swait.ge [sflag:s19], $0x4000  }
0x15f: {  	[sflag:s19] =	ssyncset.done $0x0  }
0x160: {  	[sflag:s19] =	ssyncadd.s32 $0xFFFFC000  }
0x161: {  	[spmem:s2] =	stream.indirect.scatter.add.f32 [tilespmem:s16], [sflag:$0x3], $0x80, s14, s15, $0xb8;
	[tilespmem:$0x1C8C0] =	vst v63  }
0x162: {  	_ =	swait.ge [sflag:s12], $0x4000  }
0x163: {  	[sflag:s12] =	ssyncset.done $0x0  }
0x164: {  	s10 =	rddreg [dreg:$0x5];
	[sflag:s12] =	ssyncadd.s32 $0xFFFFC000  }
0x165: {  	[spmem:s2] =	stream.indirect.scatter.add.f32 [tilespmem:s17], [sflag:$0x3], $0x80, s10, s15, $0xb8;
	[tilespmem:$0x1C8C0] =	vst v63  }
0x166: {  	_ =	swait.ge [sflag:s12], $0x4000  }
0x167: {  	[sflag:s12] =	ssyncset.done $0x0  }
0x168: {  	s11 =	rddreg [dreg:$0x6];
	[sflag:s12] =	ssyncadd.s32 $0xFFFFC000  }
0x169: {  	[tilespmem:s16], [sflag:$0x1] =	stream.indirect.gather [hbm4b:s4+s15], $0x80, s11, s15, $0xb8;
	[tilespmem:$0x1C8C0] =	vst v63  }
0x16a: {  	s10 =	rddreg [dreg:$0x7]  }
0x16b: {  	[tilespmem:s17], [sflag:$0x2] =	stream.indirect.gather [hbm4b:s4+s15], $0x80, s10, s15, $0xb8;
	[tilespmem:$0x1C8C0] =	vst v63  }
0x16c: {  	_ =	swait.ge [sflag:s18], $0x4000  }
0x16d: {  	[sflag:s18] =	ssyncset.done $0x0  }
0x16e: {  	[sflag:s18] =	ssyncadd.s32 $0xFFFFC000  }
0x16f: {  	_ =	swait.ge [sflag:s19], $0x4000  }
0x170: {  	[sflag:s19] =	ssyncset.done $0x0  }
0x171: {  	s13 =	rddreg [dreg:$0x8];
	[sflag:s19] =	ssyncadd.s32 $0xFFFFC000  }
0x172: {  	[spmem:s2] =	stream.indirect.scatter.add.f32 [tilespmem:s16], [sflag:$0x3], $0x80, s13, s15, $0xb8;
	[tilespmem:$0x1C8C0] =	vst v63  }
0x173: {  	_ =	swait.ge [sflag:s12], $0x4000  }
0x174: {  	[sflag:s12] =	ssyncset.done $0x0  }
0x175: {  	s10 =	rddreg [dreg:$0x9];
	[sflag:s12] =	ssyncadd.s32 $0xFFFFC000  }
0x176: {  	[spmem:s2] =	stream.indirect.scatter.add.f32 [tilespmem:s17], [sflag:$0x3], $0x80, s10, s15, $0xb8;
	[tilespmem:$0x1C8C0] =	vst v63  }
0x177: {  	_ =	swait.ge [sflag:s12], $0x4000  }
0x178: {  	[sflag:s12] =	ssyncset.done $0x0  }
0x179: {  	s11 =	rddreg [dreg:$0xa];
	[sflag:s12] =	ssyncadd.s32 $0xFFFFC000  }
0x17a: {  	[tilespmem:s16], [sflag:$0x1] =	stream.indirect.gather [hbm4b:s4+s15], $0x80, s11, s15, $0xb8;
	[tilespmem:$0x1C8C0] =	vst v63  }
0x17b: {  	s13 =	rddreg [dreg:$0xb]  }
0x17c: {  	[tilespmem:s17], [sflag:$0x2] =	stream.indirect.gather [hbm4b:s4+s15], $0x80, s13, s15, $0xb8;
	[tilespmem:$0x1C8C0] =	vst v63  }
0x17d: {  	_ =	swait.ge [sflag:s18], $0x4000  }
0x17e: {  	[sflag:s18] =	ssyncset.done $0x0  }
0x17f: {  	[sflag:s18] =	ssyncadd.s32 $0xFFFFC000  }
0x180: {  	_ =	swait.ge [sflag:s19], $0x4000  }
0x181: {  	[sflag:s19] =	ssyncset.done $0x0  }
0x182: {  	s11 =	rddreg [dreg:$0xc];
	[sflag:s19] =	ssyncadd.s32 $0xFFFFC000  }
0x183: {  	[spmem:s2] =	stream.indirect.scatter.add.f32 [tilespmem:s16], [sflag:$0x3], $0x80, s11, s15, $0xb8;
	[tilespmem:$0x1C8C0] =	vst v63  }
0x184: {  	_ =	swait.ge [sflag:s12], $0x4000  }
0x185: {  	[sflag:s12] =	ssyncset.done $0x0  }
0x186: {  	s13 =	rddreg [dreg:$0xd];
	[sflag:s12] =	ssyncadd.s32 $0xFFFFC000  }
0x187: {  	[spmem:s2] =	stream.indirect.scatter.add.f32 [tilespmem:s17], [sflag:$0x3], $0x80, s13, s15, $0xb8;
	[tilespmem:$0x1C8C0] =	vst v63  }
0x188: {  	_ =	swait.ge [sflag:s12], $0x4000  }
0x189: {  	[sflag:s12] =	ssyncset.done $0x0  }
0x18a: {  	s10 =	rddreg [dreg:$0xe];
	[sflag:s12] =	ssyncadd.s32 $0xFFFFC000  }
0x18b: {  	[tilespmem:s16], [sflag:$0x1] =	stream.indirect.gather [hbm4b:s4+s15], $0x80, s10, s15, $0xb8;
	[tilespmem:$0x1C8C0] =	vst v63  }
0x18c: {  	s11 =	rddreg [dreg:$0xf]  }
0x18d: {  	[tilespmem:s17], [sflag:$0x2] =	stream.indirect.gather [hbm4b:s4+s15], $0x80, s11, s15, $0xb8;
	[tilespmem:$0x1C8C0] =	vst v63  }
0x18e: {  	_ =	swait.ge [sflag:s18], $0x4000  }
0x18f: {  	[sflag:s18] =	ssyncset.done $0x0  }
0x190: {  	[sflag:s18] =	ssyncadd.s32 $0xFFFFC000  }
0x191: {  	_ =	swait.ge [sflag:s19], $0x4000  }
0x192: {  	[sflag:s19] =	ssyncset.done $0x0  }
0x193: {  	s13 =	rddreg [dreg:$0x10];
	[sflag:s19] =	ssyncadd.s32 $0xFFFFC000  }
0x194: {  	[spmem:s2] =	stream.indirect.scatter.add.f32 [tilespmem:s16], [sflag:$0x3], $0x80, s13, s15, $0xb8;
	[tilespmem:$0x1C8C0] =	vst v63  }
0x195: {  	_ =	swait.ge [sflag:s12], $0x4000  }
0x196: {  	[sflag:s12] =	ssyncset.done $0x0  }
0x197: {  	[sflag:s12] =	ssyncadd.s32 $0xFFFFC000  }
0x198: {  	[spmem:s2] =	stream.indirect.scatter.add.f32 [tilespmem:s17], [sflag:$0x3], $0x80, s20, s15, $0xb8;
	[tilespmem:$0x1C8C0] =	vst v63  }
0x199: {  	_ =	swait.ge [sflag:s12], $0x4000  }
0x19a: {  	[sflag:s12] =	ssyncset.done $0x0  }
0x19b: {  	[sflag:s12] =	ssyncadd.s32 $0xFFFFC000  }
0x19c: {  	[tilespmem:s16], [sflag:$0x1] =	stream.indirect.gather [hbm4b:s4+s15], $0x80, s21, s15, $0xb8;
	[tilespmem:$0x1C8C0] =	vst v63  }
0x19d: {  	_ = 	snop  }
0x19e: {  	[tilespmem:s17], [sflag:$0x2] =	stream.indirect.gather [hbm4b:s4+s15], $0x80, s22, s15, $0xb8;
	[tilespmem:$0x1C8C0] =	vst v63  }
0x19f: {  	_ =	swait.ge [sflag:s18], $0x4000  }
0x1a0: {  	[sflag:s18] =	ssyncset.done $0x0  }
0x1a1: {  	[sflag:s18] =	ssyncadd.s32 $0xFFFFC000  }
0x1a2: {  	_ =	swait.ge [sflag:s19], $0x4000  }
0x1a3: {  	[sflag:s19] =	ssyncset.done $0x0  }
0x1a4: {  	[sflag:s19] =	ssyncadd.s32 $0xFFFFC000  }
0x1a5: {  	[spmem:s2] =	stream.indirect.scatter.add.f32 [tilespmem:s16], [sflag:$0x3], $0x80, s23, s15, $0xb8;
	[tilespmem:$0x1C8C0] =	vst v63  }
0x1a6: {  	_ =	swait.ge [sflag:s12], $0x4000  }
0x1a7: {  	[sflag:s12] =	ssyncset.done $0x0  }
0x1a8: {  	[sflag:s12] =	ssyncadd.s32 $0xFFFFC000  }
0x1a9: {  	[spmem:s2] =	stream.indirect.scatter.add.f32 [tilespmem:s17], [sflag:$0x3], $0x80, s24, s15, $0xb8;
	[tilespmem:$0x1C8C0] =	vst v63  }
0x1aa: {  	_ =	swait.ge [sflag:s12], $0x4000  }
0x1ab: {  	[sflag:s12] =	ssyncset.done $0x0  }
0x1ac: {  	[sflag:s12] =	ssyncadd.s32 $0xFFFFC000  }
0x1ad: {  	[tilespmem:s16], [sflag:$0x1] =	stream.indirect.gather [hbm4b:s4+s15], $0x80, s25, s15, $0xb8;
	[tilespmem:$0x1C8C0] =	vst v63  }
0x1ae: {  	_ = 	snop  }
0x1af: {  	[tilespmem:s17], [sflag:$0x2] =	stream.indirect.gather [hbm4b:s4+s15], $0x80, s26, s15, $0xb8;
	[tilespmem:$0x1C8C0] =	vst v63  }
0x1b0: {  	_ =	swait.ge [sflag:s18], $0x4000  }
0x1b1: {  	[sflag:s18] =	ssyncset.done $0x0  }
0x1b2: {  	[sflag:s18] =	ssyncadd.s32 $0xFFFFC000  }
0x1b3: {  	_ =	swait.ge [sflag:s19], $0x4000  }
0x1b4: {  	[sflag:s19] =	ssyncset.done $0x0  }
0x1b5: {  	[sflag:s19] =	ssyncadd.s32 $0xFFFFC000  }
0x1b6: {  	[spmem:s2] =	stream.indirect.scatter.add.f32 [tilespmem:s16], [sflag:$0x3], $0x80, s28, s15, $0xb8;
	[tilespmem:$0x1C8C0] =	vst v63  }
0x1b7: {  	_ =	swait.ge [sflag:s12], $0x4000  }
0x1b8: {  	[sflag:s12] =	ssyncset.done $0x0  }
0x1b9: {  	[sflag:s12] =	ssyncadd.s32 $0xFFFFC000  }
0x1ba: {  	[spmem:s2] =	stream.indirect.scatter.add.f32 [tilespmem:s17], [sflag:$0x3], $0x80, s29, s15, $0xb8;
	[tilespmem:$0x1C8C0] =	vst v63  }
0x1bb: {  	_ =	swait.ge [sflag:s12], $0x4000  }
0x1bc: {  	[sflag:s12] =	ssyncset.done $0x0  }
0x1bd: {  	[sflag:s12] =	ssyncadd.s32 $0xFFFFC000  }
0x1be: {  	[tilespmem:s16], [sflag:$0x1] =	stream.indirect.gather [hbm4b:s4+s15], $0x80, s30, s15, $0xb8;
	[tilespmem:$0x1C8C0] =	vst v63  }
0x1bf: {  	_ = 	snop  }
0x1c0: {  	[tilespmem:s17], [sflag:$0x2] =	stream.indirect.gather [hbm4b:s4+s15], $0x80, s31, s15, $0xb8;
	[tilespmem:$0x1C8C0] =	vst v63  }
0x1c1: {  	_ =	swait.ge [sflag:s18], $0x4000  }
0x1c2: {  	[sflag:s18] =	ssyncset.done $0x0  }
0x1c3: {  	[sflag:s18] =	ssyncadd.s32 $0xFFFFC000  }
0x1c4: {  	_ =	swait.ge [sflag:s19], $0x4000  }
0x1c5: {  	[sflag:s19] =	ssyncset.done $0x0  }
0x1c6: {  	[sflag:s19] =	ssyncadd.s32 $0xFFFFC000  }
0x1c7: {  	[spmem:s2] =	stream.indirect.scatter.add.f32 [tilespmem:s16], [sflag:$0x3], $0x80, s1, s15, $0xb8;
	[tilespmem:$0x1C8C0] =	vst v63  }
0x1c8: {  	_ =	swait.ge [sflag:s12], $0x4000  }
0x1c9: {  	[sflag:s12] =	ssyncset.done $0x0  }
0x1ca: {  	[sflag:s12] =	ssyncadd.s32 $0xFFFFC000  }
0x1cb: {  	[spmem:s2] =	stream.indirect.scatter.add.f32 [tilespmem:s17], [sflag:$0x3], $0x80, s0, s15, $0xb8;
	[tilespmem:$0x1C8C0] =	vst v63  }
0x1cc: {  	_ =	swait.ge [sflag:s12], $0x4000  }
0x1cd: {  	[sflag:s12] =	ssyncset.done $0x0  }
0x1ce: {  	[sflag:s12] =	ssyncadd.s32 $0xFFFFC000  }
0x1cf: {  	[tilespmem:s16], [sflag:$0x1] =	stream.indirect.gather [hbm4b:s4+s15], $0x80, s5, s15, $0xb8;
	[tilespmem:$0x1C8C0] =	vst v63  }
0x1d0: {  	_ = 	snop  }
0x1d1: {  	[tilespmem:s17], [sflag:$0x2] =	stream.indirect.gather [hbm4b:s4+s15], $0x80, s7, s15, $0xb8;
	[tilespmem:$0x1C8C0] =	vst v63  }
0x1d2: {  	_ =	swait.ge [sflag:s18], $0x4000  }
0x1d3: {  	[sflag:s18] =	ssyncset.done $0x0  }
0x1d4: {  	[sflag:s18] =	ssyncadd.s32 $0xFFFFC000  }
0x1d5: {  	_ =	swait.ge [sflag:s19], $0x4000  }
0x1d6: {  	[sflag:s19] =	ssyncset.done $0x0  }
0x1d7: {  	[sflag:s19] =	ssyncadd.s32 $0xFFFFC000  }
0x1d8: {  	[spmem:s2] =	stream.indirect.scatter.add.f32 [tilespmem:s16], [sflag:$0x3], $0x80, s8, s15, $0xb8;
	[tilespmem:$0x1C8C0] =	vst v63  }
0x1d9: {  	_ =	swait.ge [sflag:s12], $0x4000  }
0x1da: {  	[sflag:s12] =	ssyncset.done $0x0  }
0x1db: {  	[sflag:s12] =	ssyncadd.s32 $0xFFFFC000  }
0x1dc: {  	[spmem:s2] =	stream.indirect.scatter.add.f32 [tilespmem:s17], [sflag:$0x3], $0x80, s9, s15, $0xb8;
	[tilespmem:$0x1C8C0] =	vst v63  }
0x1dd: {  	_ =	swait.ge [sflag:s12], $0x4000  }
0x1de: {  	[sflag:s12] =	ssyncset.done $0x0  }
0x1df: {  	[sflag:s12] =	ssyncadd.s32 $0xFFFFC000  }
0x1e0: {  	[bflag:$0x0] =	sbarrier.arrive $0xFFFF  }
0x1e1: {  	s13 =	rddreg [dreg:$0x12]  }
0x1e2: {  	s10 =	rddreg [dreg:$0x14]  }
0x1e3: {  	s11 =	rddreg [dreg:$0x17]  }
0x1e4: {  	[hbm:s10], [sflag:s13] =	dma.local [spmem:s11], $0x2700  }
0x1e5: {  	_ =	swait.ge [sflag:s12], $0x2700  }
0x1e6: {  	[sflag:s12] =	ssyncset.done $0x0;
	s6 =	rddreg [dreg:$0x15]  }
0x1e7: {  	s10 =	simm.s32 @!p0 $0x3;
	s11 =	rddreg [dreg:$0x18];
	[sflag:s12] =	ssyncadd.s32 $0xFFFFD900  }
0x1e8: {  	[hbm:s6], [sflag:s13] =	dma.local @!p0 [spmem:s11], $0x100  }
0x1e9: {  	_ =	swait.ge @!p0 [sflag:s10], $0x100  }
0x1ea: {  	s6 =	rddreg [dreg:$0x19]  }
0x1eb: {  	[sflag:s10] =	ssyncset.done @!p0 $0x0;
	s10 =	rddreg [dreg:$0x16];
	s6 =	sadd.s32 $0x1, s6  }
0x1ec: {  	p1 =	sne.s32 s6, s10  }
.Ltmp1:
0x1ed: {  	_ = 	snop;
	(pc) =	sbr.rel @p1 .LBB2_1-.Ltmp1, $3  }
0x1ee: {  	_ =	sdelay $0x1  }
0x1ef: {  	[dreg:$0x19] =	wrdreg s6;
	s6 =	simm.s32 @!p0 $0x3  }
0x1f0: {  	s10 =	smov.u32 s11;
	s11 =	rddreg [dreg:$0x17];
	[sflag:s6] =	ssyncadd.s32 @!p0 $0xFFFFFF00  }
0x1f1: {  	_ =	sfence.sel $0x180000  }
0x1f2: {  	[bflag:$0x0] =	sbarrier.arrive $0xFFFF  }
0x1f3: {  	_ =	strace $0x9000004A  }
0x1f4: {  	s0 =	stileid.u32;
	[bflag:$0x2] =	sbarrier.arrive $0xFFFF  }
0x1f5: {  	p0 =	sne.s32 s0, $0x0;
	s0 =	rddreg [dreg:$0x2]  }
0x1f6: {  	s0 =	sadd.s32 @!p0 $0x100000, s0  }
0x1f7: {  	[sflag:s0] =	ssyncadd.tile.s32 @!p0 $0x1;
	_ =	shalt  }
.Lfunc_end2:
_tile_overlayer_lowered:
.L_overlay_start_2:
0x1f8: {  	(tag) =	ssettag $0x2  }
0x1f9: {  	s0 =	rddreg [dreg:$0x0];
	s2 =	stileid.u32  }
0x1fa: {  	s1 =	rddreg [dreg:$0x1];
	p0 =	sne.s32 s2, $0x0  }
0x1fb: {  	s3 =	rddreg [dreg:$0x2];
	[bflag:$0x3] =	sbarrier.arrive $0xFFFF;
	s2 =	simm.s32 @!p0 $0x1C03  }
0x1fc: {  	[timem:s3], [sflag:s2] =	dma.local @!p0 [hbm:s0], s1  }
0x1fd: {  	s0 =	simm.s32 @!p0 $0x3  }
0x1fe: {  	_ =	swait.ge @!p0 [sflag:s0], s1  }
0x1ff: {  	s1 =	ssub.s32 @!p0 $0x0, s1;
	[sflag:s0] =	ssyncset.done @!p0 $0x0  }
0x200: {  	[sflag:s0] =	ssyncadd.s32 @!p0 s1  }
0x201: {  	[bflag:$0x3] =	sbarrier.arrive $0xFFFF  }
0x202: {  	_ =	shalt  }

// kernel: kernel.14.cloned.1.call-start
scs
__scs_entry_jumppad:
0x0: {  	(pc) =	sbr.rel $0x88, $3  }
0x1: {  	(tag) =	ssettag $0x0;
	lr =	simm.s32 $0x1  }
0x2: {  	[smem:$0x3F98] =	sst lr;
	_ =	strace $0xD0000000  }
0x3: {  	_ = 	snop  }
0x4: {  	_ = 	snop  }
0x5: {  	_ = 	snop  }
0x6: {  	_ = 	snop  }
0x7: {  	_ = 	snop  }
__scs_overlays_trampoline_lowered:
0x8: {  	[smem:$0x3FA7] =	sst s0  }
0x9: {  	[smem:$0x3FA8] =	sst s1  }
0xa: {  	[smem:$0x3FA9] =	sst s2  }
0xb: {  	[smem:$0x3FAA] =	sst s3  }
0xc: {  	[smem:$0x3FAB] =	sst s4  }
0xd: {  	[smem:$0x3FAC] =	sst s5  }
0xe: {  	[smem:$0x3FAD] =	sst s6  }
0xf: {  	[smem:$0x3FAE] =	sst s7  }
0x10: {  	[smem:$0x3FAF] =	sst s8  }
0x11: {  	[smem:$0x3FB0] =	sst s9;
	s0 =	simm.s32 @!p0 $0x0  }
0x12: {  	s1 =	sld [smem:$0x3F96];
	s0 =	simm.s32 @p0 $0x1  }
0x13: {  	[smem:$0x3FB1] =	sst s0;
	s0 =	simm.s32 @!p1 $0x0  }
0x14: {  	s2 =	sld [smem:$0x3F95];
	s0 =	simm.s32 @p1 $0x1  }
0x15: {  	[smem:$0x3FB2] =	sst s0;
	s0 =	simm.s32 @!p2 $0x0  }
0x16: {  	s3 =	sld [smem:$0x3FDB];
	s0 =	simm.s32 @p2 $0x1  }
0x17: {  	s4 =	simm.s32 $0x1BF5;
	[smem:$0x3FB4] =	sst s0  }
0x18: {  	s0 =	sld [smem:$0x3F97];
	_ =	swait.ge [sflag:s4], $0x0  }
0x19: {  	s7 =	sld [smem:$0x3F98]  }
0x1a: {  	s8 =	sadd.s32 $0xFFFFE003, lr  }
0x1b: {  	s9 =	sadd.s32 $0xFFFFFEF7, lr;
	s5 =	simm.s32 $0xFFFFFFFF;
	p2 =	slt.u32 s8, $0xFFFFF086  }
0x1c: {  	p1 =	slt.u32 s9, $0xF7A;
	s5 =	simm.s32 @!p2 $0x0  }
0x1d: {  	s5 =	simm.s32 @p1 $0x1;
	p0 =	seq.s32 s7, s2  }
0x1e: {  	s7 =	smul.u32 @!p0 $0xF7A, s2;
	p2 =	seq.s32 @!p0 s5, $0x0  }
0x1f: {  	s9 =	smul.u32 $0xF7A, s1;
	s8 =	simm.s32 @!p0 $0x1BF5;
	p2 =	por !p2, p0  }
0x20: {  	[sflag:s8] =	ssyncset.s32 @!p0 $0xFFFFF086;
	s6 =	sadd.s32 @!p0 s3, s7;
	s7 =	simm.s32 @!p0 $0x108  }
0x21: {  	s3 =	sadd.s32 s3, s9;
	s6 =	sadd.s32 @!p0 $0x88, s6;
	s7 =	simm.s32 @p2 $0x1082  }
0x22: {  	[simem:s7], [sflag:s8] =	dma.local @!p0 [hbm:s6], $0xF7A  }
0x23: {  	s9 =	sor.u32 $0xD0000000, s2;
	s6 =	simm.s32 $0x108;
	_ =	swait.ge @!p0 [sflag:s8], $0x0  }
0x24: {  	s3 =	sadd.s32 $0x88, s3;
	s6 =	simm.s32 @!p1 $0x1082;
	[sflag:s4] =	ssyncset.s32 $0xFFFFF086  }
0x25: {  	[simem:s6], [sflag:s4] =	dma.local [hbm:s3], $0xF7A  }
0x26: {  	[smem:$0x3F98] =	sst s1;
	(tag) =	ssettag s2;
	_ =	strace s9  }
0x27: {  	s1 =	sld [smem:$0x3FA8]  }
0x28: {  	s2 =	sld [smem:$0x3FA9]  }
0x29: {  	s4 =	sld [smem:$0x3FAB]  }
0x2a: {  	p0 =	seq.s32 s5, $0x0;
	s5 =	sld [smem:$0x3FAC]  }
0x2b: {  	s6 =	sld [smem:$0x3FAD]  }
0x2c: {  	s7 =	sld [smem:$0x3FAE]  }
0x2d: {  	s3 =	simm.s32 $0x108;
	s8 =	sld [smem:$0x3FAF]  }
0x2e: {  	s3 =	simm.s32 @!p0 $0x1082;
	s9 =	sld [smem:$0x3FB0]  }
0x2f: {  	lr =	sadd.s32 s0, s3;
	s0 =	sld [smem:$0x3FA7]  }
0x30: {  	s3 =	sld [smem:$0x3FAA]  }
0x31: {  	[smem:$0x3FB3] =	sst s10  }
0x32: {  	s10 =	sld [smem:$0x3FB1];
	_ =	sdelay $0x3  }
0x33: {  	p0 =	seq.s32 s10, $0x1;
	s10 =	sld [smem:$0x3FB3];
	_ =	sdelay $0x3  }
0x34: {  	[smem:$0x3FB3] =	sst s10  }
0x35: {  	s10 =	sld [smem:$0x3FB2];
	_ =	sdelay $0x3  }
0x36: {  	p1 =	seq.s32 s10, $0x1;
	s10 =	sld [smem:$0x3FB3];
	_ =	sdelay $0x3  }
0x37: {  	[smem:$0x3FB3] =	sst s10  }
0x38: {  	s10 =	sld [smem:$0x3FB4]  }
0x39: {  	_ = 	snop;
	(pc) =	sbr.ind lr, $3  }
0x3a: {  	_ = 	snop  }
0x3b: {  	_ = 	snop  }
0x3c: {  	p2 =	seq.s32 s10, $0x1;
	s10 =	sld [smem:$0x3FB3]  }
0x3d: {  	_ =	shalt  }
0x3e: {  	_ =	shalt  }
0x3f: {  	_ =	shalt  }
0x40: {  	_ =	shalt  }
0x41: {  	_ =	shalt  }
0x42: {  	_ =	shalt  }
0x43: {  	_ =	shalt  }
0x44: {  	_ =	shalt  }
0x45: {  	_ =	shalt  }
0x46: {  	_ =	shalt  }
0x47: {  	_ =	shalt  }
0x48: {  	_ =	shalt  }
0x49: {  	_ =	shalt  }
0x4a: {  	_ =	shalt  }
0x4b: {  	_ =	shalt  }
0x4c: {  	_ =	shalt  }
0x4d: {  	_ =	shalt  }
0x4e: {  	_ =	shalt  }
0x4f: {  	_ =	shalt  }
0x50: {  	_ =	shalt  }
0x51: {  	_ =	shalt  }
0x52: {  	_ =	shalt  }
0x53: {  	_ =	shalt  }
0x54: {  	_ =	shalt  }
0x55: {  	_ =	shalt  }
0x56: {  	_ =	shalt  }
0x57: {  	_ =	shalt  }
0x58: {  	_ =	shalt  }
0x59: {  	_ =	shalt  }
0x5a: {  	_ =	shalt  }
0x5b: {  	_ =	shalt  }
0x5c: {  	_ =	shalt  }
0x5d: {  	_ =	shalt  }
0x5e: {  	_ =	shalt  }
0x5f: {  	_ =	shalt  }
0x60: {  	_ =	shalt  }
0x61: {  	_ =	shalt  }
0x62: {  	_ =	shalt  }
0x63: {  	_ =	shalt  }
0x64: {  	_ =	shalt  }
0x65: {  	_ =	shalt  }
0x66: {  	_ =	shalt  }
0x67: {  	_ =	shalt  }
0x68: {  	_ =	shalt  }
0x69: {  	_ =	shalt  }
0x6a: {  	_ =	shalt  }
0x6b: {  	_ =	shalt  }
0x6c: {  	_ =	shalt  }
0x6d: {  	_ =	shalt  }
0x6e: {  	_ =	shalt  }
0x6f: {  	_ =	shalt  }
0x70: {  	_ =	shalt  }
0x71: {  	_ =	shalt  }
0x72: {  	_ =	shalt  }
0x73: {  	_ =	shalt  }
0x74: {  	_ =	shalt  }
0x75: {  	_ =	shalt  }
0x76: {  	_ =	shalt  }
0x77: {  	_ =	shalt  }
0x78: {  	_ =	shalt  }
0x79: {  	_ =	shalt  }
0x7a: {  	_ =	shalt  }
0x7b: {  	_ =	shalt  }
0x7c: {  	_ =	shalt  }
0x7d: {  	_ =	shalt  }
0x7e: {  	_ =	shalt  }
0x7f: {  	_ =	shalt  }
0x80: {  	_ =	shalt  }
0x81: {  	_ =	shalt  }
0x82: {  	_ =	shalt  }
0x83: {  	_ =	shalt  }
0x84: {  	_ =	shalt  }
0x85: {  	_ =	shalt  }
0x86: {  	_ =	shalt  }
0x87: {  	_ =	shalt  }
.Lfunc_end0:
.L_simem_size_0:
called_computation.2_lowered:
.L_overlay_start_0:
0x88: {  	s2 =	sld [smem:$0x3FD9]  }
0x89: {  	s3 =	sld [smem:$0x3FFE];
	_ =	sdelay $0x1  }
0x8a: {  	s1 =	srdreg.scid  }
0x8b: {  	s0 =	sand.u32 $0x1, s1  }
0x8c: {  	s16 =	sshll.u32 s0, $0xA;
	s2 =	sadd.s32 s3, s2  }
0x8d: {  	s2 =	sadd.s32 s2, s16  }
0x8e: {  	[smem:$0x3FBF] =	sst s2  }
0x8f: {  	_ = 	snop  }
0x90: {  	(tm) =	ssettm $0x1  }
0x91: {  	s17 =	sld [smem:$0x3FFB];
	_ =	sdelay $0x3  }
0x92: {  	_ =	strace s17  }
0x93: {  	s2 =	sld [smem:$0x3FFC];
	_ =	sdelay $0x3  }
0x94: {  	_ =	strace s2  }
0x95: {  	s2 =	sld [smem:$0x3FFD];
	_ =	sdelay $0x3  }
0x96: {  	_ =	strace s2  }
0x97: {  	_ =	strace $0x8FFFFFFF  }
0x98: {  	s18 =	sld [smem:$0x3FDB];
	_ =	sdelay $0x1  }
0x99: {  	s19 =	simm.s32 $_scs_section_size  }
0x9a: {  	s4 =	simm.s32 $_size__tile_overlayer_lowered;
	s5 =	simm.s32 $_tile_overlayer_lowered  }
0x9b: {  	s22 =	simm.s32 $0x1BFF;
	s21 =	sshll.u32 s5, $0x1;
	s2 =	sadd.s32 s19, s18  }
0x9c: {  	s6 =	simm.s32 $0x0;
	s20 =	sshll.u32 s4, $0x1;
	s4 =	sadd.s32 s21, s2  }
0x9d: {  	[timem:s6], [sflag:s22] =	dma.local [hbm:s4], s20  }
0x9e: {  	_ =	swait.ge [sflag:s22], s20  }
0x9f: {  	s3 =	ssub.s32 $0x0, s20;
	[sflag:s22] =	ssyncset.done $0x0  }
0xa0: {  	[sflag:s22] =	ssyncadd.s32 s3;
	_ =	sdelay $0x1  }
0xa1: {  	s23 =	simm.s32 $0x1B8B  }
0xa2: {  	_ =	swait.ge [sflag:s23], $0x1  }
0xa3: {  	[sflag:s23] =	ssyncset.done $0x0  }
0xa4: {  	s25 =	simm.s32 $0x1B8E;
	s24 =	sld [smem:$0x3FFE];
	[sflag:s23] =	ssyncadd.s32 $0xFFFFFFFF  }
0xa5: {  	s26 =	simm.s32 $execute0_lowered;
	[smem:$0x3FD2] =	sst s25  }
0xa6: {  	s4 =	sshll.u32 s26, $0x1;
	_ =	strace $0x8000004C;
	[dreg:$0x1] =	wrdreg $0xFFFFFFFF  }
0xa7: {  	s28 =	simm.s32 $_size_execute0_lowered;
	s2 =	sadd.s32 s2, s4;
	[dreg:$0x0] =	wrdreg $0x0  }
0xa8: {  	s4 =	sshll.u32 s28, $0x1;
	[dreg:$0x2] =	wrdreg s2  }
0xa9: {  	[dreg:$0x3] =	wrdreg s4  }
0xaa: {  	[dreg:$0x4] =	wrdreg $0xC0  }
0xab: {  	_ =	task [dreg:s6], $0x5FFFF  }
0xac: {  	[dreg:$0x1] =	wrdreg $0xFFFFFFFF  }
0xad: {  	[dreg:$0x0] =	wrdreg $0x60  }
0xae: {  	[dreg:$0x2] =	wrdreg s24  }
0xaf: {  	[dreg:$0x3] =	wrdreg $0x90000  }
0xb0: {  	[dreg:$0x4] =	wrdreg $0x9  }
0xb1: {  	_ =	task.clear_ibuf [dreg:s6], $0x5FFFF;
	_ =	strace $0x9000004C  }
0xb2: {  	s29 =	simm.s32 $0x9;
	_ =	strace $0x8000004E  }
0xb3: {  	_ =	swait.ge [sflag:s29], $0x1  }
0xb4: {  	[sflag:s29] =	ssyncadd.s32 $0xFFFFFFFF  }
0xb5: {  	_ =	strace $0x9000004E  }
0xb6: {  	_ =	sfence  }
0xb7: {  	s30 =	sld [smem:$0x0];
	_ =	sdelay $0x2  }
0xb8: {  	s31 =	sshll.u32 s1, $0xD;
	s1 =	sshrl.u32 s1, $0x2  }
0xb9: {  	s3 =	sand.u32 $0x4000, s31;
	s1 =	sadd.s32 s1, s30  }
0xba: {  	s0 =	sor.u32 s3, s0;
	s1 =	sshll.u32 s1, $0x11  }
0xbb: {  	s0 =	sor.u32 s1, s0  }
0xbc: {  	s0 =	sadd.s32 $0x8F2B, s0  }
0xbd: {  	[sflag:s0] =	ssyncadd.remote.s32 $0x1  }
0xbe: {  	_ =	sfence.sel $0xFFFF  }
0xbf: {  	[dreg:$0x0] =	wrdreg $0xFFFFFFFF;
	(pc) =	sbr.abs _section_cstart, $3  }
0xc0: {  	[dreg:$0x1] =	wrdreg $0xFFFFFFFF  }
0xc1: {  	_ =	task.clear_ibuf [dreg:s6], $0x2FFFF;
	_ =	strace $0x9FFFFFFF  }
0xc2: {  	(tm) =	ssettm $0x7FFFFFFF  }
0xc3: {  	_ =	shalt  }
tec
execute0_lowered:
.L_overlay_start_1:
0x0: {  	(tag) =	ssettag $0x1  }
0x1: {  	s0 =	srdreg.scid;
	s1 =	rddreg [dreg:$0x0]  }
0x2: {  	s12 =	stileid.u32;
	s2 =	rddreg [dreg:$0x1];
	s3 =	simm.s32 $0x0  }
0x3: {  	s14 =	simm.s32 $0x880;
	s15 =	simm.s32 $0x100;
	s16 =	simm.s32 $0x180  }
0x4: {  	s18 =	simm.s32 $0x900;
	s19 =	simm.s32 $0x980;
	s20 =	simm.s32 $0x200  }
0x5: {  	s21 =	simm.s32 $0x280;
	s28 =	simm.s32 $0xD00;
	s29 =	simm.s32 $0xD80  }
0x6: {  	s30 =	simm.s32 $0x600;
	s31 =	simm.s32 $0x680;
	[smem:$0x7FF] =	sst s3  }
0x7: {  	s5 =	smul.u32 $0x2800, s12;
	_ =	strace $0x8000004D;
	[dreg:$0x5] =	wrdreg s14  }
0x8: {  	s0 =	sand.u32 $0x1, s0;
	s22 =	smul.u32 $0x2700, s12;
	[dreg:$0x6] =	wrdreg s15  }
0x9: {  	s7 =	smul.u32 $0x4E000, s12;
	s11 =	sadd.s32 $0xB3600, s1;
	[dreg:$0x7] =	wrdreg s16  }
0xa: {  	s23 =	sshll.u32 s12, $0x6;
	p0 =	sne.s32 s12, $0xF;
	[dreg:$0x8] =	wrdreg s18  }
0xb: {  	s12 =	simm.s32 $0x3;
	s4 =	smul.u32 $0x28000, s0;
	[dreg:$0x9] =	wrdreg s19  }
0xc: {  	s8 =	ssub.s32 $0x2, s0;
	s24 =	smul.u32 $0x27100, s0;
	[dreg:$0xa] =	wrdreg s20  }
0xd: {  	s13 =	sor.u32 $0x1C03, s23;
	s0 =	smul.u32 $0x138800, s0;
	[dreg:$0xb] =	wrdreg s21  }
0xe: {  	s14 =	simm.s32 $0x800;
	s23 =	simm.s32 $0xA80;
	s15 =	simm.s32 $0x80  }
0xf: {  	s16 =	simm.s32 $0x1000;
	s18 =	simm.s32 $0x1;
	s19 =	simm.s32 $0x2  }
0x10: {  	s20 =	simm.s32 $0xB80;
	s21 =	simm.s32 $0x400;
	s9 =	sadd.s32 s22, s1  }
0x11: {  	s10 =	sshrl.u32 s8, $0x1;
	s7 =	sshrl.u32 s7, $0x2;
	[dreg:$0xd] =	wrdreg s23  }
0x12: {  	s23 =	simm.s32 $0xC00;
	[dreg:$0x12] =	wrdreg s13;
	s4 =	sadd.s32 s5, s4  }
0x13: {  	s8 =	ssub.s32 s8, s10;
	s7 =	sadd.s32 s7, s2;
	s9 =	sadd.s32 $0xC800, s9  }
0x14: {  	s25 =	sadd.s32 s22, s24;
	s0 =	sshrl.u32 s0, $0x3;
	s22 =	simm.s32 $0xA00  }
0x15: {  	s24 =	simm.s32 $0x300;
	s5 =	simm.s32 $0x700;
	[dreg:$0x11] =	wrdreg s9  }
0x16: {  	s6 =	sshrl.u32 s4, $0x3;
	s4 =	sadd.s32 $0x8C400, s1;
	[dreg:$0xc] =	wrdreg s22  }
0x17: {  	s0 =	sadd.s32 s11, s0;
	s17 =	smax.u32 s8, $0x1;
	[dreg:$0xe] =	wrdreg s24  }
0x18: {  	s6 =	sadd.s32 s6, s1;
	s1 =	sadd.s32 $0x33800, s1;
	[dreg:$0x16] =	wrdreg s17  }
0x19: {  	s9 =	sadd.s32 $0x138000, s2;
	s0 =	sadd.s32 $0x27000, s0;
	[dreg:$0x13] =	wrdreg s1  }
0x1a: {  	s22 =	simm.s32 $0x480;
	s1 =	sadd.s32 s11, s25;
	[dreg:$0x15] =	wrdreg s0  }
0x1b: {  	s24 =	simm.s32 $0xC80;
	s26 =	sadd.s32 $0x2800, s6;
	[dreg:$0x14] =	wrdreg s1  }
0x1c: {  	s8 =	simm.s32 $0xF00;
	s10 =	sadd.s32 $0x82400, s6;
	[dreg:$0x3] =	wrdreg s26  }
0x1d: {  	s17 =	simm.s32 $0x5000;
	s25 =	simm.s32 $0x380;
	[dreg:$0x4] =	wrdreg s10  }
0x1e: {  	s11 =	sshrl.u32 s7, $0x3;
	s6 =	simm.s32 $0x0;
	[dreg:$0xf] =	wrdreg s25  }
0x1f: {  	s0 =	simm.s32 $0xE80;
	s7 =	simm.s32 $0x780;
	[dreg:$0x19] =	wrdreg s6  }
0x20: {  	s10 =	sshrl.u32 @!p0 s9, $0x3;
	s26 =	simm.s32 $0xB00;
	[dreg:$0x17] =	wrdreg s11  }
0x21: {  	s25 =	simm.s32 $0x500;
	s1 =	simm.s32 $0xE00;
	[dreg:$0x10] =	wrdreg s26  }
0x22: {  	s9 =	simm.s32 $0xF80;
	s26 =	simm.s32 $0x580;
	[dreg:$0x18] =	wrdreg s10  }
.LBB2_1:
0x23: {  	s6 =	rddreg [dreg:$0x11]  }
0x24: {  	[spmem:s11], [sflag:s13] =	dma.local [hbm:s6], $0x2700  }
0x25: {  	_ =	swait.ge [sflag:s12], $0x2700  }
0x26: {  	[sflag:s12] =	ssyncset.done $0x0  }
0x27: {  	s6 =	rddreg [dreg:$0x13];
	[sflag:s12] =	ssyncadd.s32 $0xFFFFD900  }
0x28: {  	[spmem:s10], [sflag:s13] =	dma.local @!p0 [hbm:s6], $0x100  }
0x29: {  	s6 =	simm.s32 @!p0 $0x3  }
0x2a: {  	_ =	swait.ge @!p0 [sflag:s6], $0x100  }
0x2b: {  	[sflag:s6] =	ssyncset.done @!p0 $0x0  }
0x2c: {  	[sflag:s6] =	ssyncadd.s32 @!p0 $0xFFFFFF00  }
0x2d: {  	[bflag:$0x0] =	sbarrier.arrive $0xFFFF  }
0x2e: {  	s13 =	rddreg [dreg:$0x4]  }
0x2f: {  	s6 =	sadd.s32 $0x0, s13  }
0x30: {  	[tilespmem:s3], [sflag:$0x3] =	stream.linear.gather [hbm4b:s6+s3], $0x800, $0x38;
	[tilespmem:$0x1C8C0] =	vst v63  }
0x31: {  	_ =	swait.ge [sflag:s12], $0x800  }
0x32: {  	s10 =	rddreg [dreg:$0x3];
	[sflag:s12] =	ssyncset.done $0x0  }
0x33: {  	[sflag:s12] =	ssyncadd.s32 $0xFFFFF800;
	s6 =	sadd.s32 $0x0, s10  }
0x34: {  	[tilespmem:s14], [sflag:$0x3] =	stream.linear.gather [hbm4b:s6+s3], $0x800, $0x38;
	[tilespmem:$0x1C8C0] =	vst v63  }
0x35: {  	_ =	swait.ge [sflag:s12], $0x800  }
0x36: {  	[sflag:s12] =	ssyncset.done $0x0  }
0x37: {  	[sflag:s12] =	ssyncadd.s32 $0xFFFFF800  }
0x38: {  	[tilespmem:s16], [sflag:$0x1] =	stream.indirect.gather [hbm4b:s4+s15], $0x80, s3, s15, $0xb8;
	[tilespmem:$0x1C8C0] =	vst v63  }
0x39: {  	_ = 	snop  }
0x3a: {  	[tilespmem:s17], [sflag:$0x2] =	stream.indirect.gather [hbm4b:s4+s15], $0x80, s15, s15, $0xb8;
	[tilespmem:$0x1C8C0] =	vst v63  }
0x3b: {  	_ =	swait.ge [sflag:s18], $0x4000  }
0x3c: {  	[sflag:s18] =	ssyncset.done $0x0  }
0x3d: {  	[sflag:s18] =	ssyncadd.s32 $0xFFFFC000  }
0x3e: {  	_ =	swait.ge [sflag:s19], $0x4000  }
0x3f: {  	[sflag:s19] =	ssyncset.done $0x0  }
0x40: {  	[sflag:s19] =	ssyncadd.s32 $0xFFFFC000  }
0x41: {  	[spmem:s2] =	stream.indirect.scatter.add.f32 [tilespmem:s16], [sflag:$0x3], $0x80, s14, s15, $0xb8;
	[tilespmem:$0x1C8C0] =	vst v63  }
0x42: {  	_ =	swait.ge [sflag:s12], $0x4000  }
0x43: {  	[sflag:s12] =	ssyncset.done $0x0  }
0x44: {  	s11 =	rddreg [dreg:$0x5];
	[sflag:s12] =	ssyncadd.s32 $0xFFFFC000  }
0x45: {  	[spmem:s2] =	stream.indirect.scatter.add.f32 [tilespmem:s17], [sflag:$0x3], $0x80, s11, s15, $0xb8;
	[tilespmem:$0x1C8C0] =	vst v63  }
0x46: {  	_ =	swait.ge [sflag:s12], $0x4000  }
0x47: {  	[sflag:s12] =	ssyncset.done $0x0  }
0x48: {  	s13 =	rddreg [dreg:$0x6];
	[sflag:s12] =	ssyncadd.s32 $0xFFFFC000  }
0x49: {  	[tilespmem:s16], [sflag:$0x1] =	stream.indirect.gather [hbm4b:s4+s15], $0x80, s13, s15, $0xb8;
	[tilespmem:$0x1C8C0] =	vst v63  }
0x4a: {  	s10 =	rddreg [dreg:$0x7]  }
0x4b: {  	[tilespmem:s17], [sflag:$0x2] =	stream.indirect.gather [hbm4b:s4+s15], $0x80, s10, s15, $0xb8;
	[tilespmem:$0x1C8C0] =	vst v63  }
0x4c: {  	_ =	swait.ge [sflag:s18], $0x4000  }
0x4d: {  	[sflag:s18] =	ssyncset.done $0x0  }
0x4e: {  	[sflag:s18] =	ssyncadd.s32 $0xFFFFC000  }
0x4f: {  	_ =	swait.ge [sflag:s19], $0x4000  }
0x50: {  	[sflag:s19] =	ssyncset.done $0x0  }
0x51: {  	s13 =	rddreg [dreg:$0x8];
	[sflag:s19] =	ssyncadd.s32 $0xFFFFC000  }
0x52: {  	[spmem:s2] =	stream.indirect.scatter.add.f32 [tilespmem:s16], [sflag:$0x3], $0x80, s13, s15, $0xb8;
	[tilespmem:$0x1C8C0] =	vst v63  }
0x53: {  	_ =	swait.ge [sflag:s12], $0x4000  }
0x54: {  	[sflag:s12] =	ssyncset.done $0x0  }
0x55: {  	s10 =	rddreg [dreg:$0x9];
	[sflag:s12] =	ssyncadd.s32 $0xFFFFC000  }
0x56: {  	[spmem:s2] =	stream.indirect.scatter.add.f32 [tilespmem:s17], [sflag:$0x3], $0x80, s10, s15, $0xb8;
	[tilespmem:$0x1C8C0] =	vst v63  }
0x57: {  	_ =	swait.ge [sflag:s12], $0x4000  }
0x58: {  	[sflag:s12] =	ssyncset.done $0x0  }
0x59: {  	s11 =	rddreg [dreg:$0xa];
	[sflag:s12] =	ssyncadd.s32 $0xFFFFC000  }
0x5a: {  	[tilespmem:s16], [sflag:$0x1] =	stream.indirect.gather [hbm4b:s4+s15], $0x80, s11, s15, $0xb8;
	[tilespmem:$0x1C8C0] =	vst v63  }
0x5b: {  	s13 =	rddreg [dreg:$0xb]  }
0x5c: {  	[tilespmem:s17], [sflag:$0x2] =	stream.indirect.gather [hbm4b:s4+s15], $0x80, s13, s15, $0xb8;
	[tilespmem:$0x1C8C0] =	vst v63  }
0x5d: {  	_ =	swait.ge [sflag:s18], $0x4000  }
0x5e: {  	[sflag:s18] =	ssyncset.done $0x0  }
0x5f: {  	[sflag:s18] =	ssyncadd.s32 $0xFFFFC000  }
0x60: {  	_ =	swait.ge [sflag:s19], $0x4000  }
0x61: {  	[sflag:s19] =	ssyncset.done $0x0  }
0x62: {  	s10 =	rddreg [dreg:$0xc];
	[sflag:s19] =	ssyncadd.s32 $0xFFFFC000  }
0x63: {  	[spmem:s2] =	stream.indirect.scatter.add.f32 [tilespmem:s16], [sflag:$0x3], $0x80, s10, s15, $0xb8;
	[tilespmem:$0x1C8C0] =	vst v63  }
0x64: {  	_ =	swait.ge [sflag:s12], $0x4000  }
0x65: {  	[sflag:s12] =	ssyncset.done $0x0  }
0x66: {  	s11 =	rddreg [dreg:$0xd];
	[sflag:s12] =	ssyncadd.s32 $0xFFFFC000  }
0x67: {  	[spmem:s2] =	stream.indirect.scatter.add.f32 [tilespmem:s17], [sflag:$0x3], $0x80, s11, s15, $0xb8;
	[tilespmem:$0x1C8C0] =	vst v63  }
0x68: {  	_ =	swait.ge [sflag:s12], $0x4000  }
0x69: {  	[sflag:s12] =	ssyncset.done $0x0  }
0x6a: {  	s13 =	rddreg [dreg:$0xe];
	[sflag:s12] =	ssyncadd.s32 $0xFFFFC000  }
0x6b: {  	[tilespmem:s16], [sflag:$0x1] =	stream.indirect.gather [hbm4b:s4+s15], $0x80, s13, s15, $0xb8;
	[tilespmem:$0x1C8C0] =	vst v63  }
0x6c: {  	s10 =	rddreg [dreg:$0xf]  }
0x6d: {  	[tilespmem:s17], [sflag:$0x2] =	stream.indirect.gather [hbm4b:s4+s15], $0x80, s10, s15, $0xb8;
	[tilespmem:$0x1C8C0] =	vst v63  }
0x6e: {  	_ =	swait.ge [sflag:s18], $0x4000  }
0x6f: {  	[sflag:s18] =	ssyncset.done $0x0  }
0x70: {  	[sflag:s18] =	ssyncadd.s32 $0xFFFFC000  }
0x71: {  	_ =	swait.ge [sflag:s19], $0x4000  }
0x72: {  	[sflag:s19] =	ssyncset.done $0x0  }
0x73: {  	s13 =	rddreg [dreg:$0x10];
	[sflag:s19] =	ssyncadd.s32 $0xFFFFC000  }
0x74: {  	[spmem:s2] =	stream.indirect.scatter.add.f32 [tilespmem:s16], [sflag:$0x3], $0x80, s13, s15, $0xb8;
	[tilespmem:$0x1C8C0] =	vst v63  }
0x75: {  	_ =	swait.ge [sflag:s12], $0x4000  }
0x76: {  	[sflag:s12] =	ssyncset.done $0x0  }
0x77: {  	[sflag:s12] =	ssyncadd.s32 $0xFFFFC000  }
0x78: {  	[spmem:s2] =	stream.indirect.scatter.add.f32 [tilespmem:s17], [sflag:$0x3], $0x80, s20, s15, $0xb8;
	[tilespmem:$0x1C8C0] =	vst v63  }
0x79: {  	_ =	swait.ge [sflag:s12], $0x4000  }
0x7a: {  	[sflag:s12] =	ssyncset.done $0x0  }
0x7b: {  	[sflag:s12] =	ssyncadd.s32 $0xFFFFC000  }
0x7c: {  	[tilespmem:s16], [sflag:$0x1] =	stream.indirect.gather [hbm4b:s4+s15], $0x80, s21, s15, $0xb8;
	[tilespmem:$0x1C8C0] =	vst v63  }
0x7d: {  	_ = 	snop  }
0x7e: {  	[tilespmem:s17], [sflag:$0x2] =	stream.indirect.gather [hbm4b:s4+s15], $0x80, s22, s15, $0xb8;
	[tilespmem:$0x1C8C0] =	vst v63  }
0x7f: {  	_ =	swait.ge [sflag:s18], $0x4000  }
0x80: {  	[sflag:s18] =	ssyncset.done $0x0  }
0x81: {  	[sflag:s18] =	ssyncadd.s32 $0xFFFFC000  }
0x82: {  	_ =	swait.ge [sflag:s19], $0x4000  }
0x83: {  	[sflag:s19] =	ssyncset.done $0x0  }
0x84: {  	[sflag:s19] =	ssyncadd.s32 $0xFFFFC000  }
0x85: {  	[spmem:s2] =	stream.indirect.scatter.add.f32 [tilespmem:s16], [sflag:$0x3], $0x80, s23, s15, $0xb8;
	[tilespmem:$0x1C8C0] =	vst v63  }
0x86: {  	_ =	swait.ge [sflag:s12], $0x4000  }
0x87: {  	[sflag:s12] =	ssyncset.done $0x0  }
0x88: {  	[sflag:s12] =	ssyncadd.s32 $0xFFFFC000  }
0x89: {  	[spmem:s2] =	stream.indirect.scatter.add.f32 [tilespmem:s17], [sflag:$0x3], $0x80, s24, s15, $0xb8;
	[tilespmem:$0x1C8C0] =	vst v63  }
0x8a: {  	_ =	swait.ge [sflag:s12], $0x4000  }
0x8b: {  	[sflag:s12] =	ssyncset.done $0x0  }
0x8c: {  	[sflag:s12] =	ssyncadd.s32 $0xFFFFC000  }
0x8d: {  	[tilespmem:s16], [sflag:$0x1] =	stream.indirect.gather [hbm4b:s4+s15], $0x80, s25, s15, $0xb8;
	[tilespmem:$0x1C8C0] =	vst v63  }
0x8e: {  	_ = 	snop  }
0x8f: {  	[tilespmem:s17], [sflag:$0x2] =	stream.indirect.gather [hbm4b:s4+s15], $0x80, s26, s15, $0xb8;
	[tilespmem:$0x1C8C0] =	vst v63  }
0x90: {  	_ =	swait.ge [sflag:s18], $0x4000  }
0x91: {  	[sflag:s18] =	ssyncset.done $0x0  }
0x92: {  	[sflag:s18] =	ssyncadd.s32 $0xFFFFC000  }
0x93: {  	_ =	swait.ge [sflag:s19], $0x4000  }
0x94: {  	[sflag:s19] =	ssyncset.done $0x0  }
0x95: {  	[sflag:s19] =	ssyncadd.s32 $0xFFFFC000  }
0x96: {  	[spmem:s2] =	stream.indirect.scatter.add.f32 [tilespmem:s16], [sflag:$0x3], $0x80, s28, s15, $0xb8;
	[tilespmem:$0x1C8C0] =	vst v63  }
0x97: {  	_ =	swait.ge [sflag:s12], $0x4000  }
0x98: {  	[sflag:s12] =	ssyncset.done $0x0  }
0x99: {  	[sflag:s12] =	ssyncadd.s32 $0xFFFFC000  }
0x9a: {  	[spmem:s2] =	stream.indirect.scatter.add.f32 [tilespmem:s17], [sflag:$0x3], $0x80, s29, s15, $0xb8;
	[tilespmem:$0x1C8C0] =	vst v63  }
0x9b: {  	_ =	swait.ge [sflag:s12], $0x4000  }
0x9c: {  	[sflag:s12] =	ssyncset.done $0x0  }
0x9d: {  	[sflag:s12] =	ssyncadd.s32 $0xFFFFC000  }
0x9e: {  	[tilespmem:s16], [sflag:$0x1] =	stream.indirect.gather [hbm4b:s4+s15], $0x80, s30, s15, $0xb8;
	[tilespmem:$0x1C8C0] =	vst v63  }
0x9f: {  	_ = 	snop  }
0xa0: {  	[tilespmem:s17], [sflag:$0x2] =	stream.indirect.gather [hbm4b:s4+s15], $0x80, s31, s15, $0xb8;
	[tilespmem:$0x1C8C0] =	vst v63  }
0xa1: {  	_ =	swait.ge [sflag:s18], $0x4000  }
0xa2: {  	[sflag:s18] =	ssyncset.done $0x0  }
0xa3: {  	[sflag:s18] =	ssyncadd.s32 $0xFFFFC000  }
0xa4: {  	_ =	swait.ge [sflag:s19], $0x4000  }
0xa5: {  	[sflag:s19] =	ssyncset.done $0x0  }
0xa6: {  	[sflag:s19] =	ssyncadd.s32 $0xFFFFC000  }
0xa7: {  	[spmem:s2] =	stream.indirect.scatter.add.f32 [tilespmem:s16], [sflag:$0x3], $0x80, s1, s15, $0xb8;
	[tilespmem:$0x1C8C0] =	vst v63  }
0xa8: {  	_ =	swait.ge [sflag:s12], $0x4000  }
0xa9: {  	[sflag:s12] =	ssyncset.done $0x0  }
0xaa: {  	[sflag:s12] =	ssyncadd.s32 $0xFFFFC000  }
0xab: {  	[spmem:s2] =	stream.indirect.scatter.add.f32 [tilespmem:s17], [sflag:$0x3], $0x80, s0, s15, $0xb8;
	[tilespmem:$0x1C8C0] =	vst v63  }
0xac: {  	_ =	swait.ge [sflag:s12], $0x4000  }
0xad: {  	[sflag:s12] =	ssyncset.done $0x0  }
0xae: {  	[sflag:s12] =	ssyncadd.s32 $0xFFFFC000  }
0xaf: {  	[tilespmem:s16], [sflag:$0x1] =	stream.indirect.gather [hbm4b:s4+s15], $0x80, s5, s15, $0xb8;
	[tilespmem:$0x1C8C0] =	vst v63  }
0xb0: {  	_ = 	snop  }
0xb1: {  	[tilespmem:s17], [sflag:$0x2] =	stream.indirect.gather [hbm4b:s4+s15], $0x80, s7, s15, $0xb8;
	[tilespmem:$0x1C8C0] =	vst v63  }
0xb2: {  	_ =	swait.ge [sflag:s18], $0x4000  }
0xb3: {  	[sflag:s18] =	ssyncset.done $0x0  }
0xb4: {  	[sflag:s18] =	ssyncadd.s32 $0xFFFFC000  }
0xb5: {  	_ =	swait.ge [sflag:s19], $0x4000  }
0xb6: {  	[sflag:s19] =	ssyncset.done $0x0  }
0xb7: {  	[sflag:s19] =	ssyncadd.s32 $0xFFFFC000  }
0xb8: {  	[spmem:s2] =	stream.indirect.scatter.add.f32 [tilespmem:s16], [sflag:$0x3], $0x80, s8, s15, $0xb8;
	[tilespmem:$0x1C8C0] =	vst v63  }
0xb9: {  	_ =	swait.ge [sflag:s12], $0x4000  }
0xba: {  	[sflag:s12] =	ssyncset.done $0x0  }
0xbb: {  	[sflag:s12] =	ssyncadd.s32 $0xFFFFC000  }
0xbc: {  	[spmem:s2] =	stream.indirect.scatter.add.f32 [tilespmem:s17], [sflag:$0x3], $0x80, s9, s15, $0xb8;
	[tilespmem:$0x1C8C0] =	vst v63  }
0xbd: {  	s11 =	simm.s32 $0x100;
	_ =	swait.ge [sflag:s12], $0x4000  }
0xbe: {  	s13 =	simm.s32 $0x200;
	s6 =	rddreg [dreg:$0x4];
	[sflag:s12] =	ssyncset.done $0x0  }
.LBB2_2:
0xbf: {  	[sflag:s12] =	ssyncadd.s32 $0xFFFFC000;
	s6 =	sadd.s32 s11, s6  }
0xc0: {  	[tilespmem:s3], [sflag:$0x3] =	stream.linear.gather [hbm4b:s6+s3], $0x800, $0x38;
	[tilespmem:$0x1C8C0] =	vst v63  }
0xc1: {  	_ =	swait.ge [sflag:s12], $0x800  }
0xc2: {  	s6 =	rddreg [dreg:$0x3];
	[sflag:s12] =	ssyncset.done $0x0  }
0xc3: {  	[sflag:s12] =	ssyncadd.s32 $0xFFFFF800;
	s6 =	sadd.s32 s11, s6  }
0xc4: {  	[tilespmem:s14], [sflag:$0x3] =	stream.linear.gather [hbm4b:s6+s3], $0x800, $0x38;
	[tilespmem:$0x1C8C0] =	vst v63  }
0xc5: {  	_ =	swait.ge [sflag:s12], $0x800  }
0xc6: {  	[sflag:s12] =	ssyncset.done $0x0  }
0xc7: {  	[sflag:s12] =	ssyncadd.s32 $0xFFFFF800  }
0xc8: {  	[tilespmem:s16], [sflag:$0x1] =	stream.indirect.gather [hbm4b:s4+s15], $0x80, s3, s15, $0xb8;
	[tilespmem:$0x1C8C0] =	vst v63  }
0xc9: {  	_ = 	snop  }
0xca: {  	[tilespmem:s17], [sflag:$0x2] =	stream.indirect.gather [hbm4b:s4+s15], $0x80, s15, s15, $0xb8;
	[tilespmem:$0x1C8C0] =	vst v63  }
0xcb: {  	_ =	swait.ge [sflag:s18], $0x4000  }
0xcc: {  	[sflag:s18] =	ssyncset.done $0x0  }
0xcd: {  	[sflag:s18] =	ssyncadd.s32 $0xFFFFC000  }
0xce: {  	_ =	swait.ge [sflag:s19], $0x4000  }
0xcf: {  	[sflag:s19] =	ssyncset.done $0x0  }
0xd0: {  	[sflag:s19] =	ssyncadd.s32 $0xFFFFC000  }
0xd1: {  	[spmem:s2] =	stream.indirect.scatter.add.f32 [tilespmem:s16], [sflag:$0x3], $0x80, s14, s15, $0xb8;
	[tilespmem:$0x1C8C0] =	vst v63  }
0xd2: {  	_ =	swait.ge [sflag:s12], $0x4000  }
0xd3: {  	s10 =	smov.u32 s13;
	[sflag:s12] =	ssyncset.done $0x0  }
0xd4: {  	s11 =	smov.u32 s10;
	s10 =	rddreg [dreg:$0x5];
	[sflag:s12] =	ssyncadd.s32 $0xFFFFC000  }
0xd5: {  	[spmem:s2] =	stream.indirect.scatter.add.f32 [tilespmem:s17], [sflag:$0x3], $0x80, s10, s15, $0xb8;
	[tilespmem:$0x1C8C0] =	vst v63  }
0xd6: {  	_ =	swait.ge [sflag:s12], $0x4000  }
0xd7: {  	[sflag:s12] =	ssyncset.done $0x0  }
0xd8: {  	s6 =	rddreg [dreg:$0x6];
	[sflag:s12] =	ssyncadd.s32 $0xFFFFC000  }
0xd9: {  	[tilespmem:s16], [sflag:$0x1] =	stream.indirect.gather [hbm4b:s4+s15], $0x80, s6, s15, $0xb8;
	[tilespmem:$0x1C8C0] =	vst v63  }
0xda: {  	s10 =	rddreg [dreg:$0x7]  }
0xdb: {  	[tilespmem:s17], [sflag:$0x2] =	stream.indirect.gather [hbm4b:s4+s15], $0x80, s10, s15, $0xb8;
	[tilespmem:$0x1C8C0] =	vst v63  }
0xdc: {  	_ =	swait.ge [sflag:s18], $0x4000  }
0xdd: {  	[sflag:s18] =	ssyncset.done $0x0  }
0xde: {  	[sflag:s18] =	ssyncadd.s32 $0xFFFFC000  }
0xdf: {  	_ =	swait.ge [sflag:s19], $0x4000  }
0xe0: {  	[sflag:s19] =	ssyncset.done $0x0  }
0xe1: {  	s10 =	rddreg [dreg:$0x8];
	[sflag:s19] =	ssyncadd.s32 $0xFFFFC000  }
0xe2: {  	[spmem:s2] =	stream.indirect.scatter.add.f32 [tilespmem:s16], [sflag:$0x3], $0x80, s10, s15, $0xb8;
	[tilespmem:$0x1C8C0] =	vst v63  }
0xe3: {  	_ =	swait.ge [sflag:s12], $0x4000  }
0xe4: {  	[sflag:s12] =	ssyncset.done $0x0  }
0xe5: {  	s10 =	rddreg [dreg:$0x9];
	[sflag:s12] =	ssyncadd.s32 $0xFFFFC000  }
0xe6: {  	[spmem:s2] =	stream.indirect.scatter.add.f32 [tilespmem:s17], [sflag:$0x3], $0x80, s10, s15, $0xb8;
	[tilespmem:$0x1C8C0] =	vst v63  }
0xe7: {  	_ =	swait.ge [sflag:s12], $0x4000  }
0xe8: {  	[sflag:s12] =	ssyncset.done $0x0  }
0xe9: {  	s6 =	rddreg [dreg:$0xa];
	[sflag:s12] =	ssyncadd.s32 $0xFFFFC000  }
0xea: {  	[tilespmem:s16], [sflag:$0x1] =	stream.indirect.gather [hbm4b:s4+s15], $0x80, s6, s15, $0xb8;
	[tilespmem:$0x1C8C0] =	vst v63  }
0xeb: {  	s10 =	rddreg [dreg:$0xb]  }
0xec: {  	[tilespmem:s17], [sflag:$0x2] =	stream.indirect.gather [hbm4b:s4+s15], $0x80, s10, s15, $0xb8;
	[tilespmem:$0x1C8C0] =	vst v63  }
0xed: {  	_ =	swait.ge [sflag:s18], $0x4000  }
0xee: {  	[sflag:s18] =	ssyncset.done $0x0  }
0xef: {  	[sflag:s18] =	ssyncadd.s32 $0xFFFFC000  }
0xf0: {  	_ =	swait.ge [sflag:s19], $0x4000  }
0xf1: {  	[sflag:s19] =	ssyncset.done $0x0  }
0xf2: {  	s10 =	rddreg [dreg:$0xc];
	[sflag:s19] =	ssyncadd.s32 $0xFFFFC000  }
0xf3: {  	[spmem:s2] =	stream.indirect.scatter.add.f32 [tilespmem:s16], [sflag:$0x3], $0x80, s10, s15, $0xb8;
	[tilespmem:$0x1C8C0] =	vst v63  }
0xf4: {  	_ =	swait.ge [sflag:s12], $0x4000  }
0xf5: {  	[sflag:s12] =	ssyncset.done $0x0  }
0xf6: {  	s10 =	rddreg [dreg:$0xd];
	[sflag:s12] =	ssyncadd.s32 $0xFFFFC000  }
0xf7: {  	[spmem:s2] =	stream.indirect.scatter.add.f32 [tilespmem:s17], [sflag:$0x3], $0x80, s10, s15, $0xb8;
	[tilespmem:$0x1C8C0] =	vst v63  }
0xf8: {  	_ =	swait.ge [sflag:s12], $0x4000  }
0xf9: {  	[sflag:s12] =	ssyncset.done $0x0  }
0xfa: {  	s6 =	rddreg [dreg:$0xe];
	[sflag:s12] =	ssyncadd.s32 $0xFFFFC000  }
0xfb: {  	[tilespmem:s16], [sflag:$0x1] =	stream.indirect.gather [hbm4b:s4+s15], $0x80, s6, s15, $0xb8;
	[tilespmem:$0x1C8C0] =	vst v63  }
0xfc: {  	s10 =	rddreg [dreg:$0xf]  }
0xfd: {  	[tilespmem:s17], [sflag:$0x2] =	stream.indirect.gather [hbm4b:s4+s15], $0x80, s10, s15, $0xb8;
	[tilespmem:$0x1C8C0] =	vst v63  }
0xfe: {  	_ =	swait.ge [sflag:s18], $0x4000  }
0xff: {  	[sflag:s18] =	ssyncset.done $0x0  }
0x100: {  	[sflag:s18] =	ssyncadd.s32 $0xFFFFC000  }
0x101: {  	_ =	swait.ge [sflag:s19], $0x4000  }
0x102: {  	[sflag:s19] =	ssyncset.done $0x0  }
0x103: {  	s10 =	rddreg [dreg:$0x10];
	[sflag:s19] =	ssyncadd.s32 $0xFFFFC000  }
0x104: {  	[spmem:s2] =	stream.indirect.scatter.add.f32 [tilespmem:s16], [sflag:$0x3], $0x80, s10, s15, $0xb8;
	[tilespmem:$0x1C8C0] =	vst v63  }
0x105: {  	_ =	swait.ge [sflag:s12], $0x4000  }
0x106: {  	[sflag:s12] =	ssyncset.done $0x0  }
0x107: {  	[sflag:s12] =	ssyncadd.s32 $0xFFFFC000  }
0x108: {  	[spmem:s2] =	stream.indirect.scatter.add.f32 [tilespmem:s17], [sflag:$0x3], $0x80, s20, s15, $0xb8;
	[tilespmem:$0x1C8C0] =	vst v63  }
0x109: {  	_ =	swait.ge [sflag:s12], $0x4000  }
0x10a: {  	[sflag:s12] =	ssyncset.done $0x0  }
0x10b: {  	[sflag:s12] =	ssyncadd.s32 $0xFFFFC000  }
0x10c: {  	[tilespmem:s16], [sflag:$0x1] =	stream.indirect.gather [hbm4b:s4+s15], $0x80, s21, s15, $0xb8;
	[tilespmem:$0x1C8C0] =	vst v63  }
0x10d: {  	_ = 	snop  }
0x10e: {  	[tilespmem:s17], [sflag:$0x2] =	stream.indirect.gather [hbm4b:s4+s15], $0x80, s22, s15, $0xb8;
	[tilespmem:$0x1C8C0] =	vst v63  }
0x10f: {  	_ =	swait.ge [sflag:s18], $0x4000  }
0x110: {  	[sflag:s18] =	ssyncset.done $0x0  }
0x111: {  	[sflag:s18] =	ssyncadd.s32 $0xFFFFC000  }
0x112: {  	_ =	swait.ge [sflag:s19], $0x4000  }
0x113: {  	[sflag:s19] =	ssyncset.done $0x0  }
0x114: {  	[sflag:s19] =	ssyncadd.s32 $0xFFFFC000  }
0x115: {  	[spmem:s2] =	stream.indirect.scatter.add.f32 [tilespmem:s16], [sflag:$0x3], $0x80, s23, s15, $0xb8;
	[tilespmem:$0x1C8C0] =	vst v63  }
0x116: {  	_ =	swait.ge [sflag:s12], $0x4000  }
0x117: {  	[sflag:s12] =	ssyncset.done $0x0  }
0x118: {  	[sflag:s12] =	ssyncadd.s32 $0xFFFFC000  }
0x119: {  	[spmem:s2] =	stream.indirect.scatter.add.f32 [tilespmem:s17], [sflag:$0x3], $0x80, s24, s15, $0xb8;
	[tilespmem:$0x1C8C0] =	vst v63  }
0x11a: {  	_ =	swait.ge [sflag:s12], $0x4000  }
0x11b: {  	[sflag:s12] =	ssyncset.done $0x0  }
0x11c: {  	[sflag:s12] =	ssyncadd.s32 $0xFFFFC000  }
0x11d: {  	[tilespmem:s16], [sflag:$0x1] =	stream.indirect.gather [hbm4b:s4+s15], $0x80, s25, s15, $0xb8;
	[tilespmem:$0x1C8C0] =	vst v63  }
0x11e: {  	_ = 	snop  }
0x11f: {  	[tilespmem:s17], [sflag:$0x2] =	stream.indirect.gather [hbm4b:s4+s15], $0x80, s26, s15, $0xb8;
	[tilespmem:$0x1C8C0] =	vst v63  }
0x120: {  	_ =	swait.ge [sflag:s18], $0x4000  }
0x121: {  	[sflag:s18] =	ssyncset.done $0x0  }
0x122: {  	[sflag:s18] =	ssyncadd.s32 $0xFFFFC000  }
0x123: {  	_ =	swait.ge [sflag:s19], $0x4000  }
0x124: {  	[sflag:s19] =	ssyncset.done $0x0  }
0x125: {  	[sflag:s19] =	ssyncadd.s32 $0xFFFFC000  }
0x126: {  	[spmem:s2] =	stream.indirect.scatter.add.f32 [tilespmem:s16], [sflag:$0x3], $0x80, s28, s15, $0xb8;
	[tilespmem:$0x1C8C0] =	vst v63  }
0x127: {  	_ =	swait.ge [sflag:s12], $0x4000  }
0x128: {  	[sflag:s12] =	ssyncset.done $0x0  }
0x129: {  	[sflag:s12] =	ssyncadd.s32 $0xFFFFC000  }
0x12a: {  	[spmem:s2] =	stream.indirect.scatter.add.f32 [tilespmem:s17], [sflag:$0x3], $0x80, s29, s15, $0xb8;
	[tilespmem:$0x1C8C0] =	vst v63  }
0x12b: {  	_ =	swait.ge [sflag:s12], $0x4000  }
0x12c: {  	[sflag:s12] =	ssyncset.done $0x0  }
0x12d: {  	[sflag:s12] =	ssyncadd.s32 $0xFFFFC000  }
0x12e: {  	[tilespmem:s16], [sflag:$0x1] =	stream.indirect.gather [hbm4b:s4+s15], $0x80, s30, s15, $0xb8;
	[tilespmem:$0x1C8C0] =	vst v63  }
0x12f: {  	_ = 	snop  }
0x130: {  	[tilespmem:s17], [sflag:$0x2] =	stream.indirect.gather [hbm4b:s4+s15], $0x80, s31, s15, $0xb8;
	[tilespmem:$0x1C8C0] =	vst v63  }
0x131: {  	_ =	swait.ge [sflag:s18], $0x4000  }
0x132: {  	[sflag:s18] =	ssyncset.done $0x0  }
0x133: {  	[sflag:s18] =	ssyncadd.s32 $0xFFFFC000  }
0x134: {  	_ =	swait.ge [sflag:s19], $0x4000  }
0x135: {  	[sflag:s19] =	ssyncset.done $0x0  }
0x136: {  	[sflag:s19] =	ssyncadd.s32 $0xFFFFC000  }
0x137: {  	[spmem:s2] =	stream.indirect.scatter.add.f32 [tilespmem:s16], [sflag:$0x3], $0x80, s1, s15, $0xb8;
	[tilespmem:$0x1C8C0] =	vst v63  }
0x138: {  	_ =	swait.ge [sflag:s12], $0x4000  }
0x139: {  	[sflag:s12] =	ssyncset.done $0x0  }
0x13a: {  	[sflag:s12] =	ssyncadd.s32 $0xFFFFC000  }
0x13b: {  	[spmem:s2] =	stream.indirect.scatter.add.f32 [tilespmem:s17], [sflag:$0x3], $0x80, s0, s15, $0xb8;
	[tilespmem:$0x1C8C0] =	vst v63  }
0x13c: {  	_ =	swait.ge [sflag:s12], $0x4000  }
0x13d: {  	[sflag:s12] =	ssyncset.done $0x0  }
0x13e: {  	[sflag:s12] =	ssyncadd.s32 $0xFFFFC000  }
0x13f: {  	[tilespmem:s16], [sflag:$0x1] =	stream.indirect.gather [hbm4b:s4+s15], $0x80, s5, s15, $0xb8;
	[tilespmem:$0x1C8C0] =	vst v63  }
0x140: {  	_ = 	snop  }
0x141: {  	[tilespmem:s17], [sflag:$0x2] =	stream.indirect.gather [hbm4b:s4+s15], $0x80, s7, s15, $0xb8;
	[tilespmem:$0x1C8C0] =	vst v63  }
0x142: {  	_ =	swait.ge [sflag:s18], $0x4000  }
0x143: {  	[sflag:s18] =	ssyncset.done $0x0  }
0x144: {  	[sflag:s18] =	ssyncadd.s32 $0xFFFFC000  }
0x145: {  	_ =	swait.ge [sflag:s19], $0x4000  }
0x146: {  	[sflag:s19] =	ssyncset.done $0x0  }
0x147: {  	[sflag:s19] =	ssyncadd.s32 $0xFFFFC000  }
0x148: {  	[spmem:s2] =	stream.indirect.scatter.add.f32 [tilespmem:s16], [sflag:$0x3], $0x80, s8, s15, $0xb8;
	[tilespmem:$0x1C8C0] =	vst v63  }
0x149: {  	p1 =	sne.s32 s13, $0x400;
	_ =	swait.ge [sflag:s12], $0x4000  }
.Ltmp0:
0x14a: {  	[sflag:s12] =	ssyncset.done $0x0;
	(pc) =	sbr.rel @p1 .LBB2_2-.Ltmp0, $4  }
0x14b: {  	[sflag:s12] =	ssyncadd.s32 $0xFFFFC000  }
0x14c: {  	[spmem:s2] =	stream.indirect.scatter.add.f32 [tilespmem:s17], [sflag:$0x3], $0x80, s9, s15, $0xb8;
	[tilespmem:$0x1C8C0] =	vst v63  }
0x14d: {  	_ =	swait.ge [sflag:s12], $0x4000  }
0x14e: {  	s13 =	sadd.s32 $0x100, s13;
	s6 =	rddreg [dreg:$0x4];
	[sflag:s12] =	ssyncset.done $0x0  }
0x14f: {  	[sflag:s12] =	ssyncadd.s32 $0xFFFFC000;
	s6 =	sadd.s32 s11, s6  }
0x150: {  	[tilespmem:s3], [sflag:$0x3] =	stream.linear.gather [hbm4b:s6+s3], $0x800, $0x38;
	[tilespmem:$0x1C8C0] =	vst v63  }
0x151: {  	_ =	swait.ge [sflag:s12], $0x800  }
0x152: {  	s13 =	rddreg [dreg:$0x3];
	[sflag:s12] =	ssyncset.done $0x0  }
0x153: {  	[sflag:s12] =	ssyncadd.s32 $0xFFFFF800;
	s6 =	sadd.s32 s11, s13  }
0x154: {  	[tilespmem:s14], [sflag:$0x3] =	stream.linear.gather [hbm4b:s6+s3], $0x800, $0x38;
	[tilespmem:$0x1C8C0] =	vst v63  }
0x155: {  	_ =	swait.ge [sflag:s12], $0x800  }
0x156: {  	[sflag:s12] =	ssyncset.done $0x0  }
0x157: {  	[sflag:s12] =	ssyncadd.s32 $0xFFFFF800  }
0x158: {  	[tilespmem:s16], [sflag:$0x1] =	stream.indirect.gather [hbm4b:s4+s15], $0x80, s3, s15, $0xb8;
	[tilespmem:$0x1C8C0] =	vst v63  }
0x159: {  	_ = 	snop  }
0x15a: {  	[tilespmem:s17], [sflag:$0x2] =	stream.indirect.gather [hbm4b:s4+s15], $0x80, s15, s15, $0xb8;
	[tilespmem:$0x1C8C0] =	vst v63  }
0x15b: {  	_ =	swait.ge [sflag:s18], $0x4000  }
0x15c: {  	[sflag:s18] =	ssyncset.done $0x0  }
0x15d: {  	[sflag:s18] =	ssyncadd.s32 $0xFFFFC000  }
0x15e: {  	_ =	swait.ge [sflag:s19], $0x4000  }
0x15f: {  	[sflag:s19] =	ssyncset.done $0x0  }
0x160: {  	[sflag:s19] =	ssyncadd.s32 $0xFFFFC000  }
0x161: {  	[spmem:s2] =	stream.indirect.scatter.add.f32 [tilespmem:s16], [sflag:$0x3], $0x80, s14, s15, $0xb8;
	[tilespmem:$0x1C8C0] =	vst v63  }
0x162: {  	_ =	swait.ge [sflag:s12], $0x4000  }
0x163: {  	[sflag:s12] =	ssyncset.done $0x0  }
0x164: {  	s10 =	rddreg [dreg:$0x5];
	[sflag:s12] =	ssyncadd.s32 $0xFFFFC000  }
0x165: {  	[spmem:s2] =	stream.indirect.scatter.add.f32 [tilespmem:s17], [sflag:$0x3], $0x80, s10, s15, $0xb8;
	[tilespmem:$0x1C8C0] =	vst v63  }
0x166: {  	_ =	swait.ge [sflag:s12], $0x4000  }
0x167: {  	[sflag:s12] =	ssyncset.done $0x0  }
0x168: {  	s11 =	rddreg [dreg:$0x6];
	[sflag:s12] =	ssyncadd.s32 $0xFFFFC000  }
0x169: {  	[tilespmem:s16], [sflag:$0x1] =	stream.indirect.gather [hbm4b:s4+s15], $0x80, s11, s15, $0xb8;
	[tilespmem:$0x1C8C0] =	vst v63  }
0x16a: {  	s10 =	rddreg [dreg:$0x7]  }
0x16b: {  	[tilespmem:s17], [sflag:$0x2] =	stream.indirect.gather [hbm4b:s4+s15], $0x80, s10, s15, $0xb8;
	[tilespmem:$0x1C8C0] =	vst v63  }
0x16c: {  	_ =	swait.ge [sflag:s18], $0x4000  }
0x16d: {  	[sflag:s18] =	ssyncset.done $0x0  }
0x16e: {  	[sflag:s18] =	ssyncadd.s32 $0xFFFFC000  }
0x16f: {  	_ =	swait.ge [sflag:s19], $0x4000  }
0x170: {  	[sflag:s19] =	ssyncset.done $0x0  }
0x171: {  	s13 =	rddreg [dreg:$0x8];
	[sflag:s19] =	ssyncadd.s32 $0xFFFFC000  }
0x172: {  	[spmem:s2] =	stream.indirect.scatter.add.f32 [tilespmem:s16], [sflag:$0x3], $0x80, s13, s15, $0xb8;
	[tilespmem:$0x1C8C0] =	vst v63  }
0x173: {  	_ =	swait.ge [sflag:s12], $0x4000  }
0x174: {  	[sflag:s12] =	ssyncset.done $0x0  }
0x175: {  	s10 =	rddreg [dreg:$0x9];
	[sflag:s12] =	ssyncadd.s32 $0xFFFFC000  }
0x176: {  	[spmem:s2] =	stream.indirect.scatter.add.f32 [tilespmem:s17], [sflag:$0x3], $0x80, s10, s15, $0xb8;
	[tilespmem:$0x1C8C0] =	vst v63  }
0x177: {  	_ =	swait.ge [sflag:s12], $0x4000  }
0x178: {  	[sflag:s12] =	ssyncset.done $0x0  }
0x179: {  	s11 =	rddreg [dreg:$0xa];
	[sflag:s12] =	ssyncadd.s32 $0xFFFFC000  }
0x17a: {  	[tilespmem:s16], [sflag:$0x1] =	stream.indirect.gather [hbm4b:s4+s15], $0x80, s11, s15, $0xb8;
	[tilespmem:$0x1C8C0] =	vst v63  }
0x17b: {  	s13 =	rddreg [dreg:$0xb]  }
0x17c: {  	[tilespmem:s17], [sflag:$0x2] =	stream.indirect.gather [hbm4b:s4+s15], $0x80, s13, s15, $0xb8;
	[tilespmem:$0x1C8C0] =	vst v63  }
0x17d: {  	_ =	swait.ge [sflag:s18], $0x4000  }
0x17e: {  	[sflag:s18] =	ssyncset.done $0x0  }
0x17f: {  	[sflag:s18] =	ssyncadd.s32 $0xFFFFC000  }
0x180: {  	_ =	swait.ge [sflag:s19], $0x4000  }
0x181: {  	[sflag:s19] =	ssyncset.done $0x0  }
0x182: {  	s11 =	rddreg [dreg:$0xc];
	[sflag:s19] =	ssyncadd.s32 $0xFFFFC000  }
0x183: {  	[spmem:s2] =	stream.indirect.scatter.add.f32 [tilespmem:s16], [sflag:$0x3], $0x80, s11, s15, $0xb8;
	[tilespmem:$0x1C8C0] =	vst v63  }
0x184: {  	_ =	swait.ge [sflag:s12], $0x4000  }
0x185: {  	[sflag:s12] =	ssyncset.done $0x0  }
0x186: {  	s13 =	rddreg [dreg:$0xd];
	[sflag:s12] =	ssyncadd.s32 $0xFFFFC000  }
0x187: {  	[spmem:s2] =	stream.indirect.scatter.add.f32 [tilespmem:s17], [sflag:$0x3], $0x80, s13, s15, $0xb8;
	[tilespmem:$0x1C8C0] =	vst v63  }
0x188: {  	_ =	swait.ge [sflag:s12], $0x4000  }
0x189: {  	[sflag:s12] =	ssyncset.done $0x0  }
0x18a: {  	s10 =	rddreg [dreg:$0xe];
	[sflag:s12] =	ssyncadd.s32 $0xFFFFC000  }
0x18b: {  	[tilespmem:s16], [sflag:$0x1] =	stream.indirect.gather [hbm4b:s4+s15], $0x80, s10, s15, $0xb8;
	[tilespmem:$0x1C8C0] =	vst v63  }
0x18c: {  	s11 =	rddreg [dreg:$0xf]  }
0x18d: {  	[tilespmem:s17], [sflag:$0x2] =	stream.indirect.gather [hbm4b:s4+s15], $0x80, s11, s15, $0xb8;
	[tilespmem:$0x1C8C0] =	vst v63  }
0x18e: {  	_ =	swait.ge [sflag:s18], $0x4000  }
0x18f: {  	[sflag:s18] =	ssyncset.done $0x0  }
0x190: {  	[sflag:s18] =	ssyncadd.s32 $0xFFFFC000  }
0x191: {  	_ =	swait.ge [sflag:s19], $0x4000  }
0x192: {  	[sflag:s19] =	ssyncset.done $0x0  }
0x193: {  	s13 =	rddreg [dreg:$0x10];
	[sflag:s19] =	ssyncadd.s32 $0xFFFFC000  }
0x194: {  	[spmem:s2] =	stream.indirect.scatter.add.f32 [tilespmem:s16], [sflag:$0x3], $0x80, s13, s15, $0xb8;
	[tilespmem:$0x1C8C0] =	vst v63  }
0x195: {  	_ =	swait.ge [sflag:s12], $0x4000  }
0x196: {  	[sflag:s12] =	ssyncset.done $0x0  }
0x197: {  	[sflag:s12] =	ssyncadd.s32 $0xFFFFC000  }
0x198: {  	[spmem:s2] =	stream.indirect.scatter.add.f32 [tilespmem:s17], [sflag:$0x3], $0x80, s20, s15, $0xb8;
	[tilespmem:$0x1C8C0] =	vst v63  }
0x199: {  	_ =	swait.ge [sflag:s12], $0x4000  }
0x19a: {  	[sflag:s12] =	ssyncset.done $0x0  }
0x19b: {  	[sflag:s12] =	ssyncadd.s32 $0xFFFFC000  }
0x19c: {  	[tilespmem:s16], [sflag:$0x1] =	stream.indirect.gather [hbm4b:s4+s15], $0x80, s21, s15, $0xb8;
	[tilespmem:$0x1C8C0] =	vst v63  }
0x19d: {  	_ = 	snop  }
0x19e: {  	[tilespmem:s17], [sflag:$0x2] =	stream.indirect.gather [hbm4b:s4+s15], $0x80, s22, s15, $0xb8;
	[tilespmem:$0x1C8C0] =	vst v63  }
0x19f: {  	_ =	swait.ge [sflag:s18], $0x4000  }
0x1a0: {  	[sflag:s18] =	ssyncset.done $0x0  }
0x1a1: {  	[sflag:s18] =	ssyncadd.s32 $0xFFFFC000  }
0x1a2: {  	_ =	swait.ge [sflag:s19], $0x4000  }
0x1a3: {  	[sflag:s19] =	ssyncset.done $0x0  }
0x1a4: {  	[sflag:s19] =	ssyncadd.s32 $0xFFFFC000  }
0x1a5: {  	[spmem:s2] =	stream.indirect.scatter.add.f32 [tilespmem:s16], [sflag:$0x3], $0x80, s23, s15, $0xb8;
	[tilespmem:$0x1C8C0] =	vst v63  }
0x1a6: {  	_ =	swait.ge [sflag:s12], $0x4000  }
0x1a7: {  	[sflag:s12] =	ssyncset.done $0x0  }
0x1a8: {  	[sflag:s12] =	ssyncadd.s32 $0xFFFFC000  }
0x1a9: {  	[spmem:s2] =	stream.indirect.scatter.add.f32 [tilespmem:s17], [sflag:$0x3], $0x80, s24, s15, $0xb8;
	[tilespmem:$0x1C8C0] =	vst v63  }
0x1aa: {  	_ =	swait.ge [sflag:s12], $0x4000  }
0x1ab: {  	[sflag:s12] =	ssyncset.done $0x0  }
0x1ac: {  	[sflag:s12] =	ssyncadd.s32 $0xFFFFC000  }
0x1ad: {  	[tilespmem:s16], [sflag:$0x1] =	stream.indirect.gather [hbm4b:s4+s15], $0x80, s25, s15, $0xb8;
	[tilespmem:$0x1C8C0] =	vst v63  }
0x1ae: {  	_ = 	snop  }
0x1af: {  	[tilespmem:s17], [sflag:$0x2] =	stream.indirect.gather [hbm4b:s4+s15], $0x80, s26, s15, $0xb8;
	[tilespmem:$0x1C8C0] =	vst v63  }
0x1b0: {  	_ =	swait.ge [sflag:s18], $0x4000  }
0x1b1: {  	[sflag:s18] =	ssyncset.done $0x0  }
0x1b2: {  	[sflag:s18] =	ssyncadd.s32 $0xFFFFC000  }
0x1b3: {  	_ =	swait.ge [sflag:s19], $0x4000  }
0x1b4: {  	[sflag:s19] =	ssyncset.done $0x0  }
0x1b5: {  	[sflag:s19] =	ssyncadd.s32 $0xFFFFC000  }
0x1b6: {  	[spmem:s2] =	stream.indirect.scatter.add.f32 [tilespmem:s16], [sflag:$0x3], $0x80, s28, s15, $0xb8;
	[tilespmem:$0x1C8C0] =	vst v63  }
0x1b7: {  	_ =	swait.ge [sflag:s12], $0x4000  }
0x1b8: {  	[sflag:s12] =	ssyncset.done $0x0  }
0x1b9: {  	[sflag:s12] =	ssyncadd.s32 $0xFFFFC000  }
0x1ba: {  	[spmem:s2] =	stream.indirect.scatter.add.f32 [tilespmem:s17], [sflag:$0x3], $0x80, s29, s15, $0xb8;
	[tilespmem:$0x1C8C0] =	vst v63  }
0x1bb: {  	_ =	swait.ge [sflag:s12], $0x4000  }
0x1bc: {  	[sflag:s12] =	ssyncset.done $0x0  }
0x1bd: {  	[sflag:s12] =	ssyncadd.s32 $0xFFFFC000  }
0x1be: {  	[tilespmem:s16], [sflag:$0x1] =	stream.indirect.gather [hbm4b:s4+s15], $0x80, s30, s15, $0xb8;
	[tilespmem:$0x1C8C0] =	vst v63  }
0x1bf: {  	_ = 	snop  }
0x1c0: {  	[tilespmem:s17], [sflag:$0x2] =	stream.indirect.gather [hbm4b:s4+s15], $0x80, s31, s15, $0xb8;
	[tilespmem:$0x1C8C0] =	vst v63  }
0x1c1: {  	_ =	swait.ge [sflag:s18], $0x4000  }
0x1c2: {  	[sflag:s18] =	ssyncset.done $0x0  }
0x1c3: {  	[sflag:s18] =	ssyncadd.s32 $0xFFFFC000  }
0x1c4: {  	_ =	swait.ge [sflag:s19], $0x4000  }
0x1c5: {  	[sflag:s19] =	ssyncset.done $0x0  }
0x1c6: {  	[sflag:s19] =	ssyncadd.s32 $0xFFFFC000  }
0x1c7: {  	[spmem:s2] =	stream.indirect.scatter.add.f32 [tilespmem:s16], [sflag:$0x3], $0x80, s1, s15, $0xb8;
	[tilespmem:$0x1C8C0] =	vst v63  }
0x1c8: {  	_ =	swait.ge [sflag:s12], $0x4000  }
0x1c9: {  	[sflag:s12] =	ssyncset.done $0x0  }
0x1ca: {  	[sflag:s12] =	ssyncadd.s32 $0xFFFFC000  }
0x1cb: {  	[spmem:s2] =	stream.indirect.scatter.add.f32 [tilespmem:s17], [sflag:$0x3], $0x80, s0, s15, $0xb8;
	[tilespmem:$0x1C8C0] =	vst v63  }
0x1cc: {  	_ =	swait.ge [sflag:s12], $0x4000  }
0x1cd: {  	[sflag:s12] =	ssyncset.done $0x0  }
0x1ce: {  	[sflag:s12] =	ssyncadd.s32 $0xFFFFC000  }
0x1cf: {  	[tilespmem:s16], [sflag:$0x1] =	stream.indirect.gather [hbm4b:s4+s15], $0x80, s5, s15, $0xb8;
	[tilespmem:$0x1C8C0] =	vst v63  }
0x1d0: {  	_ = 	snop  }
0x1d1: {  	[tilespmem:s17], [sflag:$0x2] =	stream.indirect.gather [hbm4b:s4+s15], $0x80, s7, s15, $0xb8;
	[tilespmem:$0x1C8C0] =	vst v63  }
0x1d2: {  	_ =	swait.ge [sflag:s18], $0x4000  }
0x1d3: {  	[sflag:s18] =	ssyncset.done $0x0  }
0x1d4: {  	[sflag:s18] =	ssyncadd.s32 $0xFFFFC000  }
0x1d5: {  	_ =	swait.ge [sflag:s19], $0x4000  }
0x1d6: {  	[sflag:s19] =	ssyncset.done $0x0  }
0x1d7: {  	[sflag:s19] =	ssyncadd.s32 $0xFFFFC000  }
0x1d8: {  	[spmem:s2] =	stream.indirect.scatter.add.f32 [tilespmem:s16], [sflag:$0x3], $0x80, s8, s15, $0xb8;
	[tilespmem:$0x1C8C0] =	vst v63  }
0x1d9: {  	_ =	swait.ge [sflag:s12], $0x4000  }
0x1da: {  	[sflag:s12] =	ssyncset.done $0x0  }
0x1db: {  	[sflag:s12] =	ssyncadd.s32 $0xFFFFC000  }
0x1dc: {  	[spmem:s2] =	stream.indirect.scatter.add.f32 [tilespmem:s17], [sflag:$0x3], $0x80, s9, s15, $0xb8;
	[tilespmem:$0x1C8C0] =	vst v63  }
0x1dd: {  	_ =	swait.ge [sflag:s12], $0x4000  }
0x1de: {  	[sflag:s12] =	ssyncset.done $0x0  }
0x1df: {  	[sflag:s12] =	ssyncadd.s32 $0xFFFFC000  }
0x1e0: {  	[bflag:$0x0] =	sbarrier.arrive $0xFFFF  }
0x1e1: {  	s13 =	rddreg [dreg:$0x12]  }
0x1e2: {  	s10 =	rddreg [dreg:$0x14]  }
0x1e3: {  	s11 =	rddreg [dreg:$0x17]  }
0x1e4: {  	[hbm:s10], [sflag:s13] =	dma.local [spmem:s11], $0x2700  }
0x1e5: {  	_ =	swait.ge [sflag:s12], $0x2700  }
0x1e6: {  	[sflag:s12] =	ssyncset.done $0x0;
	s6 =	rddreg [dreg:$0x15]  }
0x1e7: {  	s10 =	simm.s32 @!p0 $0x3;
	s11 =	rddreg [dreg:$0x18];
	[sflag:s12] =	ssyncadd.s32 $0xFFFFD900  }
0x1e8: {  	[hbm:s6], [sflag:s13] =	dma.local @!p0 [spmem:s11], $0x100  }
0x1e9: {  	_ =	swait.ge @!p0 [sflag:s10], $0x100  }
0x1ea: {  	s6 =	rddreg [dreg:$0x19]  }
0x1eb: {  	[sflag:s10] =	ssyncset.done @!p0 $0x0;
	s10 =	rddreg [dreg:$0x16];
	s6 =	sadd.s32 $0x1, s6  }
0x1ec: {  	p1 =	sne.s32 s6, s10  }
.Ltmp1:
0x1ed: {  	_ = 	snop;
	(pc) =	sbr.rel @p1 .LBB2_1-.Ltmp1, $3  }
0x1ee: {  	_ =	sdelay $0x1  }
0x1ef: {  	[dreg:$0x19] =	wrdreg s6;
	s6 =	simm.s32 @!p0 $0x3  }
0x1f0: {  	s10 =	smov.u32 s11;
	s11 =	rddreg [dreg:$0x17];
	[sflag:s6] =	ssyncadd.s32 @!p0 $0xFFFFFF00  }
0x1f1: {  	_ =	sfence.sel $0x180000  }
0x1f2: {  	[bflag:$0x0] =	sbarrier.arrive $0xFFFF  }
0x1f3: {  	_ =	strace $0x9000004D  }
0x1f4: {  	s0 =	stileid.u32;
	[bflag:$0x2] =	sbarrier.arrive $0xFFFF  }
0x1f5: {  	p0 =	sne.s32 s0, $0x0;
	s0 =	rddreg [dreg:$0x2]  }
0x1f6: {  	s0 =	sadd.s32 @!p0 $0x100000, s0  }
0x1f7: {  	[sflag:s0] =	ssyncadd.tile.s32 @!p0 $0x1;
	_ =	shalt  }
.Lfunc_end2:
_tile_overlayer_lowered:
.L_overlay_start_2:
0x1f8: {  	(tag) =	ssettag $0x2  }
0x1f9: {  	s0 =	rddreg [dreg:$0x0];
	s2 =	stileid.u32  }
0x1fa: {  	s1 =	rddreg [dreg:$0x1];
	p0 =	sne.s32 s2, $0x0  }
0x1fb: {  	s3 =	rddreg [dreg:$0x2];
	[bflag:$0x3] =	sbarrier.arrive $0xFFFF;
	s2 =	simm.s32 @!p0 $0x1C03  }
0x1fc: {  	[timem:s3], [sflag:s2] =	dma.local @!p0 [hbm:s0], s1  }
0x1fd: {  	s0 =	simm.s32 @!p0 $0x3  }
0x1fe: {  	_ =	swait.ge @!p0 [sflag:s0], s1  }
0x1ff: {  	s1 =	ssub.s32 @!p0 $0x0, s1;
	[sflag:s0] =	ssyncset.done @!p0 $0x0  }
0x200: {  	[sflag:s0] =	ssyncadd.s32 @!p0 s1  }
0x201: {  	[bflag:$0x3] =	sbarrier.arrive $0xFFFF  }
0x202: {  	_ =	shalt  }

// kernel: kernel.8.cloned.1.call-start
scs
__scs_entry_jumppad:
0x0: {  	(pc) =	sbr.rel $0x88, $3  }
0x1: {  	(tag) =	ssettag $0x0;
	lr =	simm.s32 $0x1  }
0x2: {  	[smem:$0x3F98] =	sst lr;
	_ =	strace $0xD0000000  }
0x3: {  	_ = 	snop  }
0x4: {  	_ = 	snop  }
0x5: {  	_ = 	snop  }
0x6: {  	_ = 	snop  }
0x7: {  	_ = 	snop  }
__scs_overlays_trampoline_lowered:
0x8: {  	[smem:$0x3FA7] =	sst s0  }
0x9: {  	[smem:$0x3FA8] =	sst s1  }
0xa: {  	[smem:$0x3FA9] =	sst s2  }
0xb: {  	[smem:$0x3FAA] =	sst s3  }
0xc: {  	[smem:$0x3FAB] =	sst s4  }
0xd: {  	[smem:$0x3FAC] =	sst s5  }
0xe: {  	[smem:$0x3FAD] =	sst s6  }
0xf: {  	[smem:$0x3FAE] =	sst s7  }
0x10: {  	[smem:$0x3FAF] =	sst s8  }
0x11: {  	[smem:$0x3FB0] =	sst s9;
	s0 =	simm.s32 @!p0 $0x0  }
0x12: {  	s1 =	sld [smem:$0x3F96];
	s0 =	simm.s32 @p0 $0x1  }
0x13: {  	[smem:$0x3FB1] =	sst s0;
	s0 =	simm.s32 @!p1 $0x0  }
0x14: {  	s2 =	sld [smem:$0x3F95];
	s0 =	simm.s32 @p1 $0x1  }
0x15: {  	[smem:$0x3FB2] =	sst s0;
	s0 =	simm.s32 @!p2 $0x0  }
0x16: {  	s3 =	sld [smem:$0x3FDB];
	s0 =	simm.s32 @p2 $0x1  }
0x17: {  	s4 =	simm.s32 $0x1BF5;
	[smem:$0x3FB4] =	sst s0  }
0x18: {  	s0 =	sld [smem:$0x3F97];
	_ =	swait.ge [sflag:s4], $0x0  }
0x19: {  	s7 =	sld [smem:$0x3F98]  }
0x1a: {  	s8 =	sadd.s32 $0xFFFFE003, lr  }
0x1b: {  	s9 =	sadd.s32 $0xFFFFFEF7, lr;
	s5 =	simm.s32 $0xFFFFFFFF;
	p2 =	slt.u32 s8, $0xFFFFF086  }
0x1c: {  	p1 =	slt.u32 s9, $0xF7A;
	s5 =	simm.s32 @!p2 $0x0  }
0x1d: {  	s5 =	simm.s32 @p1 $0x1;
	p0 =	seq.s32 s7, s2  }
0x1e: {  	s7 =	smul.u32 @!p0 $0xF7A, s2;
	p2 =	seq.s32 @!p0 s5, $0x0  }
0x1f: {  	s9 =	smul.u32 $0xF7A, s1;
	s8 =	simm.s32 @!p0 $0x1BF5;
	p2 =	por !p2, p0  }
0x20: {  	[sflag:s8] =	ssyncset.s32 @!p0 $0xFFFFF086;
	s6 =	sadd.s32 @!p0 s3, s7;
	s7 =	simm.s32 @!p0 $0x108  }
0x21: {  	s3 =	sadd.s32 s3, s9;
	s6 =	sadd.s32 @!p0 $0x88, s6;
	s7 =	simm.s32 @p2 $0x1082  }
0x22: {  	[simem:s7], [sflag:s8] =	dma.local @!p0 [hbm:s6], $0xF7A  }
0x23: {  	s9 =	sor.u32 $0xD0000000, s2;
	s6 =	simm.s32 $0x108;
	_ =	swait.ge @!p0 [sflag:s8], $0x0  }
0x24: {  	s3 =	sadd.s32 $0x88, s3;
	s6 =	simm.s32 @!p1 $0x1082;
	[sflag:s4] =	ssyncset.s32 $0xFFFFF086  }
0x25: {  	[simem:s6], [sflag:s4] =	dma.local [hbm:s3], $0xF7A  }
0x26: {  	[smem:$0x3F98] =	sst s1;
	(tag) =	ssettag s2;
	_ =	strace s9  }
0x27: {  	s1 =	sld [smem:$0x3FA8]  }
0x28: {  	s2 =	sld [smem:$0x3FA9]  }
0x29: {  	s4 =	sld [smem:$0x3FAB]  }
0x2a: {  	p0 =	seq.s32 s5, $0x0;
	s5 =	sld [smem:$0x3FAC]  }
0x2b: {  	s6 =	sld [smem:$0x3FAD]  }
0x2c: {  	s7 =	sld [smem:$0x3FAE]  }
0x2d: {  	s3 =	simm.s32 $0x108;
	s8 =	sld [smem:$0x3FAF]  }
0x2e: {  	s3 =	simm.s32 @!p0 $0x1082;
	s9 =	sld [smem:$0x3FB0]  }
0x2f: {  	lr =	sadd.s32 s0, s3;
	s0 =	sld [smem:$0x3FA7]  }
0x30: {  	s3 =	sld [smem:$0x3FAA]  }
0x31: {  	[smem:$0x3FB3] =	sst s10  }
0x32: {  	s10 =	sld [smem:$0x3FB1];
	_ =	sdelay $0x3  }
0x33: {  	p0 =	seq.s32 s10, $0x1;
	s10 =	sld [smem:$0x3FB3];
	_ =	sdelay $0x3  }
0x34: {  	[smem:$0x3FB3] =	sst s10  }
0x35: {  	s10 =	sld [smem:$0x3FB2];
	_ =	sdelay $0x3  }
0x36: {  	p1 =	seq.s32 s10, $0x1;
	s10 =	sld [smem:$0x3FB3];
	_ =	sdelay $0x3  }
0x37: {  	[smem:$0x3FB3] =	sst s10  }
0x38: {  	s10 =	sld [smem:$0x3FB4]  }
0x39: {  	_ = 	snop;
	(pc) =	sbr.ind lr, $3  }
0x3a: {  	_ = 	snop  }
0x3b: {  	_ = 	snop  }
0x3c: {  	p2 =	seq.s32 s10, $0x1;
	s10 =	sld [smem:$0x3FB3]  }
0x3d: {  	_ =	shalt  }
0x3e: {  	_ =	shalt  }
0x3f: {  	_ =	shalt  }
0x40: {  	_ =	shalt  }
0x41: {  	_ =	shalt  }
0x42: {  	_ =	shalt  }
0x43: {  	_ =	shalt  }
0x44: {  	_ =	shalt  }
0x45: {  	_ =	shalt  }
0x46: {  	_ =	shalt  }
0x47: {  	_ =	shalt  }
0x48: {  	_ =	shalt  }
0x49: {  	_ =	shalt  }
0x4a: {  	_ =	shalt  }
0x4b: {  	_ =	shalt  }
0x4c: {  	_ =	shalt  }
0x4d: {  	_ =	shalt  }
0x4e: {  	_ =	shalt  }
0x4f: {  	_ =	shalt  }
0x50: {  	_ =	shalt  }
0x51: {  	_ =	shalt  }
0x52: {  	_ =	shalt  }
0x53: {  	_ =	shalt  }
0x54: {  	_ =	shalt  }
0x55: {  	_ =	shalt  }
0x56: {  	_ =	shalt  }
0x57: {  	_ =	shalt  }
0x58: {  	_ =	shalt  }
0x59: {  	_ =	shalt  }
0x5a: {  	_ =	shalt  }
0x5b: {  	_ =	shalt  }
0x5c: {  	_ =	shalt  }
0x5d: {  	_ =	shalt  }
0x5e: {  	_ =	shalt  }
0x5f: {  	_ =	shalt  }
0x60: {  	_ =	shalt  }
0x61: {  	_ =	shalt  }
0x62: {  	_ =	shalt  }
0x63: {  	_ =	shalt  }
0x64: {  	_ =	shalt  }
0x65: {  	_ =	shalt  }
0x66: {  	_ =	shalt  }
0x67: {  	_ =	shalt  }
0x68: {  	_ =	shalt  }
0x69: {  	_ =	shalt  }
0x6a: {  	_ =	shalt  }
0x6b: {  	_ =	shalt  }
0x6c: {  	_ =	shalt  }
0x6d: {  	_ =	shalt  }
0x6e: {  	_ =	shalt  }
0x6f: {  	_ =	shalt  }
0x70: {  	_ =	shalt  }
0x71: {  	_ =	shalt  }
0x72: {  	_ =	shalt  }
0x73: {  	_ =	shalt  }
0x74: {  	_ =	shalt  }
0x75: {  	_ =	shalt  }
0x76: {  	_ =	shalt  }
0x77: {  	_ =	shalt  }
0x78: {  	_ =	shalt  }
0x79: {  	_ =	shalt  }
0x7a: {  	_ =	shalt  }
0x7b: {  	_ =	shalt  }
0x7c: {  	_ =	shalt  }
0x7d: {  	_ =	shalt  }
0x7e: {  	_ =	shalt  }
0x7f: {  	_ =	shalt  }
0x80: {  	_ =	shalt  }
0x81: {  	_ =	shalt  }
0x82: {  	_ =	shalt  }
0x83: {  	_ =	shalt  }
0x84: {  	_ =	shalt  }
0x85: {  	_ =	shalt  }
0x86: {  	_ =	shalt  }
0x87: {  	_ =	shalt  }
.Lfunc_end0:
.L_simem_size_0:
called_computation_lowered:
.L_overlay_start_0:
0x88: {  	s2 =	sld [smem:$0x3FD9]  }
0x89: {  	s3 =	sld [smem:$0x3FFE];
	_ =	sdelay $0x1  }
0x8a: {  	s1 =	srdreg.scid  }
0x8b: {  	s0 =	sand.u32 $0x1, s1  }
0x8c: {  	s16 =	sshll.u32 s0, $0xA;
	s2 =	sadd.s32 s3, s2  }
0x8d: {  	s2 =	sadd.s32 s2, s16  }
0x8e: {  	[smem:$0x3FBF] =	sst s2  }
0x8f: {  	_ = 	snop  }
0x90: {  	(tm) =	ssettm $0x1  }
0x91: {  	s17 =	sld [smem:$0x3FFB];
	_ =	sdelay $0x3  }
0x92: {  	_ =	strace s17  }
0x93: {  	s2 =	sld [smem:$0x3FFC];
	_ =	sdelay $0x3  }
0x94: {  	_ =	strace s2  }
0x95: {  	s2 =	sld [smem:$0x3FFD];
	_ =	sdelay $0x3  }
0x96: {  	_ =	strace s2  }
0x97: {  	_ =	strace $0x8FFFFFFF  }
0x98: {  	s18 =	sld [smem:$0x3FDB];
	_ =	sdelay $0x1  }
0x99: {  	s19 =	simm.s32 $_scs_section_size  }
0x9a: {  	s4 =	simm.s32 $_size__tile_overlayer_lowered;
	s5 =	simm.s32 $_tile_overlayer_lowered  }
0x9b: {  	s22 =	simm.s32 $0x1BFF;
	s21 =	sshll.u32 s5, $0x1;
	s2 =	sadd.s32 s19, s18  }
0x9c: {  	s6 =	simm.s32 $0x0;
	s20 =	sshll.u32 s4, $0x1;
	s4 =	sadd.s32 s21, s2  }
0x9d: {  	[timem:s6], [sflag:s22] =	dma.local [hbm:s4], s20  }
0x9e: {  	_ =	swait.ge [sflag:s22], s20  }
0x9f: {  	s3 =	ssub.s32 $0x0, s20;
	[sflag:s22] =	ssyncset.done $0x0  }
0xa0: {  	[sflag:s22] =	ssyncadd.s32 s3;
	_ =	sdelay $0x1  }
0xa1: {  	s23 =	simm.s32 $0x1B8B  }
0xa2: {  	_ =	swait.ge [sflag:s23], $0x1  }
0xa3: {  	[sflag:s23] =	ssyncset.done $0x0  }
0xa4: {  	s25 =	simm.s32 $0x1B8E;
	s24 =	sld [smem:$0x3FFE];
	[sflag:s23] =	ssyncadd.s32 $0xFFFFFFFF  }
0xa5: {  	s26 =	simm.s32 $execute0_lowered;
	[smem:$0x3FD2] =	sst s25  }
0xa6: {  	s4 =	sshll.u32 s26, $0x1;
	_ =	strace $0x80000046;
	[dreg:$0x1] =	wrdreg $0xFFFFFFFF  }
0xa7: {  	s28 =	simm.s32 $_size_execute0_lowered;
	s2 =	sadd.s32 s2, s4;
	[dreg:$0x0] =	wrdreg $0x0  }
0xa8: {  	s4 =	sshll.u32 s28, $0x1;
	[dreg:$0x2] =	wrdreg s2  }
0xa9: {  	[dreg:$0x3] =	wrdreg s4  }
0xaa: {  	[dreg:$0x4] =	wrdreg $0xC0  }
0xab: {  	_ =	task [dreg:s6], $0x5FFFF  }
0xac: {  	[dreg:$0x1] =	wrdreg $0xFFFFFFFF  }
0xad: {  	[dreg:$0x0] =	wrdreg $0x60  }
0xae: {  	[dreg:$0x2] =	wrdreg s24  }
0xaf: {  	[dreg:$0x3] =	wrdreg $0x68000  }
0xb0: {  	[dreg:$0x4] =	wrdreg $0x9  }
0xb1: {  	_ =	task.clear_ibuf [dreg:s6], $0x5FFFF;
	_ =	strace $0x90000046  }
0xb2: {  	s29 =	simm.s32 $0x9;
	_ =	strace $0x80000048  }
0xb3: {  	_ =	swait.ge [sflag:s29], $0x1  }
0xb4: {  	[sflag:s29] =	ssyncadd.s32 $0xFFFFFFFF  }
0xb5: {  	_ =	strace $0x90000048  }
0xb6: {  	_ =	sfence  }
0xb7: {  	s30 =	sld [smem:$0x0];
	_ =	sdelay $0x2  }
0xb8: {  	s31 =	sshll.u32 s1, $0xD;
	s1 =	sshrl.u32 s1, $0x2  }
0xb9: {  	s3 =	sand.u32 $0x4000, s31;
	s1 =	sadd.s32 s1, s30  }
0xba: {  	s0 =	sor.u32 s3, s0;
	s1 =	sshll.u32 s1, $0x11  }
0xbb: {  	s0 =	sor.u32 s1, s0  }
0xbc: {  	s0 =	sadd.s32 $0x8F2B, s0  }
0xbd: {  	[sflag:s0] =	ssyncadd.remote.s32 $0x1  }
0xbe: {  	_ =	sfence.sel $0xFFFF  }
0xbf: {  	[dreg:$0x0] =	wrdreg $0xFFFFFFFF;
	(pc) =	sbr.abs _section_cstart, $3  }
0xc0: {  	[dreg:$0x1] =	wrdreg $0xFFFFFFFF  }
0xc1: {  	_ =	task.clear_ibuf [dreg:s6], $0x2FFFF;
	_ =	strace $0x9FFFFFFF  }
0xc2: {  	(tm) =	ssettm $0x7FFFFFFF  }
0xc3: {  	_ =	shalt  }
tec
execute0_lowered:
.L_overlay_start_1:
0x0: {  	(tag) =	ssettag $0x1  }
0x1: {  	s0 =	srdreg.scid;
	s7 =	rddreg [dreg:$0x0]  }
0x2: {  	s2 =	rddreg [dreg:$0x1];
	s6 =	sand.u32 $0x1, s0;
	s0 =	stileid.u32  }
0x3: {  	s3 =	simm.s32 $0x0;
	s16 =	simm.s32 $0x80;
	s8 =	smul.u32 $0x2700, s0  }
0x4: {  	s17 =	simm.s32 $0x0;
	[smem:$0x7FF] =	sst s3;
	s11 =	smul.u32 $0x4E000, s0  }
0x5: {  	s12 =	sadd.s32 $0x34200, s7;
	s15 =	sadd.s32 $0x138000, s2;
	s28 =	smul.u32 $0x138800, s6  }
0x6: {  	s1 =	sshll.u32 s6, $0x4;
	s10 =	ssub.s32 $0x2, s6;
	s29 =	smul.u32 $0x27100, s6  }
0x7: {  	s6 =	sadd.s32 $0x33800, s7;
	p0 =	sne.s32 s0, $0xF;
	s31 =	sshll.u32 s0, $0x6  }
0x8: {  	s4 =	sor.u32 s0, s1;
	s1 =	rddreg [dreg:$0x2];
	_ =	strace $0x80000047  }
0x9: {  	s13 =	sshrl.u32 s10, $0x1;
	s15 =	sshrl.u32 @!p0 s15, $0x3;
	s4 =	smul.u32 $0x500, s4  }
0xa: {  	s5 =	sadd.s32 s8, s7;
	s10 =	ssub.s32 s10, s13;
	s11 =	sshrl.u32 s11, $0x2  }
0xb: {  	s13 =	sshrl.u32 s28, $0x3;
	s8 =	sadd.s32 s8, s29;
	s14 =	sadd.s32 s11, s2  }
0xc: {  	s5 =	sadd.s32 $0xC800, s5;
	s30 =	sadd.s32 s12, s13;
	s8 =	sadd.s32 s12, s8  }
0xd: {  	s10 =	smax.u32 s10, $0x1;
	s11 =	simm.s32 $0x2800;
	s12 =	simm.s32 $0x1  }
0xe: {  	s13 =	sor.u32 $0x1C01, s31;
	s9 =	sadd.s32 s4, s7;
	s4 =	sadd.s32 $0x33A00, s7  }
0xf: {  	s14 =	sshrl.u32 s14, $0x3;
	s7 =	sadd.s32 $0x2800, s9;
	s9 =	sadd.s32 $0x27000, s30  }
.LBB2_1:
0x10: {  	[tilespmem:s11], [sflag:$0x1] =	stream.linear.gather [hbm4b:s4+s3], $0x4000, $0x38;
	[tilespmem:$0x1A0C0] =	vst v63  }
0x11: {  	_ =	swait.ge [sflag:s12], $0x4000  }
0x12: {  	[sflag:s12] =	ssyncset.done $0x0  }
0x13: {  	[sflag:s12] =	ssyncadd.s32 $0xFFFFC000  }
0x14: {  	[spmem:s14], [sflag:s13] =	dma.local [hbm:s5], $0x2700  }
0x15: {  	_ =	swait.ge [sflag:s12], $0x2700  }
0x16: {  	[sflag:s12] =	ssyncset.done $0x0  }
0x17: {  	s18 =	simm.s32 @!p0 $0x1;
	[sflag:s12] =	ssyncadd.s32 $0xFFFFD900  }
0x18: {  	[spmem:s15], [sflag:s13] =	dma.local @!p0 [hbm:s6], $0x100  }
0x19: {  	_ =	swait.ge @!p0 [sflag:s18], $0x100  }
0x1a: {  	[sflag:s18] =	ssyncset.done @!p0 $0x0  }
0x1b: {  	[sflag:s18] =	ssyncadd.s32 @!p0 $0xFFFFFF00  }
0x1c: {  	[bflag:$0x0] =	sbarrier.arrive $0xFFFF  }
0x1d: {  	[tilespmem:s3], [sflag:$0x1] =	stream.linear.gather [hbm4b:s7+s3], $0x2800, $0x38;
	[tilespmem:$0x1A0C0] =	vst v63  }
0x1e: {  	_ =	swait.ge [sflag:s12], $0x2800  }
0x1f: {  	[sflag:s12] =	ssyncset.done $0x0  }
0x20: {  	s31 =	simm.s32 $0x0;
	[sflag:s12] =	ssyncadd.s32 $0xFFFFD800  }
0x21: {  	[spmem:s2] =	stream.indirect.scatter.add.f32 [tilespmem:s11], [sflag:$0x1], $0x80, s31, s16, $0xb8;
	[tilespmem:$0x1A0C0] =	vst v63  }
0x22: {  	_ =	swait.ge [sflag:s12], $0x4000  }
0x23: {  	s18 =	simm.s32 $0x200;
	[sflag:s12] =	ssyncset.done $0x0  }
.LBB2_2:
0x24: {  	s19 =	sshra.s32 s18, $0x2;
	[sflag:s12] =	ssyncadd.s32 $0xFFFFC000;
	p1 =	sne.s32 s18, $0x9E00  }
0x25: {  	[spmem:s2] =	stream.indirect.scatter.add.f32 [tilespmem:s11], [sflag:$0x1], $0x80, s19, s16, $0xb8;
	[tilespmem:$0x1A0C0] =	vst v63  }
.Ltmp0:
0x26: {  	_ = 	snop;
	(pc) =	sbr.rel @p1 .LBB2_2-.Ltmp0, $4  }
0x27: {  	_ = 	snop  }
0x28: {  	s18 =	sadd.s32 $0x200, s18  }
0x29: {  	_ =	swait.ge [sflag:s12], $0x4000  }
0x2a: {  	[sflag:s12] =	ssyncset.done $0x0  }
0x2b: {  	[sflag:s12] =	ssyncadd.s32 $0xFFFFC000  }
0x2c: {  	[bflag:$0x0] =	sbarrier.arrive $0xFFFF  }
0x2d: {  	[hbm:s8], [sflag:s13] =	dma.local [spmem:s14], $0x2700  }
0x2e: {  	s17 =	sadd.s32 $0x1, s17;
	_ =	swait.ge [sflag:s12], $0x2700  }
0x2f: {  	p1 =	sne.s32 s17, s10;
	[sflag:s12] =	ssyncset.done $0x0  }
.Ltmp1:
0x30: {  	s18 =	simm.s32 @!p0 $0x1;
	[sflag:s12] =	ssyncadd.s32 $0xFFFFD900;
	(pc) =	sbr.rel @p1 .LBB2_1-.Ltmp1, $4  }
0x31: {  	[hbm:s9], [sflag:s13] =	dma.local @!p0 [spmem:s15], $0x100  }
0x32: {  	_ =	swait.ge @!p0 [sflag:s18], $0x100  }
0x33: {  	[sflag:s18] =	ssyncset.done @!p0 $0x0  }
0x34: {  	[sflag:s18] =	ssyncadd.s32 @!p0 $0xFFFFFF00  }
0x35: {  	_ =	sfence.sel $0x180000  }
0x36: {  	[bflag:$0x0] =	sbarrier.arrive $0xFFFF  }
0x37: {  	p0 =	sne.s32 s0, $0x0;
	_ =	strace $0x90000047  }
0x38: {  	s0 =	sadd.s32 @!p0 $0x100000, s1;
	[bflag:$0x2] =	sbarrier.arrive $0xFFFF  }
0x39: {  	[sflag:s0] =	ssyncadd.tile.s32 @!p0 $0x1;
	_ =	shalt  }
.Lfunc_end2:
_tile_overlayer_lowered:
.L_overlay_start_2:
0x3a: {  	(tag) =	ssettag $0x2  }
0x3b: {  	s0 =	rddreg [dreg:$0x0];
	s2 =	stileid.u32  }
0x3c: {  	s1 =	rddreg [dreg:$0x1];
	p0 =	sne.s32 s2, $0x0  }
0x3d: {  	s3 =	rddreg [dreg:$0x2];
	[bflag:$0x3] =	sbarrier.arrive $0xFFFF;
	s2 =	simm.s32 @!p0 $0x1C01  }
0x3e: {  	[timem:s3], [sflag:s2] =	dma.local @!p0 [hbm:s0], s1  }
0x3f: {  	s0 =	simm.s32 @!p0 $0x1  }
0x40: {  	_ =	swait.ge @!p0 [sflag:s0], s1  }
0x41: {  	s1 =	ssub.s32 @!p0 $0x0, s1;
	[sflag:s0] =	ssyncset.done @!p0 $0x0  }
0x42: {  	[sflag:s0] =	ssyncadd.s32 @!p0 s1  }
0x43: {  	[bflag:$0x3] =	sbarrier.arrive $0xFFFF  }
0x44: {  	_ =	shalt  }

</sc_bundles>
